<compile_context>
chip_gen: v7x
topology: tpu7x:2x2x1
jax: 0.10.2.dev20260603
libtpu: 0.0.44.dev20260713+nightly
codegen_flags: <defaults>
</compile_context>

<pallas_src>
import functools

import jax
import jax.numpy as jnp
from jax import lax
from jax.experimental import pallas as pl
from jax.experimental.pallas import tpu as pltpu
from jax.experimental.pallas import tpu_sc as plsc

N = 10000
D = 128
E = 320000

NT = 16
EPT = E // NT
CHUNK = 128
CPT = 160
EPTP = CPT * CHUNK
IG = 8
NG = CPT // IG
NPAD = 10240
RACC = NPAD // NT
BLK = 1024
GRID = NPAD // BLK

_mesh = plsc.VectorSubcoreMesh(core_axis_name="c", subcore_axis_name="s")



@functools.partial(
    pl.kernel,
    out_type=(jax.ShapeDtypeStruct((NPAD,), jnp.float32),
              jax.ShapeDtypeStruct((NPAD,), jnp.float32)),
    mesh=_mesh,
    scratch_types=(
        pltpu.VMEM((IG, CHUNK), jnp.int32),
        pltpu.VMEM((CHUNK,), jnp.float32),
        pltpu.VMEM_SHARED((NPAD,), jnp.float32),
    ),
)
def _deg_kernel(dstf, dstr, outf, outr, dst_v, ones_v, acc):
    cid = lax.axis_index("c")
    sid = lax.axis_index("s")

    def run(dst3, out):
        for k in range(CHUNK // 16):
            ones_v[pl.ds(k * 16, 16)] = jnp.zeros((16,), jnp.float32)
        base = sid * RACC
        for c in range(RACC // CHUNK):
            pltpu.sync_copy(ones_v, acc.at[pl.ds(base + c * CHUNK, CHUNK)])
        for k in range(CHUNK // 16):
            ones_v[pl.ds(k * 16, 16)] = jnp.ones((16,), jnp.float32)
        plsc.subcore_barrier()

        def group(g, carry):
            pltpu.sync_copy(dst3.at[sid, pl.ds(g * IG, IG)], dst_v)

            def body(j, c2):
                pltpu.sync_copy(ones_v, acc.at[dst_v.at[j]], add=True)
                return c2

            return lax.fori_loop(0, IG, body, carry)

        lax.fori_loop(0, NG, group, 0)
        plsc.subcore_barrier()
        pltpu.sync_copy(acc.at[pl.ds(base, RACC)], out.at[pl.ds(base, RACC)])

    @pl.when(cid == 0)
    def _():
        run(dstf, outf)

    @pl.when(cid == 1)
    def _():
        run(dstr, outr)


@functools.partial(
    pl.kernel,
    out_type=(jax.ShapeDtypeStruct((NPAD, D), jnp.float32),
              jax.ShapeDtypeStruct((NPAD, D), jnp.float32)),
    mesh=_mesh,
    scratch_types=(
        pltpu.VMEM((IG, CHUNK), jnp.int32),
        pltpu.VMEM((IG, CHUNK), jnp.int32),
        pltpu.VMEM((CHUNK, D), jnp.float32),
        pltpu.VMEM((CHUNK, D), jnp.float32),
        pltpu.VMEM_SHARED((NPAD, D), jnp.float32),
        pltpu.SemaphoreType.DMA,
        pltpu.SemaphoreType.DMA,
        pltpu.SemaphoreType.DMA,
    ),
)
def _agg_kernel(hsf, hsr, srcf, dstf, srcr, dstr, outf, outr,
                src_v, dst_v, rows0, rows1, acc, gsem, ssem0, ssem1):
    cid = lax.axis_index("c")
    sid = lax.axis_index("s")

    def run(hs, src3, dst3, out):
        bufs = (rows0, rows1)
        ssems = (ssem0, ssem1)

        def wait_gather():
            pltpu.make_async_copy(hs.at[src_v.at[0]], rows0, gsem).wait()

        def wait_scatter(sem):
            pltpu.make_async_copy(rows1, acc.at[dst_v.at[0]], sem).wait()

        def zrow(r, carry):
            for k in range(D // 16):
                rows0[r, pl.ds(k * 16, 16)] = jnp.zeros((16,), jnp.float32)
                rows1[r, pl.ds(k * 16, 16)] = jnp.zeros((16,), jnp.float32)
            return carry

        lax.fori_loop(0, CHUNK, zrow, 0)
        base = sid * RACC
        for c in range(RACC // CHUNK):
            pltpu.sync_copy(rows0, acc.at[pl.ds(base + c * CHUNK, CHUNK)])
        plsc.subcore_barrier()

        pltpu.sync_copy(dst3.at[sid, pl.ds(0, IG)], dst_v)
        pltpu.sync_copy(src3.at[sid, pl.ds(0, IG)], src_v)
        pltpu.async_copy(rows1, acc.at[dst_v.at[0]], ssem1, add=True)
        pltpu.async_copy(hs.at[src_v.at[0]], rows0, gsem)

        def group(g, carry):
            wait_scatter(ssem1)
            pltpu.sync_copy(dst3.at[sid, pl.ds(g * IG, IG)], dst_v)
            gd = [None] * IG
            sd = [None] * IG
            for j in range(IG):
                b = bufs[j % 2]
                if j == 0:
                    wait_gather()
                else:
                    gd[j].wait()
                sd[j] = pltpu.async_copy(b, acc.at[dst_v.at[j]], ssems[j % 2],
                                         add=True)
                if j + 1 < IG:
                    if j >= 1:
                        sd[j - 1].wait()
                    gd[j + 1] = pltpu.async_copy(hs.at[src_v.at[j + 1]],
                                                 bufs[(j + 1) % 2], gsem)
            sd[IG - 2].wait()
            pltpu.sync_copy(src3.at[sid, pl.ds((g + 1) * IG, IG)], src_v)
            pltpu.async_copy(hs.at[src_v.at[0]], rows0, gsem)
            return carry

        lax.fori_loop(0, NG, group, 0)
        wait_gather()
        wait_scatter(ssem1)
        plsc.subcore_barrier()
        pltpu.sync_copy(acc.at[pl.ds(base, RACC)], out.at[pl.ds(base, RACC)])

    @pl.when(cid == 0)
    def _():
        run(hsf, srcf, dstf, outf)

    @pl.when(cid == 1)
    def _():
        run(hsr, srcr, dstr, outr)



def _tc_pre_body(x_ref, w1_ref, degf_ref, degr_ref,
                 hsf_ref, hsr_ref, dinvf_ref, dinvr_ref):
    h1 = jnp.dot(x_ref[...], w1_ref[...], preferred_element_type=jnp.float32)
    dinvf = lax.rsqrt(degf_ref[...] + 1.0)
    dinvr = lax.rsqrt(degr_ref[...] + 1.0)
    hsf_ref[...] = h1 * dinvf
    hsr_ref[...] = h1 * dinvr
    dinvf_ref[...] = dinvf
    dinvr_ref[...] = dinvr


def _tc_mid_body(aggf_ref, aggr_ref, hsf_ref, hsr_ref, dinvf_ref, dinvr_ref,
                 bc1_ref, w11t_ref, w12t_ref, b1_ref, w2_ref,
                 hs2f_ref, hs2r_ref):
    dinvf = dinvf_ref[...]
    dinvr = dinvr_ref[...]
    c11 = jax.nn.relu(dinvf * (aggf_ref[...] + hsf_ref[...]) + bc1_ref[...])
    c12 = jax.nn.relu(dinvr * (aggr_ref[...] + hsr_ref[...]) + bc1_ref[...])
    g = jax.nn.sigmoid(
        jnp.dot(c11, w11t_ref[...], preferred_element_type=jnp.float32)
        + jnp.dot(c12, w12t_ref[...], preferred_element_type=jnp.float32)
        + b1_ref[...])
    h = g * c11 + (1.0 - g) * c12
    h2 = jnp.dot(h, w2_ref[...], preferred_element_type=jnp.float32)
    hs2f_ref[...] = h2 * dinvf
    hs2r_ref[...] = h2 * dinvr


def _tc_post_body(aggf_ref, aggr_ref, hsf_ref, hsr_ref, dinvf_ref, dinvr_ref,
                  bc2_ref, w21t_ref, w22t_ref, b2_ref, out_ref):
    c21 = jax.nn.relu(dinvf_ref[...] * (aggf_ref[...] + hsf_ref[...]) + bc2_ref[...])
    c22 = jax.nn.relu(dinvr_ref[...] * (aggr_ref[...] + hsr_ref[...]) + bc2_ref[...])
    g2 = jax.nn.sigmoid(
        jnp.dot(c21, w21t_ref[...], preferred_element_type=jnp.float32)
        + jnp.dot(c22, w22t_ref[...], preferred_element_type=jnp.float32)
        + b2_ref[...])
    out_ref[...] = g2 * c21 + (1.0 - g2) * c22


_row_spec = pl.BlockSpec((BLK, D), lambda b: (b, 0))
_col_spec = pl.BlockSpec((BLK, 1), lambda b: (b, 0))
_w_spec = pl.BlockSpec((D, D), lambda b: (0, 0))
_b_spec = pl.BlockSpec((1, D), lambda b: (0, 0))

_tc_pre = pl.pallas_call(
    _tc_pre_body,
    grid=(GRID,),
    in_specs=[_row_spec, _w_spec, _col_spec, _col_spec],
    out_specs=[_row_spec, _row_spec, _col_spec, _col_spec],
    out_shape=[jax.ShapeDtypeStruct((N, D), jnp.float32),
               jax.ShapeDtypeStruct((N, D), jnp.float32),
               jax.ShapeDtypeStruct((NPAD, 1), jnp.float32),
               jax.ShapeDtypeStruct((NPAD, 1), jnp.float32)],
)

_tc_mid = pl.pallas_call(
    _tc_mid_body,
    grid=(GRID,),
    in_specs=[_row_spec, _row_spec, _row_spec, _row_spec, _col_spec, _col_spec,
              _b_spec, _w_spec, _w_spec, _b_spec, _w_spec],
    out_specs=[_row_spec, _row_spec],
    out_shape=[jax.ShapeDtypeStruct((N, D), jnp.float32),
               jax.ShapeDtypeStruct((N, D), jnp.float32)],
)

_tc_post = pl.pallas_call(
    _tc_post_body,
    grid=(GRID,),
    in_specs=[_row_spec, _row_spec, _row_spec, _row_spec, _col_spec, _col_spec,
              _b_spec, _w_spec, _w_spec, _b_spec],
    out_specs=_row_spec,
    out_shape=jax.ShapeDtypeStruct((N, D), jnp.float32),
)



def _pad_edges(edge_index):
    npad_e = EPTP - EPT
    src = edge_index[0].reshape(NT, EPT)
    dst = edge_index[1].reshape(NT, EPT)
    fill = jnp.arange(NT * npad_e, dtype=jnp.int32).reshape(NT, npad_e)
    src_fill = (fill * 97) % N
    dst_fill = N + (fill % (NPAD - N))
    src3 = jnp.concatenate([src, src_fill], axis=1).reshape(NT, CPT, CHUNK)
    dst3 = jnp.concatenate([dst, dst_fill], axis=1).reshape(NT, CPT, CHUNK)
    extra = ((jnp.arange(NT * IG * CHUNK, dtype=jnp.int32) * 131) % N
             ).reshape(NT, IG, CHUNK)
    src3 = jnp.concatenate([src3, extra], axis=1)
    return src3, dst3


@jax.jit
def kernel(x, edge_index, edge_index_reverse, W1, bc1, W2, bc2,
           w11, w12, b1, w21, w22, b2):
    srcf3, dstf3 = _pad_edges(edge_index)
    srcr3, dstr3 = _pad_edges(edge_index_reverse)

    degf, degr = _deg_kernel(dstf3, dstr3)
    degf = degf.reshape(NPAD, 1)
    degr = degr.reshape(NPAD, 1)

    hs1f, hs1r, dinvf, dinvr = _tc_pre(x, W1, degf, degr)
    agg1f, agg1r = _agg_kernel(hs1f, hs1r, srcf3, dstf3, srcr3, dstr3)
    hs2f, hs2r = _tc_mid(agg1f, agg1r, hs1f, hs1r, dinvf, dinvr,
                         bc1.reshape(1, D), w11.T, w12.T, b1.reshape(1, D), W2)
    agg2f, agg2r = _agg_kernel(hs2f, hs2r, srcf3, dstf3, srcr3, dstr3)
    return _tc_post(agg2f, agg2r, hs2f, hs2r, dinvf, dinvr,
                    bc2.reshape(1, D), w21.T, w22.T, b2.reshape(1, D))

# --- scband reference (transcript-rebuilt; emitter-appended) ---
"""Pipeline reference for scband-dggcn-60722247631313 (READ-ONLY COPY).

The authoritative reference and input builder live on the scoring server;
editing this copy changes nothing except your own understanding.
"""

import jax, jax.numpy as jnp
import numpy as np

N = 10000
E = 320000
D = 128


def gcn_conv(x, edge_index, W, b):
    # PyG GCNConv with add_self_loops=True, symmetric normalization,
    # flow='source_to_target': messages go from edge_index[0] (src) to edge_index[1] (dst).
    src = edge_index[0]
    dst = edge_index[1]
    loop = jnp.arange(N, dtype=edge_index.dtype)
    src = jnp.concatenate([src, loop])
    dst = jnp.concatenate([dst, loop])
    deg = jnp.zeros((N,), x.dtype).at[dst].add(1.0)
    dinv = jax.lax.rsqrt(jnp.maximum(deg, 1e-12))
    norm = dinv[src] * dinv[dst]
    h = x @ W  # linear transform (no bias inside matmul; PyG adds bias after aggregation)
    msg = jnp.take(h, src, axis=0) * norm[:, None]
    out = jnp.zeros((N, W.shape[1]), x.dtype).at[dst].add(msg)
    return out + b


def setup_inputs(seed: int = 0) -> dict:
    key = jax.random.key(seed)
    ks = jax.random.split(key, 16)
    s = 1.0 / np.sqrt(D)
    inp = {
        'x': jax.random.normal(ks[0], (N, D), jnp.float32),
        'edge_index': jax.random.randint(ks[1], (2, E), 0, N, jnp.int32),
        'edge_index_reverse': jax.random.randint(ks[2], (2, E), 0, N, jnp.int32),
        # conv1 / conv2 GCN weights
        'W1': jax.random.normal(ks[3], (D, D), jnp.float32) * s,
        'bc1': jax.random.uniform(ks[4], (D,), jnp.float32, -s, s),
        'W2': jax.random.normal(ks[5], (D, D), jnp.float32) * s,
        'bc2': jax.random.uniform(ks[6], (D,), jnp.float32, -s, s),
        # gating parameters
        'w11': jax.random.normal(ks[7], (D, D), jnp.float32) * s,
        'w12': jax.random.normal(ks[8], (D, D), jnp.float32) * s,
        'b1': jax.random.uniform(ks[9], (D,), jnp.float32, -s, s),
        'w21': jax.random.normal(ks[10], (D, D), jnp.float32) * s,
        'w22': jax.random.normal(ks[11], (D, D), jnp.float32) * s,
        'b2': jax.random.uniform(ks[12], (D,), jnp.float32, -s, s),
    }
    return inp


def reference(x, edge_index, edge_index_reverse, W1, bc1, W2, bc2, w11, w12, b1, w21, w22, b2):
    # encoder = identity (last_dim = D); dropout inactive in eval mode.
    c11 = jax.nn.relu(gcn_conv(x, edge_index, W1, bc1))
    c12 = jax.nn.relu(gcn_conv(x, edge_index_reverse, W1, bc1))
    G = jax.nn.sigmoid(c11 @ w11.T + c12 @ w12.T + b1)
    h = G * c11 + (1.0 - G) * c12
    c21 = jax.nn.relu(gcn_conv(h, edge_index, W2, bc2))
    c22 = jax.nn.relu(gcn_conv(h, edge_index_reverse, W2, bc2))
    G2 = jax.nn.sigmoid(c21 @ w21.T + c22 @ w22.T + b2)
    out = G2 * c21 + (1.0 - G2) * c22
    return out

if __name__ == "__main__":
    import jax
    _d = setup_inputs()
    print(jax.jit(kernel)(*tuple(_d.values())))

</pallas_src>

<mosaic_0001>
#map = affine_map<(d0, d1) -> (0, 0)>
#map1 = affine_map<(d0, d1) -> (0, 0, 0)>
module attributes {stable_mosaic.version = 14 : i64} {
  func.func @_agg_kernel(%arg0: i32, %arg1: i32, %arg2: memref<10000x128xf32, #tpu.memory_space<hbm>>, %arg3: memref<10000x128xf32, #tpu.memory_space<hbm>>, %arg4: memref<16x168x128xi32, #tpu.memory_space<hbm>>, %arg5: memref<16x160x128xi32, #tpu.memory_space<hbm>>, %arg6: memref<16x168x128xi32, #tpu.memory_space<hbm>>, %arg7: memref<16x160x128xi32, #tpu.memory_space<hbm>>, %arg8: memref<10240x128xf32, #tpu.memory_space<hbm>>, %arg9: memref<10240x128xf32, #tpu.memory_space<hbm>>, %arg10: memref<8x128xi32, #tpu.memory_space<vmem>>, %arg11: memref<8x128xi32, #tpu.memory_space<vmem>>, %arg12: memref<128x128xf32, #tpu.memory_space<vmem>>, %arg13: memref<128x128xf32, #tpu.memory_space<vmem>>, %arg14: memref<10240x128xf32, #tpu.memory_space<vmem_shared>>, %arg15: memref<!tpu.dma_semaphore, #tpu.memory_space<semaphore_mem>>, %arg16: memref<!tpu.dma_semaphore, #tpu.memory_space<semaphore_mem>>, %arg17: memref<!tpu.dma_semaphore, #tpu.memory_space<semaphore_mem>>) attributes {dimension_semantics = [#tpu.dimension_semantics<core_parallel>, #tpu.dimension_semantics<subcore_parallel>], iteration_bounds = array<i64: 2, 16>, scalar_prefetch = 0 : i64, scratch_operands = 8 : i64, tpu.core_type = #tpu.core_type<sc_vector_subcore>, window_params = [{transform_indices = #map}, {transform_indices = #map}, {transform_indices = #map1}, {transform_indices = #map1}, {transform_indices = #map1}, {transform_indices = #map1}, {transform_indices = #map}, {transform_indices = #map}]} {
    %eq3A = arith.constant 0 : i32
    %eq3A_0 = arith.cmpi eq, %arg0, %eq3A : i32
    %convert_element_type3A = arith.extui %eq3A_0 : i1 to i32
    %cond3A = arith.constant 0 : i32
    %cond3A_1 = arith.cmpi ne, %convert_element_type3A, %cond3A : i32
    scf.if %cond3A_1 {
      %scan3A = arith.constant 0 : i32
      %scan3A_7 = arith.constant 0 : i32
      %scan3A_8 = arith.constant 128 : i32
      %scan3A_9 = arith.addi %scan3A_7, %scan3A_8 : i32
      %scan3A_10 = arith.constant 1 : i32
      scf.for %scan3A_55 = %scan3A_7 to %scan3A_9 step %scan3A_10  : i32 {
        %broadcast_in_dim3A = arith.constant 0.000000e+00 : f32
        %broadcast_in_dim3A_56 = vector.broadcast %broadcast_in_dim3A : f32 to vector<16xf32>
        %swap3A = arith.index_cast %scan3A_55 : i32 to index
        %swap3A_57 = arith.constant 0 : index
        %swap3A_58 = tpu.vector_load %arg12[%swap3A, %swap3A_57] {strides = array<i32>} : memref<128x128xf32, #tpu.memory_space<vmem>>, vector<1x16xf32>,
        %swap3A_59 = vector.shape_cast %swap3A_58 : vector<1x16xf32> to vector<16xf32>
        %swap3A_60 = vector.shape_cast %broadcast_in_dim3A_56 : vector<16xf32> to vector<1x16xf32>
        tpu.vector_store %arg12[%swap3A, %swap3A_57], %swap3A_60 {strides = array<i32>} : memref<128x128xf32, #tpu.memory_space<vmem>>, vector<1x16xf32>,
        %broadcast_in_dim3A_61 = arith.constant 0.000000e+00 : f32
        %broadcast_in_dim3A_62 = vector.broadcast %broadcast_in_dim3A_61 : f32 to vector<16xf32>
        %swap3A_63 = arith.index_cast %scan3A_55 : i32 to index
        %swap3A_64 = arith.constant 0 : index
        %swap3A_65 = tpu.vector_load %arg13[%swap3A_63, %swap3A_64] {strides = array<i32>} : memref<128x128xf32, #tpu.memory_space<vmem>>, vector<1x16xf32>,
        %swap3A_66 = vector.shape_cast %swap3A_65 : vector<1x16xf32> to vector<16xf32>
        %swap3A_67 = vector.shape_cast %broadcast_in_dim3A_62 : vector<16xf32> to vector<1x16xf32>
        tpu.vector_store %arg13[%swap3A_63, %swap3A_64], %swap3A_67 {strides = array<i32>} : memref<128x128xf32, #tpu.memory_space<vmem>>, vector<1x16xf32>,
        %broadcast_in_dim3A_68 = arith.constant 0.000000e+00 : f32
        %broadcast_in_dim3A_69 = vector.broadcast %broadcast_in_dim3A_68 : f32 to vector<16xf32>
        %swap3A_70 = arith.index_cast %scan3A_55 : i32 to index
        %swap3A_71 = arith.constant 16 : index
        %swap3A_72 = tpu.vector_load %arg12[%swap3A_70, %swap3A_71] {strides = array<i32>} : memref<128x128xf32, #tpu.memory_space<vmem>>, vector<1x16xf32>,
        %swap3A_73 = vector.shape_cast %swap3A_72 : vector<1x16xf32> to vector<16xf32>
        %swap3A_74 = vector.shape_cast %broadcast_in_dim3A_69 : vector<16xf32> to vector<1x16xf32>
        tpu.vector_store %arg12[%swap3A_70, %swap3A_71], %swap3A_74 {strides = array<i32>} : memref<128x128xf32, #tpu.memory_space<vmem>>, vector<1x16xf32>,
        %broadcast_in_dim3A_75 = arith.constant 0.000000e+00 : f32
        %broadcast_in_dim3A_76 = vector.broadcast %broadcast_in_dim3A_75 : f32 to vector<16xf32>
        %swap3A_77 = arith.index_cast %scan3A_55 : i32 to index
        %swap3A_78 = arith.constant 16 : index
        %swap3A_79 = tpu.vector_load %arg13[%swap3A_77, %swap3A_78] {strides = array<i32>} : memref<128x128xf32, #tpu.memory_space<vmem>>, vector<1x16xf32>,
        %swap3A_80 = vector.shape_cast %swap3A_79 : vector<1x16xf32> to vector<16xf32>
        %swap3A_81 = vector.shape_cast %broadcast_in_dim3A_76 : vector<16xf32> to vector<1x16xf32>
        tpu.vector_store %arg13[%swap3A_77, %swap3A_78], %swap3A_81 {strides = array<i32>} : memref<128x128xf32, #tpu.memory_space<vmem>>, vector<1x16xf32>,
        %broadcast_in_dim3A_82 = arith.constant 0.000000e+00 : f32
        %broadcast_in_dim3A_83 = vector.broadcast %broadcast_in_dim3A_82 : f32 to vector<16xf32>
        %swap3A_84 = arith.index_cast %scan3A_55 : i32 to index
        %swap3A_85 = arith.constant 32 : index
        %swap3A_86 = tpu.vector_load %arg12[%swap3A_84, %swap3A_85] {strides = array<i32>} : memref<128x128xf32, #tpu.memory_space<vmem>>, vector<1x16xf32>,
        %swap3A_87 = vector.shape_cast %swap3A_86 : vector<1x16xf32> to vector<16xf32>
        %swap3A_88 = vector.shape_cast %broadcast_in_dim3A_83 : vector<16xf32> to vector<1x16xf32>
        tpu.vector_store %arg12[%swap3A_84, %swap3A_85], %swap3A_88 {strides = array<i32>} : memref<128x128xf32, #tpu.memory_space<vmem>>, vector<1x16xf32>,
        %broadcast_in_dim3A_89 = arith.constant 0.000000e+00 : f32
        %broadcast_in_dim3A_90 = vector.broadcast %broadcast_in_dim3A_89 : f32 to vector<16xf32>
        %swap3A_91 = arith.index_cast %scan3A_55 : i32 to index
        %swap3A_92 = arith.constant 32 : index
        %swap3A_93 = tpu.vector_load %arg13[%swap3A_91, %swap3A_92] {strides = array<i32>} : memref<128x128xf32, #tpu.memory_space<vmem>>, vector<1x16xf32>,
        %swap3A_94 = vector.shape_cast %swap3A_93 : vector<1x16xf32> to vector<16xf32>
        %swap3A_95 = vector.shape_cast %broadcast_in_dim3A_90 : vector<16xf32> to vector<1x16xf32>
        tpu.vector_store %arg13[%swap3A_91, %swap3A_92], %swap3A_95 {strides = array<i32>} : memref<128x128xf32, #tpu.memory_space<vmem>>, vector<1x16xf32>,
        %broadcast_in_dim3A_96 = arith.constant 0.000000e+00 : f32
        %broadcast_in_dim3A_97 = vector.broadcast %broadcast_in_dim3A_96 : f32 to vector<16xf32>
        %swap3A_98 = arith.index_cast %scan3A_55 : i32 to index
        %swap3A_99 = arith.constant 48 : index
        %swap3A_100 = tpu.vector_load %arg12[%swap3A_98, %swap3A_99] {strides = array<i32>} : memref<128x128xf32, #tpu.memory_space<vmem>>, vector<1x16xf32>,
        %swap3A_101 = vector.shape_cast %swap3A_100 : vector<1x16xf32> to vector<16xf32>
        %swap3A_102 = vector.shape_cast %broadcast_in_dim3A_97 : vector<16xf32> to vector<1x16xf32>
        tpu.vector_store %arg12[%swap3A_98, %swap3A_99], %swap3A_102 {strides = array<i32>} : memref<128x128xf32, #tpu.memory_space<vmem>>, vector<1x16xf32>,
        %broadcast_in_dim3A_103 = arith.constant 0.000000e+00 : f32
        %broadcast_in_dim3A_104 = vector.broadcast %broadcast_in_dim3A_103 : f32 to vector<16xf32>
        %swap3A_105 = arith.index_cast %scan3A_55 : i32 to index
        %swap3A_106 = arith.constant 48 : index
        %swap3A_107 = tpu.vector_load %arg13[%swap3A_105, %swap3A_106] {strides = array<i32>} : memref<128x128xf32, #tpu.memory_space<vmem>>, vector<1x16xf32>,
        %swap3A_108 = vector.shape_cast %swap3A_107 : vector<1x16xf32> to vector<16xf32>
        %swap3A_109 = vector.shape_cast %broadcast_in_dim3A_104 : vector<16xf32> to vector<1x16xf32>
        tpu.vector_store %arg13[%swap3A_105, %swap3A_106], %swap3A_109 {strides = array<i32>} : memref<128x128xf32, #tpu.memory_space<vmem>>, vector<1x16xf32>,
        %broadcast_in_dim3A_110 = arith.constant 0.000000e+00 : f32
        %broadcast_in_dim3A_111 = vector.broadcast %broadcast_in_dim3A_110 : f32 to vector<16xf32>
        %swap3A_112 = arith.index_cast %scan3A_55 : i32 to index
        %swap3A_113 = arith.constant 64 : index
        %swap3A_114 = tpu.vector_load %arg12[%swap3A_112, %swap3A_113] {strides = array<i32>} : memref<128x128xf32, #tpu.memory_space<vmem>>, vector<1x16xf32>,
        %swap3A_115 = vector.shape_cast %swap3A_114 : vector<1x16xf32> to vector<16xf32>
        %swap3A_116 = vector.shape_cast %broadcast_in_dim3A_111 : vector<16xf32> to vector<1x16xf32>
        tpu.vector_store %arg12[%swap3A_112, %swap3A_113], %swap3A_116 {strides = array<i32>} : memref<128x128xf32, #tpu.memory_space<vmem>>, vector<1x16xf32>,
        %broadcast_in_dim3A_117 = arith.constant 0.000000e+00 : f32
        %broadcast_in_dim3A_118 = vector.broadcast %broadcast_in_dim3A_117 : f32 to vector<16xf32>
        %swap3A_119 = arith.index_cast %scan3A_55 : i32 to index
        %swap3A_120 = arith.constant 64 : index
        %swap3A_121 = tpu.vector_load %arg13[%swap3A_119, %swap3A_120] {strides = array<i32>} : memref<128x128xf32, #tpu.memory_space<vmem>>, vector<1x16xf32>,
        %swap3A_122 = vector.shape_cast %swap3A_121 : vector<1x16xf32> to vector<16xf32>
        %swap3A_123 = vector.shape_cast %broadcast_in_dim3A_118 : vector<16xf32> to vector<1x16xf32>
        tpu.vector_store %arg13[%swap3A_119, %swap3A_120], %swap3A_123 {strides = array<i32>} : memref<128x128xf32, #tpu.memory_space<vmem>>, vector<1x16xf32>,
        %broadcast_in_dim3A_124 = arith.constant 0.000000e+00 : f32
        %broadcast_in_dim3A_125 = vector.broadcast %broadcast_in_dim3A_124 : f32 to vector<16xf32>
        %swap3A_126 = arith.index_cast %scan3A_55 : i32 to index
        %swap3A_127 = arith.constant 80 : index
        %swap3A_128 = tpu.vector_load %arg12[%swap3A_126, %swap3A_127] {strides = array<i32>} : memref<128x128xf32, #tpu.memory_space<vmem>>, vector<1x16xf32>,
        %swap3A_129 = vector.shape_cast %swap3A_128 : vector<1x16xf32> to vector<16xf32>
        %swap3A_130 = vector.shape_cast %broadcast_in_dim3A_125 : vector<16xf32> to vector<1x16xf32>
        tpu.vector_store %arg12[%swap3A_126, %swap3A_127], %swap3A_130 {strides = array<i32>} : memref<128x128xf32, #tpu.memory_space<vmem>>, vector<1x16xf32>,
        %broadcast_in_dim3A_131 = arith.constant 0.000000e+00 : f32
        %broadcast_in_dim3A_132 = vector.broadcast %broadcast_in_dim3A_131 : f32 to vector<16xf32>
        %swap3A_133 = arith.index_cast %scan3A_55 : i32 to index
        %swap3A_134 = arith.constant 80 : index
        %swap3A_135 = tpu.vector_load %arg13[%swap3A_133, %swap3A_134] {strides = array<i32>} : memref<128x128xf32, #tpu.memory_space<vmem>>, vector<1x16xf32>,
        %swap3A_136 = vector.shape_cast %swap3A_135 : vector<1x16xf32> to vector<16xf32>
        %swap3A_137 = vector.shape_cast %broadcast_in_dim3A_132 : vector<16xf32> to vector<1x16xf32>
        tpu.vector_store %arg13[%swap3A_133, %swap3A_134], %swap3A_137 {strides = array<i32>} : memref<128x128xf32, #tpu.memory_space<vmem>>, vector<1x16xf32>,
        %broadcast_in_dim3A_138 = arith.constant 0.000000e+00 : f32
        %broadcast_in_dim3A_139 = vector.broadcast %broadcast_in_dim3A_138 : f32 to vector<16xf32>
        %swap3A_140 = arith.index_cast %scan3A_55 : i32 to index
        %swap3A_141 = arith.constant 96 : index
        %swap3A_142 = tpu.vector_load %arg12[%swap3A_140, %swap3A_141] {strides = array<i32>} : memref<128x128xf32, #tpu.memory_space<vmem>>, vector<1x16xf32>,
        %swap3A_143 = vector.shape_cast %swap3A_142 : vector<1x16xf32> to vector<16xf32>
        %swap3A_144 = vector.shape_cast %broadcast_in_dim3A_139 : vector<16xf32> to vector<1x16xf32>
        tpu.vector_store %arg12[%swap3A_140, %swap3A_141], %swap3A_144 {strides = array<i32>} : memref<128x128xf32, #tpu.memory_space<vmem>>, vector<1x16xf32>,
        %broadcast_in_dim3A_145 = arith.constant 0.000000e+00 : f32
        %broadcast_in_dim3A_146 = vector.broadcast %broadcast_in_dim3A_145 : f32 to vector<16xf32>
        %swap3A_147 = arith.index_cast %scan3A_55 : i32 to index
        %swap3A_148 = arith.constant 96 : index
        %swap3A_149 = tpu.vector_load %arg13[%swap3A_147, %swap3A_148] {strides = array<i32>} : memref<128x128xf32, #tpu.memory_space<vmem>>, vector<1x16xf32>,
        %swap3A_150 = vector.shape_cast %swap3A_149 : vector<1x16xf32> to vector<16xf32>
        %swap3A_151 = vector.shape_cast %broadcast_in_dim3A_146 : vector<16xf32> to vector<1x16xf32>
        tpu.vector_store %arg13[%swap3A_147, %swap3A_148], %swap3A_151 {strides = array<i32>} : memref<128x128xf32, #tpu.memory_space<vmem>>, vector<1x16xf32>,
        %broadcast_in_dim3A_152 = arith.constant 0.000000e+00 : f32
        %broadcast_in_dim3A_153 = vector.broadcast %broadcast_in_dim3A_152 : f32 to vector<16xf32>
        %swap3A_154 = arith.index_cast %scan3A_55 : i32 to index
        %swap3A_155 = arith.constant 112 : index
        %swap3A_156 = tpu.vector_load %arg12[%swap3A_154, %swap3A_155] {strides = array<i32>} : memref<128x128xf32, #tpu.memory_space<vmem>>, vector<1x16xf32>,
        %swap3A_157 = vector.shape_cast %swap3A_156 : vector<1x16xf32> to vector<16xf32>
        %swap3A_158 = vector.shape_cast %broadcast_in_dim3A_153 : vector<16xf32> to vector<1x16xf32>
        tpu.vector_store %arg12[%swap3A_154, %swap3A_155], %swap3A_158 {strides = array<i32>} : memref<128x128xf32, #tpu.memory_space<vmem>>, vector<1x16xf32>,
        %broadcast_in_dim3A_159 = arith.constant 0.000000e+00 : f32
        %broadcast_in_dim3A_160 = vector.broadcast %broadcast_in_dim3A_159 : f32 to vector<16xf32>
        %swap3A_161 = arith.index_cast %scan3A_55 : i32 to index
        %swap3A_162 = arith.constant 112 : index
        %swap3A_163 = tpu.vector_load %arg13[%swap3A_161, %swap3A_162] {strides = array<i32>} : memref<128x128xf32, #tpu.memory_space<vmem>>, vector<1x16xf32>,
        %swap3A_164 = vector.shape_cast %swap3A_163 : vector<1x16xf32> to vector<16xf32>
        %swap3A_165 = vector.shape_cast %broadcast_in_dim3A_160 : vector<16xf32> to vector<1x16xf32>
        tpu.vector_store %arg13[%swap3A_161, %swap3A_162], %swap3A_165 {strides = array<i32>} : memref<128x128xf32, #tpu.memory_space<vmem>>, vector<1x16xf32>,
      }
      %scan3A_11 = arith.constant 128 : i32
      %mul3A = arith.constant 640 : i32
      %mul3A_12 = arith.muli %arg1, %mul3A : i32
      %add3A = arith.constant 0 : i32
      %add3A_13 = arith.addi %mul3A_12, %add3A : i32
      "tpu.region"() ({
        %run_scoped3A = tpu.sem_alloc : memref<!tpu.dma_semaphore, #tpu.memory_space<semaphore_mem>>
        %dma_start3A_55 = arith.constant 0 : i32
        %dma_start3A_56 = tpu.memref_slice %arg14[%add3A_13, %dma_start3A_55] : memref<10240x128xf32, #tpu.memory_space<vmem_shared>> -> memref<128x128xf32, #tpu.memory_space<vmem_shared>>
        %dma_start3A_57 = arith.constant 0 : i32
        %dma_start3A_58 = tpu.memref_slice %arg14[%add3A_13, %dma_start3A_57] : memref<10240x128xf32, #tpu.memory_space<vmem_shared>> -> memref<128x128xf32, #tpu.memory_space<vmem_shared>>
        tpu.enqueue_dma source(%arg12 : memref<128x128xf32, #tpu.memory_space<vmem>>) target(%dma_start3A_58 : memref<128x128xf32, #tpu.memory_space<vmem_shared>>) target_semaphore(%run_scoped3A : memref<!tpu.dma_semaphore, #tpu.memory_space<semaphore_mem>>)
        %dma_wait3A_59 = arith.constant 0 : i32
        %dma_wait3A_60 = tpu.memref_slice %arg14[%add3A_13, %dma_wait3A_59] : memref<10240x128xf32, #tpu.memory_space<vmem_shared>> -> memref<128x128xf32, #tpu.memory_space<vmem_shared>>
        %dma_wait3A_61 = arith.constant 0 : i32
        %dma_wait3A_62 = tpu.memref_slice %arg14[%add3A_13, %dma_wait3A_61] : memref<10240x128xf32, #tpu.memory_space<vmem_shared>> -> memref<128x128xf32, #tpu.memory_space<vmem_shared>>
        tpu.wait_dma2 semaphore(%run_scoped3A : memref<!tpu.dma_semaphore, #tpu.memory_space<semaphore_mem>>) src(%arg12 : memref<128x128xf32, #tpu.memory_space<vmem>>) dst(%dma_wait3A_62 : memref<128x128xf32, #tpu.memory_space<vmem_shared>>)
        tpu.yield
      }) : () -> ()
      %add3A_14 = arith.constant 128 : i32
      %add3A_15 = arith.addi %mul3A_12, %add3A_14 : i32
      "tpu.region"() ({
        %run_scoped3A = tpu.sem_alloc : memref<!tpu.dma_semaphore, #tpu.memory_space<semaphore_mem>>
        %dma_start3A_55 = arith.constant 0 : i32
        %dma_start3A_56 = tpu.memref_slice %arg14[%add3A_15, %dma_start3A_55] : memref<10240x128xf32, #tpu.memory_space<vmem_shared>> -> memref<128x128xf32, #tpu.memory_space<vmem_shared>>
        %dma_start3A_57 = arith.constant 0 : i32
        %dma_start3A_58 = tpu.memref_slice %arg14[%add3A_15, %dma_start3A_57] : memref<10240x128xf32, #tpu.memory_space<vmem_shared>> -> memref<128x128xf32, #tpu.memory_space<vmem_shared>>
        tpu.enqueue_dma source(%arg12 : memref<128x128xf32, #tpu.memory_space<vmem>>) target(%dma_start3A_58 : memref<128x128xf32, #tpu.memory_space<vmem_shared>>) target_semaphore(%run_scoped3A : memref<!tpu.dma_semaphore, #tpu.memory_space<semaphore_mem>>)
        %dma_wait3A_59 = arith.constant 0 : i32
        %dma_wait3A_60 = tpu.memref_slice %arg14[%add3A_15, %dma_wait3A_59] : memref<10240x128xf32, #tpu.memory_space<vmem_shared>> -> memref<128x128xf32, #tpu.memory_space<vmem_shared>>
        %dma_wait3A_61 = arith.constant 0 : i32
        %dma_wait3A_62 = tpu.memref_slice %arg14[%add3A_15, %dma_wait3A_61] : memref<10240x128xf32, #tpu.memory_space<vmem_shared>> -> memref<128x128xf32, #tpu.memory_space<vmem_shared>>
        tpu.wait_dma2 semaphore(%run_scoped3A : memref<!tpu.dma_semaphore, #tpu.memory_space<semaphore_mem>>) src(%arg12 : memref<128x128xf32, #tpu.memory_space<vmem>>) dst(%dma_wait3A_62 : memref<128x128xf32, #tpu.memory_space<vmem_shared>>)
        tpu.yield
      }) : () -> ()
      %add3A_16 = arith.constant 256 : i32
      %add3A_17 = arith.addi %mul3A_12, %add3A_16 : i32
      "tpu.region"() ({
        %run_scoped3A = tpu.sem_alloc : memref<!tpu.dma_semaphore, #tpu.memory_space<semaphore_mem>>
        %dma_start3A_55 = arith.constant 0 : i32
        %dma_start3A_56 = tpu.memref_slice %arg14[%add3A_17, %dma_start3A_55] : memref<10240x128xf32, #tpu.memory_space<vmem_shared>> -> memref<128x128xf32, #tpu.memory_space<vmem_shared>>
        %dma_start3A_57 = arith.constant 0 : i32
        %dma_start3A_58 = tpu.memref_slice %arg14[%add3A_17, %dma_start3A_57] : memref<10240x128xf32, #tpu.memory_space<vmem_shared>> -> memref<128x128xf32, #tpu.memory_space<vmem_shared>>
        tpu.enqueue_dma source(%arg12 : memref<128x128xf32, #tpu.memory_space<vmem>>) target(%dma_start3A_58 : memref<128x128xf32, #tpu.memory_space<vmem_shared>>) target_semaphore(%run_scoped3A : memref<!tpu.dma_semaphore, #tpu.memory_space<semaphore_mem>>)
        %dma_wait3A_59 = arith.constant 0 : i32
        %dma_wait3A_60 = tpu.memref_slice %arg14[%add3A_17, %dma_wait3A_59] : memref<10240x128xf32, #tpu.memory_space<vmem_shared>> -> memref<128x128xf32, #tpu.memory_space<vmem_shared>>
        %dma_wait3A_61 = arith.constant 0 : i32
        %dma_wait3A_62 = tpu.memref_slice %arg14[%add3A_17, %dma_wait3A_61] : memref<10240x128xf32, #tpu.memory_space<vmem_shared>> -> memref<128x128xf32, #tpu.memory_space<vmem_shared>>
        tpu.wait_dma2 semaphore(%run_scoped3A : memref<!tpu.dma_semaphore, #tpu.memory_space<semaphore_mem>>) src(%arg12 : memref<128x128xf32, #tpu.memory_space<vmem>>) dst(%dma_wait3A_62 : memref<128x128xf32, #tpu.memory_space<vmem_shared>>)
        tpu.yield
      }) : () -> ()
      %add3A_18 = arith.constant 384 : i32
      %add3A_19 = arith.addi %mul3A_12, %add3A_18 : i32
      "tpu.region"() ({
        %run_scoped3A = tpu.sem_alloc : memref<!tpu.dma_semaphore, #tpu.memory_space<semaphore_mem>>
        %dma_start3A_55 = arith.constant 0 : i32
        %dma_start3A_56 = tpu.memref_slice %arg14[%add3A_19, %dma_start3A_55] : memref<10240x128xf32, #tpu.memory_space<vmem_shared>> -> memref<128x128xf32, #tpu.memory_space<vmem_shared>>
        %dma_start3A_57 = arith.constant 0 : i32
        %dma_start3A_58 = tpu.memref_slice %arg14[%add3A_19, %dma_start3A_57] : memref<10240x128xf32, #tpu.memory_space<vmem_shared>> -> memref<128x128xf32, #tpu.memory_space<vmem_shared>>
        tpu.enqueue_dma source(%arg12 : memref<128x128xf32, #tpu.memory_space<vmem>>) target(%dma_start3A_58 : memref<128x128xf32, #tpu.memory_space<vmem_shared>>) target_semaphore(%run_scoped3A : memref<!tpu.dma_semaphore, #tpu.memory_space<semaphore_mem>>)
        %dma_wait3A_59 = arith.constant 0 : i32
        %dma_wait3A_60 = tpu.memref_slice %arg14[%add3A_19, %dma_wait3A_59] : memref<10240x128xf32, #tpu.memory_space<vmem_shared>> -> memref<128x128xf32, #tpu.memory_space<vmem_shared>>
        %dma_wait3A_61 = arith.constant 0 : i32
        %dma_wait3A_62 = tpu.memref_slice %arg14[%add3A_19, %dma_wait3A_61] : memref<10240x128xf32, #tpu.memory_space<vmem_shared>> -> memref<128x128xf32, #tpu.memory_space<vmem_shared>>
        tpu.wait_dma2 semaphore(%run_scoped3A : memref<!tpu.dma_semaphore, #tpu.memory_space<semaphore_mem>>) src(%arg12 : memref<128x128xf32, #tpu.memory_space<vmem>>) dst(%dma_wait3A_62 : memref<128x128xf32, #tpu.memory_space<vmem_shared>>)
        tpu.yield
      }) : () -> ()
      %add3A_20 = arith.constant 512 : i32
      %add3A_21 = arith.addi %mul3A_12, %add3A_20 : i32
      "tpu.region"() ({
        %run_scoped3A = tpu.sem_alloc : memref<!tpu.dma_semaphore, #tpu.memory_space<semaphore_mem>>
        %dma_start3A_55 = arith.constant 0 : i32
        %dma_start3A_56 = tpu.memref_slice %arg14[%add3A_21, %dma_start3A_55] : memref<10240x128xf32, #tpu.memory_space<vmem_shared>> -> memref<128x128xf32, #tpu.memory_space<vmem_shared>>
        %dma_start3A_57 = arith.constant 0 : i32
        %dma_start3A_58 = tpu.memref_slice %arg14[%add3A_21, %dma_start3A_57] : memref<10240x128xf32, #tpu.memory_space<vmem_shared>> -> memref<128x128xf32, #tpu.memory_space<vmem_shared>>
        tpu.enqueue_dma source(%arg12 : memref<128x128xf32, #tpu.memory_space<vmem>>) target(%dma_start3A_58 : memref<128x128xf32, #tpu.memory_space<vmem_shared>>) target_semaphore(%run_scoped3A : memref<!tpu.dma_semaphore, #tpu.memory_space<semaphore_mem>>)
        %dma_wait3A_59 = arith.constant 0 : i32
        %dma_wait3A_60 = tpu.memref_slice %arg14[%add3A_21, %dma_wait3A_59] : memref<10240x128xf32, #tpu.memory_space<vmem_shared>> -> memref<128x128xf32, #tpu.memory_space<vmem_shared>>
        %dma_wait3A_61 = arith.constant 0 : i32
        %dma_wait3A_62 = tpu.memref_slice %arg14[%add3A_21, %dma_wait3A_61] : memref<10240x128xf32, #tpu.memory_space<vmem_shared>> -> memref<128x128xf32, #tpu.memory_space<vmem_shared>>
        tpu.wait_dma2 semaphore(%run_scoped3A : memref<!tpu.dma_semaphore, #tpu.memory_space<semaphore_mem>>) src(%arg12 : memref<128x128xf32, #tpu.memory_space<vmem>>) dst(%dma_wait3A_62 : memref<128x128xf32, #tpu.memory_space<vmem_shared>>)
        tpu.yield
      }) : () -> ()
      %barrier3A = arith.constant 0 : index
      tpu.barrier barrier_id(%barrier3A)
      "tpu.region"() ({
        %run_scoped3A = tpu.sem_alloc : memref<!tpu.dma_semaphore, #tpu.memory_space<semaphore_mem>>
        %dma_start3A_55 = arith.constant 0 : i32
        %dma_start3A_56 = arith.constant 0 : i32
        %dma_start3A_57 = tpu.memref_slice %arg5[%arg1, %dma_start3A_55, %dma_start3A_56] : memref<16x160x128xi32, #tpu.memory_space<hbm>> -> memref<1x8x128xi32, #tpu.memory_space<hbm>>
        %dma_start3A_58 = tpu.memref_squeeze %dma_start3A_57 : memref<1x8x128xi32, #tpu.memory_space<hbm>> -> memref<8x128xi32, #tpu.memory_space<hbm>>
        %dma_start3A_59 = arith.constant 0 : i32
        %dma_start3A_60 = arith.constant 0 : i32
        %dma_start3A_61 = tpu.memref_slice %arg5[%arg1, %dma_start3A_59, %dma_start3A_60] : memref<16x160x128xi32, #tpu.memory_space<hbm>> -> memref<1x8x128xi32, #tpu.memory_space<hbm>>
        %dma_start3A_62 = tpu.memref_squeeze %dma_start3A_61 : memref<1x8x128xi32, #tpu.memory_space<hbm>> -> memref<8x128xi32, #tpu.memory_space<hbm>>
        tpu.enqueue_dma source(%dma_start3A_62 : memref<8x128xi32, #tpu.memory_space<hbm>>) target(%arg11 : memref<8x128xi32, #tpu.memory_space<vmem>>) target_semaphore(%run_scoped3A : memref<!tpu.dma_semaphore, #tpu.memory_space<semaphore_mem>>)
        %dma_wait3A_63 = arith.constant 0 : i32
        %dma_wait3A_64 = arith.constant 0 : i32
        %dma_wait3A_65 = tpu.memref_slice %arg5[%arg1, %dma_wait3A_63, %dma_wait3A_64] : memref<16x160x128xi32, #tpu.memory_space<hbm>> -> memref<1x8x128xi32, #tpu.memory_space<hbm>>
        %dma_wait3A_66 = tpu.memref_squeeze %dma_wait3A_65 : memref<1x8x128xi32, #tpu.memory_space<hbm>> -> memref<8x128xi32, #tpu.memory_space<hbm>>
        %dma_wait3A_67 = arith.constant 0 : i32
        %dma_wait3A_68 = arith.constant 0 : i32
        %dma_wait3A_69 = tpu.memref_slice %arg5[%arg1, %dma_wait3A_67, %dma_wait3A_68] : memref<16x160x128xi32, #tpu.memory_space<hbm>> -> memref<1x8x128xi32, #tpu.memory_space<hbm>>
        %dma_wait3A_70 = tpu.memref_squeeze %dma_wait3A_69 : memref<1x8x128xi32, #tpu.memory_space<hbm>> -> memref<8x128xi32, #tpu.memory_space<hbm>>
        tpu.wait_dma2 semaphore(%run_scoped3A : memref<!tpu.dma_semaphore, #tpu.memory_space<semaphore_mem>>) src(%dma_wait3A_70 : memref<8x128xi32, #tpu.memory_space<hbm>>) dst(%arg11 : memref<8x128xi32, #tpu.memory_space<vmem>>)
        tpu.yield
      }) : () -> ()
      "tpu.region"() ({
        %run_scoped3A = tpu.sem_alloc : memref<!tpu.dma_semaphore, #tpu.memory_space<semaphore_mem>>
        %dma_start3A_55 = arith.constant 0 : i32
        %dma_start3A_56 = arith.constant 0 : i32
        %dma_start3A_57 = tpu.memref_slice %arg4[%arg1, %dma_start3A_55, %dma_start3A_56] : memref<16x168x128xi32, #tpu.memory_space<hbm>> -> memref<1x8x128xi32, #tpu.memory_space<hbm>>
        %dma_start3A_58 = tpu.memref_squeeze %dma_start3A_57 : memref<1x8x128xi32, #tpu.memory_space<hbm>> -> memref<8x128xi32, #tpu.memory_space<hbm>>
        %dma_start3A_59 = arith.constant 0 : i32
        %dma_start3A_60 = arith.constant 0 : i32
        %dma_start3A_61 = tpu.memref_slice %arg4[%arg1, %dma_start3A_59, %dma_start3A_60] : memref<16x168x128xi32, #tpu.memory_space<hbm>> -> memref<1x8x128xi32, #tpu.memory_space<hbm>>
        %dma_start3A_62 = tpu.memref_squeeze %dma_start3A_61 : memref<1x8x128xi32, #tpu.memory_space<hbm>> -> memref<8x128xi32, #tpu.memory_space<hbm>>
        tpu.enqueue_dma source(%dma_start3A_62 : memref<8x128xi32, #tpu.memory_space<hbm>>) target(%arg10 : memref<8x128xi32, #tpu.memory_space<vmem>>) target_semaphore(%run_scoped3A : memref<!tpu.dma_semaphore, #tpu.memory_space<semaphore_mem>>)
        %dma_wait3A_63 = arith.constant 0 : i32
        %dma_wait3A_64 = arith.constant 0 : i32
        %dma_wait3A_65 = tpu.memref_slice %arg4[%arg1, %dma_wait3A_63, %dma_wait3A_64] : memref<16x168x128xi32, #tpu.memory_space<hbm>> -> memref<1x8x128xi32, #tpu.memory_space<hbm>>
        %dma_wait3A_66 = tpu.memref_squeeze %dma_wait3A_65 : memref<1x8x128xi32, #tpu.memory_space<hbm>> -> memref<8x128xi32, #tpu.memory_space<hbm>>
        %dma_wait3A_67 = arith.constant 0 : i32
        %dma_wait3A_68 = arith.constant 0 : i32
        %dma_wait3A_69 = tpu.memref_slice %arg4[%arg1, %dma_wait3A_67, %dma_wait3A_68] : memref<16x168x128xi32, #tpu.memory_space<hbm>> -> memref<1x8x128xi32, #tpu.memory_space<hbm>>
        %dma_wait3A_70 = tpu.memref_squeeze %dma_wait3A_69 : memref<1x8x128xi32, #tpu.memory_space<hbm>> -> memref<8x128xi32, #tpu.memory_space<hbm>>
        tpu.wait_dma2 semaphore(%run_scoped3A : memref<!tpu.dma_semaphore, #tpu.memory_space<semaphore_mem>>) src(%dma_wait3A_70 : memref<8x128xi32, #tpu.memory_space<hbm>>) dst(%arg10 : memref<8x128xi32, #tpu.memory_space<vmem>>)
        tpu.yield
      }) : () -> ()
      %dma_start3A = arith.constant 0 : i32
      %dma_start3A_22 = arith.constant 0 : i32
      %dma_start3A_23 = tpu.memref_slice %arg11[%dma_start3A, %dma_start3A_22] : memref<8x128xi32, #tpu.memory_space<vmem>> -> memref<1x128xi32, #tpu.memory_space<vmem>>
      %dma_start3A_24 = tpu.memref_squeeze %dma_start3A_23 : memref<1x128xi32, #tpu.memory_space<vmem>> -> memref<128xi32, #tpu.memory_space<vmem>>
      %dma_start3A_25 = arith.constant 0 : i32
      %dma_start3A_26 = arith.constant 0 : i32
      %dma_start3A_27 = tpu.memref_slice %arg14[%dma_start3A_25, %dma_start3A_26] : memref<10240x128xf32, #tpu.memory_space<vmem_shared>> -> memref<10240x128xf32, #tpu.memory_space<vmem_shared>>
      tpu.enqueue_indirect_dma source(%arg13 : memref<128x128xf32, #tpu.memory_space<vmem>>) target(%dma_start3A_27 : memref<10240x128xf32, #tpu.memory_space<vmem_shared>>) offsets(%dma_start3A_24 : memref<128xi32, #tpu.memory_space<vmem>>) semaphore(%arg17 : memref<!tpu.dma_semaphore, #tpu.memory_space<semaphore_mem>>) {add = true}
      %dma_start3A_28 = arith.constant 0 : i32
      %dma_start3A_29 = arith.constant 0 : i32
      %dma_start3A_30 = tpu.memref_slice %arg10[%dma_start3A_28, %dma_start3A_29] : memref<8x128xi32, #tpu.memory_space<vmem>> -> memref<1x128xi32, #tpu.memory_space<vmem>>
      %dma_start3A_31 = tpu.memref_squeeze %dma_start3A_30 : memref<1x128xi32, #tpu.memory_space<vmem>> -> memref<128xi32, #tpu.memory_space<vmem>>
      %dma_start3A_32 = arith.constant 0 : i32
      %dma_start3A_33 = arith.constant 0 : i32
      %dma_start3A_34 = tpu.memref_slice %arg2[%dma_start3A_32, %dma_start3A_33] : memref<10000x128xf32, #tpu.memory_space<hbm>> -> memref<10000x128xf32, #tpu.memory_space<hbm>>
      tpu.enqueue_indirect_dma source(%dma_start3A_34 : memref<10000x128xf32, #tpu.memory_space<hbm>>) target(%arg12 : memref<128x128xf32, #tpu.memory_space<vmem>>) offsets(%dma_start3A_31 : memref<128xi32, #tpu.memory_space<vmem>>) semaphore(%arg15 : memref<!tpu.dma_semaphore, #tpu.memory_space<semaphore_mem>>)
      %scan3A_35 = arith.constant 0 : i32
      %scan3A_36 = arith.constant 0 : i32
      %scan3A_37 = arith.constant 20 : i32
      %scan3A_38 = arith.addi %scan3A_36, %scan3A_37 : i32
      %scan3A_39 = arith.constant 1 : i32
      scf.for %scan3A_55 = %scan3A_36 to %scan3A_38 step %scan3A_39  : i32 {
        %dma_wait3A_56 = arith.constant 0 : i32
        %dma_wait3A_57 = arith.constant 0 : i32
        %dma_wait3A_58 = tpu.memref_slice %arg11[%dma_wait3A_56, %dma_wait3A_57] : memref<8x128xi32, #tpu.memory_space<vmem>> -> memref<1x128xi32, #tpu.memory_space<vmem>>
        %dma_wait3A_59 = tpu.memref_squeeze %dma_wait3A_58 : memref<1x128xi32, #tpu.memory_space<vmem>> -> memref<128xi32, #tpu.memory_space<vmem>>
        %dma_wait3A_60 = arith.constant 0 : i32
        %dma_wait3A_61 = arith.constant 0 : i32
        %dma_wait3A_62 = tpu.memref_slice %arg14[%dma_wait3A_60, %dma_wait3A_61] : memref<10240x128xf32, #tpu.memory_space<vmem_shared>> -> memref<10240x128xf32, #tpu.memory_space<vmem_shared>>
        tpu.wait_indirect_dma semaphore(%arg17 : memref<!tpu.dma_semaphore, #tpu.memory_space<semaphore_mem>>) src(%arg13 : memref<128x128xf32, #tpu.memory_space<vmem>>) dst(%dma_wait3A_62 : memref<10240x128xf32, #tpu.memory_space<vmem_shared>>)
        %mul3A_63 = arith.constant 8 : i32
        %mul3A_64 = arith.muli %scan3A_55, %mul3A_63 : i32
        "tpu.region"() ({
          %run_scoped3A = tpu.sem_alloc : memref<!tpu.dma_semaphore, #tpu.memory_space<semaphore_mem>>
          %dma_start3A_286 = arith.constant 0 : i32
          %dma_start3A_287 = tpu.memref_slice %arg5[%arg1, %mul3A_64, %dma_start3A_286] : memref<16x160x128xi32, #tpu.memory_space<hbm>> -> memref<1x8x128xi32, #tpu.memory_space<hbm>>
          %dma_start3A_288 = tpu.memref_squeeze %dma_start3A_287 : memref<1x8x128xi32, #tpu.memory_space<hbm>> -> memref<8x128xi32, #tpu.memory_space<hbm>>
          %dma_start3A_289 = arith.constant 0 : i32
          %dma_start3A_290 = tpu.memref_slice %arg5[%arg1, %mul3A_64, %dma_start3A_289] : memref<16x160x128xi32, #tpu.memory_space<hbm>> -> memref<1x8x128xi32, #tpu.memory_space<hbm>>
          %dma_start3A_291 = tpu.memref_squeeze %dma_start3A_290 : memref<1x8x128xi32, #tpu.memory_space<hbm>> -> memref<8x128xi32, #tpu.memory_space<hbm>>
          tpu.enqueue_dma source(%dma_start3A_291 : memref<8x128xi32, #tpu.memory_space<hbm>>) target(%arg11 : memref<8x128xi32, #tpu.memory_space<vmem>>) target_semaphore(%run_scoped3A : memref<!tpu.dma_semaphore, #tpu.memory_space<semaphore_mem>>)
          %dma_wait3A_292 = arith.constant 0 : i32
          %dma_wait3A_293 = tpu.memref_slice %arg5[%arg1, %mul3A_64, %dma_wait3A_292] : memref<16x160x128xi32, #tpu.memory_space<hbm>> -> memref<1x8x128xi32, #tpu.memory_space<hbm>>
          %dma_wait3A_294 = tpu.memref_squeeze %dma_wait3A_293 : memref<1x8x128xi32, #tpu.memory_space<hbm>> -> memref<8x128xi32, #tpu.memory_space<hbm>>
          %dma_wait3A_295 = arith.constant 0 : i32
          %dma_wait3A_296 = tpu.memref_slice %arg5[%arg1, %mul3A_64, %dma_wait3A_295] : memref<16x160x128xi32, #tpu.memory_space<hbm>> -> memref<1x8x128xi32, #tpu.memory_space<hbm>>
          %dma_wait3A_297 = tpu.memref_squeeze %dma_wait3A_296 : memref<1x8x128xi32, #tpu.memory_space<hbm>> -> memref<8x128xi32, #tpu.memory_space<hbm>>
          tpu.wait_dma2 semaphore(%run_scoped3A : memref<!tpu.dma_semaphore, #tpu.memory_space<semaphore_mem>>) src(%dma_wait3A_297 : memref<8x128xi32, #tpu.memory_space<hbm>>) dst(%arg11 : memref<8x128xi32, #tpu.memory_space<vmem>>)
          tpu.yield
        }) : () -> ()
        %dma_wait3A_65 = arith.constant 0 : i32
        %dma_wait3A_66 = arith.constant 0 : i32
        %dma_wait3A_67 = tpu.memref_slice %arg10[%dma_wait3A_65, %dma_wait3A_66] : memref<8x128xi32, #tpu.memory_space<vmem>> -> memref<1x128xi32, #tpu.memory_space<vmem>>
        %dma_wait3A_68 = tpu.memref_squeeze %dma_wait3A_67 : memref<1x128xi32, #tpu.memory_space<vmem>> -> memref<128xi32, #tpu.memory_space<vmem>>
        %dma_wait3A_69 = arith.constant 0 : i32
        %dma_wait3A_70 = arith.constant 0 : i32
        %dma_wait3A_71 = tpu.memref_slice %arg2[%dma_wait3A_69, %dma_wait3A_70] : memref<10000x128xf32, #tpu.memory_space<hbm>> -> memref<10000x128xf32, #tpu.memory_space<hbm>>
        tpu.wait_indirect_dma semaphore(%arg15 : memref<!tpu.dma_semaphore, #tpu.memory_space<semaphore_mem>>) src(%dma_wait3A_71 : memref<10000x128xf32, #tpu.memory_space<hbm>>) dst(%arg12 : memref<128x128xf32, #tpu.memory_space<vmem>>)
        %dma_start3A_72 = arith.constant 0 : i32
        %dma_start3A_73 = arith.constant 0 : i32
        %dma_start3A_74 = tpu.memref_slice %arg11[%dma_start3A_72, %dma_start3A_73] : memref<8x128xi32, #tpu.memory_space<vmem>> -> memref<1x128xi32, #tpu.memory_space<vmem>>
        %dma_start3A_75 = tpu.memref_squeeze %dma_start3A_74 : memref<1x128xi32, #tpu.memory_space<vmem>> -> memref<128xi32, #tpu.memory_space<vmem>>
        %dma_start3A_76 = arith.constant 0 : i32
        %dma_start3A_77 = arith.constant 0 : i32
        %dma_start3A_78 = tpu.memref_slice %arg14[%dma_start3A_76, %dma_start3A_77] : memref<10240x128xf32, #tpu.memory_space<vmem_shared>> -> memref<10240x128xf32, #tpu.memory_space<vmem_shared>>
        tpu.enqueue_indirect_dma source(%arg12 : memref<128x128xf32, #tpu.memory_space<vmem>>) target(%dma_start3A_78 : memref<10240x128xf32, #tpu.memory_space<vmem_shared>>) offsets(%dma_start3A_75 : memref<128xi32, #tpu.memory_space<vmem>>) semaphore(%arg16 : memref<!tpu.dma_semaphore, #tpu.memory_space<semaphore_mem>>) {add = true}
        %dma_start3A_79 = arith.constant 1 : i32
        %dma_start3A_80 = arith.constant 0 : i32
        %dma_start3A_81 = tpu.memref_slice %arg10[%dma_start3A_79, %dma_start3A_80] : memref<8x128xi32, #tpu.memory_space<vmem>> -> memref<1x128xi32, #tpu.memory_space<vmem>>
        %dma_start3A_82 = tpu.memref_squeeze %dma_start3A_81 : memref<1x128xi32, #tpu.memory_space<vmem>> -> memref<128xi32, #tpu.memory_space<vmem>>
        %dma_start3A_83 = arith.constant 0 : i32
        %dma_start3A_84 = arith.constant 0 : i32
        %dma_start3A_85 = tpu.memref_slice %arg2[%dma_start3A_83, %dma_start3A_84] : memref<10000x128xf32, #tpu.memory_space<hbm>> -> memref<10000x128xf32, #tpu.memory_space<hbm>>
        tpu.enqueue_indirect_dma source(%dma_start3A_85 : memref<10000x128xf32, #tpu.memory_space<hbm>>) target(%arg13 : memref<128x128xf32, #tpu.memory_space<vmem>>) offsets(%dma_start3A_82 : memref<128xi32, #tpu.memory_space<vmem>>) semaphore(%arg15 : memref<!tpu.dma_semaphore, #tpu.memory_space<semaphore_mem>>)
        %dma_wait3A_86 = arith.constant 1 : i32
        %dma_wait3A_87 = arith.constant 0 : i32
        %dma_wait3A_88 = tpu.memref_slice %arg10[%dma_wait3A_86, %dma_wait3A_87] : memref<8x128xi32, #tpu.memory_space<vmem>> -> memref<1x128xi32, #tpu.memory_space<vmem>>
        %dma_wait3A_89 = tpu.memref_squeeze %dma_wait3A_88 : memref<1x128xi32, #tpu.memory_space<vmem>> -> memref<128xi32, #tpu.memory_space<vmem>>
        %dma_wait3A_90 = arith.constant 0 : i32
        %dma_wait3A_91 = arith.constant 0 : i32
        %dma_wait3A_92 = tpu.memref_slice %arg2[%dma_wait3A_90, %dma_wait3A_91] : memref<10000x128xf32, #tpu.memory_space<hbm>> -> memref<10000x128xf32, #tpu.memory_space<hbm>>
        tpu.wait_indirect_dma semaphore(%arg15 : memref<!tpu.dma_semaphore, #tpu.memory_space<semaphore_mem>>) src(%dma_wait3A_92 : memref<10000x128xf32, #tpu.memory_space<hbm>>) dst(%arg13 : memref<128x128xf32, #tpu.memory_space<vmem>>)
        %dma_start3A_93 = arith.constant 1 : i32
        %dma_start3A_94 = arith.constant 0 : i32
        %dma_start3A_95 = tpu.memref_slice %arg11[%dma_start3A_93, %dma_start3A_94] : memref<8x128xi32, #tpu.memory_space<vmem>> -> memref<1x128xi32, #tpu.memory_space<vmem>>
        %dma_start3A_96 = tpu.memref_squeeze %dma_start3A_95 : memref<1x128xi32, #tpu.memory_space<vmem>> -> memref<128xi32, #tpu.memory_space<vmem>>
        %dma_start3A_97 = arith.constant 0 : i32
        %dma_start3A_98 = arith.constant 0 : i32
        %dma_start3A_99 = tpu.memref_slice %arg14[%dma_start3A_97, %dma_start3A_98] : memref<10240x128xf32, #tpu.memory_space<vmem_shared>> -> memref<10240x128xf32, #tpu.memory_space<vmem_shared>>
        tpu.enqueue_indirect_dma source(%arg13 : memref<128x128xf32, #tpu.memory_space<vmem>>) target(%dma_start3A_99 : memref<10240x128xf32, #tpu.memory_space<vmem_shared>>) offsets(%dma_start3A_96 : memref<128xi32, #tpu.memory_space<vmem>>) semaphore(%arg17 : memref<!tpu.dma_semaphore, #tpu.memory_space<semaphore_mem>>) {add = true}
        %dma_wait3A_100 = arith.constant 0 : i32
        %dma_wait3A_101 = arith.constant 0 : i32
        %dma_wait3A_102 = tpu.memref_slice %arg11[%dma_wait3A_100, %dma_wait3A_101] : memref<8x128xi32, #tpu.memory_space<vmem>> -> memref<1x128xi32, #tpu.memory_space<vmem>>
        %dma_wait3A_103 = tpu.memref_squeeze %dma_wait3A_102 : memref<1x128xi32, #tpu.memory_space<vmem>> -> memref<128xi32, #tpu.memory_space<vmem>>
        %dma_wait3A_104 = arith.constant 0 : i32
        %dma_wait3A_105 = arith.constant 0 : i32
        %dma_wait3A_106 = tpu.memref_slice %arg14[%dma_wait3A_104, %dma_wait3A_105] : memref<10240x128xf32, #tpu.memory_space<vmem_shared>> -> memref<10240x128xf32, #tpu.memory_space<vmem_shared>>
        tpu.wait_indirect_dma semaphore(%arg16 : memref<!tpu.dma_semaphore, #tpu.memory_space<semaphore_mem>>) src(%arg12 : memref<128x128xf32, #tpu.memory_space<vmem>>) dst(%dma_wait3A_106 : memref<10240x128xf32, #tpu.memory_space<vmem_shared>>)
        %dma_start3A_107 = arith.constant 2 : i32
        %dma_start3A_108 = arith.constant 0 : i32
        %dma_start3A_109 = tpu.memref_slice %arg10[%dma_start3A_107, %dma_start3A_108] : memref<8x128xi32, #tpu.memory_space<vmem>> -> memref<1x128xi32, #tpu.memory_space<vmem>>
        %dma_start3A_110 = tpu.memref_squeeze %dma_start3A_109 : memref<1x128xi32, #tpu.memory_space<vmem>> -> memref<128xi32, #tpu.memory_space<vmem>>
        %dma_start3A_111 = arith.constant 0 : i32
        %dma_start3A_112 = arith.constant 0 : i32
        %dma_start3A_113 = tpu.memref_slice %arg2[%dma_start3A_111, %dma_start3A_112] : memref<10000x128xf32, #tpu.memory_space<hbm>> -> memref<10000x128xf32, #tpu.memory_space<hbm>>
        tpu.enqueue_indirect_dma source(%dma_start3A_113 : memref<10000x128xf32, #tpu.memory_space<hbm>>) target(%arg12 : memref<128x128xf32, #tpu.memory_space<vmem>>) offsets(%dma_start3A_110 : memref<128xi32, #tpu.memory_space<vmem>>) semaphore(%arg15 : memref<!tpu.dma_semaphore, #tpu.memory_space<semaphore_mem>>)
        %dma_wait3A_114 = arith.constant 2 : i32
        %dma_wait3A_115 = arith.constant 0 : i32
        %dma_wait3A_116 = tpu.memref_slice %arg10[%dma_wait3A_114, %dma_wait3A_115] : memref<8x128xi32, #tpu.memory_space<vmem>> -> memref<1x128xi32, #tpu.memory_space<vmem>>
        %dma_wait3A_117 = tpu.memref_squeeze %dma_wait3A_116 : memref<1x128xi32, #tpu.memory_space<vmem>> -> memref<128xi32, #tpu.memory_space<vmem>>
        %dma_wait3A_118 = arith.constant 0 : i32
        %dma_wait3A_119 = arith.constant 0 : i32
        %dma_wait3A_120 = tpu.memref_slice %arg2[%dma_wait3A_118, %dma_wait3A_119] : memref<10000x128xf32, #tpu.memory_space<hbm>> -> memref<10000x128xf32, #tpu.memory_space<hbm>>
        tpu.wait_indirect_dma semaphore(%arg15 : memref<!tpu.dma_semaphore, #tpu.memory_space<semaphore_mem>>) src(%dma_wait3A_120 : memref<10000x128xf32, #tpu.memory_space<hbm>>) dst(%arg12 : memref<128x128xf32, #tpu.memory_space<vmem>>)
        %dma_start3A_121 = arith.constant 2 : i32
        %dma_start3A_122 = arith.constant 0 : i32
        %dma_start3A_123 = tpu.memref_slice %arg11[%dma_start3A_121, %dma_start3A_122] : memref<8x128xi32, #tpu.memory_space<vmem>> -> memref<1x128xi32, #tpu.memory_space<vmem>>
        %dma_start3A_124 = tpu.memref_squeeze %dma_start3A_123 : memref<1x128xi32, #tpu.memory_space<vmem>> -> memref<128xi32, #tpu.memory_space<vmem>>
        %dma_start3A_125 = arith.constant 0 : i32
        %dma_start3A_126 = arith.constant 0 : i32
        %dma_start3A_127 = tpu.memref_slice %arg14[%dma_start3A_125, %dma_start3A_126] : memref<10240x128xf32, #tpu.memory_space<vmem_shared>> -> memref<10240x128xf32, #tpu.memory_space<vmem_shared>>
        tpu.enqueue_indirect_dma source(%arg12 : memref<128x128xf32, #tpu.memory_space<vmem>>) target(%dma_start3A_127 : memref<10240x128xf32, #tpu.memory_space<vmem_shared>>) offsets(%dma_start3A_124 : memref<128xi32, #tpu.memory_space<vmem>>) semaphore(%arg16 : memref<!tpu.dma_semaphore, #tpu.memory_space<semaphore_mem>>) {add = true}
        %dma_wait3A_128 = arith.constant 1 : i32
        %dma_wait3A_129 = arith.constant 0 : i32
        %dma_wait3A_130 = tpu.memref_slice %arg11[%dma_wait3A_128, %dma_wait3A_129] : memref<8x128xi32, #tpu.memory_space<vmem>> -> memref<1x128xi32, #tpu.memory_space<vmem>>
        %dma_wait3A_131 = tpu.memref_squeeze %dma_wait3A_130 : memref<1x128xi32, #tpu.memory_space<vmem>> -> memref<128xi32, #tpu.memory_space<vmem>>
        %dma_wait3A_132 = arith.constant 0 : i32
        %dma_wait3A_133 = arith.constant 0 : i32
        %dma_wait3A_134 = tpu.memref_slice %arg14[%dma_wait3A_132, %dma_wait3A_133] : memref<10240x128xf32, #tpu.memory_space<vmem_shared>> -> memref<10240x128xf32, #tpu.memory_space<vmem_shared>>
        tpu.wait_indirect_dma semaphore(%arg17 : memref<!tpu.dma_semaphore, #tpu.memory_space<semaphore_mem>>) src(%arg13 : memref<128x128xf32, #tpu.memory_space<vmem>>) dst(%dma_wait3A_134 : memref<10240x128xf32, #tpu.memory_space<vmem_shared>>)
        %dma_start3A_135 = arith.constant 3 : i32
        %dma_start3A_136 = arith.constant 0 : i32
        %dma_start3A_137 = tpu.memref_slice %arg10[%dma_start3A_135, %dma_start3A_136] : memref<8x128xi32, #tpu.memory_space<vmem>> -> memref<1x128xi32, #tpu.memory_space<vmem>>
        %dma_start3A_138 = tpu.memref_squeeze %dma_start3A_137 : memref<1x128xi32, #tpu.memory_space<vmem>> -> memref<128xi32, #tpu.memory_space<vmem>>
        %dma_start3A_139 = arith.constant 0 : i32
        %dma_start3A_140 = arith.constant 0 : i32
        %dma_start3A_141 = tpu.memref_slice %arg2[%dma_start3A_139, %dma_start3A_140] : memref<10000x128xf32, #tpu.memory_space<hbm>> -> memref<10000x128xf32, #tpu.memory_space<hbm>>
        tpu.enqueue_indirect_dma source(%dma_start3A_141 : memref<10000x128xf32, #tpu.memory_space<hbm>>) target(%arg13 : memref<128x128xf32, #tpu.memory_space<vmem>>) offsets(%dma_start3A_138 : memref<128xi32, #tpu.memory_space<vmem>>) semaphore(%arg15 : memref<!tpu.dma_semaphore, #tpu.memory_space<semaphore_mem>>)
        %dma_wait3A_142 = arith.constant 3 : i32
        %dma_wait3A_143 = arith.constant 0 : i32
        %dma_wait3A_144 = tpu.memref_slice %arg10[%dma_wait3A_142, %dma_wait3A_143] : memref<8x128xi32, #tpu.memory_space<vmem>> -> memref<1x128xi32, #tpu.memory_space<vmem>>
        %dma_wait3A_145 = tpu.memref_squeeze %dma_wait3A_144 : memref<1x128xi32, #tpu.memory_space<vmem>> -> memref<128xi32, #tpu.memory_space<vmem>>
        %dma_wait3A_146 = arith.constant 0 : i32
        %dma_wait3A_147 = arith.constant 0 : i32
        %dma_wait3A_148 = tpu.memref_slice %arg2[%dma_wait3A_146, %dma_wait3A_147] : memref<10000x128xf32, #tpu.memory_space<hbm>> -> memref<10000x128xf32, #tpu.memory_space<hbm>>
        tpu.wait_indirect_dma semaphore(%arg15 : memref<!tpu.dma_semaphore, #tpu.memory_space<semaphore_mem>>) src(%dma_wait3A_148 : memref<10000x128xf32, #tpu.memory_space<hbm>>) dst(%arg13 : memref<128x128xf32, #tpu.memory_space<vmem>>)
        %dma_start3A_149 = arith.constant 3 : i32
        %dma_start3A_150 = arith.constant 0 : i32
        %dma_start3A_151 = tpu.memref_slice %arg11[%dma_start3A_149, %dma_start3A_150] : memref<8x128xi32, #tpu.memory_space<vmem>> -> memref<1x128xi32, #tpu.memory_space<vmem>>
        %dma_start3A_152 = tpu.memref_squeeze %dma_start3A_151 : memref<1x128xi32, #tpu.memory_space<vmem>> -> memref<128xi32, #tpu.memory_space<vmem>>
        %dma_start3A_153 = arith.constant 0 : i32
        %dma_start3A_154 = arith.constant 0 : i32
        %dma_start3A_155 = tpu.memref_slice %arg14[%dma_start3A_153, %dma_start3A_154] : memref<10240x128xf32, #tpu.memory_space<vmem_shared>> -> memref<10240x128xf32, #tpu.memory_space<vmem_shared>>
        tpu.enqueue_indirect_dma source(%arg13 : memref<128x128xf32, #tpu.memory_space<vmem>>) target(%dma_start3A_155 : memref<10240x128xf32, #tpu.memory_space<vmem_shared>>) offsets(%dma_start3A_152 : memref<128xi32, #tpu.memory_space<vmem>>) semaphore(%arg17 : memref<!tpu.dma_semaphore, #tpu.memory_space<semaphore_mem>>) {add = true}
        %dma_wait3A_156 = arith.constant 2 : i32
        %dma_wait3A_157 = arith.constant 0 : i32
        %dma_wait3A_158 = tpu.memref_slice %arg11[%dma_wait3A_156, %dma_wait3A_157] : memref<8x128xi32, #tpu.memory_space<vmem>> -> memref<1x128xi32, #tpu.memory_space<vmem>>
        %dma_wait3A_159 = tpu.memref_squeeze %dma_wait3A_158 : memref<1x128xi32, #tpu.memory_space<vmem>> -> memref<128xi32, #tpu.memory_space<vmem>>
        %dma_wait3A_160 = arith.constant 0 : i32
        %dma_wait3A_161 = arith.constant 0 : i32
        %dma_wait3A_162 = tpu.memref_slice %arg14[%dma_wait3A_160, %dma_wait3A_161] : memref<10240x128xf32, #tpu.memory_space<vmem_shared>> -> memref<10240x128xf32, #tpu.memory_space<vmem_shared>>
        tpu.wait_indirect_dma semaphore(%arg16 : memref<!tpu.dma_semaphore, #tpu.memory_space<semaphore_mem>>) src(%arg12 : memref<128x128xf32, #tpu.memory_space<vmem>>) dst(%dma_wait3A_162 : memref<10240x128xf32, #tpu.memory_space<vmem_shared>>)
        %dma_start3A_163 = arith.constant 4 : i32
        %dma_start3A_164 = arith.constant 0 : i32
        %dma_start3A_165 = tpu.memref_slice %arg10[%dma_start3A_163, %dma_start3A_164] : memref<8x128xi32, #tpu.memory_space<vmem>> -> memref<1x128xi32, #tpu.memory_space<vmem>>
        %dma_start3A_166 = tpu.memref_squeeze %dma_start3A_165 : memref<1x128xi32, #tpu.memory_space<vmem>> -> memref<128xi32, #tpu.memory_space<vmem>>
        %dma_start3A_167 = arith.constant 0 : i32
        %dma_start3A_168 = arith.constant 0 : i32
        %dma_start3A_169 = tpu.memref_slice %arg2[%dma_start3A_167, %dma_start3A_168] : memref<10000x128xf32, #tpu.memory_space<hbm>> -> memref<10000x128xf32, #tpu.memory_space<hbm>>
        tpu.enqueue_indirect_dma source(%dma_start3A_169 : memref<10000x128xf32, #tpu.memory_space<hbm>>) target(%arg12 : memref<128x128xf32, #tpu.memory_space<vmem>>) offsets(%dma_start3A_166 : memref<128xi32, #tpu.memory_space<vmem>>) semaphore(%arg15 : memref<!tpu.dma_semaphore, #tpu.memory_space<semaphore_mem>>)
        %dma_wait3A_170 = arith.constant 4 : i32
        %dma_wait3A_171 = arith.constant 0 : i32
        %dma_wait3A_172 = tpu.memref_slice %arg10[%dma_wait3A_170, %dma_wait3A_171] : memref<8x128xi32, #tpu.memory_space<vmem>> -> memref<1x128xi32, #tpu.memory_space<vmem>>
        %dma_wait3A_173 = tpu.memref_squeeze %dma_wait3A_172 : memref<1x128xi32, #tpu.memory_space<vmem>> -> memref<128xi32, #tpu.memory_space<vmem>>
        %dma_wait3A_174 = arith.constant 0 : i32
        %dma_wait3A_175 = arith.constant 0 : i32
        %dma_wait3A_176 = tpu.memref_slice %arg2[%dma_wait3A_174, %dma_wait3A_175] : memref<10000x128xf32, #tpu.memory_space<hbm>> -> memref<10000x128xf32, #tpu.memory_space<hbm>>
        tpu.wait_indirect_dma semaphore(%arg15 : memref<!tpu.dma_semaphore, #tpu.memory_space<semaphore_mem>>) src(%dma_wait3A_176 : memref<10000x128xf32, #tpu.memory_space<hbm>>) dst(%arg12 : memref<128x128xf32, #tpu.memory_space<vmem>>)
        %dma_start3A_177 = arith.constant 4 : i32
        %dma_start3A_178 = arith.constant 0 : i32
        %dma_start3A_179 = tpu.memref_slice %arg11[%dma_start3A_177, %dma_start3A_178] : memref<8x128xi32, #tpu.memory_space<vmem>> -> memref<1x128xi32, #tpu.memory_space<vmem>>
        %dma_start3A_180 = tpu.memref_squeeze %dma_start3A_179 : memref<1x128xi32, #tpu.memory_space<vmem>> -> memref<128xi32, #tpu.memory_space<vmem>>
        %dma_start3A_181 = arith.constant 0 : i32
        %dma_start3A_182 = arith.constant 0 : i32
        %dma_start3A_183 = tpu.memref_slice %arg14[%dma_start3A_181, %dma_start3A_182] : memref<10240x128xf32, #tpu.memory_space<vmem_shared>> -> memref<10240x128xf32, #tpu.memory_space<vmem_shared>>
        tpu.enqueue_indirect_dma source(%arg12 : memref<128x128xf32, #tpu.memory_space<vmem>>) target(%dma_start3A_183 : memref<10240x128xf32, #tpu.memory_space<vmem_shared>>) offsets(%dma_start3A_180 : memref<128xi32, #tpu.memory_space<vmem>>) semaphore(%arg16 : memref<!tpu.dma_semaphore, #tpu.memory_space<semaphore_mem>>) {add = true}
        %dma_wait3A_184 = arith.constant 3 : i32
        %dma_wait3A_185 = arith.constant 0 : i32
        %dma_wait3A_186 = tpu.memref_slice %arg11[%dma_wait3A_184, %dma_wait3A_185] : memref<8x128xi32, #tpu.memory_space<vmem>> -> memref<1x128xi32, #tpu.memory_space<vmem>>
        %dma_wait3A_187 = tpu.memref_squeeze %dma_wait3A_186 : memref<1x128xi32, #tpu.memory_space<vmem>> -> memref<128xi32, #tpu.memory_space<vmem>>
        %dma_wait3A_188 = arith.constant 0 : i32
        %dma_wait3A_189 = arith.constant 0 : i32
        %dma_wait3A_190 = tpu.memref_slice %arg14[%dma_wait3A_188, %dma_wait3A_189] : memref<10240x128xf32, #tpu.memory_space<vmem_shared>> -> memref<10240x128xf32, #tpu.memory_space<vmem_shared>>
        tpu.wait_indirect_dma semaphore(%arg17 : memref<!tpu.dma_semaphore, #tpu.memory_space<semaphore_mem>>) src(%arg13 : memref<128x128xf32, #tpu.memory_space<vmem>>) dst(%dma_wait3A_190 : memref<10240x128xf32, #tpu.memory_space<vmem_shared>>)
        %dma_start3A_191 = arith.constant 5 : i32
        %dma_start3A_192 = arith.constant 0 : i32
        %dma_start3A_193 = tpu.memref_slice %arg10[%dma_start3A_191, %dma_start3A_192] : memref<8x128xi32, #tpu.memory_space<vmem>> -> memref<1x128xi32, #tpu.memory_space<vmem>>
        %dma_start3A_194 = tpu.memref_squeeze %dma_start3A_193 : memref<1x128xi32, #tpu.memory_space<vmem>> -> memref<128xi32, #tpu.memory_space<vmem>>
        %dma_start3A_195 = arith.constant 0 : i32
        %dma_start3A_196 = arith.constant 0 : i32
        %dma_start3A_197 = tpu.memref_slice %arg2[%dma_start3A_195, %dma_start3A_196] : memref<10000x128xf32, #tpu.memory_space<hbm>> -> memref<10000x128xf32, #tpu.memory_space<hbm>>
        tpu.enqueue_indirect_dma source(%dma_start3A_197 : memref<10000x128xf32, #tpu.memory_space<hbm>>) target(%arg13 : memref<128x128xf32, #tpu.memory_space<vmem>>) offsets(%dma_start3A_194 : memref<128xi32, #tpu.memory_space<vmem>>) semaphore(%arg15 : memref<!tpu.dma_semaphore, #tpu.memory_space<semaphore_mem>>)
        %dma_wait3A_198 = arith.constant 5 : i32
        %dma_wait3A_199 = arith.constant 0 : i32
        %dma_wait3A_200 = tpu.memref_slice %arg10[%dma_wait3A_198, %dma_wait3A_199] : memref<8x128xi32, #tpu.memory_space<vmem>> -> memref<1x128xi32, #tpu.memory_space<vmem>>
        %dma_wait3A_201 = tpu.memref_squeeze %dma_wait3A_200 : memref<1x128xi32, #tpu.memory_space<vmem>> -> memref<128xi32, #tpu.memory_space<vmem>>
        %dma_wait3A_202 = arith.constant 0 : i32
        %dma_wait3A_203 = arith.constant 0 : i32
        %dma_wait3A_204 = tpu.memref_slice %arg2[%dma_wait3A_202, %dma_wait3A_203] : memref<10000x128xf32, #tpu.memory_space<hbm>> -> memref<10000x128xf32, #tpu.memory_space<hbm>>
        tpu.wait_indirect_dma semaphore(%arg15 : memref<!tpu.dma_semaphore, #tpu.memory_space<semaphore_mem>>) src(%dma_wait3A_204 : memref<10000x128xf32, #tpu.memory_space<hbm>>) dst(%arg13 : memref<128x128xf32, #tpu.memory_space<vmem>>)
        %dma_start3A_205 = arith.constant 5 : i32
        %dma_start3A_206 = arith.constant 0 : i32
        %dma_start3A_207 = tpu.memref_slice %arg11[%dma_start3A_205, %dma_start3A_206] : memref<8x128xi32, #tpu.memory_space<vmem>> -> memref<1x128xi32, #tpu.memory_space<vmem>>
        %dma_start3A_208 = tpu.memref_squeeze %dma_start3A_207 : memref<1x128xi32, #tpu.memory_space<vmem>> -> memref<128xi32, #tpu.memory_space<vmem>>
        %dma_start3A_209 = arith.constant 0 : i32
        %dma_start3A_210 = arith.constant 0 : i32
        %dma_start3A_211 = tpu.memref_slice %arg14[%dma_start3A_209, %dma_start3A_210] : memref<10240x128xf32, #tpu.memory_space<vmem_shared>> -> memref<10240x128xf32, #tpu.memory_space<vmem_shared>>
        tpu.enqueue_indirect_dma source(%arg13 : memref<128x128xf32, #tpu.memory_space<vmem>>) target(%dma_start3A_211 : memref<10240x128xf32, #tpu.memory_space<vmem_shared>>) offsets(%dma_start3A_208 : memref<128xi32, #tpu.memory_space<vmem>>) semaphore(%arg17 : memref<!tpu.dma_semaphore, #tpu.memory_space<semaphore_mem>>) {add = true}
        %dma_wait3A_212 = arith.constant 4 : i32
        %dma_wait3A_213 = arith.constant 0 : i32
        %dma_wait3A_214 = tpu.memref_slice %arg11[%dma_wait3A_212, %dma_wait3A_213] : memref<8x128xi32, #tpu.memory_space<vmem>> -> memref<1x128xi32, #tpu.memory_space<vmem>>
        %dma_wait3A_215 = tpu.memref_squeeze %dma_wait3A_214 : memref<1x128xi32, #tpu.memory_space<vmem>> -> memref<128xi32, #tpu.memory_space<vmem>>
        %dma_wait3A_216 = arith.constant 0 : i32
        %dma_wait3A_217 = arith.constant 0 : i32
        %dma_wait3A_218 = tpu.memref_slice %arg14[%dma_wait3A_216, %dma_wait3A_217] : memref<10240x128xf32, #tpu.memory_space<vmem_shared>> -> memref<10240x128xf32, #tpu.memory_space<vmem_shared>>
        tpu.wait_indirect_dma semaphore(%arg16 : memref<!tpu.dma_semaphore, #tpu.memory_space<semaphore_mem>>) src(%arg12 : memref<128x128xf32, #tpu.memory_space<vmem>>) dst(%dma_wait3A_218 : memref<10240x128xf32, #tpu.memory_space<vmem_shared>>)
        %dma_start3A_219 = arith.constant 6 : i32
        %dma_start3A_220 = arith.constant 0 : i32
        %dma_start3A_221 = tpu.memref_slice %arg10[%dma_start3A_219, %dma_start3A_220] : memref<8x128xi32, #tpu.memory_space<vmem>> -> memref<1x128xi32, #tpu.memory_space<vmem>>
        %dma_start3A_222 = tpu.memref_squeeze %dma_start3A_221 : memref<1x128xi32, #tpu.memory_space<vmem>> -> memref<128xi32, #tpu.memory_space<vmem>>
        %dma_start3A_223 = arith.constant 0 : i32
        %dma_start3A_224 = arith.constant 0 : i32
        %dma_start3A_225 = tpu.memref_slice %arg2[%dma_start3A_223, %dma_start3A_224] : memref<10000x128xf32, #tpu.memory_space<hbm>> -> memref<10000x128xf32, #tpu.memory_space<hbm>>
        tpu.enqueue_indirect_dma source(%dma_start3A_225 : memref<10000x128xf32, #tpu.memory_space<hbm>>) target(%arg12 : memref<128x128xf32, #tpu.memory_space<vmem>>) offsets(%dma_start3A_222 : memref<128xi32, #tpu.memory_space<vmem>>) semaphore(%arg15 : memref<!tpu.dma_semaphore, #tpu.memory_space<semaphore_mem>>)
        %dma_wait3A_226 = arith.constant 6 : i32
        %dma_wait3A_227 = arith.constant 0 : i32
        %dma_wait3A_228 = tpu.memref_slice %arg10[%dma_wait3A_226, %dma_wait3A_227] : memref<8x128xi32, #tpu.memory_space<vmem>> -> memref<1x128xi32, #tpu.memory_space<vmem>>
        %dma_wait3A_229 = tpu.memref_squeeze %dma_wait3A_228 : memref<1x128xi32, #tpu.memory_space<vmem>> -> memref<128xi32, #tpu.memory_space<vmem>>
        %dma_wait3A_230 = arith.constant 0 : i32
        %dma_wait3A_231 = arith.constant 0 : i32
        %dma_wait3A_232 = tpu.memref_slice %arg2[%dma_wait3A_230, %dma_wait3A_231] : memref<10000x128xf32, #tpu.memory_space<hbm>> -> memref<10000x128xf32, #tpu.memory_space<hbm>>
        tpu.wait_indirect_dma semaphore(%arg15 : memref<!tpu.dma_semaphore, #tpu.memory_space<semaphore_mem>>) src(%dma_wait3A_232 : memref<10000x128xf32, #tpu.memory_space<hbm>>) dst(%arg12 : memref<128x128xf32, #tpu.memory_space<vmem>>)
        %dma_start3A_233 = arith.constant 6 : i32
        %dma_start3A_234 = arith.constant 0 : i32
        %dma_start3A_235 = tpu.memref_slice %arg11[%dma_start3A_233, %dma_start3A_234] : memref<8x128xi32, #tpu.memory_space<vmem>> -> memref<1x128xi32, #tpu.memory_space<vmem>>
        %dma_start3A_236 = tpu.memref_squeeze %dma_start3A_235 : memref<1x128xi32, #tpu.memory_space<vmem>> -> memref<128xi32, #tpu.memory_space<vmem>>
        %dma_start3A_237 = arith.constant 0 : i32
        %dma_start3A_238 = arith.constant 0 : i32
        %dma_start3A_239 = tpu.memref_slice %arg14[%dma_start3A_237, %dma_start3A_238] : memref<10240x128xf32, #tpu.memory_space<vmem_shared>> -> memref<10240x128xf32, #tpu.memory_space<vmem_shared>>
        tpu.enqueue_indirect_dma source(%arg12 : memref<128x128xf32, #tpu.memory_space<vmem>>) target(%dma_start3A_239 : memref<10240x128xf32, #tpu.memory_space<vmem_shared>>) offsets(%dma_start3A_236 : memref<128xi32, #tpu.memory_space<vmem>>) semaphore(%arg16 : memref<!tpu.dma_semaphore, #tpu.memory_space<semaphore_mem>>) {add = true}
        %dma_wait3A_240 = arith.constant 5 : i32
        %dma_wait3A_241 = arith.constant 0 : i32
        %dma_wait3A_242 = tpu.memref_slice %arg11[%dma_wait3A_240, %dma_wait3A_241] : memref<8x128xi32, #tpu.memory_space<vmem>> -> memref<1x128xi32, #tpu.memory_space<vmem>>
        %dma_wait3A_243 = tpu.memref_squeeze %dma_wait3A_242 : memref<1x128xi32, #tpu.memory_space<vmem>> -> memref<128xi32, #tpu.memory_space<vmem>>
        %dma_wait3A_244 = arith.constant 0 : i32
        %dma_wait3A_245 = arith.constant 0 : i32
        %dma_wait3A_246 = tpu.memref_slice %arg14[%dma_wait3A_244, %dma_wait3A_245] : memref<10240x128xf32, #tpu.memory_space<vmem_shared>> -> memref<10240x128xf32, #tpu.memory_space<vmem_shared>>
        tpu.wait_indirect_dma semaphore(%arg17 : memref<!tpu.dma_semaphore, #tpu.memory_space<semaphore_mem>>) src(%arg13 : memref<128x128xf32, #tpu.memory_space<vmem>>) dst(%dma_wait3A_246 : memref<10240x128xf32, #tpu.memory_space<vmem_shared>>)
        %dma_start3A_247 = arith.constant 7 : i32
        %dma_start3A_248 = arith.constant 0 : i32
        %dma_start3A_249 = tpu.memref_slice %arg10[%dma_start3A_247, %dma_start3A_248] : memref<8x128xi32, #tpu.memory_space<vmem>> -> memref<1x128xi32, #tpu.memory_space<vmem>>
        %dma_start3A_250 = tpu.memref_squeeze %dma_start3A_249 : memref<1x128xi32, #tpu.memory_space<vmem>> -> memref<128xi32, #tpu.memory_space<vmem>>
        %dma_start3A_251 = arith.constant 0 : i32
        %dma_start3A_252 = arith.constant 0 : i32
        %dma_start3A_253 = tpu.memref_slice %arg2[%dma_start3A_251, %dma_start3A_252] : memref<10000x128xf32, #tpu.memory_space<hbm>> -> memref<10000x128xf32, #tpu.memory_space<hbm>>
        tpu.enqueue_indirect_dma source(%dma_start3A_253 : memref<10000x128xf32, #tpu.memory_space<hbm>>) target(%arg13 : memref<128x128xf32, #tpu.memory_space<vmem>>) offsets(%dma_start3A_250 : memref<128xi32, #tpu.memory_space<vmem>>) semaphore(%arg15 : memref<!tpu.dma_semaphore, #tpu.memory_space<semaphore_mem>>)
        %dma_wait3A_254 = arith.constant 7 : i32
        %dma_wait3A_255 = arith.constant 0 : i32
        %dma_wait3A_256 = tpu.memref_slice %arg10[%dma_wait3A_254, %dma_wait3A_255] : memref<8x128xi32, #tpu.memory_space<vmem>> -> memref<1x128xi32, #tpu.memory_space<vmem>>
        %dma_wait3A_257 = tpu.memref_squeeze %dma_wait3A_256 : memref<1x128xi32, #tpu.memory_space<vmem>> -> memref<128xi32, #tpu.memory_space<vmem>>
        %dma_wait3A_258 = arith.constant 0 : i32
        %dma_wait3A_259 = arith.constant 0 : i32
        %dma_wait3A_260 = tpu.memref_slice %arg2[%dma_wait3A_258, %dma_wait3A_259] : memref<10000x128xf32, #tpu.memory_space<hbm>> -> memref<10000x128xf32, #tpu.memory_space<hbm>>
        tpu.wait_indirect_dma semaphore(%arg15 : memref<!tpu.dma_semaphore, #tpu.memory_space<semaphore_mem>>) src(%dma_wait3A_260 : memref<10000x128xf32, #tpu.memory_space<hbm>>) dst(%arg13 : memref<128x128xf32, #tpu.memory_space<vmem>>)
        %dma_start3A_261 = arith.constant 7 : i32
        %dma_start3A_262 = arith.constant 0 : i32
        %dma_start3A_263 = tpu.memref_slice %arg11[%dma_start3A_261, %dma_start3A_262] : memref<8x128xi32, #tpu.memory_space<vmem>> -> memref<1x128xi32, #tpu.memory_space<vmem>>
        %dma_start3A_264 = tpu.memref_squeeze %dma_start3A_263 : memref<1x128xi32, #tpu.memory_space<vmem>> -> memref<128xi32, #tpu.memory_space<vmem>>
        %dma_start3A_265 = arith.constant 0 : i32
        %dma_start3A_266 = arith.constant 0 : i32
        %dma_start3A_267 = tpu.memref_slice %arg14[%dma_start3A_265, %dma_start3A_266] : memref<10240x128xf32, #tpu.memory_space<vmem_shared>> -> memref<10240x128xf32, #tpu.memory_space<vmem_shared>>
        tpu.enqueue_indirect_dma source(%arg13 : memref<128x128xf32, #tpu.memory_space<vmem>>) target(%dma_start3A_267 : memref<10240x128xf32, #tpu.memory_space<vmem_shared>>) offsets(%dma_start3A_264 : memref<128xi32, #tpu.memory_space<vmem>>) semaphore(%arg17 : memref<!tpu.dma_semaphore, #tpu.memory_space<semaphore_mem>>) {add = true}
        %dma_wait3A_268 = arith.constant 6 : i32
        %dma_wait3A_269 = arith.constant 0 : i32
        %dma_wait3A_270 = tpu.memref_slice %arg11[%dma_wait3A_268, %dma_wait3A_269] : memref<8x128xi32, #tpu.memory_space<vmem>> -> memref<1x128xi32, #tpu.memory_space<vmem>>
        %dma_wait3A_271 = tpu.memref_squeeze %dma_wait3A_270 : memref<1x128xi32, #tpu.memory_space<vmem>> -> memref<128xi32, #tpu.memory_space<vmem>>
        %dma_wait3A_272 = arith.constant 0 : i32
        %dma_wait3A_273 = arith.constant 0 : i32
        %dma_wait3A_274 = tpu.memref_slice %arg14[%dma_wait3A_272, %dma_wait3A_273] : memref<10240x128xf32, #tpu.memory_space<vmem_shared>> -> memref<10240x128xf32, #tpu.memory_space<vmem_shared>>
        tpu.wait_indirect_dma semaphore(%arg16 : memref<!tpu.dma_semaphore, #tpu.memory_space<semaphore_mem>>) src(%arg12 : memref<128x128xf32, #tpu.memory_space<vmem>>) dst(%dma_wait3A_274 : memref<10240x128xf32, #tpu.memory_space<vmem_shared>>)
        %add3A_275 = arith.constant 1 : i32
        %add3A_276 = arith.addi %scan3A_55, %add3A_275 : i32
        %mul3A_277 = arith.constant 8 : i32
        %mul3A_278 = arith.muli %add3A_276, %mul3A_277 : i32
        "tpu.region"() ({
          %run_scoped3A = tpu.sem_alloc : memref<!tpu.dma_semaphore, #tpu.memory_space<semaphore_mem>>
          %dma_start3A_286 = arith.constant 0 : i32
          %dma_start3A_287 = tpu.memref_slice %arg4[%arg1, %mul3A_278, %dma_start3A_286] : memref<16x168x128xi32, #tpu.memory_space<hbm>> -> memref<1x8x128xi32, #tpu.memory_space<hbm>>
          %dma_start3A_288 = tpu.memref_squeeze %dma_start3A_287 : memref<1x8x128xi32, #tpu.memory_space<hbm>> -> memref<8x128xi32, #tpu.memory_space<hbm>>
          %dma_start3A_289 = arith.constant 0 : i32
          %dma_start3A_290 = tpu.memref_slice %arg4[%arg1, %mul3A_278, %dma_start3A_289] : memref<16x168x128xi32, #tpu.memory_space<hbm>> -> memref<1x8x128xi32, #tpu.memory_space<hbm>>
          %dma_start3A_291 = tpu.memref_squeeze %dma_start3A_290 : memref<1x8x128xi32, #tpu.memory_space<hbm>> -> memref<8x128xi32, #tpu.memory_space<hbm>>
          tpu.enqueue_dma source(%dma_start3A_291 : memref<8x128xi32, #tpu.memory_space<hbm>>) target(%arg10 : memref<8x128xi32, #tpu.memory_space<vmem>>) target_semaphore(%run_scoped3A : memref<!tpu.dma_semaphore, #tpu.memory_space<semaphore_mem>>)
          %dma_wait3A_292 = arith.constant 0 : i32
          %dma_wait3A_293 = tpu.memref_slice %arg4[%arg1, %mul3A_278, %dma_wait3A_292] : memref<16x168x128xi32, #tpu.memory_space<hbm>> -> memref<1x8x128xi32, #tpu.memory_space<hbm>>
          %dma_wait3A_294 = tpu.memref_squeeze %dma_wait3A_293 : memref<1x8x128xi32, #tpu.memory_space<hbm>> -> memref<8x128xi32, #tpu.memory_space<hbm>>
          %dma_wait3A_295 = arith.constant 0 : i32
          %dma_wait3A_296 = tpu.memref_slice %arg4[%arg1, %mul3A_278, %dma_wait3A_295] : memref<16x168x128xi32, #tpu.memory_space<hbm>> -> memref<1x8x128xi32, #tpu.memory_space<hbm>>
          %dma_wait3A_297 = tpu.memref_squeeze %dma_wait3A_296 : memref<1x8x128xi32, #tpu.memory_space<hbm>> -> memref<8x128xi32, #tpu.memory_space<hbm>>
          tpu.wait_dma2 semaphore(%run_scoped3A : memref<!tpu.dma_semaphore, #tpu.memory_space<semaphore_mem>>) src(%dma_wait3A_297 : memref<8x128xi32, #tpu.memory_space<hbm>>) dst(%arg10 : memref<8x128xi32, #tpu.memory_space<vmem>>)
          tpu.yield
        }) : () -> ()
        %dma_start3A_279 = arith.constant 0 : i32
        %dma_start3A_280 = arith.constant 0 : i32
        %dma_start3A_281 = tpu.memref_slice %arg10[%dma_start3A_279, %dma_start3A_280] : memref<8x128xi32, #tpu.memory_space<vmem>> -> memref<1x128xi32, #tpu.memory_space<vmem>>
        %dma_start3A_282 = tpu.memref_squeeze %dma_start3A_281 : memref<1x128xi32, #tpu.memory_space<vmem>> -> memref<128xi32, #tpu.memory_space<vmem>>
        %dma_start3A_283 = arith.constant 0 : i32
        %dma_start3A_284 = arith.constant 0 : i32
        %dma_start3A_285 = tpu.memref_slice %arg2[%dma_start3A_283, %dma_start3A_284] : memref<10000x128xf32, #tpu.memory_space<hbm>> -> memref<10000x128xf32, #tpu.memory_space<hbm>>
        tpu.enqueue_indirect_dma source(%dma_start3A_285 : memref<10000x128xf32, #tpu.memory_space<hbm>>) target(%arg12 : memref<128x128xf32, #tpu.memory_space<vmem>>) offsets(%dma_start3A_282 : memref<128xi32, #tpu.memory_space<vmem>>) semaphore(%arg15 : memref<!tpu.dma_semaphore, #tpu.memory_space<semaphore_mem>>)
      }
      %scan3A_40 = arith.constant 20 : i32
      %dma_wait3A = arith.constant 0 : i32
      %dma_wait3A_41 = arith.constant 0 : i32
      %dma_wait3A_42 = tpu.memref_slice %arg10[%dma_wait3A, %dma_wait3A_41] : memref<8x128xi32, #tpu.memory_space<vmem>> -> memref<1x128xi32, #tpu.memory_space<vmem>>
      %dma_wait3A_43 = tpu.memref_squeeze %dma_wait3A_42 : memref<1x128xi32, #tpu.memory_space<vmem>> -> memref<128xi32, #tpu.memory_space<vmem>>
      %dma_wait3A_44 = arith.constant 0 : i32
      %dma_wait3A_45 = arith.constant 0 : i32
      %dma_wait3A_46 = tpu.memref_slice %arg2[%dma_wait3A_44, %dma_wait3A_45] : memref<10000x128xf32, #tpu.memory_space<hbm>> -> memref<10000x128xf32, #tpu.memory_space<hbm>>
      tpu.wait_indirect_dma semaphore(%arg15 : memref<!tpu.dma_semaphore, #tpu.memory_space<semaphore_mem>>) src(%dma_wait3A_46 : memref<10000x128xf32, #tpu.memory_space<hbm>>) dst(%arg12 : memref<128x128xf32, #tpu.memory_space<vmem>>)
      %dma_wait3A_47 = arith.constant 0 : i32
      %dma_wait3A_48 = arith.constant 0 : i32
      %dma_wait3A_49 = tpu.memref_slice %arg11[%dma_wait3A_47, %dma_wait3A_48] : memref<8x128xi32, #tpu.memory_space<vmem>> -> memref<1x128xi32, #tpu.memory_space<vmem>>
      %dma_wait3A_50 = tpu.memref_squeeze %dma_wait3A_49 : memref<1x128xi32, #tpu.memory_space<vmem>> -> memref<128xi32, #tpu.memory_space<vmem>>
      %dma_wait3A_51 = arith.constant 0 : i32
      %dma_wait3A_52 = arith.constant 0 : i32
      %dma_wait3A_53 = tpu.memref_slice %arg14[%dma_wait3A_51, %dma_wait3A_52] : memref<10240x128xf32, #tpu.memory_space<vmem_shared>> -> memref<10240x128xf32, #tpu.memory_space<vmem_shared>>
      tpu.wait_indirect_dma semaphore(%arg17 : memref<!tpu.dma_semaphore, #tpu.memory_space<semaphore_mem>>) src(%arg13 : memref<128x128xf32, #tpu.memory_space<vmem>>) dst(%dma_wait3A_53 : memref<10240x128xf32, #tpu.memory_space<vmem_shared>>)
      %barrier3A_54 = arith.constant 0 : index
      tpu.barrier barrier_id(%barrier3A_54)
      "tpu.region"() ({
        %run_scoped3A = tpu.sem_alloc : memref<!tpu.dma_semaphore, #tpu.memory_space<semaphore_mem>>
        %dma_start3A_55 = arith.constant 0 : i32
        %dma_start3A_56 = tpu.memref_slice %arg8[%mul3A_12, %dma_start3A_55] : memref<10240x128xf32, #tpu.memory_space<hbm>> -> memref<640x128xf32, #tpu.memory_space<hbm>>
        %dma_start3A_57 = arith.constant 0 : i32
        %dma_start3A_58 = tpu.memref_slice %arg14[%mul3A_12, %dma_start3A_57] : memref<10240x128xf32, #tpu.memory_space<vmem_shared>> -> memref<640x128xf32, #tpu.memory_space<vmem_shared>>
        tpu.enqueue_dma source(%dma_start3A_58 : memref<640x128xf32, #tpu.memory_space<vmem_shared>>) target(%dma_start3A_56 : memref<640x128xf32, #tpu.memory_space<hbm>>) target_semaphore(%run_scoped3A : memref<!tpu.dma_semaphore, #tpu.memory_space<semaphore_mem>>)
        %dma_wait3A_59 = arith.constant 0 : i32
        %dma_wait3A_60 = tpu.memref_slice %arg8[%mul3A_12, %dma_wait3A_59] : memref<10240x128xf32, #tpu.memory_space<hbm>> -> memref<640x128xf32, #tpu.memory_space<hbm>>
        %dma_wait3A_61 = arith.constant 0 : i32
        %dma_wait3A_62 = tpu.memref_slice %arg14[%mul3A_12, %dma_wait3A_61] : memref<10240x128xf32, #tpu.memory_space<vmem_shared>> -> memref<640x128xf32, #tpu.memory_space<vmem_shared>>
        tpu.wait_dma2 semaphore(%run_scoped3A : memref<!tpu.dma_semaphore, #tpu.memory_space<semaphore_mem>>) src(%dma_wait3A_62 : memref<640x128xf32, #tpu.memory_space<vmem_shared>>) dst(%dma_wait3A_60 : memref<640x128xf32, #tpu.memory_space<hbm>>)
        tpu.yield
      }) : () -> ()
    } else {
    }
    %eq3A_2 = arith.constant 1 : i32
    %eq3A_3 = arith.cmpi eq, %arg0, %eq3A_2 : i32
    %convert_element_type3A_4 = arith.extui %eq3A_3 : i1 to i32
    %cond3A_5 = arith.constant 0 : i32
    %cond3A_6 = arith.cmpi ne, %convert_element_type3A_4, %cond3A_5 : i32
    scf.if %cond3A_6 {
      %scan3A = arith.constant 0 : i32
      %scan3A_7 = arith.constant 0 : i32
      %scan3A_8 = arith.constant 128 : i32
      %scan3A_9 = arith.addi %scan3A_7, %scan3A_8 : i32
      %scan3A_10 = arith.constant 1 : i32
      scf.for %scan3A_55 = %scan3A_7 to %scan3A_9 step %scan3A_10  : i32 {
        %broadcast_in_dim3A = arith.constant 0.000000e+00 : f32
        %broadcast_in_dim3A_56 = vector.broadcast %broadcast_in_dim3A : f32 to vector<16xf32>
        %swap3A = arith.index_cast %scan3A_55 : i32 to index
        %swap3A_57 = arith.constant 0 : index
        %swap3A_58 = tpu.vector_load %arg12[%swap3A, %swap3A_57] {strides = array<i32>} : memref<128x128xf32, #tpu.memory_space<vmem>>, vector<1x16xf32>,
        %swap3A_59 = vector.shape_cast %swap3A_58 : vector<1x16xf32> to vector<16xf32>
        %swap3A_60 = vector.shape_cast %broadcast_in_dim3A_56 : vector<16xf32> to vector<1x16xf32>
        tpu.vector_store %arg12[%swap3A, %swap3A_57], %swap3A_60 {strides = array<i32>} : memref<128x128xf32, #tpu.memory_space<vmem>>, vector<1x16xf32>,
        %broadcast_in_dim3A_61 = arith.constant 0.000000e+00 : f32
        %broadcast_in_dim3A_62 = vector.broadcast %broadcast_in_dim3A_61 : f32 to vector<16xf32>
        %swap3A_63 = arith.index_cast %scan3A_55 : i32 to index
        %swap3A_64 = arith.constant 0 : index
        %swap3A_65 = tpu.vector_load %arg13[%swap3A_63, %swap3A_64] {strides = array<i32>} : memref<128x128xf32, #tpu.memory_space<vmem>>, vector<1x16xf32>,
        %swap3A_66 = vector.shape_cast %swap3A_65 : vector<1x16xf32> to vector<16xf32>
        %swap3A_67 = vector.shape_cast %broadcast_in_dim3A_62 : vector<16xf32> to vector<1x16xf32>
        tpu.vector_store %arg13[%swap3A_63, %swap3A_64], %swap3A_67 {strides = array<i32>} : memref<128x128xf32, #tpu.memory_space<vmem>>, vector<1x16xf32>,
        %broadcast_in_dim3A_68 = arith.constant 0.000000e+00 : f32
        %broadcast_in_dim3A_69 = vector.broadcast %broadcast_in_dim3A_68 : f32 to vector<16xf32>
        %swap3A_70 = arith.index_cast %scan3A_55 : i32 to index
        %swap3A_71 = arith.constant 16 : index
        %swap3A_72 = tpu.vector_load %arg12[%swap3A_70, %swap3A_71] {strides = array<i32>} : memref<128x128xf32, #tpu.memory_space<vmem>>, vector<1x16xf32>,
        %swap3A_73 = vector.shape_cast %swap3A_72 : vector<1x16xf32> to vector<16xf32>
        %swap3A_74 = vector.shape_cast %broadcast_in_dim3A_69 : vector<16xf32> to vector<1x16xf32>
        tpu.vector_store %arg12[%swap3A_70, %swap3A_71], %swap3A_74 {strides = array<i32>} : memref<128x128xf32, #tpu.memory_space<vmem>>, vector<1x16xf32>,
        %broadcast_in_dim3A_75 = arith.constant 0.000000e+00 : f32
        %broadcast_in_dim3A_76 = vector.broadcast %broadcast_in_dim3A_75 : f32 to vector<16xf32>
        %swap3A_77 = arith.index_cast %scan3A_55 : i32 to index
        %swap3A_78 = arith.constant 16 : index
        %swap3A_79 = tpu.vector_load %arg13[%swap3A_77, %swap3A_78] {strides = array<i32>} : memref<128x128xf32, #tpu.memory_space<vmem>>, vector<1x16xf32>,
        %swap3A_80 = vector.shape_cast %swap3A_79 : vector<1x16xf32> to vector<16xf32>
        %swap3A_81 = vector.shape_cast %broadcast_in_dim3A_76 : vector<16xf32> to vector<1x16xf32>
        tpu.vector_store %arg13[%swap3A_77, %swap3A_78], %swap3A_81 {strides = array<i32>} : memref<128x128xf32, #tpu.memory_space<vmem>>, vector<1x16xf32>,
        %broadcast_in_dim3A_82 = arith.constant 0.000000e+00 : f32
        %broadcast_in_dim3A_83 = vector.broadcast %broadcast_in_dim3A_82 : f32 to vector<16xf32>
        %swap3A_84 = arith.index_cast %scan3A_55 : i32 to index
        %swap3A_85 = arith.constant 32 : index
        %swap3A_86 = tpu.vector_load %arg12[%swap3A_84, %swap3A_85] {strides = array<i32>} : memref<128x128xf32, #tpu.memory_space<vmem>>, vector<1x16xf32>,
        %swap3A_87 = vector.shape_cast %swap3A_86 : vector<1x16xf32> to vector<16xf32>
        %swap3A_88 = vector.shape_cast %broadcast_in_dim3A_83 : vector<16xf32> to vector<1x16xf32>
        tpu.vector_store %arg12[%swap3A_84, %swap3A_85], %swap3A_88 {strides = array<i32>} : memref<128x128xf32, #tpu.memory_space<vmem>>, vector<1x16xf32>,
        %broadcast_in_dim3A_89 = arith.constant 0.000000e+00 : f32
        %broadcast_in_dim3A_90 = vector.broadcast %broadcast_in_dim3A_89 : f32 to vector<16xf32>
        %swap3A_91 = arith.index_cast %scan3A_55 : i32 to index
        %swap3A_92 = arith.constant 32 : index
        %swap3A_93 = tpu.vector_load %arg13[%swap3A_91, %swap3A_92] {strides = array<i32>} : memref<128x128xf32, #tpu.memory_space<vmem>>, vector<1x16xf32>,
        %swap3A_94 = vector.shape_cast %swap3A_93 : vector<1x16xf32> to vector<16xf32>
        %swap3A_95 = vector.shape_cast %broadcast_in_dim3A_90 : vector<16xf32> to vector<1x16xf32>
        tpu.vector_store %arg13[%swap3A_91, %swap3A_92], %swap3A_95 {strides = array<i32>} : memref<128x128xf32, #tpu.memory_space<vmem>>, vector<1x16xf32>,
        %broadcast_in_dim3A_96 = arith.constant 0.000000e+00 : f32
        %broadcast_in_dim3A_97 = vector.broadcast %broadcast_in_dim3A_96 : f32 to vector<16xf32>
        %swap3A_98 = arith.index_cast %scan3A_55 : i32 to index
        %swap3A_99 = arith.constant 48 : index
        %swap3A_100 = tpu.vector_load %arg12[%swap3A_98, %swap3A_99] {strides = array<i32>} : memref<128x128xf32, #tpu.memory_space<vmem>>, vector<1x16xf32>,
        %swap3A_101 = vector.shape_cast %swap3A_100 : vector<1x16xf32> to vector<16xf32>
        %swap3A_102 = vector.shape_cast %broadcast_in_dim3A_97 : vector<16xf32> to vector<1x16xf32>
        tpu.vector_store %arg12[%swap3A_98, %swap3A_99], %swap3A_102 {strides = array<i32>} : memref<128x128xf32, #tpu.memory_space<vmem>>, vector<1x16xf32>,
        %broadcast_in_dim3A_103 = arith.constant 0.000000e+00 : f32
        %broadcast_in_dim3A_104 = vector.broadcast %broadcast_in_dim3A_103 : f32 to vector<16xf32>
        %swap3A_105 = arith.index_cast %scan3A_55 : i32 to index
        %swap3A_106 = arith.constant 48 : index
        %swap3A_107 = tpu.vector_load %arg13[%swap3A_105, %swap3A_106] {strides = array<i32>} : memref<128x128xf32, #tpu.memory_space<vmem>>, vector<1x16xf32>,
        %swap3A_108 = vector.shape_cast %swap3A_107 : vector<1x16xf32> to vector<16xf32>
        %swap3A_109 = vector.shape_cast %broadcast_in_dim3A_104 : vector<16xf32> to vector<1x16xf32>
        tpu.vector_store %arg13[%swap3A_105, %swap3A_106], %swap3A_109 {strides = array<i32>} : memref<128x128xf32, #tpu.memory_space<vmem>>, vector<1x16xf32>,
        %broadcast_in_dim3A_110 = arith.constant 0.000000e+00 : f32
        %broadcast_in_dim3A_111 = vector.broadcast %broadcast_in_dim3A_110 : f32 to vector<16xf32>
        %swap3A_112 = arith.index_cast %scan3A_55 : i32 to index
        %swap3A_113 = arith.constant 64 : index
        %swap3A_114 = tpu.vector_load %arg12[%swap3A_112, %swap3A_113] {strides = array<i32>} : memref<128x128xf32, #tpu.memory_space<vmem>>, vector<1x16xf32>,
        %swap3A_115 = vector.shape_cast %swap3A_114 : vector<1x16xf32> to vector<16xf32>
        %swap3A_116 = vector.shape_cast %broadcast_in_dim3A_111 : vector<16xf32> to vector<1x16xf32>
        tpu.vector_store %arg12[%swap3A_112, %swap3A_113], %swap3A_116 {strides = array<i32>} : memref<128x128xf32, #tpu.memory_space<vmem>>, vector<1x16xf32>,
        %broadcast_in_dim3A_117 = arith.constant 0.000000e+00 : f32
        %broadcast_in_dim3A_118 = vector.broadcast %broadcast_in_dim3A_117 : f32 to vector<16xf32>
        %swap3A_119 = arith.index_cast %scan3A_55 : i32 to index
        %swap3A_120 = arith.constant 64 : index
        %swap3A_121 = tpu.vector_load %arg13[%swap3A_119, %swap3A_120] {strides = array<i32>} : memref<128x128xf32, #tpu.memory_space<vmem>>, vector<1x16xf32>,
        %swap3A_122 = vector.shape_cast %swap3A_121 : vector<1x16xf32> to vector<16xf32>
        %swap3A_123 = vector.shape_cast %broadcast_in_dim3A_118 : vector<16xf32> to vector<1x16xf32>
        tpu.vector_store %arg13[%swap3A_119, %swap3A_120], %swap3A_123 {strides = array<i32>} : memref<128x128xf32, #tpu.memory_space<vmem>>, vector<1x16xf32>,
        %broadcast_in_dim3A_124 = arith.constant 0.000000e+00 : f32
        %broadcast_in_dim3A_125 = vector.broadcast %broadcast_in_dim3A_124 : f32 to vector<16xf32>
        %swap3A_126 = arith.index_cast %scan3A_55 : i32 to index
        %swap3A_127 = arith.constant 80 : index
        %swap3A_128 = tpu.vector_load %arg12[%swap3A_126, %swap3A_127] {strides = array<i32>} : memref<128x128xf32, #tpu.memory_space<vmem>>, vector<1x16xf32>,
        %swap3A_129 = vector.shape_cast %swap3A_128 : vector<1x16xf32> to vector<16xf32>
        %swap3A_130 = vector.shape_cast %broadcast_in_dim3A_125 : vector<16xf32> to vector<1x16xf32>
        tpu.vector_store %arg12[%swap3A_126, %swap3A_127], %swap3A_130 {strides = array<i32>} : memref<128x128xf32, #tpu.memory_space<vmem>>, vector<1x16xf32>,
        %broadcast_in_dim3A_131 = arith.constant 0.000000e+00 : f32
        %broadcast_in_dim3A_132 = vector.broadcast %broadcast_in_dim3A_131 : f32 to vector<16xf32>
        %swap3A_133 = arith.index_cast %scan3A_55 : i32 to index
        %swap3A_134 = arith.constant 80 : index
        %swap3A_135 = tpu.vector_load %arg13[%swap3A_133, %swap3A_134] {strides = array<i32>} : memref<128x128xf32, #tpu.memory_space<vmem>>, vector<1x16xf32>,
        %swap3A_136 = vector.shape_cast %swap3A_135 : vector<1x16xf32> to vector<16xf32>
        %swap3A_137 = vector.shape_cast %broadcast_in_dim3A_132 : vector<16xf32> to vector<1x16xf32>
        tpu.vector_store %arg13[%swap3A_133, %swap3A_134], %swap3A_137 {strides = array<i32>} : memref<128x128xf32, #tpu.memory_space<vmem>>, vector<1x16xf32>,
        %broadcast_in_dim3A_138 = arith.constant 0.000000e+00 : f32
        %broadcast_in_dim3A_139 = vector.broadcast %broadcast_in_dim3A_138 : f32 to vector<16xf32>
        %swap3A_140 = arith.index_cast %scan3A_55 : i32 to index
        %swap3A_141 = arith.constant 96 : index
        %swap3A_142 = tpu.vector_load %arg12[%swap3A_140, %swap3A_141] {strides = array<i32>} : memref<128x128xf32, #tpu.memory_space<vmem>>, vector<1x16xf32>,
        %swap3A_143 = vector.shape_cast %swap3A_142 : vector<1x16xf32> to vector<16xf32>
        %swap3A_144 = vector.shape_cast %broadcast_in_dim3A_139 : vector<16xf32> to vector<1x16xf32>
        tpu.vector_store %arg12[%swap3A_140, %swap3A_141], %swap3A_144 {strides = array<i32>} : memref<128x128xf32, #tpu.memory_space<vmem>>, vector<1x16xf32>,
        %broadcast_in_dim3A_145 = arith.constant 0.000000e+00 : f32
        %broadcast_in_dim3A_146 = vector.broadcast %broadcast_in_dim3A_145 : f32 to vector<16xf32>
        %swap3A_147 = arith.index_cast %scan3A_55 : i32 to index
        %swap3A_148 = arith.constant 96 : index
        %swap3A_149 = tpu.vector_load %arg13[%swap3A_147, %swap3A_148] {strides = array<i32>} : memref<128x128xf32, #tpu.memory_space<vmem>>, vector<1x16xf32>,
        %swap3A_150 = vector.shape_cast %swap3A_149 : vector<1x16xf32> to vector<16xf32>
        %swap3A_151 = vector.shape_cast %broadcast_in_dim3A_146 : vector<16xf32> to vector<1x16xf32>
        tpu.vector_store %arg13[%swap3A_147, %swap3A_148], %swap3A_151 {strides = array<i32>} : memref<128x128xf32, #tpu.memory_space<vmem>>, vector<1x16xf32>,
        %broadcast_in_dim3A_152 = arith.constant 0.000000e+00 : f32
        %broadcast_in_dim3A_153 = vector.broadcast %broadcast_in_dim3A_152 : f32 to vector<16xf32>
        %swap3A_154 = arith.index_cast %scan3A_55 : i32 to index
        %swap3A_155 = arith.constant 112 : index
        %swap3A_156 = tpu.vector_load %arg12[%swap3A_154, %swap3A_155] {strides = array<i32>} : memref<128x128xf32, #tpu.memory_space<vmem>>, vector<1x16xf32>,
        %swap3A_157 = vector.shape_cast %swap3A_156 : vector<1x16xf32> to vector<16xf32>
        %swap3A_158 = vector.shape_cast %broadcast_in_dim3A_153 : vector<16xf32> to vector<1x16xf32>
        tpu.vector_store %arg12[%swap3A_154, %swap3A_155], %swap3A_158 {strides = array<i32>} : memref<128x128xf32, #tpu.memory_space<vmem>>, vector<1x16xf32>,
        %broadcast_in_dim3A_159 = arith.constant 0.000000e+00 : f32
        %broadcast_in_dim3A_160 = vector.broadcast %broadcast_in_dim3A_159 : f32 to vector<16xf32>
        %swap3A_161 = arith.index_cast %scan3A_55 : i32 to index
        %swap3A_162 = arith.constant 112 : index
        %swap3A_163 = tpu.vector_load %arg13[%swap3A_161, %swap3A_162] {strides = array<i32>} : memref<128x128xf32, #tpu.memory_space<vmem>>, vector<1x16xf32>,
        %swap3A_164 = vector.shape_cast %swap3A_163 : vector<1x16xf32> to vector<16xf32>
        %swap3A_165 = vector.shape_cast %broadcast_in_dim3A_160 : vector<16xf32> to vector<1x16xf32>
        tpu.vector_store %arg13[%swap3A_161, %swap3A_162], %swap3A_165 {strides = array<i32>} : memref<128x128xf32, #tpu.memory_space<vmem>>, vector<1x16xf32>,
      }
      %scan3A_11 = arith.constant 128 : i32
      %mul3A = arith.constant 640 : i32
      %mul3A_12 = arith.muli %arg1, %mul3A : i32
      %add3A = arith.constant 0 : i32
      %add3A_13 = arith.addi %mul3A_12, %add3A : i32
      "tpu.region"() ({
        %run_scoped3A = tpu.sem_alloc : memref<!tpu.dma_semaphore, #tpu.memory_space<semaphore_mem>>
        %dma_start3A_55 = arith.constant 0 : i32
        %dma_start3A_56 = tpu.memref_slice %arg14[%add3A_13, %dma_start3A_55] : memref<10240x128xf32, #tpu.memory_space<vmem_shared>> -> memref<128x128xf32, #tpu.memory_space<vmem_shared>>
        %dma_start3A_57 = arith.constant 0 : i32
        %dma_start3A_58 = tpu.memref_slice %arg14[%add3A_13, %dma_start3A_57] : memref<10240x128xf32, #tpu.memory_space<vmem_shared>> -> memref<128x128xf32, #tpu.memory_space<vmem_shared>>
        tpu.enqueue_dma source(%arg12 : memref<128x128xf32, #tpu.memory_space<vmem>>) target(%dma_start3A_58 : memref<128x128xf32, #tpu.memory_space<vmem_shared>>) target_semaphore(%run_scoped3A : memref<!tpu.dma_semaphore, #tpu.memory_space<semaphore_mem>>)
        %dma_wait3A_59 = arith.constant 0 : i32
        %dma_wait3A_60 = tpu.memref_slice %arg14[%add3A_13, %dma_wait3A_59] : memref<10240x128xf32, #tpu.memory_space<vmem_shared>> -> memref<128x128xf32, #tpu.memory_space<vmem_shared>>
        %dma_wait3A_61 = arith.constant 0 : i32
        %dma_wait3A_62 = tpu.memref_slice %arg14[%add3A_13, %dma_wait3A_61] : memref<10240x128xf32, #tpu.memory_space<vmem_shared>> -> memref<128x128xf32, #tpu.memory_space<vmem_shared>>
        tpu.wait_dma2 semaphore(%run_scoped3A : memref<!tpu.dma_semaphore, #tpu.memory_space<semaphore_mem>>) src(%arg12 : memref<128x128xf32, #tpu.memory_space<vmem>>) dst(%dma_wait3A_62 : memref<128x128xf32, #tpu.memory_space<vmem_shared>>)
        tpu.yield
      }) : () -> ()
      %add3A_14 = arith.constant 128 : i32
      %add3A_15 = arith.addi %mul3A_12, %add3A_14 : i32
      "tpu.region"() ({
        %run_scoped3A = tpu.sem_alloc : memref<!tpu.dma_semaphore, #tpu.memory_space<semaphore_mem>>
        %dma_start3A_55 = arith.constant 0 : i32
        %dma_start3A_56 = tpu.memref_slice %arg14[%add3A_15, %dma_start3A_55] : memref<10240x128xf32, #tpu.memory_space<vmem_shared>> -> memref<128x128xf32, #tpu.memory_space<vmem_shared>>
        %dma_start3A_57 = arith.constant 0 : i32
        %dma_start3A_58 = tpu.memref_slice %arg14[%add3A_15, %dma_start3A_57] : memref<10240x128xf32, #tpu.memory_space<vmem_shared>> -> memref<128x128xf32, #tpu.memory_space<vmem_shared>>
        tpu.enqueue_dma source(%arg12 : memref<128x128xf32, #tpu.memory_space<vmem>>) target(%dma_start3A_58 : memref<128x128xf32, #tpu.memory_space<vmem_shared>>) target_semaphore(%run_scoped3A : memref<!tpu.dma_semaphore, #tpu.memory_space<semaphore_mem>>)
        %dma_wait3A_59 = arith.constant 0 : i32
        %dma_wait3A_60 = tpu.memref_slice %arg14[%add3A_15, %dma_wait3A_59] : memref<10240x128xf32, #tpu.memory_space<vmem_shared>> -> memref<128x128xf32, #tpu.memory_space<vmem_shared>>
        %dma_wait3A_61 = arith.constant 0 : i32
        %dma_wait3A_62 = tpu.memref_slice %arg14[%add3A_15, %dma_wait3A_61] : memref<10240x128xf32, #tpu.memory_space<vmem_shared>> -> memref<128x128xf32, #tpu.memory_space<vmem_shared>>
        tpu.wait_dma2 semaphore(%run_scoped3A : memref<!tpu.dma_semaphore, #tpu.memory_space<semaphore_mem>>) src(%arg12 : memref<128x128xf32, #tpu.memory_space<vmem>>) dst(%dma_wait3A_62 : memref<128x128xf32, #tpu.memory_space<vmem_shared>>)
        tpu.yield
      }) : () -> ()
      %add3A_16 = arith.constant 256 : i32
      %add3A_17 = arith.addi %mul3A_12, %add3A_16 : i32
      "tpu.region"() ({
        %run_scoped3A = tpu.sem_alloc : memref<!tpu.dma_semaphore, #tpu.memory_space<semaphore_mem>>
        %dma_start3A_55 = arith.constant 0 : i32
        %dma_start3A_56 = tpu.memref_slice %arg14[%add3A_17, %dma_start3A_55] : memref<10240x128xf32, #tpu.memory_space<vmem_shared>> -> memref<128x128xf32, #tpu.memory_space<vmem_shared>>
        %dma_start3A_57 = arith.constant 0 : i32
        %dma_start3A_58 = tpu.memref_slice %arg14[%add3A_17, %dma_start3A_57] : memref<10240x128xf32, #tpu.memory_space<vmem_shared>> -> memref<128x128xf32, #tpu.memory_space<vmem_shared>>
        tpu.enqueue_dma source(%arg12 : memref<128x128xf32, #tpu.memory_space<vmem>>) target(%dma_start3A_58 : memref<128x128xf32, #tpu.memory_space<vmem_shared>>) target_semaphore(%run_scoped3A : memref<!tpu.dma_semaphore, #tpu.memory_space<semaphore_mem>>)
        %dma_wait3A_59 = arith.constant 0 : i32
        %dma_wait3A_60 = tpu.memref_slice %arg14[%add3A_17, %dma_wait3A_59] : memref<10240x128xf32, #tpu.memory_space<vmem_shared>> -> memref<128x128xf32, #tpu.memory_space<vmem_shared>>
        %dma_wait3A_61 = arith.constant 0 : i32
        %dma_wait3A_62 = tpu.memref_slice %arg14[%add3A_17, %dma_wait3A_61] : memref<10240x128xf32, #tpu.memory_space<vmem_shared>> -> memref<128x128xf32, #tpu.memory_space<vmem_shared>>
        tpu.wait_dma2 semaphore(%run_scoped3A : memref<!tpu.dma_semaphore, #tpu.memory_space<semaphore_mem>>) src(%arg12 : memref<128x128xf32, #tpu.memory_space<vmem>>) dst(%dma_wait3A_62 : memref<128x128xf32, #tpu.memory_space<vmem_shared>>)
        tpu.yield
      }) : () -> ()
      %add3A_18 = arith.constant 384 : i32
      %add3A_19 = arith.addi %mul3A_12, %add3A_18 : i32
      "tpu.region"() ({
        %run_scoped3A = tpu.sem_alloc : memref<!tpu.dma_semaphore, #tpu.memory_space<semaphore_mem>>
        %dma_start3A_55 = arith.constant 0 : i32
        %dma_start3A_56 = tpu.memref_slice %arg14[%add3A_19, %dma_start3A_55] : memref<10240x128xf32, #tpu.memory_space<vmem_shared>> -> memref<128x128xf32, #tpu.memory_space<vmem_shared>>
        %dma_start3A_57 = arith.constant 0 : i32
        %dma_start3A_58 = tpu.memref_slice %arg14[%add3A_19, %dma_start3A_57] : memref<10240x128xf32, #tpu.memory_space<vmem_shared>> -> memref<128x128xf32, #tpu.memory_space<vmem_shared>>
        tpu.enqueue_dma source(%arg12 : memref<128x128xf32, #tpu.memory_space<vmem>>) target(%dma_start3A_58 : memref<128x128xf32, #tpu.memory_space<vmem_shared>>) target_semaphore(%run_scoped3A : memref<!tpu.dma_semaphore, #tpu.memory_space<semaphore_mem>>)
        %dma_wait3A_59 = arith.constant 0 : i32
        %dma_wait3A_60 = tpu.memref_slice %arg14[%add3A_19, %dma_wait3A_59] : memref<10240x128xf32, #tpu.memory_space<vmem_shared>> -> memref<128x128xf32, #tpu.memory_space<vmem_shared>>
        %dma_wait3A_61 = arith.constant 0 : i32
        %dma_wait3A_62 = tpu.memref_slice %arg14[%add3A_19, %dma_wait3A_61] : memref<10240x128xf32, #tpu.memory_space<vmem_shared>> -> memref<128x128xf32, #tpu.memory_space<vmem_shared>>
        tpu.wait_dma2 semaphore(%run_scoped3A : memref<!tpu.dma_semaphore, #tpu.memory_space<semaphore_mem>>) src(%arg12 : memref<128x128xf32, #tpu.memory_space<vmem>>) dst(%dma_wait3A_62 : memref<128x128xf32, #tpu.memory_space<vmem_shared>>)
        tpu.yield
      }) : () -> ()
      %add3A_20 = arith.constant 512 : i32
      %add3A_21 = arith.addi %mul3A_12, %add3A_20 : i32
      "tpu.region"() ({
        %run_scoped3A = tpu.sem_alloc : memref<!tpu.dma_semaphore, #tpu.memory_space<semaphore_mem>>
        %dma_start3A_55 = arith.constant 0 : i32
        %dma_start3A_56 = tpu.memref_slice %arg14[%add3A_21, %dma_start3A_55] : memref<10240x128xf32, #tpu.memory_space<vmem_shared>> -> memref<128x128xf32, #tpu.memory_space<vmem_shared>>
        %dma_start3A_57 = arith.constant 0 : i32
        %dma_start3A_58 = tpu.memref_slice %arg14[%add3A_21, %dma_start3A_57] : memref<10240x128xf32, #tpu.memory_space<vmem_shared>> -> memref<128x128xf32, #tpu.memory_space<vmem_shared>>
        tpu.enqueue_dma source(%arg12 : memref<128x128xf32, #tpu.memory_space<vmem>>) target(%dma_start3A_58 : memref<128x128xf32, #tpu.memory_space<vmem_shared>>) target_semaphore(%run_scoped3A : memref<!tpu.dma_semaphore, #tpu.memory_space<semaphore_mem>>)
        %dma_wait3A_59 = arith.constant 0 : i32
        %dma_wait3A_60 = tpu.memref_slice %arg14[%add3A_21, %dma_wait3A_59] : memref<10240x128xf32, #tpu.memory_space<vmem_shared>> -> memref<128x128xf32, #tpu.memory_space<vmem_shared>>
        %dma_wait3A_61 = arith.constant 0 : i32
        %dma_wait3A_62 = tpu.memref_slice %arg14[%add3A_21, %dma_wait3A_61] : memref<10240x128xf32, #tpu.memory_space<vmem_shared>> -> memref<128x128xf32, #tpu.memory_space<vmem_shared>>
        tpu.wait_dma2 semaphore(%run_scoped3A : memref<!tpu.dma_semaphore, #tpu.memory_space<semaphore_mem>>) src(%arg12 : memref<128x128xf32, #tpu.memory_space<vmem>>) dst(%dma_wait3A_62 : memref<128x128xf32, #tpu.memory_space<vmem_shared>>)
        tpu.yield
      }) : () -> ()
      %barrier3A = arith.constant 0 : index
      tpu.barrier barrier_id(%barrier3A)
      "tpu.region"() ({
        %run_scoped3A = tpu.sem_alloc : memref<!tpu.dma_semaphore, #tpu.memory_space<semaphore_mem>>
        %dma_start3A_55 = arith.constant 0 : i32
        %dma_start3A_56 = arith.constant 0 : i32
        %dma_start3A_57 = tpu.memref_slice %arg7[%arg1, %dma_start3A_55, %dma_start3A_56] : memref<16x160x128xi32, #tpu.memory_space<hbm>> -> memref<1x8x128xi32, #tpu.memory_space<hbm>>
        %dma_start3A_58 = tpu.memref_squeeze %dma_start3A_57 : memref<1x8x128xi32, #tpu.memory_space<hbm>> -> memref<8x128xi32, #tpu.memory_space<hbm>>
        %dma_start3A_59 = arith.constant 0 : i32
        %dma_start3A_60 = arith.constant 0 : i32
        %dma_start3A_61 = tpu.memref_slice %arg7[%arg1, %dma_start3A_59, %dma_start3A_60] : memref<16x160x128xi32, #tpu.memory_space<hbm>> -> memref<1x8x128xi32, #tpu.memory_space<hbm>>
        %dma_start3A_62 = tpu.memref_squeeze %dma_start3A_61 : memref<1x8x128xi32, #tpu.memory_space<hbm>> -> memref<8x128xi32, #tpu.memory_space<hbm>>
        tpu.enqueue_dma source(%dma_start3A_62 : memref<8x128xi32, #tpu.memory_space<hbm>>) target(%arg11 : memref<8x128xi32, #tpu.memory_space<vmem>>) target_semaphore(%run_scoped3A : memref<!tpu.dma_semaphore, #tpu.memory_space<semaphore_mem>>)
        %dma_wait3A_63 = arith.constant 0 : i32
        %dma_wait3A_64 = arith.constant 0 : i32
        %dma_wait3A_65 = tpu.memref_slice %arg7[%arg1, %dma_wait3A_63, %dma_wait3A_64] : memref<16x160x128xi32, #tpu.memory_space<hbm>> -> memref<1x8x128xi32, #tpu.memory_space<hbm>>
        %dma_wait3A_66 = tpu.memref_squeeze %dma_wait3A_65 : memref<1x8x128xi32, #tpu.memory_space<hbm>> -> memref<8x128xi32, #tpu.memory_space<hbm>>
        %dma_wait3A_67 = arith.constant 0 : i32
        %dma_wait3A_68 = arith.constant 0 : i32
        %dma_wait3A_69 = tpu.memref_slice %arg7[%arg1, %dma_wait3A_67, %dma_wait3A_68] : memref<16x160x128xi32, #tpu.memory_space<hbm>> -> memref<1x8x128xi32, #tpu.memory_space<hbm>>
        %dma_wait3A_70 = tpu.memref_squeeze %dma_wait3A_69 : memref<1x8x128xi32, #tpu.memory_space<hbm>> -> memref<8x128xi32, #tpu.memory_space<hbm>>
        tpu.wait_dma2 semaphore(%run_scoped3A : memref<!tpu.dma_semaphore, #tpu.memory_space<semaphore_mem>>) src(%dma_wait3A_70 : memref<8x128xi32, #tpu.memory_space<hbm>>) dst(%arg11 : memref<8x128xi32, #tpu.memory_space<vmem>>)
        tpu.yield
      }) : () -> ()
      "tpu.region"() ({
        %run_scoped3A = tpu.sem_alloc : memref<!tpu.dma_semaphore, #tpu.memory_space<semaphore_mem>>
        %dma_start3A_55 = arith.constant 0 : i32
        %dma_start3A_56 = arith.constant 0 : i32
        %dma_start3A_57 = tpu.memref_slice %arg6[%arg1, %dma_start3A_55, %dma_start3A_56] : memref<16x168x128xi32, #tpu.memory_space<hbm>> -> memref<1x8x128xi32, #tpu.memory_space<hbm>>
        %dma_start3A_58 = tpu.memref_squeeze %dma_start3A_57 : memref<1x8x128xi32, #tpu.memory_space<hbm>> -> memref<8x128xi32, #tpu.memory_space<hbm>>
        %dma_start3A_59 = arith.constant 0 : i32
        %dma_start3A_60 = arith.constant 0 : i32
        %dma_start3A_61 = tpu.memref_slice %arg6[%arg1, %dma_start3A_59, %dma_start3A_60] : memref<16x168x128xi32, #tpu.memory_space<hbm>> -> memref<1x8x128xi32, #tpu.memory_space<hbm>>
        %dma_start3A_62 = tpu.memref_squeeze %dma_start3A_61 : memref<1x8x128xi32, #tpu.memory_space<hbm>> -> memref<8x128xi32, #tpu.memory_space<hbm>>
        tpu.enqueue_dma source(%dma_start3A_62 : memref<8x128xi32, #tpu.memory_space<hbm>>) target(%arg10 : memref<8x128xi32, #tpu.memory_space<vmem>>) target_semaphore(%run_scoped3A : memref<!tpu.dma_semaphore, #tpu.memory_space<semaphore_mem>>)
        %dma_wait3A_63 = arith.constant 0 : i32
        %dma_wait3A_64 = arith.constant 0 : i32
        %dma_wait3A_65 = tpu.memref_slice %arg6[%arg1, %dma_wait3A_63, %dma_wait3A_64] : memref<16x168x128xi32, #tpu.memory_space<hbm>> -> memref<1x8x128xi32, #tpu.memory_space<hbm>>
        %dma_wait3A_66 = tpu.memref_squeeze %dma_wait3A_65 : memref<1x8x128xi32, #tpu.memory_space<hbm>> -> memref<8x128xi32, #tpu.memory_space<hbm>>
        %dma_wait3A_67 = arith.constant 0 : i32
        %dma_wait3A_68 = arith.constant 0 : i32
        %dma_wait3A_69 = tpu.memref_slice %arg6[%arg1, %dma_wait3A_67, %dma_wait3A_68] : memref<16x168x128xi32, #tpu.memory_space<hbm>> -> memref<1x8x128xi32, #tpu.memory_space<hbm>>
        %dma_wait3A_70 = tpu.memref_squeeze %dma_wait3A_69 : memref<1x8x128xi32, #tpu.memory_space<hbm>> -> memref<8x128xi32, #tpu.memory_space<hbm>>
        tpu.wait_dma2 semaphore(%run_scoped3A : memref<!tpu.dma_semaphore, #tpu.memory_space<semaphore_mem>>) src(%dma_wait3A_70 : memref<8x128xi32, #tpu.memory_space<hbm>>) dst(%arg10 : memref<8x128xi32, #tpu.memory_space<vmem>>)
        tpu.yield
      }) : () -> ()
      %dma_start3A = arith.constant 0 : i32
      %dma_start3A_22 = arith.constant 0 : i32
      %dma_start3A_23 = tpu.memref_slice %arg11[%dma_start3A, %dma_start3A_22] : memref<8x128xi32, #tpu.memory_space<vmem>> -> memref<1x128xi32, #tpu.memory_space<vmem>>
      %dma_start3A_24 = tpu.memref_squeeze %dma_start3A_23 : memref<1x128xi32, #tpu.memory_space<vmem>> -> memref<128xi32, #tpu.memory_space<vmem>>
      %dma_start3A_25 = arith.constant 0 : i32
      %dma_start3A_26 = arith.constant 0 : i32
      %dma_start3A_27 = tpu.memref_slice %arg14[%dma_start3A_25, %dma_start3A_26] : memref<10240x128xf32, #tpu.memory_space<vmem_shared>> -> memref<10240x128xf32, #tpu.memory_space<vmem_shared>>
      tpu.enqueue_indirect_dma source(%arg13 : memref<128x128xf32, #tpu.memory_space<vmem>>) target(%dma_start3A_27 : memref<10240x128xf32, #tpu.memory_space<vmem_shared>>) offsets(%dma_start3A_24 : memref<128xi32, #tpu.memory_space<vmem>>) semaphore(%arg17 : memref<!tpu.dma_semaphore, #tpu.memory_space<semaphore_mem>>) {add = true}
      %dma_start3A_28 = arith.constant 0 : i32
      %dma_start3A_29 = arith.constant 0 : i32
      %dma_start3A_30 = tpu.memref_slice %arg10[%dma_start3A_28, %dma_start3A_29] : memref<8x128xi32, #tpu.memory_space<vmem>> -> memref<1x128xi32, #tpu.memory_space<vmem>>
      %dma_start3A_31 = tpu.memref_squeeze %dma_start3A_30 : memref<1x128xi32, #tpu.memory_space<vmem>> -> memref<128xi32, #tpu.memory_space<vmem>>
      %dma_start3A_32 = arith.constant 0 : i32
      %dma_start3A_33 = arith.constant 0 : i32
      %dma_start3A_34 = tpu.memref_slice %arg3[%dma_start3A_32, %dma_start3A_33] : memref<10000x128xf32, #tpu.memory_space<hbm>> -> memref<10000x128xf32, #tpu.memory_space<hbm>>
      tpu.enqueue_indirect_dma source(%dma_start3A_34 : memref<10000x128xf32, #tpu.memory_space<hbm>>) target(%arg12 : memref<128x128xf32, #tpu.memory_space<vmem>>) offsets(%dma_start3A_31 : memref<128xi32, #tpu.memory_space<vmem>>) semaphore(%arg15 : memref<!tpu.dma_semaphore, #tpu.memory_space<semaphore_mem>>)
      %scan3A_35 = arith.constant 0 : i32
      %scan3A_36 = arith.constant 0 : i32
      %scan3A_37 = arith.constant 20 : i32
      %scan3A_38 = arith.addi %scan3A_36, %scan3A_37 : i32
      %scan3A_39 = arith.constant 1 : i32
      scf.for %scan3A_55 = %scan3A_36 to %scan3A_38 step %scan3A_39  : i32 {
        %dma_wait3A_56 = arith.constant 0 : i32
        %dma_wait3A_57 = arith.constant 0 : i32
        %dma_wait3A_58 = tpu.memref_slice %arg11[%dma_wait3A_56, %dma_wait3A_57] : memref<8x128xi32, #tpu.memory_space<vmem>> -> memref<1x128xi32, #tpu.memory_space<vmem>>
        %dma_wait3A_59 = tpu.memref_squeeze %dma_wait3A_58 : memref<1x128xi32, #tpu.memory_space<vmem>> -> memref<128xi32, #tpu.memory_space<vmem>>
        %dma_wait3A_60 = arith.constant 0 : i32
        %dma_wait3A_61 = arith.constant 0 : i32
        %dma_wait3A_62 = tpu.memref_slice %arg14[%dma_wait3A_60, %dma_wait3A_61] : memref<10240x128xf32, #tpu.memory_space<vmem_shared>> -> memref<10240x128xf32, #tpu.memory_space<vmem_shared>>
        tpu.wait_indirect_dma semaphore(%arg17 : memref<!tpu.dma_semaphore, #tpu.memory_space<semaphore_mem>>) src(%arg13 : memref<128x128xf32, #tpu.memory_space<vmem>>) dst(%dma_wait3A_62 : memref<10240x128xf32, #tpu.memory_space<vmem_shared>>)
        %mul3A_63 = arith.constant 8 : i32
        %mul3A_64 = arith.muli %scan3A_55, %mul3A_63 : i32
        "tpu.region"() ({
          %run_scoped3A = tpu.sem_alloc : memref<!tpu.dma_semaphore, #tpu.memory_space<semaphore_mem>>
          %dma_start3A_286 = arith.constant 0 : i32
          %dma_start3A_287 = tpu.memref_slice %arg7[%arg1, %mul3A_64, %dma_start3A_286] : memref<16x160x128xi32, #tpu.memory_space<hbm>> -> memref<1x8x128xi32, #tpu.memory_space<hbm>>
          %dma_start3A_288 = tpu.memref_squeeze %dma_start3A_287 : memref<1x8x128xi32, #tpu.memory_space<hbm>> -> memref<8x128xi32, #tpu.memory_space<hbm>>
          %dma_start3A_289 = arith.constant 0 : i32
          %dma_start3A_290 = tpu.memref_slice %arg7[%arg1, %mul3A_64, %dma_start3A_289] : memref<16x160x128xi32, #tpu.memory_space<hbm>> -> memref<1x8x128xi32, #tpu.memory_space<hbm>>
          %dma_start3A_291 = tpu.memref_squeeze %dma_start3A_290 : memref<1x8x128xi32, #tpu.memory_space<hbm>> -> memref<8x128xi32, #tpu.memory_space<hbm>>
          tpu.enqueue_dma source(%dma_start3A_291 : memref<8x128xi32, #tpu.memory_space<hbm>>) target(%arg11 : memref<8x128xi32, #tpu.memory_space<vmem>>) target_semaphore(%run_scoped3A : memref<!tpu.dma_semaphore, #tpu.memory_space<semaphore_mem>>)
          %dma_wait3A_292 = arith.constant 0 : i32
          %dma_wait3A_293 = tpu.memref_slice %arg7[%arg1, %mul3A_64, %dma_wait3A_292] : memref<16x160x128xi32, #tpu.memory_space<hbm>> -> memref<1x8x128xi32, #tpu.memory_space<hbm>>
          %dma_wait3A_294 = tpu.memref_squeeze %dma_wait3A_293 : memref<1x8x128xi32, #tpu.memory_space<hbm>> -> memref<8x128xi32, #tpu.memory_space<hbm>>
          %dma_wait3A_295 = arith.constant 0 : i32
          %dma_wait3A_296 = tpu.memref_slice %arg7[%arg1, %mul3A_64, %dma_wait3A_295] : memref<16x160x128xi32, #tpu.memory_space<hbm>> -> memref<1x8x128xi32, #tpu.memory_space<hbm>>
          %dma_wait3A_297 = tpu.memref_squeeze %dma_wait3A_296 : memref<1x8x128xi32, #tpu.memory_space<hbm>> -> memref<8x128xi32, #tpu.memory_space<hbm>>
          tpu.wait_dma2 semaphore(%run_scoped3A : memref<!tpu.dma_semaphore, #tpu.memory_space<semaphore_mem>>) src(%dma_wait3A_297 : memref<8x128xi32, #tpu.memory_space<hbm>>) dst(%arg11 : memref<8x128xi32, #tpu.memory_space<vmem>>)
          tpu.yield
        }) : () -> ()
        %dma_wait3A_65 = arith.constant 0 : i32
        %dma_wait3A_66 = arith.constant 0 : i32
        %dma_wait3A_67 = tpu.memref_slice %arg10[%dma_wait3A_65, %dma_wait3A_66] : memref<8x128xi32, #tpu.memory_space<vmem>> -> memref<1x128xi32, #tpu.memory_space<vmem>>
        %dma_wait3A_68 = tpu.memref_squeeze %dma_wait3A_67 : memref<1x128xi32, #tpu.memory_space<vmem>> -> memref<128xi32, #tpu.memory_space<vmem>>
        %dma_wait3A_69 = arith.constant 0 : i32
        %dma_wait3A_70 = arith.constant 0 : i32
        %dma_wait3A_71 = tpu.memref_slice %arg3[%dma_wait3A_69, %dma_wait3A_70] : memref<10000x128xf32, #tpu.memory_space<hbm>> -> memref<10000x128xf32, #tpu.memory_space<hbm>>
        tpu.wait_indirect_dma semaphore(%arg15 : memref<!tpu.dma_semaphore, #tpu.memory_space<semaphore_mem>>) src(%dma_wait3A_71 : memref<10000x128xf32, #tpu.memory_space<hbm>>) dst(%arg12 : memref<128x128xf32, #tpu.memory_space<vmem>>)
        %dma_start3A_72 = arith.constant 0 : i32
        %dma_start3A_73 = arith.constant 0 : i32
        %dma_start3A_74 = tpu.memref_slice %arg11[%dma_start3A_72, %dma_start3A_73] : memref<8x128xi32, #tpu.memory_space<vmem>> -> memref<1x128xi32, #tpu.memory_space<vmem>>
        %dma_start3A_75 = tpu.memref_squeeze %dma_start3A_74 : memref<1x128xi32, #tpu.memory_space<vmem>> -> memref<128xi32, #tpu.memory_space<vmem>>
        %dma_start3A_76 = arith.constant 0 : i32
        %dma_start3A_77 = arith.constant 0 : i32
        %dma_start3A_78 = tpu.memref_slice %arg14[%dma_start3A_76, %dma_start3A_77] : memref<10240x128xf32, #tpu.memory_space<vmem_shared>> -> memref<10240x128xf32, #tpu.memory_space<vmem_shared>>
        tpu.enqueue_indirect_dma source(%arg12 : memref<128x128xf32, #tpu.memory_space<vmem>>) target(%dma_start3A_78 : memref<10240x128xf32, #tpu.memory_space<vmem_shared>>) offsets(%dma_start3A_75 : memref<128xi32, #tpu.memory_space<vmem>>) semaphore(%arg16 : memref<!tpu.dma_semaphore, #tpu.memory_space<semaphore_mem>>) {add = true}
        %dma_start3A_79 = arith.constant 1 : i32
        %dma_start3A_80 = arith.constant 0 : i32
        %dma_start3A_81 = tpu.memref_slice %arg10[%dma_start3A_79, %dma_start3A_80] : memref<8x128xi32, #tpu.memory_space<vmem>> -> memref<1x128xi32, #tpu.memory_space<vmem>>
        %dma_start3A_82 = tpu.memref_squeeze %dma_start3A_81 : memref<1x128xi32, #tpu.memory_space<vmem>> -> memref<128xi32, #tpu.memory_space<vmem>>
        %dma_start3A_83 = arith.constant 0 : i32
        %dma_start3A_84 = arith.constant 0 : i32
        %dma_start3A_85 = tpu.memref_slice %arg3[%dma_start3A_83, %dma_start3A_84] : memref<10000x128xf32, #tpu.memory_space<hbm>> -> memref<10000x128xf32, #tpu.memory_space<hbm>>
        tpu.enqueue_indirect_dma source(%dma_start3A_85 : memref<10000x128xf32, #tpu.memory_space<hbm>>) target(%arg13 : memref<128x128xf32, #tpu.memory_space<vmem>>) offsets(%dma_start3A_82 : memref<128xi32, #tpu.memory_space<vmem>>) semaphore(%arg15 : memref<!tpu.dma_semaphore, #tpu.memory_space<semaphore_mem>>)
        %dma_wait3A_86 = arith.constant 1 : i32
        %dma_wait3A_87 = arith.constant 0 : i32
        %dma_wait3A_88 = tpu.memref_slice %arg10[%dma_wait3A_86, %dma_wait3A_87] : memref<8x128xi32, #tpu.memory_space<vmem>> -> memref<1x128xi32, #tpu.memory_space<vmem>>
        %dma_wait3A_89 = tpu.memref_squeeze %dma_wait3A_88 : memref<1x128xi32, #tpu.memory_space<vmem>> -> memref<128xi32, #tpu.memory_space<vmem>>
        %dma_wait3A_90 = arith.constant 0 : i32
        %dma_wait3A_91 = arith.constant 0 : i32
        %dma_wait3A_92 = tpu.memref_slice %arg3[%dma_wait3A_90, %dma_wait3A_91] : memref<10000x128xf32, #tpu.memory_space<hbm>> -> memref<10000x128xf32, #tpu.memory_space<hbm>>
        tpu.wait_indirect_dma semaphore(%arg15 : memref<!tpu.dma_semaphore, #tpu.memory_space<semaphore_mem>>) src(%dma_wait3A_92 : memref<10000x128xf32, #tpu.memory_space<hbm>>) dst(%arg13 : memref<128x128xf32, #tpu.memory_space<vmem>>)
        %dma_start3A_93 = arith.constant 1 : i32
        %dma_start3A_94 = arith.constant 0 : i32
        %dma_start3A_95 = tpu.memref_slice %arg11[%dma_start3A_93, %dma_start3A_94] : memref<8x128xi32, #tpu.memory_space<vmem>> -> memref<1x128xi32, #tpu.memory_space<vmem>>
        %dma_start3A_96 = tpu.memref_squeeze %dma_start3A_95 : memref<1x128xi32, #tpu.memory_space<vmem>> -> memref<128xi32, #tpu.memory_space<vmem>>
        %dma_start3A_97 = arith.constant 0 : i32
        %dma_start3A_98 = arith.constant 0 : i32
        %dma_start3A_99 = tpu.memref_slice %arg14[%dma_start3A_97, %dma_start3A_98] : memref<10240x128xf32, #tpu.memory_space<vmem_shared>> -> memref<10240x128xf32, #tpu.memory_space<vmem_shared>>
        tpu.enqueue_indirect_dma source(%arg13 : memref<128x128xf32, #tpu.memory_space<vmem>>) target(%dma_start3A_99 : memref<10240x128xf32, #tpu.memory_space<vmem_shared>>) offsets(%dma_start3A_96 : memref<128xi32, #tpu.memory_space<vmem>>) semaphore(%arg17 : memref<!tpu.dma_semaphore, #tpu.memory_space<semaphore_mem>>) {add = true}
        %dma_wait3A_100 = arith.constant 0 : i32
        %dma_wait3A_101 = arith.constant 0 : i32
        %dma_wait3A_102 = tpu.memref_slice %arg11[%dma_wait3A_100, %dma_wait3A_101] : memref<8x128xi32, #tpu.memory_space<vmem>> -> memref<1x128xi32, #tpu.memory_space<vmem>>
        %dma_wait3A_103 = tpu.memref_squeeze %dma_wait3A_102 : memref<1x128xi32, #tpu.memory_space<vmem>> -> memref<128xi32, #tpu.memory_space<vmem>>
        %dma_wait3A_104 = arith.constant 0 : i32
        %dma_wait3A_105 = arith.constant 0 : i32
        %dma_wait3A_106 = tpu.memref_slice %arg14[%dma_wait3A_104, %dma_wait3A_105] : memref<10240x128xf32, #tpu.memory_space<vmem_shared>> -> memref<10240x128xf32, #tpu.memory_space<vmem_shared>>
        tpu.wait_indirect_dma semaphore(%arg16 : memref<!tpu.dma_semaphore, #tpu.memory_space<semaphore_mem>>) src(%arg12 : memref<128x128xf32, #tpu.memory_space<vmem>>) dst(%dma_wait3A_106 : memref<10240x128xf32, #tpu.memory_space<vmem_shared>>)
        %dma_start3A_107 = arith.constant 2 : i32
        %dma_start3A_108 = arith.constant 0 : i32
        %dma_start3A_109 = tpu.memref_slice %arg10[%dma_start3A_107, %dma_start3A_108] : memref<8x128xi32, #tpu.memory_space<vmem>> -> memref<1x128xi32, #tpu.memory_space<vmem>>
        %dma_start3A_110 = tpu.memref_squeeze %dma_start3A_109 : memref<1x128xi32, #tpu.memory_space<vmem>> -> memref<128xi32, #tpu.memory_space<vmem>>
        %dma_start3A_111 = arith.constant 0 : i32
        %dma_start3A_112 = arith.constant 0 : i32
        %dma_start3A_113 = tpu.memref_slice %arg3[%dma_start3A_111, %dma_start3A_112] : memref<10000x128xf32, #tpu.memory_space<hbm>> -> memref<10000x128xf32, #tpu.memory_space<hbm>>
        tpu.enqueue_indirect_dma source(%dma_start3A_113 : memref<10000x128xf32, #tpu.memory_space<hbm>>) target(%arg12 : memref<128x128xf32, #tpu.memory_space<vmem>>) offsets(%dma_start3A_110 : memref<128xi32, #tpu.memory_space<vmem>>) semaphore(%arg15 : memref<!tpu.dma_semaphore, #tpu.memory_space<semaphore_mem>>)
        %dma_wait3A_114 = arith.constant 2 : i32
        %dma_wait3A_115 = arith.constant 0 : i32
        %dma_wait3A_116 = tpu.memref_slice %arg10[%dma_wait3A_114, %dma_wait3A_115] : memref<8x128xi32, #tpu.memory_space<vmem>> -> memref<1x128xi32, #tpu.memory_space<vmem>>
        %dma_wait3A_117 = tpu.memref_squeeze %dma_wait3A_116 : memref<1x128xi32, #tpu.memory_space<vmem>> -> memref<128xi32, #tpu.memory_space<vmem>>
        %dma_wait3A_118 = arith.constant 0 : i32
        %dma_wait3A_119 = arith.constant 0 : i32
        %dma_wait3A_120 = tpu.memref_slice %arg3[%dma_wait3A_118, %dma_wait3A_119] : memref<10000x128xf32, #tpu.memory_space<hbm>> -> memref<10000x128xf32, #tpu.memory_space<hbm>>
        tpu.wait_indirect_dma semaphore(%arg15 : memref<!tpu.dma_semaphore, #tpu.memory_space<semaphore_mem>>) src(%dma_wait3A_120 : memref<10000x128xf32, #tpu.memory_space<hbm>>) dst(%arg12 : memref<128x128xf32, #tpu.memory_space<vmem>>)
        %dma_start3A_121 = arith.constant 2 : i32
        %dma_start3A_122 = arith.constant 0 : i32
        %dma_start3A_123 = tpu.memref_slice %arg11[%dma_start3A_121, %dma_start3A_122] : memref<8x128xi32, #tpu.memory_space<vmem>> -> memref<1x128xi32, #tpu.memory_space<vmem>>
        %dma_start3A_124 = tpu.memref_squeeze %dma_start3A_123 : memref<1x128xi32, #tpu.memory_space<vmem>> -> memref<128xi32, #tpu.memory_space<vmem>>
        %dma_start3A_125 = arith.constant 0 : i32
        %dma_start3A_126 = arith.constant 0 : i32
        %dma_start3A_127 = tpu.memref_slice %arg14[%dma_start3A_125, %dma_start3A_126] : memref<10240x128xf32, #tpu.memory_space<vmem_shared>> -> memref<10240x128xf32, #tpu.memory_space<vmem_shared>>
        tpu.enqueue_indirect_dma source(%arg12 : memref<128x128xf32, #tpu.memory_space<vmem>>) target(%dma_start3A_127 : memref<10240x128xf32, #tpu.memory_space<vmem_shared>>) offsets(%dma_start3A_124 : memref<128xi32, #tpu.memory_space<vmem>>) semaphore(%arg16 : memref<!tpu.dma_semaphore, #tpu.memory_space<semaphore_mem>>) {add = true}
        %dma_wait3A_128 = arith.constant 1 : i32
        %dma_wait3A_129 = arith.constant 0 : i32
        %dma_wait3A_130 = tpu.memref_slice %arg11[%dma_wait3A_128, %dma_wait3A_129] : memref<8x128xi32, #tpu.memory_space<vmem>> -> memref<1x128xi32, #tpu.memory_space<vmem>>
        %dma_wait3A_131 = tpu.memref_squeeze %dma_wait3A_130 : memref<1x128xi32, #tpu.memory_space<vmem>> -> memref<128xi32, #tpu.memory_space<vmem>>
        %dma_wait3A_132 = arith.constant 0 : i32
        %dma_wait3A_133 = arith.constant 0 : i32
        %dma_wait3A_134 = tpu.memref_slice %arg14[%dma_wait3A_132, %dma_wait3A_133] : memref<10240x128xf32, #tpu.memory_space<vmem_shared>> -> memref<10240x128xf32, #tpu.memory_space<vmem_shared>>
        tpu.wait_indirect_dma semaphore(%arg17 : memref<!tpu.dma_semaphore, #tpu.memory_space<semaphore_mem>>) src(%arg13 : memref<128x128xf32, #tpu.memory_space<vmem>>) dst(%dma_wait3A_134 : memref<10240x128xf32, #tpu.memory_space<vmem_shared>>)
        %dma_start3A_135 = arith.constant 3 : i32
        %dma_start3A_136 = arith.constant 0 : i32
        %dma_start3A_137 = tpu.memref_slice %arg10[%dma_start3A_135, %dma_start3A_136] : memref<8x128xi32, #tpu.memory_space<vmem>> -> memref<1x128xi32, #tpu.memory_space<vmem>>
        %dma_start3A_138 = tpu.memref_squeeze %dma_start3A_137 : memref<1x128xi32, #tpu.memory_space<vmem>> -> memref<128xi32, #tpu.memory_space<vmem>>
        %dma_start3A_139 = arith.constant 0 : i32
        %dma_start3A_140 = arith.constant 0 : i32
        %dma_start3A_141 = tpu.memref_slice %arg3[%dma_start3A_139, %dma_start3A_140] : memref<10000x128xf32, #tpu.memory_space<hbm>> -> memref<10000x128xf32, #tpu.memory_space<hbm>>
        tpu.enqueue_indirect_dma source(%dma_start3A_141 : memref<10000x128xf32, #tpu.memory_space<hbm>>) target(%arg13 : memref<128x128xf32, #tpu.memory_space<vmem>>) offsets(%dma_start3A_138 : memref<128xi32, #tpu.memory_space<vmem>>) semaphore(%arg15 : memref<!tpu.dma_semaphore, #tpu.memory_space<semaphore_mem>>)
        %dma_wait3A_142 = arith.constant 3 : i32
        %dma_wait3A_143 = arith.constant 0 : i32
        %dma_wait3A_144 = tpu.memref_slice %arg10[%dma_wait3A_142, %dma_wait3A_143] : memref<8x128xi32, #tpu.memory_space<vmem>> -> memref<1x128xi32, #tpu.memory_space<vmem>>
        %dma_wait3A_145 = tpu.memref_squeeze %dma_wait3A_144 : memref<1x128xi32, #tpu.memory_space<vmem>> -> memref<128xi32, #tpu.memory_space<vmem>>
        %dma_wait3A_146 = arith.constant 0 : i32
        %dma_wait3A_147 = arith.constant 0 : i32
        %dma_wait3A_148 = tpu.memref_slice %arg3[%dma_wait3A_146, %dma_wait3A_147] : memref<10000x128xf32, #tpu.memory_space<hbm>> -> memref<10000x128xf32, #tpu.memory_space<hbm>>
        tpu.wait_indirect_dma semaphore(%arg15 : memref<!tpu.dma_semaphore, #tpu.memory_space<semaphore_mem>>) src(%dma_wait3A_148 : memref<10000x128xf32, #tpu.memory_space<hbm>>) dst(%arg13 : memref<128x128xf32, #tpu.memory_space<vmem>>)
        %dma_start3A_149 = arith.constant 3 : i32
        %dma_start3A_150 = arith.constant 0 : i32
        %dma_start3A_151 = tpu.memref_slice %arg11[%dma_start3A_149, %dma_start3A_150] : memref<8x128xi32, #tpu.memory_space<vmem>> -> memref<1x128xi32, #tpu.memory_space<vmem>>
        %dma_start3A_152 = tpu.memref_squeeze %dma_start3A_151 : memref<1x128xi32, #tpu.memory_space<vmem>> -> memref<128xi32, #tpu.memory_space<vmem>>
        %dma_start3A_153 = arith.constant 0 : i32
        %dma_start3A_154 = arith.constant 0 : i32
        %dma_start3A_155 = tpu.memref_slice %arg14[%dma_start3A_153, %dma_start3A_154] : memref<10240x128xf32, #tpu.memory_space<vmem_shared>> -> memref<10240x128xf32, #tpu.memory_space<vmem_shared>>
        tpu.enqueue_indirect_dma source(%arg13 : memref<128x128xf32, #tpu.memory_space<vmem>>) target(%dma_start3A_155 : memref<10240x128xf32, #tpu.memory_space<vmem_shared>>) offsets(%dma_start3A_152 : memref<128xi32, #tpu.memory_space<vmem>>) semaphore(%arg17 : memref<!tpu.dma_semaphore, #tpu.memory_space<semaphore_mem>>) {add = true}
        %dma_wait3A_156 = arith.constant 2 : i32
        %dma_wait3A_157 = arith.constant 0 : i32
        %dma_wait3A_158 = tpu.memref_slice %arg11[%dma_wait3A_156, %dma_wait3A_157] : memref<8x128xi32, #tpu.memory_space<vmem>> -> memref<1x128xi32, #tpu.memory_space<vmem>>
        %dma_wait3A_159 = tpu.memref_squeeze %dma_wait3A_158 : memref<1x128xi32, #tpu.memory_space<vmem>> -> memref<128xi32, #tpu.memory_space<vmem>>
        %dma_wait3A_160 = arith.constant 0 : i32
        %dma_wait3A_161 = arith.constant 0 : i32
        %dma_wait3A_162 = tpu.memref_slice %arg14[%dma_wait3A_160, %dma_wait3A_161] : memref<10240x128xf32, #tpu.memory_space<vmem_shared>> -> memref<10240x128xf32, #tpu.memory_space<vmem_shared>>
        tpu.wait_indirect_dma semaphore(%arg16 : memref<!tpu.dma_semaphore, #tpu.memory_space<semaphore_mem>>) src(%arg12 : memref<128x128xf32, #tpu.memory_space<vmem>>) dst(%dma_wait3A_162 : memref<10240x128xf32, #tpu.memory_space<vmem_shared>>)
        %dma_start3A_163 = arith.constant 4 : i32
        %dma_start3A_164 = arith.constant 0 : i32
        %dma_start3A_165 = tpu.memref_slice %arg10[%dma_start3A_163, %dma_start3A_164] : memref<8x128xi32, #tpu.memory_space<vmem>> -> memref<1x128xi32, #tpu.memory_space<vmem>>
        %dma_start3A_166 = tpu.memref_squeeze %dma_start3A_165 : memref<1x128xi32, #tpu.memory_space<vmem>> -> memref<128xi32, #tpu.memory_space<vmem>>
        %dma_start3A_167 = arith.constant 0 : i32
        %dma_start3A_168 = arith.constant 0 : i32
        %dma_start3A_169 = tpu.memref_slice %arg3[%dma_start3A_167, %dma_start3A_168] : memref<10000x128xf32, #tpu.memory_space<hbm>> -> memref<10000x128xf32, #tpu.memory_space<hbm>>
        tpu.enqueue_indirect_dma source(%dma_start3A_169 : memref<10000x128xf32, #tpu.memory_space<hbm>>) target(%arg12 : memref<128x128xf32, #tpu.memory_space<vmem>>) offsets(%dma_start3A_166 : memref<128xi32, #tpu.memory_space<vmem>>) semaphore(%arg15 : memref<!tpu.dma_semaphore, #tpu.memory_space<semaphore_mem>>)
        %dma_wait3A_170 = arith.constant 4 : i32
        %dma_wait3A_171 = arith.constant 0 : i32
        %dma_wait3A_172 = tpu.memref_slice %arg10[%dma_wait3A_170, %dma_wait3A_171] : memref<8x128xi32, #tpu.memory_space<vmem>> -> memref<1x128xi32, #tpu.memory_space<vmem>>
        %dma_wait3A_173 = tpu.memref_squeeze %dma_wait3A_172 : memref<1x128xi32, #tpu.memory_space<vmem>> -> memref<128xi32, #tpu.memory_space<vmem>>
        %dma_wait3A_174 = arith.constant 0 : i32
        %dma_wait3A_175 = arith.constant 0 : i32
        %dma_wait3A_176 = tpu.memref_slice %arg3[%dma_wait3A_174, %dma_wait3A_175] : memref<10000x128xf32, #tpu.memory_space<hbm>> -> memref<10000x128xf32, #tpu.memory_space<hbm>>
        tpu.wait_indirect_dma semaphore(%arg15 : memref<!tpu.dma_semaphore, #tpu.memory_space<semaphore_mem>>) src(%dma_wait3A_176 : memref<10000x128xf32, #tpu.memory_space<hbm>>) dst(%arg12 : memref<128x128xf32, #tpu.memory_space<vmem>>)
        %dma_start3A_177 = arith.constant 4 : i32
        %dma_start3A_178 = arith.constant 0 : i32
        %dma_start3A_179 = tpu.memref_slice %arg11[%dma_start3A_177, %dma_start3A_178] : memref<8x128xi32, #tpu.memory_space<vmem>> -> memref<1x128xi32, #tpu.memory_space<vmem>>
        %dma_start3A_180 = tpu.memref_squeeze %dma_start3A_179 : memref<1x128xi32, #tpu.memory_space<vmem>> -> memref<128xi32, #tpu.memory_space<vmem>>
        %dma_start3A_181 = arith.constant 0 : i32
        %dma_start3A_182 = arith.constant 0 : i32
        %dma_start3A_183 = tpu.memref_slice %arg14[%dma_start3A_181, %dma_start3A_182] : memref<10240x128xf32, #tpu.memory_space<vmem_shared>> -> memref<10240x128xf32, #tpu.memory_space<vmem_shared>>
        tpu.enqueue_indirect_dma source(%arg12 : memref<128x128xf32, #tpu.memory_space<vmem>>) target(%dma_start3A_183 : memref<10240x128xf32, #tpu.memory_space<vmem_shared>>) offsets(%dma_start3A_180 : memref<128xi32, #tpu.memory_space<vmem>>) semaphore(%arg16 : memref<!tpu.dma_semaphore, #tpu.memory_space<semaphore_mem>>) {add = true}
        %dma_wait3A_184 = arith.constant 3 : i32
        %dma_wait3A_185 = arith.constant 0 : i32
        %dma_wait3A_186 = tpu.memref_slice %arg11[%dma_wait3A_184, %dma_wait3A_185] : memref<8x128xi32, #tpu.memory_space<vmem>> -> memref<1x128xi32, #tpu.memory_space<vmem>>
        %dma_wait3A_187 = tpu.memref_squeeze %dma_wait3A_186 : memref<1x128xi32, #tpu.memory_space<vmem>> -> memref<128xi32, #tpu.memory_space<vmem>>
        %dma_wait3A_188 = arith.constant 0 : i32
        %dma_wait3A_189 = arith.constant 0 : i32
        %dma_wait3A_190 = tpu.memref_slice %arg14[%dma_wait3A_188, %dma_wait3A_189] : memref<10240x128xf32, #tpu.memory_space<vmem_shared>> -> memref<10240x128xf32, #tpu.memory_space<vmem_shared>>
        tpu.wait_indirect_dma semaphore(%arg17 : memref<!tpu.dma_semaphore, #tpu.memory_space<semaphore_mem>>) src(%arg13 : memref<128x128xf32, #tpu.memory_space<vmem>>) dst(%dma_wait3A_190 : memref<10240x128xf32, #tpu.memory_space<vmem_shared>>)
        %dma_start3A_191 = arith.constant 5 : i32
        %dma_start3A_192 = arith.constant 0 : i32
        %dma_start3A_193 = tpu.memref_slice %arg10[%dma_start3A_191, %dma_start3A_192] : memref<8x128xi32, #tpu.memory_space<vmem>> -> memref<1x128xi32, #tpu.memory_space<vmem>>
        %dma_start3A_194 = tpu.memref_squeeze %dma_start3A_193 : memref<1x128xi32, #tpu.memory_space<vmem>> -> memref<128xi32, #tpu.memory_space<vmem>>
        %dma_start3A_195 = arith.constant 0 : i32
        %dma_start3A_196 = arith.constant 0 : i32
        %dma_start3A_197 = tpu.memref_slice %arg3[%dma_start3A_195, %dma_start3A_196] : memref<10000x128xf32, #tpu.memory_space<hbm>> -> memref<10000x128xf32, #tpu.memory_space<hbm>>
        tpu.enqueue_indirect_dma source(%dma_start3A_197 : memref<10000x128xf32, #tpu.memory_space<hbm>>) target(%arg13 : memref<128x128xf32, #tpu.memory_space<vmem>>) offsets(%dma_start3A_194 : memref<128xi32, #tpu.memory_space<vmem>>) semaphore(%arg15 : memref<!tpu.dma_semaphore, #tpu.memory_space<semaphore_mem>>)
        %dma_wait3A_198 = arith.constant 5 : i32
        %dma_wait3A_199 = arith.constant 0 : i32
        %dma_wait3A_200 = tpu.memref_slice %arg10[%dma_wait3A_198, %dma_wait3A_199] : memref<8x128xi32, #tpu.memory_space<vmem>> -> memref<1x128xi32, #tpu.memory_space<vmem>>
        %dma_wait3A_201 = tpu.memref_squeeze %dma_wait3A_200 : memref<1x128xi32, #tpu.memory_space<vmem>> -> memref<128xi32, #tpu.memory_space<vmem>>
        %dma_wait3A_202 = arith.constant 0 : i32
        %dma_wait3A_203 = arith.constant 0 : i32
        %dma_wait3A_204 = tpu.memref_slice %arg3[%dma_wait3A_202, %dma_wait3A_203] : memref<10000x128xf32, #tpu.memory_space<hbm>> -> memref<10000x128xf32, #tpu.memory_space<hbm>>
        tpu.wait_indirect_dma semaphore(%arg15 : memref<!tpu.dma_semaphore, #tpu.memory_space<semaphore_mem>>) src(%dma_wait3A_204 : memref<10000x128xf32, #tpu.memory_space<hbm>>) dst(%arg13 : memref<128x128xf32, #tpu.memory_space<vmem>>)
        %dma_start3A_205 = arith.constant 5 : i32
        %dma_start3A_206 = arith.constant 0 : i32
        %dma_start3A_207 = tpu.memref_slice %arg11[%dma_start3A_205, %dma_start3A_206] : memref<8x128xi32, #tpu.memory_space<vmem>> -> memref<1x128xi32, #tpu.memory_space<vmem>>
        %dma_start3A_208 = tpu.memref_squeeze %dma_start3A_207 : memref<1x128xi32, #tpu.memory_space<vmem>> -> memref<128xi32, #tpu.memory_space<vmem>>
        %dma_start3A_209 = arith.constant 0 : i32
        %dma_start3A_210 = arith.constant 0 : i32
        %dma_start3A_211 = tpu.memref_slice %arg14[%dma_start3A_209, %dma_start3A_210] : memref<10240x128xf32, #tpu.memory_space<vmem_shared>> -> memref<10240x128xf32, #tpu.memory_space<vmem_shared>>
        tpu.enqueue_indirect_dma source(%arg13 : memref<128x128xf32, #tpu.memory_space<vmem>>) target(%dma_start3A_211 : memref<10240x128xf32, #tpu.memory_space<vmem_shared>>) offsets(%dma_start3A_208 : memref<128xi32, #tpu.memory_space<vmem>>) semaphore(%arg17 : memref<!tpu.dma_semaphore, #tpu.memory_space<semaphore_mem>>) {add = true}
        %dma_wait3A_212 = arith.constant 4 : i32
        %dma_wait3A_213 = arith.constant 0 : i32
        %dma_wait3A_214 = tpu.memref_slice %arg11[%dma_wait3A_212, %dma_wait3A_213] : memref<8x128xi32, #tpu.memory_space<vmem>> -> memref<1x128xi32, #tpu.memory_space<vmem>>
        %dma_wait3A_215 = tpu.memref_squeeze %dma_wait3A_214 : memref<1x128xi32, #tpu.memory_space<vmem>> -> memref<128xi32, #tpu.memory_space<vmem>>
        %dma_wait3A_216 = arith.constant 0 : i32
        %dma_wait3A_217 = arith.constant 0 : i32
        %dma_wait3A_218 = tpu.memref_slice %arg14[%dma_wait3A_216, %dma_wait3A_217] : memref<10240x128xf32, #tpu.memory_space<vmem_shared>> -> memref<10240x128xf32, #tpu.memory_space<vmem_shared>>
        tpu.wait_indirect_dma semaphore(%arg16 : memref<!tpu.dma_semaphore, #tpu.memory_space<semaphore_mem>>) src(%arg12 : memref<128x128xf32, #tpu.memory_space<vmem>>) dst(%dma_wait3A_218 : memref<10240x128xf32, #tpu.memory_space<vmem_shared>>)
        %dma_start3A_219 = arith.constant 6 : i32
        %dma_start3A_220 = arith.constant 0 : i32
        %dma_start3A_221 = tpu.memref_slice %arg10[%dma_start3A_219, %dma_start3A_220] : memref<8x128xi32, #tpu.memory_space<vmem>> -> memref<1x128xi32, #tpu.memory_space<vmem>>
        %dma_start3A_222 = tpu.memref_squeeze %dma_start3A_221 : memref<1x128xi32, #tpu.memory_space<vmem>> -> memref<128xi32, #tpu.memory_space<vmem>>
        %dma_start3A_223 = arith.constant 0 : i32
        %dma_start3A_224 = arith.constant 0 : i32
        %dma_start3A_225 = tpu.memref_slice %arg3[%dma_start3A_223, %dma_start3A_224] : memref<10000x128xf32, #tpu.memory_space<hbm>> -> memref<10000x128xf32, #tpu.memory_space<hbm>>
        tpu.enqueue_indirect_dma source(%dma_start3A_225 : memref<10000x128xf32, #tpu.memory_space<hbm>>) target(%arg12 : memref<128x128xf32, #tpu.memory_space<vmem>>) offsets(%dma_start3A_222 : memref<128xi32, #tpu.memory_space<vmem>>) semaphore(%arg15 : memref<!tpu.dma_semaphore, #tpu.memory_space<semaphore_mem>>)
        %dma_wait3A_226 = arith.constant 6 : i32
        %dma_wait3A_227 = arith.constant 0 : i32
        %dma_wait3A_228 = tpu.memref_slice %arg10[%dma_wait3A_226, %dma_wait3A_227] : memref<8x128xi32, #tpu.memory_space<vmem>> -> memref<1x128xi32, #tpu.memory_space<vmem>>
        %dma_wait3A_229 = tpu.memref_squeeze %dma_wait3A_228 : memref<1x128xi32, #tpu.memory_space<vmem>> -> memref<128xi32, #tpu.memory_space<vmem>>
        %dma_wait3A_230 = arith.constant 0 : i32
        %dma_wait3A_231 = arith.constant 0 : i32
        %dma_wait3A_232 = tpu.memref_slice %arg3[%dma_wait3A_230, %dma_wait3A_231] : memref<10000x128xf32, #tpu.memory_space<hbm>> -> memref<10000x128xf32, #tpu.memory_space<hbm>>
        tpu.wait_indirect_dma semaphore(%arg15 : memref<!tpu.dma_semaphore, #tpu.memory_space<semaphore_mem>>) src(%dma_wait3A_232 : memref<10000x128xf32, #tpu.memory_space<hbm>>) dst(%arg12 : memref<128x128xf32, #tpu.memory_space<vmem>>)
        %dma_start3A_233 = arith.constant 6 : i32
        %dma_start3A_234 = arith.constant 0 : i32
        %dma_start3A_235 = tpu.memref_slice %arg11[%dma_start3A_233, %dma_start3A_234] : memref<8x128xi32, #tpu.memory_space<vmem>> -> memref<1x128xi32, #tpu.memory_space<vmem>>
        %dma_start3A_236 = tpu.memref_squeeze %dma_start3A_235 : memref<1x128xi32, #tpu.memory_space<vmem>> -> memref<128xi32, #tpu.memory_space<vmem>>
        %dma_start3A_237 = arith.constant 0 : i32
        %dma_start3A_238 = arith.constant 0 : i32
        %dma_start3A_239 = tpu.memref_slice %arg14[%dma_start3A_237, %dma_start3A_238] : memref<10240x128xf32, #tpu.memory_space<vmem_shared>> -> memref<10240x128xf32, #tpu.memory_space<vmem_shared>>
        tpu.enqueue_indirect_dma source(%arg12 : memref<128x128xf32, #tpu.memory_space<vmem>>) target(%dma_start3A_239 : memref<10240x128xf32, #tpu.memory_space<vmem_shared>>) offsets(%dma_start3A_236 : memref<128xi32, #tpu.memory_space<vmem>>) semaphore(%arg16 : memref<!tpu.dma_semaphore, #tpu.memory_space<semaphore_mem>>) {add = true}
        %dma_wait3A_240 = arith.constant 5 : i32
        %dma_wait3A_241 = arith.constant 0 : i32
        %dma_wait3A_242 = tpu.memref_slice %arg11[%dma_wait3A_240, %dma_wait3A_241] : memref<8x128xi32, #tpu.memory_space<vmem>> -> memref<1x128xi32, #tpu.memory_space<vmem>>
        %dma_wait3A_243 = tpu.memref_squeeze %dma_wait3A_242 : memref<1x128xi32, #tpu.memory_space<vmem>> -> memref<128xi32, #tpu.memory_space<vmem>>
        %dma_wait3A_244 = arith.constant 0 : i32
        %dma_wait3A_245 = arith.constant 0 : i32
        %dma_wait3A_246 = tpu.memref_slice %arg14[%dma_wait3A_244, %dma_wait3A_245] : memref<10240x128xf32, #tpu.memory_space<vmem_shared>> -> memref<10240x128xf32, #tpu.memory_space<vmem_shared>>
        tpu.wait_indirect_dma semaphore(%arg17 : memref<!tpu.dma_semaphore, #tpu.memory_space<semaphore_mem>>) src(%arg13 : memref<128x128xf32, #tpu.memory_space<vmem>>) dst(%dma_wait3A_246 : memref<10240x128xf32, #tpu.memory_space<vmem_shared>>)
        %dma_start3A_247 = arith.constant 7 : i32
        %dma_start3A_248 = arith.constant 0 : i32
        %dma_start3A_249 = tpu.memref_slice %arg10[%dma_start3A_247, %dma_start3A_248] : memref<8x128xi32, #tpu.memory_space<vmem>> -> memref<1x128xi32, #tpu.memory_space<vmem>>
        %dma_start3A_250 = tpu.memref_squeeze %dma_start3A_249 : memref<1x128xi32, #tpu.memory_space<vmem>> -> memref<128xi32, #tpu.memory_space<vmem>>
        %dma_start3A_251 = arith.constant 0 : i32
        %dma_start3A_252 = arith.constant 0 : i32
        %dma_start3A_253 = tpu.memref_slice %arg3[%dma_start3A_251, %dma_start3A_252] : memref<10000x128xf32, #tpu.memory_space<hbm>> -> memref<10000x128xf32, #tpu.memory_space<hbm>>
        tpu.enqueue_indirect_dma source(%dma_start3A_253 : memref<10000x128xf32, #tpu.memory_space<hbm>>) target(%arg13 : memref<128x128xf32, #tpu.memory_space<vmem>>) offsets(%dma_start3A_250 : memref<128xi32, #tpu.memory_space<vmem>>) semaphore(%arg15 : memref<!tpu.dma_semaphore, #tpu.memory_space<semaphore_mem>>)
        %dma_wait3A_254 = arith.constant 7 : i32
        %dma_wait3A_255 = arith.constant 0 : i32
        %dma_wait3A_256 = tpu.memref_slice %arg10[%dma_wait3A_254, %dma_wait3A_255] : memref<8x128xi32, #tpu.memory_space<vmem>> -> memref<1x128xi32, #tpu.memory_space<vmem>>
        %dma_wait3A_257 = tpu.memref_squeeze %dma_wait3A_256 : memref<1x128xi32, #tpu.memory_space<vmem>> -> memref<128xi32, #tpu.memory_space<vmem>>
        %dma_wait3A_258 = arith.constant 0 : i32
        %dma_wait3A_259 = arith.constant 0 : i32
        %dma_wait3A_260 = tpu.memref_slice %arg3[%dma_wait3A_258, %dma_wait3A_259] : memref<10000x128xf32, #tpu.memory_space<hbm>> -> memref<10000x128xf32, #tpu.memory_space<hbm>>
        tpu.wait_indirect_dma semaphore(%arg15 : memref<!tpu.dma_semaphore, #tpu.memory_space<semaphore_mem>>) src(%dma_wait3A_260 : memref<10000x128xf32, #tpu.memory_space<hbm>>) dst(%arg13 : memref<128x128xf32, #tpu.memory_space<vmem>>)
        %dma_start3A_261 = arith.constant 7 : i32
        %dma_start3A_262 = arith.constant 0 : i32
        %dma_start3A_263 = tpu.memref_slice %arg11[%dma_start3A_261, %dma_start3A_262] : memref<8x128xi32, #tpu.memory_space<vmem>> -> memref<1x128xi32, #tpu.memory_space<vmem>>
        %dma_start3A_264 = tpu.memref_squeeze %dma_start3A_263 : memref<1x128xi32, #tpu.memory_space<vmem>> -> memref<128xi32, #tpu.memory_space<vmem>>
        %dma_start3A_265 = arith.constant 0 : i32
        %dma_start3A_266 = arith.constant 0 : i32
        %dma_start3A_267 = tpu.memref_slice %arg14[%dma_start3A_265, %dma_start3A_266] : memref<10240x128xf32, #tpu.memory_space<vmem_shared>> -> memref<10240x128xf32, #tpu.memory_space<vmem_shared>>
        tpu.enqueue_indirect_dma source(%arg13 : memref<128x128xf32, #tpu.memory_space<vmem>>) target(%dma_start3A_267 : memref<10240x128xf32, #tpu.memory_space<vmem_shared>>) offsets(%dma_start3A_264 : memref<128xi32, #tpu.memory_space<vmem>>) semaphore(%arg17 : memref<!tpu.dma_semaphore, #tpu.memory_space<semaphore_mem>>) {add = true}
        %dma_wait3A_268 = arith.constant 6 : i32
        %dma_wait3A_269 = arith.constant 0 : i32
        %dma_wait3A_270 = tpu.memref_slice %arg11[%dma_wait3A_268, %dma_wait3A_269] : memref<8x128xi32, #tpu.memory_space<vmem>> -> memref<1x128xi32, #tpu.memory_space<vmem>>
        %dma_wait3A_271 = tpu.memref_squeeze %dma_wait3A_270 : memref<1x128xi32, #tpu.memory_space<vmem>> -> memref<128xi32, #tpu.memory_space<vmem>>
        %dma_wait3A_272 = arith.constant 0 : i32
        %dma_wait3A_273 = arith.constant 0 : i32
        %dma_wait3A_274 = tpu.memref_slice %arg14[%dma_wait3A_272, %dma_wait3A_273] : memref<10240x128xf32, #tpu.memory_space<vmem_shared>> -> memref<10240x128xf32, #tpu.memory_space<vmem_shared>>
        tpu.wait_indirect_dma semaphore(%arg16 : memref<!tpu.dma_semaphore, #tpu.memory_space<semaphore_mem>>) src(%arg12 : memref<128x128xf32, #tpu.memory_space<vmem>>) dst(%dma_wait3A_274 : memref<10240x128xf32, #tpu.memory_space<vmem_shared>>)
        %add3A_275 = arith.constant 1 : i32
        %add3A_276 = arith.addi %scan3A_55, %add3A_275 : i32
        %mul3A_277 = arith.constant 8 : i32
        %mul3A_278 = arith.muli %add3A_276, %mul3A_277 : i32
        "tpu.region"() ({
          %run_scoped3A = tpu.sem_alloc : memref<!tpu.dma_semaphore, #tpu.memory_space<semaphore_mem>>
          %dma_start3A_286 = arith.constant 0 : i32
          %dma_start3A_287 = tpu.memref_slice %arg6[%arg1, %mul3A_278, %dma_start3A_286] : memref<16x168x128xi32, #tpu.memory_space<hbm>> -> memref<1x8x128xi32, #tpu.memory_space<hbm>>
          %dma_start3A_288 = tpu.memref_squeeze %dma_start3A_287 : memref<1x8x128xi32, #tpu.memory_space<hbm>> -> memref<8x128xi32, #tpu.memory_space<hbm>>
          %dma_start3A_289 = arith.constant 0 : i32
          %dma_start3A_290 = tpu.memref_slice %arg6[%arg1, %mul3A_278, %dma_start3A_289] : memref<16x168x128xi32, #tpu.memory_space<hbm>> -> memref<1x8x128xi32, #tpu.memory_space<hbm>>
          %dma_start3A_291 = tpu.memref_squeeze %dma_start3A_290 : memref<1x8x128xi32, #tpu.memory_space<hbm>> -> memref<8x128xi32, #tpu.memory_space<hbm>>
          tpu.enqueue_dma source(%dma_start3A_291 : memref<8x128xi32, #tpu.memory_space<hbm>>) target(%arg10 : memref<8x128xi32, #tpu.memory_space<vmem>>) target_semaphore(%run_scoped3A : memref<!tpu.dma_semaphore, #tpu.memory_space<semaphore_mem>>)
          %dma_wait3A_292 = arith.constant 0 : i32
          %dma_wait3A_293 = tpu.memref_slice %arg6[%arg1, %mul3A_278, %dma_wait3A_292] : memref<16x168x128xi32, #tpu.memory_space<hbm>> -> memref<1x8x128xi32, #tpu.memory_space<hbm>>
          %dma_wait3A_294 = tpu.memref_squeeze %dma_wait3A_293 : memref<1x8x128xi32, #tpu.memory_space<hbm>> -> memref<8x128xi32, #tpu.memory_space<hbm>>
          %dma_wait3A_295 = arith.constant 0 : i32
          %dma_wait3A_296 = tpu.memref_slice %arg6[%arg1, %mul3A_278, %dma_wait3A_295] : memref<16x168x128xi32, #tpu.memory_space<hbm>> -> memref<1x8x128xi32, #tpu.memory_space<hbm>>
          %dma_wait3A_297 = tpu.memref_squeeze %dma_wait3A_296 : memref<1x8x128xi32, #tpu.memory_space<hbm>> -> memref<8x128xi32, #tpu.memory_space<hbm>>
          tpu.wait_dma2 semaphore(%run_scoped3A : memref<!tpu.dma_semaphore, #tpu.memory_space<semaphore_mem>>) src(%dma_wait3A_297 : memref<8x128xi32, #tpu.memory_space<hbm>>) dst(%arg10 : memref<8x128xi32, #tpu.memory_space<vmem>>)
          tpu.yield
        }) : () -> ()
        %dma_start3A_279 = arith.constant 0 : i32
        %dma_start3A_280 = arith.constant 0 : i32
        %dma_start3A_281 = tpu.memref_slice %arg10[%dma_start3A_279, %dma_start3A_280] : memref<8x128xi32, #tpu.memory_space<vmem>> -> memref<1x128xi32, #tpu.memory_space<vmem>>
        %dma_start3A_282 = tpu.memref_squeeze %dma_start3A_281 : memref<1x128xi32, #tpu.memory_space<vmem>> -> memref<128xi32, #tpu.memory_space<vmem>>
        %dma_start3A_283 = arith.constant 0 : i32
        %dma_start3A_284 = arith.constant 0 : i32
        %dma_start3A_285 = tpu.memref_slice %arg3[%dma_start3A_283, %dma_start3A_284] : memref<10000x128xf32, #tpu.memory_space<hbm>> -> memref<10000x128xf32, #tpu.memory_space<hbm>>
        tpu.enqueue_indirect_dma source(%dma_start3A_285 : memref<10000x128xf32, #tpu.memory_space<hbm>>) target(%arg12 : memref<128x128xf32, #tpu.memory_space<vmem>>) offsets(%dma_start3A_282 : memref<128xi32, #tpu.memory_space<vmem>>) semaphore(%arg15 : memref<!tpu.dma_semaphore, #tpu.memory_space<semaphore_mem>>)
      }
      %scan3A_40 = arith.constant 20 : i32
      %dma_wait3A = arith.constant 0 : i32
      %dma_wait3A_41 = arith.constant 0 : i32
      %dma_wait3A_42 = tpu.memref_slice %arg10[%dma_wait3A, %dma_wait3A_41] : memref<8x128xi32, #tpu.memory_space<vmem>> -> memref<1x128xi32, #tpu.memory_space<vmem>>
      %dma_wait3A_43 = tpu.memref_squeeze %dma_wait3A_42 : memref<1x128xi32, #tpu.memory_space<vmem>> -> memref<128xi32, #tpu.memory_space<vmem>>
      %dma_wait3A_44 = arith.constant 0 : i32
      %dma_wait3A_45 = arith.constant 0 : i32
      %dma_wait3A_46 = tpu.memref_slice %arg3[%dma_wait3A_44, %dma_wait3A_45] : memref<10000x128xf32, #tpu.memory_space<hbm>> -> memref<10000x128xf32, #tpu.memory_space<hbm>>
      tpu.wait_indirect_dma semaphore(%arg15 : memref<!tpu.dma_semaphore, #tpu.memory_space<semaphore_mem>>) src(%dma_wait3A_46 : memref<10000x128xf32, #tpu.memory_space<hbm>>) dst(%arg12 : memref<128x128xf32, #tpu.memory_space<vmem>>)
      %dma_wait3A_47 = arith.constant 0 : i32
      %dma_wait3A_48 = arith.constant 0 : i32
      %dma_wait3A_49 = tpu.memref_slice %arg11[%dma_wait3A_47, %dma_wait3A_48] : memref<8x128xi32, #tpu.memory_space<vmem>> -> memref<1x128xi32, #tpu.memory_space<vmem>>
      %dma_wait3A_50 = tpu.memref_squeeze %dma_wait3A_49 : memref<1x128xi32, #tpu.memory_space<vmem>> -> memref<128xi32, #tpu.memory_space<vmem>>
      %dma_wait3A_51 = arith.constant 0 : i32
      %dma_wait3A_52 = arith.constant 0 : i32
      %dma_wait3A_53 = tpu.memref_slice %arg14[%dma_wait3A_51, %dma_wait3A_52] : memref<10240x128xf32, #tpu.memory_space<vmem_shared>> -> memref<10240x128xf32, #tpu.memory_space<vmem_shared>>
      tpu.wait_indirect_dma semaphore(%arg17 : memref<!tpu.dma_semaphore, #tpu.memory_space<semaphore_mem>>) src(%arg13 : memref<128x128xf32, #tpu.memory_space<vmem>>) dst(%dma_wait3A_53 : memref<10240x128xf32, #tpu.memory_space<vmem_shared>>)
      %barrier3A_54 = arith.constant 0 : index
      tpu.barrier barrier_id(%barrier3A_54)
      "tpu.region"() ({
        %run_scoped3A = tpu.sem_alloc : memref<!tpu.dma_semaphore, #tpu.memory_space<semaphore_mem>>
        %dma_start3A_55 = arith.constant 0 : i32
        %dma_start3A_56 = tpu.memref_slice %arg9[%mul3A_12, %dma_start3A_55] : memref<10240x128xf32, #tpu.memory_space<hbm>> -> memref<640x128xf32, #tpu.memory_space<hbm>>
        %dma_start3A_57 = arith.constant 0 : i32
        %dma_start3A_58 = tpu.memref_slice %arg14[%mul3A_12, %dma_start3A_57] : memref<10240x128xf32, #tpu.memory_space<vmem_shared>> -> memref<640x128xf32, #tpu.memory_space<vmem_shared>>
        tpu.enqueue_dma source(%dma_start3A_58 : memref<640x128xf32, #tpu.memory_space<vmem_shared>>) target(%dma_start3A_56 : memref<640x128xf32, #tpu.memory_space<hbm>>) target_semaphore(%run_scoped3A : memref<!tpu.dma_semaphore, #tpu.memory_space<semaphore_mem>>)
        %dma_wait3A_59 = arith.constant 0 : i32
        %dma_wait3A_60 = tpu.memref_slice %arg9[%mul3A_12, %dma_wait3A_59] : memref<10240x128xf32, #tpu.memory_space<hbm>> -> memref<640x128xf32, #tpu.memory_space<hbm>>
        %dma_wait3A_61 = arith.constant 0 : i32
        %dma_wait3A_62 = tpu.memref_slice %arg14[%mul3A_12, %dma_wait3A_61] : memref<10240x128xf32, #tpu.memory_space<vmem_shared>> -> memref<640x128xf32, #tpu.memory_space<vmem_shared>>
        tpu.wait_dma2 semaphore(%run_scoped3A : memref<!tpu.dma_semaphore, #tpu.memory_space<semaphore_mem>>) src(%dma_wait3A_62 : memref<640x128xf32, #tpu.memory_space<vmem_shared>>) dst(%dma_wait3A_60 : memref<640x128xf32, #tpu.memory_space<hbm>>)
        tpu.yield
      }) : () -> ()
    } else {
    }
    return
  }
}

#map = affine_map<(d0, d1) -> (0, 0, 0)>
#map1 = affine_map<(d0, d1) -> (0)>
module attributes {stable_mosaic.version = 14 : i64} {
  func.func @_deg_kernel(%arg0: i32, %arg1: i32, %arg2: memref<16x160x128xi32, #tpu.memory_space<hbm>>, %arg3: memref<16x160x128xi32, #tpu.memory_space<hbm>>, %arg4: memref<10240xf32, #tpu.memory_space<hbm>>, %arg5: memref<10240xf32, #tpu.memory_space<hbm>>, %arg6: memref<8x128xi32, #tpu.memory_space<vmem>>, %arg7: memref<128xf32, #tpu.memory_space<vmem>>, %arg8: memref<10240xf32, #tpu.memory_space<vmem_shared>>) attributes {dimension_semantics = [#tpu.dimension_semantics<core_parallel>, #tpu.dimension_semantics<subcore_parallel>], iteration_bounds = array<i64: 2, 16>, scalar_prefetch = 0 : i64, scratch_operands = 3 : i64, tpu.core_type = #tpu.core_type<sc_vector_subcore>, window_params = [{transform_indices = #map}, {transform_indices = #map}, {transform_indices = #map1}, {transform_indices = #map1}]} {
    %eq3A = arith.constant 0 : i32
    %eq3A_0 = arith.cmpi eq, %arg0, %eq3A : i32
    %convert_element_type3A = arith.extui %eq3A_0 : i1 to i32
    %cond3A = arith.constant 0 : i32
    %cond3A_1 = arith.cmpi ne, %convert_element_type3A, %cond3A : i32
    scf.if %cond3A_1 {
      %broadcast_in_dim3A = arith.constant 0.000000e+00 : f32
      %broadcast_in_dim3A_7 = vector.broadcast %broadcast_in_dim3A : f32 to vector<16xf32>
      %swap3A = arith.constant 0 : index
      %swap3A_8 = tpu.vector_load %arg7[%swap3A] {strides = array<i32>} : memref<128xf32, #tpu.memory_space<vmem>>, vector<16xf32>,
      %swap3A_9 = vector.shape_cast %swap3A_8 : vector<16xf32> to vector<16xf32>
      %swap3A_10 = vector.shape_cast %broadcast_in_dim3A_7 : vector<16xf32> to vector<16xf32>
      tpu.vector_store %arg7[%swap3A], %swap3A_10 {strides = array<i32>} : memref<128xf32, #tpu.memory_space<vmem>>, vector<16xf32>,
      %broadcast_in_dim3A_11 = arith.constant 0.000000e+00 : f32
      %broadcast_in_dim3A_12 = vector.broadcast %broadcast_in_dim3A_11 : f32 to vector<16xf32>
      %swap3A_13 = arith.constant 16 : index
      %swap3A_14 = tpu.vector_load %arg7[%swap3A_13] {strides = array<i32>} : memref<128xf32, #tpu.memory_space<vmem>>, vector<16xf32>,
      %swap3A_15 = vector.shape_cast %swap3A_14 : vector<16xf32> to vector<16xf32>
      %swap3A_16 = vector.shape_cast %broadcast_in_dim3A_12 : vector<16xf32> to vector<16xf32>
      tpu.vector_store %arg7[%swap3A_13], %swap3A_16 {strides = array<i32>} : memref<128xf32, #tpu.memory_space<vmem>>, vector<16xf32>,
      %broadcast_in_dim3A_17 = arith.constant 0.000000e+00 : f32
      %broadcast_in_dim3A_18 = vector.broadcast %broadcast_in_dim3A_17 : f32 to vector<16xf32>
      %swap3A_19 = arith.constant 32 : index
      %swap3A_20 = tpu.vector_load %arg7[%swap3A_19] {strides = array<i32>} : memref<128xf32, #tpu.memory_space<vmem>>, vector<16xf32>,
      %swap3A_21 = vector.shape_cast %swap3A_20 : vector<16xf32> to vector<16xf32>
      %swap3A_22 = vector.shape_cast %broadcast_in_dim3A_18 : vector<16xf32> to vector<16xf32>
      tpu.vector_store %arg7[%swap3A_19], %swap3A_22 {strides = array<i32>} : memref<128xf32, #tpu.memory_space<vmem>>, vector<16xf32>,
      %broadcast_in_dim3A_23 = arith.constant 0.000000e+00 : f32
      %broadcast_in_dim3A_24 = vector.broadcast %broadcast_in_dim3A_23 : f32 to vector<16xf32>
      %swap3A_25 = arith.constant 48 : index
      %swap3A_26 = tpu.vector_load %arg7[%swap3A_25] {strides = array<i32>} : memref<128xf32, #tpu.memory_space<vmem>>, vector<16xf32>,
      %swap3A_27 = vector.shape_cast %swap3A_26 : vector<16xf32> to vector<16xf32>
      %swap3A_28 = vector.shape_cast %broadcast_in_dim3A_24 : vector<16xf32> to vector<16xf32>
      tpu.vector_store %arg7[%swap3A_25], %swap3A_28 {strides = array<i32>} : memref<128xf32, #tpu.memory_space<vmem>>, vector<16xf32>,
      %broadcast_in_dim3A_29 = arith.constant 0.000000e+00 : f32
      %broadcast_in_dim3A_30 = vector.broadcast %broadcast_in_dim3A_29 : f32 to vector<16xf32>
      %swap3A_31 = arith.constant 64 : index
      %swap3A_32 = tpu.vector_load %arg7[%swap3A_31] {strides = array<i32>} : memref<128xf32, #tpu.memory_space<vmem>>, vector<16xf32>,
      %swap3A_33 = vector.shape_cast %swap3A_32 : vector<16xf32> to vector<16xf32>
      %swap3A_34 = vector.shape_cast %broadcast_in_dim3A_30 : vector<16xf32> to vector<16xf32>
      tpu.vector_store %arg7[%swap3A_31], %swap3A_34 {strides = array<i32>} : memref<128xf32, #tpu.memory_space<vmem>>, vector<16xf32>,
      %broadcast_in_dim3A_35 = arith.constant 0.000000e+00 : f32
      %broadcast_in_dim3A_36 = vector.broadcast %broadcast_in_dim3A_35 : f32 to vector<16xf32>
      %swap3A_37 = arith.constant 80 : index
      %swap3A_38 = tpu.vector_load %arg7[%swap3A_37] {strides = array<i32>} : memref<128xf32, #tpu.memory_space<vmem>>, vector<16xf32>,
      %swap3A_39 = vector.shape_cast %swap3A_38 : vector<16xf32> to vector<16xf32>
      %swap3A_40 = vector.shape_cast %broadcast_in_dim3A_36 : vector<16xf32> to vector<16xf32>
      tpu.vector_store %arg7[%swap3A_37], %swap3A_40 {strides = array<i32>} : memref<128xf32, #tpu.memory_space<vmem>>, vector<16xf32>,
      %broadcast_in_dim3A_41 = arith.constant 0.000000e+00 : f32
      %broadcast_in_dim3A_42 = vector.broadcast %broadcast_in_dim3A_41 : f32 to vector<16xf32>
      %swap3A_43 = arith.constant 96 : index
      %swap3A_44 = tpu.vector_load %arg7[%swap3A_43] {strides = array<i32>} : memref<128xf32, #tpu.memory_space<vmem>>, vector<16xf32>,
      %swap3A_45 = vector.shape_cast %swap3A_44 : vector<16xf32> to vector<16xf32>
      %swap3A_46 = vector.shape_cast %broadcast_in_dim3A_42 : vector<16xf32> to vector<16xf32>
      tpu.vector_store %arg7[%swap3A_43], %swap3A_46 {strides = array<i32>} : memref<128xf32, #tpu.memory_space<vmem>>, vector<16xf32>,
      %broadcast_in_dim3A_47 = arith.constant 0.000000e+00 : f32
      %broadcast_in_dim3A_48 = vector.broadcast %broadcast_in_dim3A_47 : f32 to vector<16xf32>
      %swap3A_49 = arith.constant 112 : index
      %swap3A_50 = tpu.vector_load %arg7[%swap3A_49] {strides = array<i32>} : memref<128xf32, #tpu.memory_space<vmem>>, vector<16xf32>,
      %swap3A_51 = vector.shape_cast %swap3A_50 : vector<16xf32> to vector<16xf32>
      %swap3A_52 = vector.shape_cast %broadcast_in_dim3A_48 : vector<16xf32> to vector<16xf32>
      tpu.vector_store %arg7[%swap3A_49], %swap3A_52 {strides = array<i32>} : memref<128xf32, #tpu.memory_space<vmem>>, vector<16xf32>,
      %mul3A = arith.constant 640 : i32
      %mul3A_53 = arith.muli %arg1, %mul3A : i32
      %add3A = arith.constant 0 : i32
      %add3A_54 = arith.addi %mul3A_53, %add3A : i32
      "tpu.region"() ({
        %run_scoped3A = tpu.sem_alloc : memref<!tpu.dma_semaphore, #tpu.memory_space<semaphore_mem>>
        %dma_start3A = tpu.memref_slice %arg8[%add3A_54] : memref<10240xf32, #tpu.memory_space<vmem_shared>> -> memref<128xf32, #tpu.memory_space<vmem_shared>>
        %dma_start3A_117 = tpu.memref_slice %arg8[%add3A_54] : memref<10240xf32, #tpu.memory_space<vmem_shared>> -> memref<128xf32, #tpu.memory_space<vmem_shared>>
        tpu.enqueue_dma source(%arg7 : memref<128xf32, #tpu.memory_space<vmem>>) target(%dma_start3A_117 : memref<128xf32, #tpu.memory_space<vmem_shared>>) target_semaphore(%run_scoped3A : memref<!tpu.dma_semaphore, #tpu.memory_space<semaphore_mem>>)
        %dma_wait3A = tpu.memref_slice %arg8[%add3A_54] : memref<10240xf32, #tpu.memory_space<vmem_shared>> -> memref<128xf32, #tpu.memory_space<vmem_shared>>
        %dma_wait3A_118 = tpu.memref_slice %arg8[%add3A_54] : memref<10240xf32, #tpu.memory_space<vmem_shared>> -> memref<128xf32, #tpu.memory_space<vmem_shared>>
        tpu.wait_dma2 semaphore(%run_scoped3A : memref<!tpu.dma_semaphore, #tpu.memory_space<semaphore_mem>>) src(%arg7 : memref<128xf32, #tpu.memory_space<vmem>>) dst(%dma_wait3A_118 : memref<128xf32, #tpu.memory_space<vmem_shared>>)
        tpu.yield
      }) : () -> ()
      %add3A_55 = arith.constant 128 : i32
      %add3A_56 = arith.addi %mul3A_53, %add3A_55 : i32
      "tpu.region"() ({
        %run_scoped3A = tpu.sem_alloc : memref<!tpu.dma_semaphore, #tpu.memory_space<semaphore_mem>>
        %dma_start3A = tpu.memref_slice %arg8[%add3A_56] : memref<10240xf32, #tpu.memory_space<vmem_shared>> -> memref<128xf32, #tpu.memory_space<vmem_shared>>
        %dma_start3A_117 = tpu.memref_slice %arg8[%add3A_56] : memref<10240xf32, #tpu.memory_space<vmem_shared>> -> memref<128xf32, #tpu.memory_space<vmem_shared>>
        tpu.enqueue_dma source(%arg7 : memref<128xf32, #tpu.memory_space<vmem>>) target(%dma_start3A_117 : memref<128xf32, #tpu.memory_space<vmem_shared>>) target_semaphore(%run_scoped3A : memref<!tpu.dma_semaphore, #tpu.memory_space<semaphore_mem>>)
        %dma_wait3A = tpu.memref_slice %arg8[%add3A_56] : memref<10240xf32, #tpu.memory_space<vmem_shared>> -> memref<128xf32, #tpu.memory_space<vmem_shared>>
        %dma_wait3A_118 = tpu.memref_slice %arg8[%add3A_56] : memref<10240xf32, #tpu.memory_space<vmem_shared>> -> memref<128xf32, #tpu.memory_space<vmem_shared>>
        tpu.wait_dma2 semaphore(%run_scoped3A : memref<!tpu.dma_semaphore, #tpu.memory_space<semaphore_mem>>) src(%arg7 : memref<128xf32, #tpu.memory_space<vmem>>) dst(%dma_wait3A_118 : memref<128xf32, #tpu.memory_space<vmem_shared>>)
        tpu.yield
      }) : () -> ()
      %add3A_57 = arith.constant 256 : i32
      %add3A_58 = arith.addi %mul3A_53, %add3A_57 : i32
      "tpu.region"() ({
        %run_scoped3A = tpu.sem_alloc : memref<!tpu.dma_semaphore, #tpu.memory_space<semaphore_mem>>
        %dma_start3A = tpu.memref_slice %arg8[%add3A_58] : memref<10240xf32, #tpu.memory_space<vmem_shared>> -> memref<128xf32, #tpu.memory_space<vmem_shared>>
        %dma_start3A_117 = tpu.memref_slice %arg8[%add3A_58] : memref<10240xf32, #tpu.memory_space<vmem_shared>> -> memref<128xf32, #tpu.memory_space<vmem_shared>>
        tpu.enqueue_dma source(%arg7 : memref<128xf32, #tpu.memory_space<vmem>>) target(%dma_start3A_117 : memref<128xf32, #tpu.memory_space<vmem_shared>>) target_semaphore(%run_scoped3A : memref<!tpu.dma_semaphore, #tpu.memory_space<semaphore_mem>>)
        %dma_wait3A = tpu.memref_slice %arg8[%add3A_58] : memref<10240xf32, #tpu.memory_space<vmem_shared>> -> memref<128xf32, #tpu.memory_space<vmem_shared>>
        %dma_wait3A_118 = tpu.memref_slice %arg8[%add3A_58] : memref<10240xf32, #tpu.memory_space<vmem_shared>> -> memref<128xf32, #tpu.memory_space<vmem_shared>>
        tpu.wait_dma2 semaphore(%run_scoped3A : memref<!tpu.dma_semaphore, #tpu.memory_space<semaphore_mem>>) src(%arg7 : memref<128xf32, #tpu.memory_space<vmem>>) dst(%dma_wait3A_118 : memref<128xf32, #tpu.memory_space<vmem_shared>>)
        tpu.yield
      }) : () -> ()
      %add3A_59 = arith.constant 384 : i32
      %add3A_60 = arith.addi %mul3A_53, %add3A_59 : i32
      "tpu.region"() ({
        %run_scoped3A = tpu.sem_alloc : memref<!tpu.dma_semaphore, #tpu.memory_space<semaphore_mem>>
        %dma_start3A = tpu.memref_slice %arg8[%add3A_60] : memref<10240xf32, #tpu.memory_space<vmem_shared>> -> memref<128xf32, #tpu.memory_space<vmem_shared>>
        %dma_start3A_117 = tpu.memref_slice %arg8[%add3A_60] : memref<10240xf32, #tpu.memory_space<vmem_shared>> -> memref<128xf32, #tpu.memory_space<vmem_shared>>
        tpu.enqueue_dma source(%arg7 : memref<128xf32, #tpu.memory_space<vmem>>) target(%dma_start3A_117 : memref<128xf32, #tpu.memory_space<vmem_shared>>) target_semaphore(%run_scoped3A : memref<!tpu.dma_semaphore, #tpu.memory_space<semaphore_mem>>)
        %dma_wait3A = tpu.memref_slice %arg8[%add3A_60] : memref<10240xf32, #tpu.memory_space<vmem_shared>> -> memref<128xf32, #tpu.memory_space<vmem_shared>>
        %dma_wait3A_118 = tpu.memref_slice %arg8[%add3A_60] : memref<10240xf32, #tpu.memory_space<vmem_shared>> -> memref<128xf32, #tpu.memory_space<vmem_shared>>
        tpu.wait_dma2 semaphore(%run_scoped3A : memref<!tpu.dma_semaphore, #tpu.memory_space<semaphore_mem>>) src(%arg7 : memref<128xf32, #tpu.memory_space<vmem>>) dst(%dma_wait3A_118 : memref<128xf32, #tpu.memory_space<vmem_shared>>)
        tpu.yield
      }) : () -> ()
      %add3A_61 = arith.constant 512 : i32
      %add3A_62 = arith.addi %mul3A_53, %add3A_61 : i32
      "tpu.region"() ({
        %run_scoped3A = tpu.sem_alloc : memref<!tpu.dma_semaphore, #tpu.memory_space<semaphore_mem>>
        %dma_start3A = tpu.memref_slice %arg8[%add3A_62] : memref<10240xf32, #tpu.memory_space<vmem_shared>> -> memref<128xf32, #tpu.memory_space<vmem_shared>>
        %dma_start3A_117 = tpu.memref_slice %arg8[%add3A_62] : memref<10240xf32, #tpu.memory_space<vmem_shared>> -> memref<128xf32, #tpu.memory_space<vmem_shared>>
        tpu.enqueue_dma source(%arg7 : memref<128xf32, #tpu.memory_space<vmem>>) target(%dma_start3A_117 : memref<128xf32, #tpu.memory_space<vmem_shared>>) target_semaphore(%run_scoped3A : memref<!tpu.dma_semaphore, #tpu.memory_space<semaphore_mem>>)
        %dma_wait3A = tpu.memref_slice %arg8[%add3A_62] : memref<10240xf32, #tpu.memory_space<vmem_shared>> -> memref<128xf32, #tpu.memory_space<vmem_shared>>
        %dma_wait3A_118 = tpu.memref_slice %arg8[%add3A_62] : memref<10240xf32, #tpu.memory_space<vmem_shared>> -> memref<128xf32, #tpu.memory_space<vmem_shared>>
        tpu.wait_dma2 semaphore(%run_scoped3A : memref<!tpu.dma_semaphore, #tpu.memory_space<semaphore_mem>>) src(%arg7 : memref<128xf32, #tpu.memory_space<vmem>>) dst(%dma_wait3A_118 : memref<128xf32, #tpu.memory_space<vmem_shared>>)
        tpu.yield
      }) : () -> ()
      %broadcast_in_dim3A_63 = arith.constant 1.000000e+00 : f32
      %broadcast_in_dim3A_64 = vector.broadcast %broadcast_in_dim3A_63 : f32 to vector<16xf32>
      %swap3A_65 = arith.constant 0 : index
      %swap3A_66 = tpu.vector_load %arg7[%swap3A_65] {strides = array<i32>} : memref<128xf32, #tpu.memory_space<vmem>>, vector<16xf32>,
      %swap3A_67 = vector.shape_cast %swap3A_66 : vector<16xf32> to vector<16xf32>
      %swap3A_68 = vector.shape_cast %broadcast_in_dim3A_64 : vector<16xf32> to vector<16xf32>
      tpu.vector_store %arg7[%swap3A_65], %swap3A_68 {strides = array<i32>} : memref<128xf32, #tpu.memory_space<vmem>>, vector<16xf32>,
      %broadcast_in_dim3A_69 = arith.constant 1.000000e+00 : f32
      %broadcast_in_dim3A_70 = vector.broadcast %broadcast_in_dim3A_69 : f32 to vector<16xf32>
      %swap3A_71 = arith.constant 16 : index
      %swap3A_72 = tpu.vector_load %arg7[%swap3A_71] {strides = array<i32>} : memref<128xf32, #tpu.memory_space<vmem>>, vector<16xf32>,
      %swap3A_73 = vector.shape_cast %swap3A_72 : vector<16xf32> to vector<16xf32>
      %swap3A_74 = vector.shape_cast %broadcast_in_dim3A_70 : vector<16xf32> to vector<16xf32>
      tpu.vector_store %arg7[%swap3A_71], %swap3A_74 {strides = array<i32>} : memref<128xf32, #tpu.memory_space<vmem>>, vector<16xf32>,
      %broadcast_in_dim3A_75 = arith.constant 1.000000e+00 : f32
      %broadcast_in_dim3A_76 = vector.broadcast %broadcast_in_dim3A_75 : f32 to vector<16xf32>
      %swap3A_77 = arith.constant 32 : index
      %swap3A_78 = tpu.vector_load %arg7[%swap3A_77] {strides = array<i32>} : memref<128xf32, #tpu.memory_space<vmem>>, vector<16xf32>,
      %swap3A_79 = vector.shape_cast %swap3A_78 : vector<16xf32> to vector<16xf32>
      %swap3A_80 = vector.shape_cast %broadcast_in_dim3A_76 : vector<16xf32> to vector<16xf32>
      tpu.vector_store %arg7[%swap3A_77], %swap3A_80 {strides = array<i32>} : memref<128xf32, #tpu.memory_space<vmem>>, vector<16xf32>,
      %broadcast_in_dim3A_81 = arith.constant 1.000000e+00 : f32
      %broadcast_in_dim3A_82 = vector.broadcast %broadcast_in_dim3A_81 : f32 to vector<16xf32>
      %swap3A_83 = arith.constant 48 : index
      %swap3A_84 = tpu.vector_load %arg7[%swap3A_83] {strides = array<i32>} : memref<128xf32, #tpu.memory_space<vmem>>, vector<16xf32>,
      %swap3A_85 = vector.shape_cast %swap3A_84 : vector<16xf32> to vector<16xf32>
      %swap3A_86 = vector.shape_cast %broadcast_in_dim3A_82 : vector<16xf32> to vector<16xf32>
      tpu.vector_store %arg7[%swap3A_83], %swap3A_86 {strides = array<i32>} : memref<128xf32, #tpu.memory_space<vmem>>, vector<16xf32>,
      %broadcast_in_dim3A_87 = arith.constant 1.000000e+00 : f32
      %broadcast_in_dim3A_88 = vector.broadcast %broadcast_in_dim3A_87 : f32 to vector<16xf32>
      %swap3A_89 = arith.constant 64 : index
      %swap3A_90 = tpu.vector_load %arg7[%swap3A_89] {strides = array<i32>} : memref<128xf32, #tpu.memory_space<vmem>>, vector<16xf32>,
      %swap3A_91 = vector.shape_cast %swap3A_90 : vector<16xf32> to vector<16xf32>
      %swap3A_92 = vector.shape_cast %broadcast_in_dim3A_88 : vector<16xf32> to vector<16xf32>
      tpu.vector_store %arg7[%swap3A_89], %swap3A_92 {strides = array<i32>} : memref<128xf32, #tpu.memory_space<vmem>>, vector<16xf32>,
      %broadcast_in_dim3A_93 = arith.constant 1.000000e+00 : f32
      %broadcast_in_dim3A_94 = vector.broadcast %broadcast_in_dim3A_93 : f32 to vector<16xf32>
      %swap3A_95 = arith.constant 80 : index
      %swap3A_96 = tpu.vector_load %arg7[%swap3A_95] {strides = array<i32>} : memref<128xf32, #tpu.memory_space<vmem>>, vector<16xf32>,
      %swap3A_97 = vector.shape_cast %swap3A_96 : vector<16xf32> to vector<16xf32>
      %swap3A_98 = vector.shape_cast %broadcast_in_dim3A_94 : vector<16xf32> to vector<16xf32>
      tpu.vector_store %arg7[%swap3A_95], %swap3A_98 {strides = array<i32>} : memref<128xf32, #tpu.memory_space<vmem>>, vector<16xf32>,
      %broadcast_in_dim3A_99 = arith.constant 1.000000e+00 : f32
      %broadcast_in_dim3A_100 = vector.broadcast %broadcast_in_dim3A_99 : f32 to vector<16xf32>
      %swap3A_101 = arith.constant 96 : index
      %swap3A_102 = tpu.vector_load %arg7[%swap3A_101] {strides = array<i32>} : memref<128xf32, #tpu.memory_space<vmem>>, vector<16xf32>,
      %swap3A_103 = vector.shape_cast %swap3A_102 : vector<16xf32> to vector<16xf32>
      %swap3A_104 = vector.shape_cast %broadcast_in_dim3A_100 : vector<16xf32> to vector<16xf32>
      tpu.vector_store %arg7[%swap3A_101], %swap3A_104 {strides = array<i32>} : memref<128xf32, #tpu.memory_space<vmem>>, vector<16xf32>,
      %broadcast_in_dim3A_105 = arith.constant 1.000000e+00 : f32
      %broadcast_in_dim3A_106 = vector.broadcast %broadcast_in_dim3A_105 : f32 to vector<16xf32>
      %swap3A_107 = arith.constant 112 : index
      %swap3A_108 = tpu.vector_load %arg7[%swap3A_107] {strides = array<i32>} : memref<128xf32, #tpu.memory_space<vmem>>, vector<16xf32>,
      %swap3A_109 = vector.shape_cast %swap3A_108 : vector<16xf32> to vector<16xf32>
      %swap3A_110 = vector.shape_cast %broadcast_in_dim3A_106 : vector<16xf32> to vector<16xf32>
      tpu.vector_store %arg7[%swap3A_107], %swap3A_110 {strides = array<i32>} : memref<128xf32, #tpu.memory_space<vmem>>, vector<16xf32>,
      %barrier3A = arith.constant 0 : index
      tpu.barrier barrier_id(%barrier3A)
      %scan3A = arith.constant 0 : i32
      %scan3A_111 = arith.constant 0 : i32
      %scan3A_112 = arith.constant 20 : i32
      %scan3A_113 = arith.addi %scan3A_111, %scan3A_112 : i32
      %scan3A_114 = arith.constant 1 : i32
      scf.for %scan3A_117 = %scan3A_111 to %scan3A_113 step %scan3A_114  : i32 {
        %mul3A_118 = arith.constant 8 : i32
        %mul3A_119 = arith.muli %scan3A_117, %mul3A_118 : i32
        "tpu.region"() ({
          %run_scoped3A = tpu.sem_alloc : memref<!tpu.dma_semaphore, #tpu.memory_space<semaphore_mem>>
          %dma_start3A = arith.constant 0 : i32
          %dma_start3A_125 = tpu.memref_slice %arg2[%arg1, %mul3A_119, %dma_start3A] : memref<16x160x128xi32, #tpu.memory_space<hbm>> -> memref<1x8x128xi32, #tpu.memory_space<hbm>>
          %dma_start3A_126 = tpu.memref_squeeze %dma_start3A_125 : memref<1x8x128xi32, #tpu.memory_space<hbm>> -> memref<8x128xi32, #tpu.memory_space<hbm>>
          %dma_start3A_127 = arith.constant 0 : i32
          %dma_start3A_128 = tpu.memref_slice %arg2[%arg1, %mul3A_119, %dma_start3A_127] : memref<16x160x128xi32, #tpu.memory_space<hbm>> -> memref<1x8x128xi32, #tpu.memory_space<hbm>>
          %dma_start3A_129 = tpu.memref_squeeze %dma_start3A_128 : memref<1x8x128xi32, #tpu.memory_space<hbm>> -> memref<8x128xi32, #tpu.memory_space<hbm>>
          tpu.enqueue_dma source(%dma_start3A_129 : memref<8x128xi32, #tpu.memory_space<hbm>>) target(%arg6 : memref<8x128xi32, #tpu.memory_space<vmem>>) target_semaphore(%run_scoped3A : memref<!tpu.dma_semaphore, #tpu.memory_space<semaphore_mem>>)
          %dma_wait3A = arith.constant 0 : i32
          %dma_wait3A_130 = tpu.memref_slice %arg2[%arg1, %mul3A_119, %dma_wait3A] : memref<16x160x128xi32, #tpu.memory_space<hbm>> -> memref<1x8x128xi32, #tpu.memory_space<hbm>>
          %dma_wait3A_131 = tpu.memref_squeeze %dma_wait3A_130 : memref<1x8x128xi32, #tpu.memory_space<hbm>> -> memref<8x128xi32, #tpu.memory_space<hbm>>
          %dma_wait3A_132 = arith.constant 0 : i32
          %dma_wait3A_133 = tpu.memref_slice %arg2[%arg1, %mul3A_119, %dma_wait3A_132] : memref<16x160x128xi32, #tpu.memory_space<hbm>> -> memref<1x8x128xi32, #tpu.memory_space<hbm>>
          %dma_wait3A_134 = tpu.memref_squeeze %dma_wait3A_133 : memref<1x8x128xi32, #tpu.memory_space<hbm>> -> memref<8x128xi32, #tpu.memory_space<hbm>>
          tpu.wait_dma2 semaphore(%run_scoped3A : memref<!tpu.dma_semaphore, #tpu.memory_space<semaphore_mem>>) src(%dma_wait3A_134 : memref<8x128xi32, #tpu.memory_space<hbm>>) dst(%arg6 : memref<8x128xi32, #tpu.memory_space<vmem>>)
          tpu.yield
        }) : () -> ()
        %scan3A_120 = arith.constant 0 : i32
        %scan3A_121 = arith.constant 8 : i32
        %scan3A_122 = arith.addi %scan3A_120, %scan3A_121 : i32
        %scan3A_123 = arith.constant 1 : i32
        scf.for %scan3A_125 = %scan3A_120 to %scan3A_122 step %scan3A_123  : i32 {
          "tpu.region"() ({
            %run_scoped3A = tpu.sem_alloc : memref<!tpu.dma_semaphore, #tpu.memory_space<semaphore_mem>>
            %dma_start3A = arith.constant 0 : i32
            %dma_start3A_126 = tpu.memref_slice %arg6[%scan3A_125, %dma_start3A] : memref<8x128xi32, #tpu.memory_space<vmem>> -> memref<1x128xi32, #tpu.memory_space<vmem>>
            %dma_start3A_127 = tpu.memref_squeeze %dma_start3A_126 : memref<1x128xi32, #tpu.memory_space<vmem>> -> memref<128xi32, #tpu.memory_space<vmem>>
            %dma_start3A_128 = arith.constant 0 : i32
            %dma_start3A_129 = tpu.memref_slice %arg8[%dma_start3A_128] : memref<10240xf32, #tpu.memory_space<vmem_shared>> -> memref<10240xf32, #tpu.memory_space<vmem_shared>>
            tpu.enqueue_indirect_dma source(%arg7 : memref<128xf32, #tpu.memory_space<vmem>>) target(%dma_start3A_129 : memref<10240xf32, #tpu.memory_space<vmem_shared>>) offsets(%dma_start3A_127 : memref<128xi32, #tpu.memory_space<vmem>>) semaphore(%run_scoped3A : memref<!tpu.dma_semaphore, #tpu.memory_space<semaphore_mem>>) {add = true}
            %dma_wait3A = arith.constant 0 : i32
            %dma_wait3A_130 = tpu.memref_slice %arg6[%scan3A_125, %dma_wait3A] : memref<8x128xi32, #tpu.memory_space<vmem>> -> memref<1x128xi32, #tpu.memory_space<vmem>>
            %dma_wait3A_131 = tpu.memref_squeeze %dma_wait3A_130 : memref<1x128xi32, #tpu.memory_space<vmem>> -> memref<128xi32, #tpu.memory_space<vmem>>
            %dma_wait3A_132 = arith.constant 0 : i32
            %dma_wait3A_133 = tpu.memref_slice %arg8[%dma_wait3A_132] : memref<10240xf32, #tpu.memory_space<vmem_shared>> -> memref<10240xf32, #tpu.memory_space<vmem_shared>>
            tpu.wait_indirect_dma semaphore(%run_scoped3A : memref<!tpu.dma_semaphore, #tpu.memory_space<semaphore_mem>>) src(%arg7 : memref<128xf32, #tpu.memory_space<vmem>>) dst(%dma_wait3A_133 : memref<10240xf32, #tpu.memory_space<vmem_shared>>)
            tpu.yield
          }) : () -> ()
        }
        %scan3A_124 = arith.constant 8 : i32
      }
      %scan3A_115 = arith.constant 20 : i32
      %barrier3A_116 = arith.constant 0 : index
      tpu.barrier barrier_id(%barrier3A_116)
      "tpu.region"() ({
        %run_scoped3A = tpu.sem_alloc : memref<!tpu.dma_semaphore, #tpu.memory_space<semaphore_mem>>
        %dma_start3A = tpu.memref_slice %arg4[%mul3A_53] : memref<10240xf32, #tpu.memory_space<hbm>> -> memref<640xf32, #tpu.memory_space<hbm>>
        %dma_start3A_117 = tpu.memref_slice %arg8[%mul3A_53] : memref<10240xf32, #tpu.memory_space<vmem_shared>> -> memref<640xf32, #tpu.memory_space<vmem_shared>>
        tpu.enqueue_dma source(%dma_start3A_117 : memref<640xf32, #tpu.memory_space<vmem_shared>>) target(%dma_start3A : memref<640xf32, #tpu.memory_space<hbm>>) target_semaphore(%run_scoped3A : memref<!tpu.dma_semaphore, #tpu.memory_space<semaphore_mem>>)
        %dma_wait3A = tpu.memref_slice %arg4[%mul3A_53] : memref<10240xf32, #tpu.memory_space<hbm>> -> memref<640xf32, #tpu.memory_space<hbm>>
        %dma_wait3A_118 = tpu.memref_slice %arg8[%mul3A_53] : memref<10240xf32, #tpu.memory_space<vmem_shared>> -> memref<640xf32, #tpu.memory_space<vmem_shared>>
        tpu.wait_dma2 semaphore(%run_scoped3A : memref<!tpu.dma_semaphore, #tpu.memory_space<semaphore_mem>>) src(%dma_wait3A_118 : memref<640xf32, #tpu.memory_space<vmem_shared>>) dst(%dma_wait3A : memref<640xf32, #tpu.memory_space<hbm>>)
        tpu.yield
      }) : () -> ()
    } else {
    }
    %eq3A_2 = arith.constant 1 : i32
    %eq3A_3 = arith.cmpi eq, %arg0, %eq3A_2 : i32
    %convert_element_type3A_4 = arith.extui %eq3A_3 : i1 to i32
    %cond3A_5 = arith.constant 0 : i32
    %cond3A_6 = arith.cmpi ne, %convert_element_type3A_4, %cond3A_5 : i32
    scf.if %cond3A_6 {
      %broadcast_in_dim3A = arith.constant 0.000000e+00 : f32
      %broadcast_in_dim3A_7 = vector.broadcast %broadcast_in_dim3A : f32 to vector<16xf32>
      %swap3A = arith.constant 0 : index
      %swap3A_8 = tpu.vector_load %arg7[%swap3A] {strides = array<i32>} : memref<128xf32, #tpu.memory_space<vmem>>, vector<16xf32>,
      %swap3A_9 = vector.shape_cast %swap3A_8 : vector<16xf32> to vector<16xf32>
      %swap3A_10 = vector.shape_cast %broadcast_in_dim3A_7 : vector<16xf32> to vector<16xf32>
      tpu.vector_store %arg7[%swap3A], %swap3A_10 {strides = array<i32>} : memref<128xf32, #tpu.memory_space<vmem>>, vector<16xf32>,
      %broadcast_in_dim3A_11 = arith.constant 0.000000e+00 : f32
      %broadcast_in_dim3A_12 = vector.broadcast %broadcast_in_dim3A_11 : f32 to vector<16xf32>
      %swap3A_13 = arith.constant 16 : index
      %swap3A_14 = tpu.vector_load %arg7[%swap3A_13] {strides = array<i32>} : memref<128xf32, #tpu.memory_space<vmem>>, vector<16xf32>,
      %swap3A_15 = vector.shape_cast %swap3A_14 : vector<16xf32> to vector<16xf32>
      %swap3A_16 = vector.shape_cast %broadcast_in_dim3A_12 : vector<16xf32> to vector<16xf32>
      tpu.vector_store %arg7[%swap3A_13], %swap3A_16 {strides = array<i32>} : memref<128xf32, #tpu.memory_space<vmem>>, vector<16xf32>,
      %broadcast_in_dim3A_17 = arith.constant 0.000000e+00 : f32
      %broadcast_in_dim3A_18 = vector.broadcast %broadcast_in_dim3A_17 : f32 to vector<16xf32>
      %swap3A_19 = arith.constant 32 : index
      %swap3A_20 = tpu.vector_load %arg7[%swap3A_19] {strides = array<i32>} : memref<128xf32, #tpu.memory_space<vmem>>, vector<16xf32>,
      %swap3A_21 = vector.shape_cast %swap3A_20 : vector<16xf32> to vector<16xf32>
      %swap3A_22 = vector.shape_cast %broadcast_in_dim3A_18 : vector<16xf32> to vector<16xf32>
      tpu.vector_store %arg7[%swap3A_19], %swap3A_22 {strides = array<i32>} : memref<128xf32, #tpu.memory_space<vmem>>, vector<16xf32>,
      %broadcast_in_dim3A_23 = arith.constant 0.000000e+00 : f32
      %broadcast_in_dim3A_24 = vector.broadcast %broadcast_in_dim3A_23 : f32 to vector<16xf32>
      %swap3A_25 = arith.constant 48 : index
      %swap3A_26 = tpu.vector_load %arg7[%swap3A_25] {strides = array<i32>} : memref<128xf32, #tpu.memory_space<vmem>>, vector<16xf32>,
      %swap3A_27 = vector.shape_cast %swap3A_26 : vector<16xf32> to vector<16xf32>
      %swap3A_28 = vector.shape_cast %broadcast_in_dim3A_24 : vector<16xf32> to vector<16xf32>
      tpu.vector_store %arg7[%swap3A_25], %swap3A_28 {strides = array<i32>} : memref<128xf32, #tpu.memory_space<vmem>>, vector<16xf32>,
      %broadcast_in_dim3A_29 = arith.constant 0.000000e+00 : f32
      %broadcast_in_dim3A_30 = vector.broadcast %broadcast_in_dim3A_29 : f32 to vector<16xf32>
      %swap3A_31 = arith.constant 64 : index
      %swap3A_32 = tpu.vector_load %arg7[%swap3A_31] {strides = array<i32>} : memref<128xf32, #tpu.memory_space<vmem>>, vector<16xf32>,
      %swap3A_33 = vector.shape_cast %swap3A_32 : vector<16xf32> to vector<16xf32>
      %swap3A_34 = vector.shape_cast %broadcast_in_dim3A_30 : vector<16xf32> to vector<16xf32>
      tpu.vector_store %arg7[%swap3A_31], %swap3A_34 {strides = array<i32>} : memref<128xf32, #tpu.memory_space<vmem>>, vector<16xf32>,
      %broadcast_in_dim3A_35 = arith.constant 0.000000e+00 : f32
      %broadcast_in_dim3A_36 = vector.broadcast %broadcast_in_dim3A_35 : f32 to vector<16xf32>
      %swap3A_37 = arith.constant 80 : index
      %swap3A_38 = tpu.vector_load %arg7[%swap3A_37] {strides = array<i32>} : memref<128xf32, #tpu.memory_space<vmem>>, vector<16xf32>,
      %swap3A_39 = vector.shape_cast %swap3A_38 : vector<16xf32> to vector<16xf32>
      %swap3A_40 = vector.shape_cast %broadcast_in_dim3A_36 : vector<16xf32> to vector<16xf32>
      tpu.vector_store %arg7[%swap3A_37], %swap3A_40 {strides = array<i32>} : memref<128xf32, #tpu.memory_space<vmem>>, vector<16xf32>,
      %broadcast_in_dim3A_41 = arith.constant 0.000000e+00 : f32
      %broadcast_in_dim3A_42 = vector.broadcast %broadcast_in_dim3A_41 : f32 to vector<16xf32>
      %swap3A_43 = arith.constant 96 : index
      %swap3A_44 = tpu.vector_load %arg7[%swap3A_43] {strides = array<i32>} : memref<128xf32, #tpu.memory_space<vmem>>, vector<16xf32>,
      %swap3A_45 = vector.shape_cast %swap3A_44 : vector<16xf32> to vector<16xf32>
      %swap3A_46 = vector.shape_cast %broadcast_in_dim3A_42 : vector<16xf32> to vector<16xf32>
      tpu.vector_store %arg7[%swap3A_43], %swap3A_46 {strides = array<i32>} : memref<128xf32, #tpu.memory_space<vmem>>, vector<16xf32>,
      %broadcast_in_dim3A_47 = arith.constant 0.000000e+00 : f32
      %broadcast_in_dim3A_48 = vector.broadcast %broadcast_in_dim3A_47 : f32 to vector<16xf32>
      %swap3A_49 = arith.constant 112 : index
      %swap3A_50 = tpu.vector_load %arg7[%swap3A_49] {strides = array<i32>} : memref<128xf32, #tpu.memory_space<vmem>>, vector<16xf32>,
      %swap3A_51 = vector.shape_cast %swap3A_50 : vector<16xf32> to vector<16xf32>
      %swap3A_52 = vector.shape_cast %broadcast_in_dim3A_48 : vector<16xf32> to vector<16xf32>
      tpu.vector_store %arg7[%swap3A_49], %swap3A_52 {strides = array<i32>} : memref<128xf32, #tpu.memory_space<vmem>>, vector<16xf32>,
      %mul3A = arith.constant 640 : i32
      %mul3A_53 = arith.muli %arg1, %mul3A : i32
      %add3A = arith.constant 0 : i32
      %add3A_54 = arith.addi %mul3A_53, %add3A : i32
      "tpu.region"() ({
        %run_scoped3A = tpu.sem_alloc : memref<!tpu.dma_semaphore, #tpu.memory_space<semaphore_mem>>
        %dma_start3A = tpu.memref_slice %arg8[%add3A_54] : memref<10240xf32, #tpu.memory_space<vmem_shared>> -> memref<128xf32, #tpu.memory_space<vmem_shared>>
        %dma_start3A_117 = tpu.memref_slice %arg8[%add3A_54] : memref<10240xf32, #tpu.memory_space<vmem_shared>> -> memref<128xf32, #tpu.memory_space<vmem_shared>>
        tpu.enqueue_dma source(%arg7 : memref<128xf32, #tpu.memory_space<vmem>>) target(%dma_start3A_117 : memref<128xf32, #tpu.memory_space<vmem_shared>>) target_semaphore(%run_scoped3A : memref<!tpu.dma_semaphore, #tpu.memory_space<semaphore_mem>>)
        %dma_wait3A = tpu.memref_slice %arg8[%add3A_54] : memref<10240xf32, #tpu.memory_space<vmem_shared>> -> memref<128xf32, #tpu.memory_space<vmem_shared>>
        %dma_wait3A_118 = tpu.memref_slice %arg8[%add3A_54] : memref<10240xf32, #tpu.memory_space<vmem_shared>> -> memref<128xf32, #tpu.memory_space<vmem_shared>>
        tpu.wait_dma2 semaphore(%run_scoped3A : memref<!tpu.dma_semaphore, #tpu.memory_space<semaphore_mem>>) src(%arg7 : memref<128xf32, #tpu.memory_space<vmem>>) dst(%dma_wait3A_118 : memref<128xf32, #tpu.memory_space<vmem_shared>>)
        tpu.yield
      }) : () -> ()
      %add3A_55 = arith.constant 128 : i32
      %add3A_56 = arith.addi %mul3A_53, %add3A_55 : i32
      "tpu.region"() ({
        %run_scoped3A = tpu.sem_alloc : memref<!tpu.dma_semaphore, #tpu.memory_space<semaphore_mem>>
        %dma_start3A = tpu.memref_slice %arg8[%add3A_56] : memref<10240xf32, #tpu.memory_space<vmem_shared>> -> memref<128xf32, #tpu.memory_space<vmem_shared>>
        %dma_start3A_117 = tpu.memref_slice %arg8[%add3A_56] : memref<10240xf32, #tpu.memory_space<vmem_shared>> -> memref<128xf32, #tpu.memory_space<vmem_shared>>
        tpu.enqueue_dma source(%arg7 : memref<128xf32, #tpu.memory_space<vmem>>) target(%dma_start3A_117 : memref<128xf32, #tpu.memory_space<vmem_shared>>) target_semaphore(%run_scoped3A : memref<!tpu.dma_semaphore, #tpu.memory_space<semaphore_mem>>)
        %dma_wait3A = tpu.memref_slice %arg8[%add3A_56] : memref<10240xf32, #tpu.memory_space<vmem_shared>> -> memref<128xf32, #tpu.memory_space<vmem_shared>>
        %dma_wait3A_118 = tpu.memref_slice %arg8[%add3A_56] : memref<10240xf32, #tpu.memory_space<vmem_shared>> -> memref<128xf32, #tpu.memory_space<vmem_shared>>
        tpu.wait_dma2 semaphore(%run_scoped3A : memref<!tpu.dma_semaphore, #tpu.memory_space<semaphore_mem>>) src(%arg7 : memref<128xf32, #tpu.memory_space<vmem>>) dst(%dma_wait3A_118 : memref<128xf32, #tpu.memory_space<vmem_shared>>)
        tpu.yield
      }) : () -> ()
      %add3A_57 = arith.constant 256 : i32
      %add3A_58 = arith.addi %mul3A_53, %add3A_57 : i32
      "tpu.region"() ({
        %run_scoped3A = tpu.sem_alloc : memref<!tpu.dma_semaphore, #tpu.memory_space<semaphore_mem>>
        %dma_start3A = tpu.memref_slice %arg8[%add3A_58] : memref<10240xf32, #tpu.memory_space<vmem_shared>> -> memref<128xf32, #tpu.memory_space<vmem_shared>>
        %dma_start3A_117 = tpu.memref_slice %arg8[%add3A_58] : memref<10240xf32, #tpu.memory_space<vmem_shared>> -> memref<128xf32, #tpu.memory_space<vmem_shared>>
        tpu.enqueue_dma source(%arg7 : memref<128xf32, #tpu.memory_space<vmem>>) target(%dma_start3A_117 : memref<128xf32, #tpu.memory_space<vmem_shared>>) target_semaphore(%run_scoped3A : memref<!tpu.dma_semaphore, #tpu.memory_space<semaphore_mem>>)
        %dma_wait3A = tpu.memref_slice %arg8[%add3A_58] : memref<10240xf32, #tpu.memory_space<vmem_shared>> -> memref<128xf32, #tpu.memory_space<vmem_shared>>
        %dma_wait3A_118 = tpu.memref_slice %arg8[%add3A_58] : memref<10240xf32, #tpu.memory_space<vmem_shared>> -> memref<128xf32, #tpu.memory_space<vmem_shared>>
        tpu.wait_dma2 semaphore(%run_scoped3A : memref<!tpu.dma_semaphore, #tpu.memory_space<semaphore_mem>>) src(%arg7 : memref<128xf32, #tpu.memory_space<vmem>>) dst(%dma_wait3A_118 : memref<128xf32, #tpu.memory_space<vmem_shared>>)
        tpu.yield
      }) : () -> ()
      %add3A_59 = arith.constant 384 : i32
      %add3A_60 = arith.addi %mul3A_53, %add3A_59 : i32
      "tpu.region"() ({
        %run_scoped3A = tpu.sem_alloc : memref<!tpu.dma_semaphore, #tpu.memory_space<semaphore_mem>>
        %dma_start3A = tpu.memref_slice %arg8[%add3A_60] : memref<10240xf32, #tpu.memory_space<vmem_shared>> -> memref<128xf32, #tpu.memory_space<vmem_shared>>
        %dma_start3A_117 = tpu.memref_slice %arg8[%add3A_60] : memref<10240xf32, #tpu.memory_space<vmem_shared>> -> memref<128xf32, #tpu.memory_space<vmem_shared>>
        tpu.enqueue_dma source(%arg7 : memref<128xf32, #tpu.memory_space<vmem>>) target(%dma_start3A_117 : memref<128xf32, #tpu.memory_space<vmem_shared>>) target_semaphore(%run_scoped3A : memref<!tpu.dma_semaphore, #tpu.memory_space<semaphore_mem>>)
        %dma_wait3A = tpu.memref_slice %arg8[%add3A_60] : memref<10240xf32, #tpu.memory_space<vmem_shared>> -> memref<128xf32, #tpu.memory_space<vmem_shared>>
        %dma_wait3A_118 = tpu.memref_slice %arg8[%add3A_60] : memref<10240xf32, #tpu.memory_space<vmem_shared>> -> memref<128xf32, #tpu.memory_space<vmem_shared>>
        tpu.wait_dma2 semaphore(%run_scoped3A : memref<!tpu.dma_semaphore, #tpu.memory_space<semaphore_mem>>) src(%arg7 : memref<128xf32, #tpu.memory_space<vmem>>) dst(%dma_wait3A_118 : memref<128xf32, #tpu.memory_space<vmem_shared>>)
        tpu.yield
      }) : () -> ()
      %add3A_61 = arith.constant 512 : i32
      %add3A_62 = arith.addi %mul3A_53, %add3A_61 : i32
      "tpu.region"() ({
        %run_scoped3A = tpu.sem_alloc : memref<!tpu.dma_semaphore, #tpu.memory_space<semaphore_mem>>
        %dma_start3A = tpu.memref_slice %arg8[%add3A_62] : memref<10240xf32, #tpu.memory_space<vmem_shared>> -> memref<128xf32, #tpu.memory_space<vmem_shared>>
        %dma_start3A_117 = tpu.memref_slice %arg8[%add3A_62] : memref<10240xf32, #tpu.memory_space<vmem_shared>> -> memref<128xf32, #tpu.memory_space<vmem_shared>>
        tpu.enqueue_dma source(%arg7 : memref<128xf32, #tpu.memory_space<vmem>>) target(%dma_start3A_117 : memref<128xf32, #tpu.memory_space<vmem_shared>>) target_semaphore(%run_scoped3A : memref<!tpu.dma_semaphore, #tpu.memory_space<semaphore_mem>>)
        %dma_wait3A = tpu.memref_slice %arg8[%add3A_62] : memref<10240xf32, #tpu.memory_space<vmem_shared>> -> memref<128xf32, #tpu.memory_space<vmem_shared>>
        %dma_wait3A_118 = tpu.memref_slice %arg8[%add3A_62] : memref<10240xf32, #tpu.memory_space<vmem_shared>> -> memref<128xf32, #tpu.memory_space<vmem_shared>>
        tpu.wait_dma2 semaphore(%run_scoped3A : memref<!tpu.dma_semaphore, #tpu.memory_space<semaphore_mem>>) src(%arg7 : memref<128xf32, #tpu.memory_space<vmem>>) dst(%dma_wait3A_118 : memref<128xf32, #tpu.memory_space<vmem_shared>>)
        tpu.yield
      }) : () -> ()
      %broadcast_in_dim3A_63 = arith.constant 1.000000e+00 : f32
      %broadcast_in_dim3A_64 = vector.broadcast %broadcast_in_dim3A_63 : f32 to vector<16xf32>
      %swap3A_65 = arith.constant 0 : index
      %swap3A_66 = tpu.vector_load %arg7[%swap3A_65] {strides = array<i32>} : memref<128xf32, #tpu.memory_space<vmem>>, vector<16xf32>,
      %swap3A_67 = vector.shape_cast %swap3A_66 : vector<16xf32> to vector<16xf32>
      %swap3A_68 = vector.shape_cast %broadcast_in_dim3A_64 : vector<16xf32> to vector<16xf32>
      tpu.vector_store %arg7[%swap3A_65], %swap3A_68 {strides = array<i32>} : memref<128xf32, #tpu.memory_space<vmem>>, vector<16xf32>,
      %broadcast_in_dim3A_69 = arith.constant 1.000000e+00 : f32
      %broadcast_in_dim3A_70 = vector.broadcast %broadcast_in_dim3A_69 : f32 to vector<16xf32>
      %swap3A_71 = arith.constant 16 : index
      %swap3A_72 = tpu.vector_load %arg7[%swap3A_71] {strides = array<i32>} : memref<128xf32, #tpu.memory_space<vmem>>, vector<16xf32>,
      %swap3A_73 = vector.shape_cast %swap3A_72 : vector<16xf32> to vector<16xf32>
      %swap3A_74 = vector.shape_cast %broadcast_in_dim3A_70 : vector<16xf32> to vector<16xf32>
      tpu.vector_store %arg7[%swap3A_71], %swap3A_74 {strides = array<i32>} : memref<128xf32, #tpu.memory_space<vmem>>, vector<16xf32>,
      %broadcast_in_dim3A_75 = arith.constant 1.000000e+00 : f32
      %broadcast_in_dim3A_76 = vector.broadcast %broadcast_in_dim3A_75 : f32 to vector<16xf32>
      %swap3A_77 = arith.constant 32 : index
      %swap3A_78 = tpu.vector_load %arg7[%swap3A_77] {strides = array<i32>} : memref<128xf32, #tpu.memory_space<vmem>>, vector<16xf32>,
      %swap3A_79 = vector.shape_cast %swap3A_78 : vector<16xf32> to vector<16xf32>
      %swap3A_80 = vector.shape_cast %broadcast_in_dim3A_76 : vector<16xf32> to vector<16xf32>
      tpu.vector_store %arg7[%swap3A_77], %swap3A_80 {strides = array<i32>} : memref<128xf32, #tpu.memory_space<vmem>>, vector<16xf32>,
      %broadcast_in_dim3A_81 = arith.constant 1.000000e+00 : f32
      %broadcast_in_dim3A_82 = vector.broadcast %broadcast_in_dim3A_81 : f32 to vector<16xf32>
      %swap3A_83 = arith.constant 48 : index
      %swap3A_84 = tpu.vector_load %arg7[%swap3A_83] {strides = array<i32>} : memref<128xf32, #tpu.memory_space<vmem>>, vector<16xf32>,
      %swap3A_85 = vector.shape_cast %swap3A_84 : vector<16xf32> to vector<16xf32>
      %swap3A_86 = vector.shape_cast %broadcast_in_dim3A_82 : vector<16xf32> to vector<16xf32>
      tpu.vector_store %arg7[%swap3A_83], %swap3A_86 {strides = array<i32>} : memref<128xf32, #tpu.memory_space<vmem>>, vector<16xf32>,
      %broadcast_in_dim3A_87 = arith.constant 1.000000e+00 : f32
      %broadcast_in_dim3A_88 = vector.broadcast %broadcast_in_dim3A_87 : f32 to vector<16xf32>
      %swap3A_89 = arith.constant 64 : index
      %swap3A_90 = tpu.vector_load %arg7[%swap3A_89] {strides = array<i32>} : memref<128xf32, #tpu.memory_space<vmem>>, vector<16xf32>,
      %swap3A_91 = vector.shape_cast %swap3A_90 : vector<16xf32> to vector<16xf32>
      %swap3A_92 = vector.shape_cast %broadcast_in_dim3A_88 : vector<16xf32> to vector<16xf32>
      tpu.vector_store %arg7[%swap3A_89], %swap3A_92 {strides = array<i32>} : memref<128xf32, #tpu.memory_space<vmem>>, vector<16xf32>,
      %broadcast_in_dim3A_93 = arith.constant 1.000000e+00 : f32
      %broadcast_in_dim3A_94 = vector.broadcast %broadcast_in_dim3A_93 : f32 to vector<16xf32>
      %swap3A_95 = arith.constant 80 : index
      %swap3A_96 = tpu.vector_load %arg7[%swap3A_95] {strides = array<i32>} : memref<128xf32, #tpu.memory_space<vmem>>, vector<16xf32>,
      %swap3A_97 = vector.shape_cast %swap3A_96 : vector<16xf32> to vector<16xf32>
      %swap3A_98 = vector.shape_cast %broadcast_in_dim3A_94 : vector<16xf32> to vector<16xf32>
      tpu.vector_store %arg7[%swap3A_95], %swap3A_98 {strides = array<i32>} : memref<128xf32, #tpu.memory_space<vmem>>, vector<16xf32>,
      %broadcast_in_dim3A_99 = arith.constant 1.000000e+00 : f32
      %broadcast_in_dim3A_100 = vector.broadcast %broadcast_in_dim3A_99 : f32 to vector<16xf32>
      %swap3A_101 = arith.constant 96 : index
      %swap3A_102 = tpu.vector_load %arg7[%swap3A_101] {strides = array<i32>} : memref<128xf32, #tpu.memory_space<vmem>>, vector<16xf32>,
      %swap3A_103 = vector.shape_cast %swap3A_102 : vector<16xf32> to vector<16xf32>
      %swap3A_104 = vector.shape_cast %broadcast_in_dim3A_100 : vector<16xf32> to vector<16xf32>
      tpu.vector_store %arg7[%swap3A_101], %swap3A_104 {strides = array<i32>} : memref<128xf32, #tpu.memory_space<vmem>>, vector<16xf32>,
      %broadcast_in_dim3A_105 = arith.constant 1.000000e+00 : f32
      %broadcast_in_dim3A_106 = vector.broadcast %broadcast_in_dim3A_105 : f32 to vector<16xf32>
      %swap3A_107 = arith.constant 112 : index
      %swap3A_108 = tpu.vector_load %arg7[%swap3A_107] {strides = array<i32>} : memref<128xf32, #tpu.memory_space<vmem>>, vector<16xf32>,
      %swap3A_109 = vector.shape_cast %swap3A_108 : vector<16xf32> to vector<16xf32>
      %swap3A_110 = vector.shape_cast %broadcast_in_dim3A_106 : vector<16xf32> to vector<16xf32>
      tpu.vector_store %arg7[%swap3A_107], %swap3A_110 {strides = array<i32>} : memref<128xf32, #tpu.memory_space<vmem>>, vector<16xf32>,
      %barrier3A = arith.constant 0 : index
      tpu.barrier barrier_id(%barrier3A)
      %scan3A = arith.constant 0 : i32
      %scan3A_111 = arith.constant 0 : i32
      %scan3A_112 = arith.constant 20 : i32
      %scan3A_113 = arith.addi %scan3A_111, %scan3A_112 : i32
      %scan3A_114 = arith.constant 1 : i32
      scf.for %scan3A_117 = %scan3A_111 to %scan3A_113 step %scan3A_114  : i32 {
        %mul3A_118 = arith.constant 8 : i32
        %mul3A_119 = arith.muli %scan3A_117, %mul3A_118 : i32
        "tpu.region"() ({
          %run_scoped3A = tpu.sem_alloc : memref<!tpu.dma_semaphore, #tpu.memory_space<semaphore_mem>>
          %dma_start3A = arith.constant 0 : i32
          %dma_start3A_125 = tpu.memref_slice %arg3[%arg1, %mul3A_119, %dma_start3A] : memref<16x160x128xi32, #tpu.memory_space<hbm>> -> memref<1x8x128xi32, #tpu.memory_space<hbm>>
          %dma_start3A_126 = tpu.memref_squeeze %dma_start3A_125 : memref<1x8x128xi32, #tpu.memory_space<hbm>> -> memref<8x128xi32, #tpu.memory_space<hbm>>
          %dma_start3A_127 = arith.constant 0 : i32
          %dma_start3A_128 = tpu.memref_slice %arg3[%arg1, %mul3A_119, %dma_start3A_127] : memref<16x160x128xi32, #tpu.memory_space<hbm>> -> memref<1x8x128xi32, #tpu.memory_space<hbm>>
          %dma_start3A_129 = tpu.memref_squeeze %dma_start3A_128 : memref<1x8x128xi32, #tpu.memory_space<hbm>> -> memref<8x128xi32, #tpu.memory_space<hbm>>
          tpu.enqueue_dma source(%dma_start3A_129 : memref<8x128xi32, #tpu.memory_space<hbm>>) target(%arg6 : memref<8x128xi32, #tpu.memory_space<vmem>>) target_semaphore(%run_scoped3A : memref<!tpu.dma_semaphore, #tpu.memory_space<semaphore_mem>>)
          %dma_wait3A = arith.constant 0 : i32
          %dma_wait3A_130 = tpu.memref_slice %arg3[%arg1, %mul3A_119, %dma_wait3A] : memref<16x160x128xi32, #tpu.memory_space<hbm>> -> memref<1x8x128xi32, #tpu.memory_space<hbm>>
          %dma_wait3A_131 = tpu.memref_squeeze %dma_wait3A_130 : memref<1x8x128xi32, #tpu.memory_space<hbm>> -> memref<8x128xi32, #tpu.memory_space<hbm>>
          %dma_wait3A_132 = arith.constant 0 : i32
          %dma_wait3A_133 = tpu.memref_slice %arg3[%arg1, %mul3A_119, %dma_wait3A_132] : memref<16x160x128xi32, #tpu.memory_space<hbm>> -> memref<1x8x128xi32, #tpu.memory_space<hbm>>
          %dma_wait3A_134 = tpu.memref_squeeze %dma_wait3A_133 : memref<1x8x128xi32, #tpu.memory_space<hbm>> -> memref<8x128xi32, #tpu.memory_space<hbm>>
          tpu.wait_dma2 semaphore(%run_scoped3A : memref<!tpu.dma_semaphore, #tpu.memory_space<semaphore_mem>>) src(%dma_wait3A_134 : memref<8x128xi32, #tpu.memory_space<hbm>>) dst(%arg6 : memref<8x128xi32, #tpu.memory_space<vmem>>)
          tpu.yield
        }) : () -> ()
        %scan3A_120 = arith.constant 0 : i32
        %scan3A_121 = arith.constant 8 : i32
        %scan3A_122 = arith.addi %scan3A_120, %scan3A_121 : i32
        %scan3A_123 = arith.constant 1 : i32
        scf.for %scan3A_125 = %scan3A_120 to %scan3A_122 step %scan3A_123  : i32 {
          "tpu.region"() ({
            %run_scoped3A = tpu.sem_alloc : memref<!tpu.dma_semaphore, #tpu.memory_space<semaphore_mem>>
            %dma_start3A = arith.constant 0 : i32
            %dma_start3A_126 = tpu.memref_slice %arg6[%scan3A_125, %dma_start3A] : memref<8x128xi32, #tpu.memory_space<vmem>> -> memref<1x128xi32, #tpu.memory_space<vmem>>
            %dma_start3A_127 = tpu.memref_squeeze %dma_start3A_126 : memref<1x128xi32, #tpu.memory_space<vmem>> -> memref<128xi32, #tpu.memory_space<vmem>>
            %dma_start3A_128 = arith.constant 0 : i32
            %dma_start3A_129 = tpu.memref_slice %arg8[%dma_start3A_128] : memref<10240xf32, #tpu.memory_space<vmem_shared>> -> memref<10240xf32, #tpu.memory_space<vmem_shared>>
            tpu.enqueue_indirect_dma source(%arg7 : memref<128xf32, #tpu.memory_space<vmem>>) target(%dma_start3A_129 : memref<10240xf32, #tpu.memory_space<vmem_shared>>) offsets(%dma_start3A_127 : memref<128xi32, #tpu.memory_space<vmem>>) semaphore(%run_scoped3A : memref<!tpu.dma_semaphore, #tpu.memory_space<semaphore_mem>>) {add = true}
            %dma_wait3A = arith.constant 0 : i32
            %dma_wait3A_130 = tpu.memref_slice %arg6[%scan3A_125, %dma_wait3A] : memref<8x128xi32, #tpu.memory_space<vmem>> -> memref<1x128xi32, #tpu.memory_space<vmem>>
            %dma_wait3A_131 = tpu.memref_squeeze %dma_wait3A_130 : memref<1x128xi32, #tpu.memory_space<vmem>> -> memref<128xi32, #tpu.memory_space<vmem>>
            %dma_wait3A_132 = arith.constant 0 : i32
            %dma_wait3A_133 = tpu.memref_slice %arg8[%dma_wait3A_132] : memref<10240xf32, #tpu.memory_space<vmem_shared>> -> memref<10240xf32, #tpu.memory_space<vmem_shared>>
            tpu.wait_indirect_dma semaphore(%run_scoped3A : memref<!tpu.dma_semaphore, #tpu.memory_space<semaphore_mem>>) src(%arg7 : memref<128xf32, #tpu.memory_space<vmem>>) dst(%dma_wait3A_133 : memref<10240xf32, #tpu.memory_space<vmem_shared>>)
            tpu.yield
          }) : () -> ()
        }
        %scan3A_124 = arith.constant 8 : i32
      }
      %scan3A_115 = arith.constant 20 : i32
      %barrier3A_116 = arith.constant 0 : index
      tpu.barrier barrier_id(%barrier3A_116)
      "tpu.region"() ({
        %run_scoped3A = tpu.sem_alloc : memref<!tpu.dma_semaphore, #tpu.memory_space<semaphore_mem>>
        %dma_start3A = tpu.memref_slice %arg5[%mul3A_53] : memref<10240xf32, #tpu.memory_space<hbm>> -> memref<640xf32, #tpu.memory_space<hbm>>
        %dma_start3A_117 = tpu.memref_slice %arg8[%mul3A_53] : memref<10240xf32, #tpu.memory_space<vmem_shared>> -> memref<640xf32, #tpu.memory_space<vmem_shared>>
        tpu.enqueue_dma source(%dma_start3A_117 : memref<640xf32, #tpu.memory_space<vmem_shared>>) target(%dma_start3A : memref<640xf32, #tpu.memory_space<hbm>>) target_semaphore(%run_scoped3A : memref<!tpu.dma_semaphore, #tpu.memory_space<semaphore_mem>>)
        %dma_wait3A = tpu.memref_slice %arg5[%mul3A_53] : memref<10240xf32, #tpu.memory_space<hbm>> -> memref<640xf32, #tpu.memory_space<hbm>>
        %dma_wait3A_118 = tpu.memref_slice %arg8[%mul3A_53] : memref<10240xf32, #tpu.memory_space<vmem_shared>> -> memref<640xf32, #tpu.memory_space<vmem_shared>>
        tpu.wait_dma2 semaphore(%run_scoped3A : memref<!tpu.dma_semaphore, #tpu.memory_space<semaphore_mem>>) src(%dma_wait3A_118 : memref<640xf32, #tpu.memory_space<vmem_shared>>) dst(%dma_wait3A : memref<640xf32, #tpu.memory_space<hbm>>)
        tpu.yield
      }) : () -> ()
    } else {
    }
    return
  }
}

#map = affine_map<(d0, d1) -> (0, 0)>
#map1 = affine_map<(d0, d1) -> (0, 0, 0)>
module attributes {stable_mosaic.version = 14 : i64} {
  func.func @_agg_kernel(%arg0: i32, %arg1: i32, %arg2: memref<10000x128xf32, #tpu.memory_space<hbm>>, %arg3: memref<10000x128xf32, #tpu.memory_space<hbm>>, %arg4: memref<16x168x128xi32, #tpu.memory_space<hbm>>, %arg5: memref<16x160x128xi32, #tpu.memory_space<hbm>>, %arg6: memref<16x168x128xi32, #tpu.memory_space<hbm>>, %arg7: memref<16x160x128xi32, #tpu.memory_space<hbm>>, %arg8: memref<10240x128xf32, #tpu.memory_space<hbm>>, %arg9: memref<10240x128xf32, #tpu.memory_space<hbm>>, %arg10: memref<8x128xi32, #tpu.memory_space<vmem>>, %arg11: memref<8x128xi32, #tpu.memory_space<vmem>>, %arg12: memref<128x128xf32, #tpu.memory_space<vmem>>, %arg13: memref<128x128xf32, #tpu.memory_space<vmem>>, %arg14: memref<10240x128xf32, #tpu.memory_space<vmem_shared>>, %arg15: memref<!tpu.dma_semaphore, #tpu.memory_space<semaphore_mem>>, %arg16: memref<!tpu.dma_semaphore, #tpu.memory_space<semaphore_mem>>, %arg17: memref<!tpu.dma_semaphore, #tpu.memory_space<semaphore_mem>>) attributes {dimension_semantics = [#tpu.dimension_semantics<core_parallel>, #tpu.dimension_semantics<subcore_parallel>], iteration_bounds = array<i64: 2, 16>, scalar_prefetch = 0 : i64, scratch_operands = 8 : i64, tpu.core_type = #tpu.core_type<sc_vector_subcore>, window_params = [{transform_indices = #map}, {transform_indices = #map}, {transform_indices = #map1}, {transform_indices = #map1}, {transform_indices = #map1}, {transform_indices = #map1}, {transform_indices = #map}, {transform_indices = #map}]} {
    %eq3A = arith.constant 0 : i32
    %eq3A_0 = arith.cmpi eq, %arg0, %eq3A : i32
    %convert_element_type3A = arith.extui %eq3A_0 : i1 to i32
    %cond3A = arith.constant 0 : i32
    %cond3A_1 = arith.cmpi ne, %convert_element_type3A, %cond3A : i32
    scf.if %cond3A_1 {
      %scan3A = arith.constant 0 : i32
      %scan3A_7 = arith.constant 0 : i32
      %scan3A_8 = arith.constant 128 : i32
      %scan3A_9 = arith.addi %scan3A_7, %scan3A_8 : i32
      %scan3A_10 = arith.constant 1 : i32
      scf.for %scan3A_55 = %scan3A_7 to %scan3A_9 step %scan3A_10  : i32 {
        %broadcast_in_dim3A = arith.constant 0.000000e+00 : f32
        %broadcast_in_dim3A_56 = vector.broadcast %broadcast_in_dim3A : f32 to vector<16xf32>
        %swap3A = arith.index_cast %scan3A_55 : i32 to index
        %swap3A_57 = arith.constant 0 : index
        %swap3A_58 = tpu.vector_load %arg12[%swap3A, %swap3A_57] {strides = array<i32>} : memref<128x128xf32, #tpu.memory_space<vmem>>, vector<1x16xf32>,
        %swap3A_59 = vector.shape_cast %swap3A_58 : vector<1x16xf32> to vector<16xf32>
        %swap3A_60 = vector.shape_cast %broadcast_in_dim3A_56 : vector<16xf32> to vector<1x16xf32>
        tpu.vector_store %arg12[%swap3A, %swap3A_57], %swap3A_60 {strides = array<i32>} : memref<128x128xf32, #tpu.memory_space<vmem>>, vector<1x16xf32>,
        %broadcast_in_dim3A_61 = arith.constant 0.000000e+00 : f32
        %broadcast_in_dim3A_62 = vector.broadcast %broadcast_in_dim3A_61 : f32 to vector<16xf32>
        %swap3A_63 = arith.index_cast %scan3A_55 : i32 to index
        %swap3A_64 = arith.constant 0 : index
        %swap3A_65 = tpu.vector_load %arg13[%swap3A_63, %swap3A_64] {strides = array<i32>} : memref<128x128xf32, #tpu.memory_space<vmem>>, vector<1x16xf32>,
        %swap3A_66 = vector.shape_cast %swap3A_65 : vector<1x16xf32> to vector<16xf32>
        %swap3A_67 = vector.shape_cast %broadcast_in_dim3A_62 : vector<16xf32> to vector<1x16xf32>
        tpu.vector_store %arg13[%swap3A_63, %swap3A_64], %swap3A_67 {strides = array<i32>} : memref<128x128xf32, #tpu.memory_space<vmem>>, vector<1x16xf32>,
        %broadcast_in_dim3A_68 = arith.constant 0.000000e+00 : f32
        %broadcast_in_dim3A_69 = vector.broadcast %broadcast_in_dim3A_68 : f32 to vector<16xf32>
        %swap3A_70 = arith.index_cast %scan3A_55 : i32 to index
        %swap3A_71 = arith.constant 16 : index
        %swap3A_72 = tpu.vector_load %arg12[%swap3A_70, %swap3A_71] {strides = array<i32>} : memref<128x128xf32, #tpu.memory_space<vmem>>, vector<1x16xf32>,
        %swap3A_73 = vector.shape_cast %swap3A_72 : vector<1x16xf32> to vector<16xf32>
        %swap3A_74 = vector.shape_cast %broadcast_in_dim3A_69 : vector<16xf32> to vector<1x16xf32>
        tpu.vector_store %arg12[%swap3A_70, %swap3A_71], %swap3A_74 {strides = array<i32>} : memref<128x128xf32, #tpu.memory_space<vmem>>, vector<1x16xf32>,
        %broadcast_in_dim3A_75 = arith.constant 0.000000e+00 : f32
        %broadcast_in_dim3A_76 = vector.broadcast %broadcast_in_dim3A_75 : f32 to vector<16xf32>
        %swap3A_77 = arith.index_cast %scan3A_55 : i32 to index
        %swap3A_78 = arith.constant 16 : index
        %swap3A_79 = tpu.vector_load %arg13[%swap3A_77, %swap3A_78] {strides = array<i32>} : memref<128x128xf32, #tpu.memory_space<vmem>>, vector<1x16xf32>,
        %swap3A_80 = vector.shape_cast %swap3A_79 : vector<1x16xf32> to vector<16xf32>
        %swap3A_81 = vector.shape_cast %broadcast_in_dim3A_76 : vector<16xf32> to vector<1x16xf32>
        tpu.vector_store %arg13[%swap3A_77, %swap3A_78], %swap3A_81 {strides = array<i32>} : memref<128x128xf32, #tpu.memory_space<vmem>>, vector<1x16xf32>,
        %broadcast_in_dim3A_82 = arith.constant 0.000000e+00 : f32
        %broadcast_in_dim3A_83 = vector.broadcast %broadcast_in_dim3A_82 : f32 to vector<16xf32>
        %swap3A_84 = arith.index_cast %scan3A_55 : i32 to index
        %swap3A_85 = arith.constant 32 : index
        %swap3A_86 = tpu.vector_load %arg12[%swap3A_84, %swap3A_85] {strides = array<i32>} : memref<128x128xf32, #tpu.memory_space<vmem>>, vector<1x16xf32>,
        %swap3A_87 = vector.shape_cast %swap3A_86 : vector<1x16xf32> to vector<16xf32>
        %swap3A_88 = vector.shape_cast %broadcast_in_dim3A_83 : vector<16xf32> to vector<1x16xf32>
        tpu.vector_store %arg12[%swap3A_84, %swap3A_85], %swap3A_88 {strides = array<i32>} : memref<128x128xf32, #tpu.memory_space<vmem>>, vector<1x16xf32>,
        %broadcast_in_dim3A_89 = arith.constant 0.000000e+00 : f32
        %broadcast_in_dim3A_90 = vector.broadcast %broadcast_in_dim3A_89 : f32 to vector<16xf32>
        %swap3A_91 = arith.index_cast %scan3A_55 : i32 to index
        %swap3A_92 = arith.constant 32 : index
        %swap3A_93 = tpu.vector_load %arg13[%swap3A_91, %swap3A_92] {strides = array<i32>} : memref<128x128xf32, #tpu.memory_space<vmem>>, vector<1x16xf32>,
        %swap3A_94 = vector.shape_cast %swap3A_93 : vector<1x16xf32> to vector<16xf32>
        %swap3A_95 = vector.shape_cast %broadcast_in_dim3A_90 : vector<16xf32> to vector<1x16xf32>
        tpu.vector_store %arg13[%swap3A_91, %swap3A_92], %swap3A_95 {strides = array<i32>} : memref<128x128xf32, #tpu.memory_space<vmem>>, vector<1x16xf32>,
        %broadcast_in_dim3A_96 = arith.constant 0.000000e+00 : f32
        %broadcast_in_dim3A_97 = vector.broadcast %broadcast_in_dim3A_96 : f32 to vector<16xf32>
        %swap3A_98 = arith.index_cast %scan3A_55 : i32 to index
        %swap3A_99 = arith.constant 48 : index
        %swap3A_100 = tpu.vector_load %arg12[%swap3A_98, %swap3A_99] {strides = array<i32>} : memref<128x128xf32, #tpu.memory_space<vmem>>, vector<1x16xf32>,
        %swap3A_101 = vector.shape_cast %swap3A_100 : vector<1x16xf32> to vector<16xf32>
        %swap3A_102 = vector.shape_cast %broadcast_in_dim3A_97 : vector<16xf32> to vector<1x16xf32>
        tpu.vector_store %arg12[%swap3A_98, %swap3A_99], %swap3A_102 {strides = array<i32>} : memref<128x128xf32, #tpu.memory_space<vmem>>, vector<1x16xf32>,
        %broadcast_in_dim3A_103 = arith.constant 0.000000e+00 : f32
        %broadcast_in_dim3A_104 = vector.broadcast %broadcast_in_dim3A_103 : f32 to vector<16xf32>
        %swap3A_105 = arith.index_cast %scan3A_55 : i32 to index
        %swap3A_106 = arith.constant 48 : index
        %swap3A_107 = tpu.vector_load %arg13[%swap3A_105, %swap3A_106] {strides = array<i32>} : memref<128x128xf32, #tpu.memory_space<vmem>>, vector<1x16xf32>,
        %swap3A_108 = vector.shape_cast %swap3A_107 : vector<1x16xf32> to vector<16xf32>
        %swap3A_109 = vector.shape_cast %broadcast_in_dim3A_104 : vector<16xf32> to vector<1x16xf32>
        tpu.vector_store %arg13[%swap3A_105, %swap3A_106], %swap3A_109 {strides = array<i32>} : memref<128x128xf32, #tpu.memory_space<vmem>>, vector<1x16xf32>,
        %broadcast_in_dim3A_110 = arith.constant 0.000000e+00 : f32
        %broadcast_in_dim3A_111 = vector.broadcast %broadcast_in_dim3A_110 : f32 to vector<16xf32>
        %swap3A_112 = arith.index_cast %scan3A_55 : i32 to index
        %swap3A_113 = arith.constant 64 : index
        %swap3A_114 = tpu.vector_load %arg12[%swap3A_112, %swap3A_113] {strides = array<i32>} : memref<128x128xf32, #tpu.memory_space<vmem>>, vector<1x16xf32>,
        %swap3A_115 = vector.shape_cast %swap3A_114 : vector<1x16xf32> to vector<16xf32>
        %swap3A_116 = vector.shape_cast %broadcast_in_dim3A_111 : vector<16xf32> to vector<1x16xf32>
        tpu.vector_store %arg12[%swap3A_112, %swap3A_113], %swap3A_116 {strides = array<i32>} : memref<128x128xf32, #tpu.memory_space<vmem>>, vector<1x16xf32>,
        %broadcast_in_dim3A_117 = arith.constant 0.000000e+00 : f32
        %broadcast_in_dim3A_118 = vector.broadcast %broadcast_in_dim3A_117 : f32 to vector<16xf32>
        %swap3A_119 = arith.index_cast %scan3A_55 : i32 to index
        %swap3A_120 = arith.constant 64 : index
        %swap3A_121 = tpu.vector_load %arg13[%swap3A_119, %swap3A_120] {strides = array<i32>} : memref<128x128xf32, #tpu.memory_space<vmem>>, vector<1x16xf32>,
        %swap3A_122 = vector.shape_cast %swap3A_121 : vector<1x16xf32> to vector<16xf32>
        %swap3A_123 = vector.shape_cast %broadcast_in_dim3A_118 : vector<16xf32> to vector<1x16xf32>
        tpu.vector_store %arg13[%swap3A_119, %swap3A_120], %swap3A_123 {strides = array<i32>} : memref<128x128xf32, #tpu.memory_space<vmem>>, vector<1x16xf32>,
        %broadcast_in_dim3A_124 = arith.constant 0.000000e+00 : f32
        %broadcast_in_dim3A_125 = vector.broadcast %broadcast_in_dim3A_124 : f32 to vector<16xf32>
        %swap3A_126 = arith.index_cast %scan3A_55 : i32 to index
        %swap3A_127 = arith.constant 80 : index
        %swap3A_128 = tpu.vector_load %arg12[%swap3A_126, %swap3A_127] {strides = array<i32>} : memref<128x128xf32, #tpu.memory_space<vmem>>, vector<1x16xf32>,
        %swap3A_129 = vector.shape_cast %swap3A_128 : vector<1x16xf32> to vector<16xf32>
        %swap3A_130 = vector.shape_cast %broadcast_in_dim3A_125 : vector<16xf32> to vector<1x16xf32>
        tpu.vector_store %arg12[%swap3A_126, %swap3A_127], %swap3A_130 {strides = array<i32>} : memref<128x128xf32, #tpu.memory_space<vmem>>, vector<1x16xf32>,
        %broadcast_in_dim3A_131 = arith.constant 0.000000e+00 : f32
        %broadcast_in_dim3A_132 = vector.broadcast %broadcast_in_dim3A_131 : f32 to vector<16xf32>
        %swap3A_133 = arith.index_cast %scan3A_55 : i32 to index
        %swap3A_134 = arith.constant 80 : index
        %swap3A_135 = tpu.vector_load %arg13[%swap3A_133, %swap3A_134] {strides = array<i32>} : memref<128x128xf32, #tpu.memory_space<vmem>>, vector<1x16xf32>,
        %swap3A_136 = vector.shape_cast %swap3A_135 : vector<1x16xf32> to vector<16xf32>
        %swap3A_137 = vector.shape_cast %broadcast_in_dim3A_132 : vector<16xf32> to vector<1x16xf32>
        tpu.vector_store %arg13[%swap3A_133, %swap3A_134], %swap3A_137 {strides = array<i32>} : memref<128x128xf32, #tpu.memory_space<vmem>>, vector<1x16xf32>,
        %broadcast_in_dim3A_138 = arith.constant 0.000000e+00 : f32
        %broadcast_in_dim3A_139 = vector.broadcast %broadcast_in_dim3A_138 : f32 to vector<16xf32>
        %swap3A_140 = arith.index_cast %scan3A_55 : i32 to index
        %swap3A_141 = arith.constant 96 : index
        %swap3A_142 = tpu.vector_load %arg12[%swap3A_140, %swap3A_141] {strides = array<i32>} : memref<128x128xf32, #tpu.memory_space<vmem>>, vector<1x16xf32>,
        %swap3A_143 = vector.shape_cast %swap3A_142 : vector<1x16xf32> to vector<16xf32>
        %swap3A_144 = vector.shape_cast %broadcast_in_dim3A_139 : vector<16xf32> to vector<1x16xf32>
        tpu.vector_store %arg12[%swap3A_140, %swap3A_141], %swap3A_144 {strides = array<i32>} : memref<128x128xf32, #tpu.memory_space<vmem>>, vector<1x16xf32>,
        %broadcast_in_dim3A_145 = arith.constant 0.000000e+00 : f32
        %broadcast_in_dim3A_146 = vector.broadcast %broadcast_in_dim3A_145 : f32 to vector<16xf32>
        %swap3A_147 = arith.index_cast %scan3A_55 : i32 to index
        %swap3A_148 = arith.constant 96 : index
        %swap3A_149 = tpu.vector_load %arg13[%swap3A_147, %swap3A_148] {strides = array<i32>} : memref<128x128xf32, #tpu.memory_space<vmem>>, vector<1x16xf32>,
        %swap3A_150 = vector.shape_cast %swap3A_149 : vector<1x16xf32> to vector<16xf32>
        %swap3A_151 = vector.shape_cast %broadcast_in_dim3A_146 : vector<16xf32> to vector<1x16xf32>
        tpu.vector_store %arg13[%swap3A_147, %swap3A_148], %swap3A_151 {strides = array<i32>} : memref<128x128xf32, #tpu.memory_space<vmem>>, vector<1x16xf32>,
        %broadcast_in_dim3A_152 = arith.constant 0.000000e+00 : f32
        %broadcast_in_dim3A_153 = vector.broadcast %broadcast_in_dim3A_152 : f32 to vector<16xf32>
        %swap3A_154 = arith.index_cast %scan3A_55 : i32 to index
        %swap3A_155 = arith.constant 112 : index
        %swap3A_156 = tpu.vector_load %arg12[%swap3A_154, %swap3A_155] {strides = array<i32>} : memref<128x128xf32, #tpu.memory_space<vmem>>, vector<1x16xf32>,
        %swap3A_157 = vector.shape_cast %swap3A_156 : vector<1x16xf32> to vector<16xf32>
        %swap3A_158 = vector.shape_cast %broadcast_in_dim3A_153 : vector<16xf32> to vector<1x16xf32>
        tpu.vector_store %arg12[%swap3A_154, %swap3A_155], %swap3A_158 {strides = array<i32>} : memref<128x128xf32, #tpu.memory_space<vmem>>, vector<1x16xf32>,
        %broadcast_in_dim3A_159 = arith.constant 0.000000e+00 : f32
        %broadcast_in_dim3A_160 = vector.broadcast %broadcast_in_dim3A_159 : f32 to vector<16xf32>
        %swap3A_161 = arith.index_cast %scan3A_55 : i32 to index
        %swap3A_162 = arith.constant 112 : index
        %swap3A_163 = tpu.vector_load %arg13[%swap3A_161, %swap3A_162] {strides = array<i32>} : memref<128x128xf32, #tpu.memory_space<vmem>>, vector<1x16xf32>,
        %swap3A_164 = vector.shape_cast %swap3A_163 : vector<1x16xf32> to vector<16xf32>
        %swap3A_165 = vector.shape_cast %broadcast_in_dim3A_160 : vector<16xf32> to vector<1x16xf32>
        tpu.vector_store %arg13[%swap3A_161, %swap3A_162], %swap3A_165 {strides = array<i32>} : memref<128x128xf32, #tpu.memory_space<vmem>>, vector<1x16xf32>,
      }
      %scan3A_11 = arith.constant 128 : i32
      %mul3A = arith.constant 640 : i32
      %mul3A_12 = arith.muli %arg1, %mul3A : i32
      %add3A = arith.constant 0 : i32
      %add3A_13 = arith.addi %mul3A_12, %add3A : i32
      "tpu.region"() ({
        %run_scoped3A = tpu.sem_alloc : memref<!tpu.dma_semaphore, #tpu.memory_space<semaphore_mem>>
        %dma_start3A_55 = arith.constant 0 : i32
        %dma_start3A_56 = tpu.memref_slice %arg14[%add3A_13, %dma_start3A_55] : memref<10240x128xf32, #tpu.memory_space<vmem_shared>> -> memref<128x128xf32, #tpu.memory_space<vmem_shared>>
        %dma_start3A_57 = arith.constant 0 : i32
        %dma_start3A_58 = tpu.memref_slice %arg14[%add3A_13, %dma_start3A_57] : memref<10240x128xf32, #tpu.memory_space<vmem_shared>> -> memref<128x128xf32, #tpu.memory_space<vmem_shared>>
        tpu.enqueue_dma source(%arg12 : memref<128x128xf32, #tpu.memory_space<vmem>>) target(%dma_start3A_58 : memref<128x128xf32, #tpu.memory_space<vmem_shared>>) target_semaphore(%run_scoped3A : memref<!tpu.dma_semaphore, #tpu.memory_space<semaphore_mem>>)
        %dma_wait3A_59 = arith.constant 0 : i32
        %dma_wait3A_60 = tpu.memref_slice %arg14[%add3A_13, %dma_wait3A_59] : memref<10240x128xf32, #tpu.memory_space<vmem_shared>> -> memref<128x128xf32, #tpu.memory_space<vmem_shared>>
        %dma_wait3A_61 = arith.constant 0 : i32
        %dma_wait3A_62 = tpu.memref_slice %arg14[%add3A_13, %dma_wait3A_61] : memref<10240x128xf32, #tpu.memory_space<vmem_shared>> -> memref<128x128xf32, #tpu.memory_space<vmem_shared>>
        tpu.wait_dma2 semaphore(%run_scoped3A : memref<!tpu.dma_semaphore, #tpu.memory_space<semaphore_mem>>) src(%arg12 : memref<128x128xf32, #tpu.memory_space<vmem>>) dst(%dma_wait3A_62 : memref<128x128xf32, #tpu.memory_space<vmem_shared>>)
        tpu.yield
      }) : () -> ()
      %add3A_14 = arith.constant 128 : i32
      %add3A_15 = arith.addi %mul3A_12, %add3A_14 : i32
      "tpu.region"() ({
        %run_scoped3A = tpu.sem_alloc : memref<!tpu.dma_semaphore, #tpu.memory_space<semaphore_mem>>
        %dma_start3A_55 = arith.constant 0 : i32
        %dma_start3A_56 = tpu.memref_slice %arg14[%add3A_15, %dma_start3A_55] : memref<10240x128xf32, #tpu.memory_space<vmem_shared>> -> memref<128x128xf32, #tpu.memory_space<vmem_shared>>
        %dma_start3A_57 = arith.constant 0 : i32
        %dma_start3A_58 = tpu.memref_slice %arg14[%add3A_15, %dma_start3A_57] : memref<10240x128xf32, #tpu.memory_space<vmem_shared>> -> memref<128x128xf32, #tpu.memory_space<vmem_shared>>
        tpu.enqueue_dma source(%arg12 : memref<128x128xf32, #tpu.memory_space<vmem>>) target(%dma_start3A_58 : memref<128x128xf32, #tpu.memory_space<vmem_shared>>) target_semaphore(%run_scoped3A : memref<!tpu.dma_semaphore, #tpu.memory_space<semaphore_mem>>)
        %dma_wait3A_59 = arith.constant 0 : i32
        %dma_wait3A_60 = tpu.memref_slice %arg14[%add3A_15, %dma_wait3A_59] : memref<10240x128xf32, #tpu.memory_space<vmem_shared>> -> memref<128x128xf32, #tpu.memory_space<vmem_shared>>
        %dma_wait3A_61 = arith.constant 0 : i32
        %dma_wait3A_62 = tpu.memref_slice %arg14[%add3A_15, %dma_wait3A_61] : memref<10240x128xf32, #tpu.memory_space<vmem_shared>> -> memref<128x128xf32, #tpu.memory_space<vmem_shared>>
        tpu.wait_dma2 semaphore(%run_scoped3A : memref<!tpu.dma_semaphore, #tpu.memory_space<semaphore_mem>>) src(%arg12 : memref<128x128xf32, #tpu.memory_space<vmem>>) dst(%dma_wait3A_62 : memref<128x128xf32, #tpu.memory_space<vmem_shared>>)
        tpu.yield
      }) : () -> ()
      %add3A_16 = arith.constant 256 : i32
      %add3A_17 = arith.addi %mul3A_12, %add3A_16 : i32
      "tpu.region"() ({
        %run_scoped3A = tpu.sem_alloc : memref<!tpu.dma_semaphore, #tpu.memory_space<semaphore_mem>>
        %dma_start3A_55 = arith.constant 0 : i32
        %dma_start3A_56 = tpu.memref_slice %arg14[%add3A_17, %dma_start3A_55] : memref<10240x128xf32, #tpu.memory_space<vmem_shared>> -> memref<128x128xf32, #tpu.memory_space<vmem_shared>>
        %dma_start3A_57 = arith.constant 0 : i32
        %dma_start3A_58 = tpu.memref_slice %arg14[%add3A_17, %dma_start3A_57] : memref<10240x128xf32, #tpu.memory_space<vmem_shared>> -> memref<128x128xf32, #tpu.memory_space<vmem_shared>>
        tpu.enqueue_dma source(%arg12 : memref<128x128xf32, #tpu.memory_space<vmem>>) target(%dma_start3A_58 : memref<128x128xf32, #tpu.memory_space<vmem_shared>>) target_semaphore(%run_scoped3A : memref<!tpu.dma_semaphore, #tpu.memory_space<semaphore_mem>>)
        %dma_wait3A_59 = arith.constant 0 : i32
        %dma_wait3A_60 = tpu.memref_slice %arg14[%add3A_17, %dma_wait3A_59] : memref<10240x128xf32, #tpu.memory_space<vmem_shared>> -> memref<128x128xf32, #tpu.memory_space<vmem_shared>>
        %dma_wait3A_61 = arith.constant 0 : i32
        %dma_wait3A_62 = tpu.memref_slice %arg14[%add3A_17, %dma_wait3A_61] : memref<10240x128xf32, #tpu.memory_space<vmem_shared>> -> memref<128x128xf32, #tpu.memory_space<vmem_shared>>
        tpu.wait_dma2 semaphore(%run_scoped3A : memref<!tpu.dma_semaphore, #tpu.memory_space<semaphore_mem>>) src(%arg12 : memref<128x128xf32, #tpu.memory_space<vmem>>) dst(%dma_wait3A_62 : memref<128x128xf32, #tpu.memory_space<vmem_shared>>)
        tpu.yield
      }) : () -> ()
      %add3A_18 = arith.constant 384 : i32
      %add3A_19 = arith.addi %mul3A_12, %add3A_18 : i32
      "tpu.region"() ({
        %run_scoped3A = tpu.sem_alloc : memref<!tpu.dma_semaphore, #tpu.memory_space<semaphore_mem>>
        %dma_start3A_55 = arith.constant 0 : i32
        %dma_start3A_56 = tpu.memref_slice %arg14[%add3A_19, %dma_start3A_55] : memref<10240x128xf32, #tpu.memory_space<vmem_shared>> -> memref<128x128xf32, #tpu.memory_space<vmem_shared>>
        %dma_start3A_57 = arith.constant 0 : i32
        %dma_start3A_58 = tpu.memref_slice %arg14[%add3A_19, %dma_start3A_57] : memref<10240x128xf32, #tpu.memory_space<vmem_shared>> -> memref<128x128xf32, #tpu.memory_space<vmem_shared>>
        tpu.enqueue_dma source(%arg12 : memref<128x128xf32, #tpu.memory_space<vmem>>) target(%dma_start3A_58 : memref<128x128xf32, #tpu.memory_space<vmem_shared>>) target_semaphore(%run_scoped3A : memref<!tpu.dma_semaphore, #tpu.memory_space<semaphore_mem>>)
        %dma_wait3A_59 = arith.constant 0 : i32
        %dma_wait3A_60 = tpu.memref_slice %arg14[%add3A_19, %dma_wait3A_59] : memref<10240x128xf32, #tpu.memory_space<vmem_shared>> -> memref<128x128xf32, #tpu.memory_space<vmem_shared>>
        %dma_wait3A_61 = arith.constant 0 : i32
        %dma_wait3A_62 = tpu.memref_slice %arg14[%add3A_19, %dma_wait3A_61] : memref<10240x128xf32, #tpu.memory_space<vmem_shared>> -> memref<128x128xf32, #tpu.memory_space<vmem_shared>>
        tpu.wait_dma2 semaphore(%run_scoped3A : memref<!tpu.dma_semaphore, #tpu.memory_space<semaphore_mem>>) src(%arg12 : memref<128x128xf32, #tpu.memory_space<vmem>>) dst(%dma_wait3A_62 : memref<128x128xf32, #tpu.memory_space<vmem_shared>>)
        tpu.yield
      }) : () -> ()
      %add3A_20 = arith.constant 512 : i32
      %add3A_21 = arith.addi %mul3A_12, %add3A_20 : i32
      "tpu.region"() ({
        %run_scoped3A = tpu.sem_alloc : memref<!tpu.dma_semaphore, #tpu.memory_space<semaphore_mem>>
        %dma_start3A_55 = arith.constant 0 : i32
        %dma_start3A_56 = tpu.memref_slice %arg14[%add3A_21, %dma_start3A_55] : memref<10240x128xf32, #tpu.memory_space<vmem_shared>> -> memref<128x128xf32, #tpu.memory_space<vmem_shared>>
        %dma_start3A_57 = arith.constant 0 : i32
        %dma_start3A_58 = tpu.memref_slice %arg14[%add3A_21, %dma_start3A_57] : memref<10240x128xf32, #tpu.memory_space<vmem_shared>> -> memref<128x128xf32, #tpu.memory_space<vmem_shared>>
        tpu.enqueue_dma source(%arg12 : memref<128x128xf32, #tpu.memory_space<vmem>>) target(%dma_start3A_58 : memref<128x128xf32, #tpu.memory_space<vmem_shared>>) target_semaphore(%run_scoped3A : memref<!tpu.dma_semaphore, #tpu.memory_space<semaphore_mem>>)
        %dma_wait3A_59 = arith.constant 0 : i32
        %dma_wait3A_60 = tpu.memref_slice %arg14[%add3A_21, %dma_wait3A_59] : memref<10240x128xf32, #tpu.memory_space<vmem_shared>> -> memref<128x128xf32, #tpu.memory_space<vmem_shared>>
        %dma_wait3A_61 = arith.constant 0 : i32
        %dma_wait3A_62 = tpu.memref_slice %arg14[%add3A_21, %dma_wait3A_61] : memref<10240x128xf32, #tpu.memory_space<vmem_shared>> -> memref<128x128xf32, #tpu.memory_space<vmem_shared>>
        tpu.wait_dma2 semaphore(%run_scoped3A : memref<!tpu.dma_semaphore, #tpu.memory_space<semaphore_mem>>) src(%arg12 : memref<128x128xf32, #tpu.memory_space<vmem>>) dst(%dma_wait3A_62 : memref<128x128xf32, #tpu.memory_space<vmem_shared>>)
        tpu.yield
      }) : () -> ()
      %barrier3A = arith.constant 0 : index
      tpu.barrier barrier_id(%barrier3A)
      "tpu.region"() ({
        %run_scoped3A = tpu.sem_alloc : memref<!tpu.dma_semaphore, #tpu.memory_space<semaphore_mem>>
        %dma_start3A_55 = arith.constant 0 : i32
        %dma_start3A_56 = arith.constant 0 : i32
        %dma_start3A_57 = tpu.memref_slice %arg5[%arg1, %dma_start3A_55, %dma_start3A_56] : memref<16x160x128xi32, #tpu.memory_space<hbm>> -> memref<1x8x128xi32, #tpu.memory_space<hbm>>
        %dma_start3A_58 = tpu.memref_squeeze %dma_start3A_57 : memref<1x8x128xi32, #tpu.memory_space<hbm>> -> memref<8x128xi32, #tpu.memory_space<hbm>>
        %dma_start3A_59 = arith.constant 0 : i32
        %dma_start3A_60 = arith.constant 0 : i32
        %dma_start3A_61 = tpu.memref_slice %arg5[%arg1, %dma_start3A_59, %dma_start3A_60] : memref<16x160x128xi32, #tpu.memory_space<hbm>> -> memref<1x8x128xi32, #tpu.memory_space<hbm>>
        %dma_start3A_62 = tpu.memref_squeeze %dma_start3A_61 : memref<1x8x128xi32, #tpu.memory_space<hbm>> -> memref<8x128xi32, #tpu.memory_space<hbm>>
        tpu.enqueue_dma source(%dma_start3A_62 : memref<8x128xi32, #tpu.memory_space<hbm>>) target(%arg11 : memref<8x128xi32, #tpu.memory_space<vmem>>) target_semaphore(%run_scoped3A : memref<!tpu.dma_semaphore, #tpu.memory_space<semaphore_mem>>)
        %dma_wait3A_63 = arith.constant 0 : i32
        %dma_wait3A_64 = arith.constant 0 : i32
        %dma_wait3A_65 = tpu.memref_slice %arg5[%arg1, %dma_wait3A_63, %dma_wait3A_64] : memref<16x160x128xi32, #tpu.memory_space<hbm>> -> memref<1x8x128xi32, #tpu.memory_space<hbm>>
        %dma_wait3A_66 = tpu.memref_squeeze %dma_wait3A_65 : memref<1x8x128xi32, #tpu.memory_space<hbm>> -> memref<8x128xi32, #tpu.memory_space<hbm>>
        %dma_wait3A_67 = arith.constant 0 : i32
        %dma_wait3A_68 = arith.constant 0 : i32
        %dma_wait3A_69 = tpu.memref_slice %arg5[%arg1, %dma_wait3A_67, %dma_wait3A_68] : memref<16x160x128xi32, #tpu.memory_space<hbm>> -> memref<1x8x128xi32, #tpu.memory_space<hbm>>
        %dma_wait3A_70 = tpu.memref_squeeze %dma_wait3A_69 : memref<1x8x128xi32, #tpu.memory_space<hbm>> -> memref<8x128xi32, #tpu.memory_space<hbm>>
        tpu.wait_dma2 semaphore(%run_scoped3A : memref<!tpu.dma_semaphore, #tpu.memory_space<semaphore_mem>>) src(%dma_wait3A_70 : memref<8x128xi32, #tpu.memory_space<hbm>>) dst(%arg11 : memref<8x128xi32, #tpu.memory_space<vmem>>)
        tpu.yield
      }) : () -> ()
      "tpu.region"() ({
        %run_scoped3A = tpu.sem_alloc : memref<!tpu.dma_semaphore, #tpu.memory_space<semaphore_mem>>
        %dma_start3A_55 = arith.constant 0 : i32
        %dma_start3A_56 = arith.constant 0 : i32
        %dma_start3A_57 = tpu.memref_slice %arg4[%arg1, %dma_start3A_55, %dma_start3A_56] : memref<16x168x128xi32, #tpu.memory_space<hbm>> -> memref<1x8x128xi32, #tpu.memory_space<hbm>>
        %dma_start3A_58 = tpu.memref_squeeze %dma_start3A_57 : memref<1x8x128xi32, #tpu.memory_space<hbm>> -> memref<8x128xi32, #tpu.memory_space<hbm>>
        %dma_start3A_59 = arith.constant 0 : i32
        %dma_start3A_60 = arith.constant 0 : i32
        %dma_start3A_61 = tpu.memref_slice %arg4[%arg1, %dma_start3A_59, %dma_start3A_60] : memref<16x168x128xi32, #tpu.memory_space<hbm>> -> memref<1x8x128xi32, #tpu.memory_space<hbm>>
        %dma_start3A_62 = tpu.memref_squeeze %dma_start3A_61 : memref<1x8x128xi32, #tpu.memory_space<hbm>> -> memref<8x128xi32, #tpu.memory_space<hbm>>
        tpu.enqueue_dma source(%dma_start3A_62 : memref<8x128xi32, #tpu.memory_space<hbm>>) target(%arg10 : memref<8x128xi32, #tpu.memory_space<vmem>>) target_semaphore(%run_scoped3A : memref<!tpu.dma_semaphore, #tpu.memory_space<semaphore_mem>>)
        %dma_wait3A_63 = arith.constant 0 : i32
        %dma_wait3A_64 = arith.constant 0 : i32
        %dma_wait3A_65 = tpu.memref_slice %arg4[%arg1, %dma_wait3A_63, %dma_wait3A_64] : memref<16x168x128xi32, #tpu.memory_space<hbm>> -> memref<1x8x128xi32, #tpu.memory_space<hbm>>
        %dma_wait3A_66 = tpu.memref_squeeze %dma_wait3A_65 : memref<1x8x128xi32, #tpu.memory_space<hbm>> -> memref<8x128xi32, #tpu.memory_space<hbm>>
        %dma_wait3A_67 = arith.constant 0 : i32
        %dma_wait3A_68 = arith.constant 0 : i32
        %dma_wait3A_69 = tpu.memref_slice %arg4[%arg1, %dma_wait3A_67, %dma_wait3A_68] : memref<16x168x128xi32, #tpu.memory_space<hbm>> -> memref<1x8x128xi32, #tpu.memory_space<hbm>>
        %dma_wait3A_70 = tpu.memref_squeeze %dma_wait3A_69 : memref<1x8x128xi32, #tpu.memory_space<hbm>> -> memref<8x128xi32, #tpu.memory_space<hbm>>
        tpu.wait_dma2 semaphore(%run_scoped3A : memref<!tpu.dma_semaphore, #tpu.memory_space<semaphore_mem>>) src(%dma_wait3A_70 : memref<8x128xi32, #tpu.memory_space<hbm>>) dst(%arg10 : memref<8x128xi32, #tpu.memory_space<vmem>>)
        tpu.yield
      }) : () -> ()
      %dma_start3A = arith.constant 0 : i32
      %dma_start3A_22 = arith.constant 0 : i32
      %dma_start3A_23 = tpu.memref_slice %arg11[%dma_start3A, %dma_start3A_22] : memref<8x128xi32, #tpu.memory_space<vmem>> -> memref<1x128xi32, #tpu.memory_space<vmem>>
      %dma_start3A_24 = tpu.memref_squeeze %dma_start3A_23 : memref<1x128xi32, #tpu.memory_space<vmem>> -> memref<128xi32, #tpu.memory_space<vmem>>
      %dma_start3A_25 = arith.constant 0 : i32
      %dma_start3A_26 = arith.constant 0 : i32
      %dma_start3A_27 = tpu.memref_slice %arg14[%dma_start3A_25, %dma_start3A_26] : memref<10240x128xf32, #tpu.memory_space<vmem_shared>> -> memref<10240x128xf32, #tpu.memory_space<vmem_shared>>
      tpu.enqueue_indirect_dma source(%arg13 : memref<128x128xf32, #tpu.memory_space<vmem>>) target(%dma_start3A_27 : memref<10240x128xf32, #tpu.memory_space<vmem_shared>>) offsets(%dma_start3A_24 : memref<128xi32, #tpu.memory_space<vmem>>) semaphore(%arg17 : memref<!tpu.dma_semaphore, #tpu.memory_space<semaphore_mem>>) {add = true}
      %dma_start3A_28 = arith.constant 0 : i32
      %dma_start3A_29 = arith.constant 0 : i32
      %dma_start3A_30 = tpu.memref_slice %arg10[%dma_start3A_28, %dma_start3A_29] : memref<8x128xi32, #tpu.memory_space<vmem>> -> memref<1x128xi32, #tpu.memory_space<vmem>>
      %dma_start3A_31 = tpu.memref_squeeze %dma_start3A_30 : memref<1x128xi32, #tpu.memory_space<vmem>> -> memref<128xi32, #tpu.memory_space<vmem>>
      %dma_start3A_32 = arith.constant 0 : i32
      %dma_start3A_33 = arith.constant 0 : i32
      %dma_start3A_34 = tpu.memref_slice %arg2[%dma_start3A_32, %dma_start3A_33] : memref<10000x128xf32, #tpu.memory_space<hbm>> -> memref<10000x128xf32, #tpu.memory_space<hbm>>
      tpu.enqueue_indirect_dma source(%dma_start3A_34 : memref<10000x128xf32, #tpu.memory_space<hbm>>) target(%arg12 : memref<128x128xf32, #tpu.memory_space<vmem>>) offsets(%dma_start3A_31 : memref<128xi32, #tpu.memory_space<vmem>>) semaphore(%arg15 : memref<!tpu.dma_semaphore, #tpu.memory_space<semaphore_mem>>)
      %scan3A_35 = arith.constant 0 : i32
      %scan3A_36 = arith.constant 0 : i32
      %scan3A_37 = arith.constant 20 : i32
      %scan3A_38 = arith.addi %scan3A_36, %scan3A_37 : i32
      %scan3A_39 = arith.constant 1 : i32
      scf.for %scan3A_55 = %scan3A_36 to %scan3A_38 step %scan3A_39  : i32 {
        %dma_wait3A_56 = arith.constant 0 : i32
        %dma_wait3A_57 = arith.constant 0 : i32
        %dma_wait3A_58 = tpu.memref_slice %arg11[%dma_wait3A_56, %dma_wait3A_57] : memref<8x128xi32, #tpu.memory_space<vmem>> -> memref<1x128xi32, #tpu.memory_space<vmem>>
        %dma_wait3A_59 = tpu.memref_squeeze %dma_wait3A_58 : memref<1x128xi32, #tpu.memory_space<vmem>> -> memref<128xi32, #tpu.memory_space<vmem>>
        %dma_wait3A_60 = arith.constant 0 : i32
        %dma_wait3A_61 = arith.constant 0 : i32
        %dma_wait3A_62 = tpu.memref_slice %arg14[%dma_wait3A_60, %dma_wait3A_61] : memref<10240x128xf32, #tpu.memory_space<vmem_shared>> -> memref<10240x128xf32, #tpu.memory_space<vmem_shared>>
        tpu.wait_indirect_dma semaphore(%arg17 : memref<!tpu.dma_semaphore, #tpu.memory_space<semaphore_mem>>) src(%arg13 : memref<128x128xf32, #tpu.memory_space<vmem>>) dst(%dma_wait3A_62 : memref<10240x128xf32, #tpu.memory_space<vmem_shared>>)
        %mul3A_63 = arith.constant 8 : i32
        %mul3A_64 = arith.muli %scan3A_55, %mul3A_63 : i32
        "tpu.region"() ({
          %run_scoped3A = tpu.sem_alloc : memref<!tpu.dma_semaphore, #tpu.memory_space<semaphore_mem>>
          %dma_start3A_286 = arith.constant 0 : i32
          %dma_start3A_287 = tpu.memref_slice %arg5[%arg1, %mul3A_64, %dma_start3A_286] : memref<16x160x128xi32, #tpu.memory_space<hbm>> -> memref<1x8x128xi32, #tpu.memory_space<hbm>>
          %dma_start3A_288 = tpu.memref_squeeze %dma_start3A_287 : memref<1x8x128xi32, #tpu.memory_space<hbm>> -> memref<8x128xi32, #tpu.memory_space<hbm>>
          %dma_start3A_289 = arith.constant 0 : i32
          %dma_start3A_290 = tpu.memref_slice %arg5[%arg1, %mul3A_64, %dma_start3A_289] : memref<16x160x128xi32, #tpu.memory_space<hbm>> -> memref<1x8x128xi32, #tpu.memory_space<hbm>>
          %dma_start3A_291 = tpu.memref_squeeze %dma_start3A_290 : memref<1x8x128xi32, #tpu.memory_space<hbm>> -> memref<8x128xi32, #tpu.memory_space<hbm>>
          tpu.enqueue_dma source(%dma_start3A_291 : memref<8x128xi32, #tpu.memory_space<hbm>>) target(%arg11 : memref<8x128xi32, #tpu.memory_space<vmem>>) target_semaphore(%run_scoped3A : memref<!tpu.dma_semaphore, #tpu.memory_space<semaphore_mem>>)
          %dma_wait3A_292 = arith.constant 0 : i32
          %dma_wait3A_293 = tpu.memref_slice %arg5[%arg1, %mul3A_64, %dma_wait3A_292] : memref<16x160x128xi32, #tpu.memory_space<hbm>> -> memref<1x8x128xi32, #tpu.memory_space<hbm>>
          %dma_wait3A_294 = tpu.memref_squeeze %dma_wait3A_293 : memref<1x8x128xi32, #tpu.memory_space<hbm>> -> memref<8x128xi32, #tpu.memory_space<hbm>>
          %dma_wait3A_295 = arith.constant 0 : i32
          %dma_wait3A_296 = tpu.memref_slice %arg5[%arg1, %mul3A_64, %dma_wait3A_295] : memref<16x160x128xi32, #tpu.memory_space<hbm>> -> memref<1x8x128xi32, #tpu.memory_space<hbm>>
          %dma_wait3A_297 = tpu.memref_squeeze %dma_wait3A_296 : memref<1x8x128xi32, #tpu.memory_space<hbm>> -> memref<8x128xi32, #tpu.memory_space<hbm>>
          tpu.wait_dma2 semaphore(%run_scoped3A : memref<!tpu.dma_semaphore, #tpu.memory_space<semaphore_mem>>) src(%dma_wait3A_297 : memref<8x128xi32, #tpu.memory_space<hbm>>) dst(%arg11 : memref<8x128xi32, #tpu.memory_space<vmem>>)
          tpu.yield
        }) : () -> ()
        %dma_wait3A_65 = arith.constant 0 : i32
        %dma_wait3A_66 = arith.constant 0 : i32
        %dma_wait3A_67 = tpu.memref_slice %arg10[%dma_wait3A_65, %dma_wait3A_66] : memref<8x128xi32, #tpu.memory_space<vmem>> -> memref<1x128xi32, #tpu.memory_space<vmem>>
        %dma_wait3A_68 = tpu.memref_squeeze %dma_wait3A_67 : memref<1x128xi32, #tpu.memory_space<vmem>> -> memref<128xi32, #tpu.memory_space<vmem>>
        %dma_wait3A_69 = arith.constant 0 : i32
        %dma_wait3A_70 = arith.constant 0 : i32
        %dma_wait3A_71 = tpu.memref_slice %arg2[%dma_wait3A_69, %dma_wait3A_70] : memref<10000x128xf32, #tpu.memory_space<hbm>> -> memref<10000x128xf32, #tpu.memory_space<hbm>>
        tpu.wait_indirect_dma semaphore(%arg15 : memref<!tpu.dma_semaphore, #tpu.memory_space<semaphore_mem>>) src(%dma_wait3A_71 : memref<10000x128xf32, #tpu.memory_space<hbm>>) dst(%arg12 : memref<128x128xf32, #tpu.memory_space<vmem>>)
        %dma_start3A_72 = arith.constant 0 : i32
        %dma_start3A_73 = arith.constant 0 : i32
        %dma_start3A_74 = tpu.memref_slice %arg11[%dma_start3A_72, %dma_start3A_73] : memref<8x128xi32, #tpu.memory_space<vmem>> -> memref<1x128xi32, #tpu.memory_space<vmem>>
        %dma_start3A_75 = tpu.memref_squeeze %dma_start3A_74 : memref<1x128xi32, #tpu.memory_space<vmem>> -> memref<128xi32, #tpu.memory_space<vmem>>
        %dma_start3A_76 = arith.constant 0 : i32
        %dma_start3A_77 = arith.constant 0 : i32
        %dma_start3A_78 = tpu.memref_slice %arg14[%dma_start3A_76, %dma_start3A_77] : memref<10240x128xf32, #tpu.memory_space<vmem_shared>> -> memref<10240x128xf32, #tpu.memory_space<vmem_shared>>
        tpu.enqueue_indirect_dma source(%arg12 : memref<128x128xf32, #tpu.memory_space<vmem>>) target(%dma_start3A_78 : memref<10240x128xf32, #tpu.memory_space<vmem_shared>>) offsets(%dma_start3A_75 : memref<128xi32, #tpu.memory_space<vmem>>) semaphore(%arg16 : memref<!tpu.dma_semaphore, #tpu.memory_space<semaphore_mem>>) {add = true}
        %dma_start3A_79 = arith.constant 1 : i32
        %dma_start3A_80 = arith.constant 0 : i32
        %dma_start3A_81 = tpu.memref_slice %arg10[%dma_start3A_79, %dma_start3A_80] : memref<8x128xi32, #tpu.memory_space<vmem>> -> memref<1x128xi32, #tpu.memory_space<vmem>>
        %dma_start3A_82 = tpu.memref_squeeze %dma_start3A_81 : memref<1x128xi32, #tpu.memory_space<vmem>> -> memref<128xi32, #tpu.memory_space<vmem>>
        %dma_start3A_83 = arith.constant 0 : i32
        %dma_start3A_84 = arith.constant 0 : i32
        %dma_start3A_85 = tpu.memref_slice %arg2[%dma_start3A_83, %dma_start3A_84] : memref<10000x128xf32, #tpu.memory_space<hbm>> -> memref<10000x128xf32, #tpu.memory_space<hbm>>
        tpu.enqueue_indirect_dma source(%dma_start3A_85 : memref<10000x128xf32, #tpu.memory_space<hbm>>) target(%arg13 : memref<128x128xf32, #tpu.memory_space<vmem>>) offsets(%dma_start3A_82 : memref<128xi32, #tpu.memory_space<vmem>>) semaphore(%arg15 : memref<!tpu.dma_semaphore, #tpu.memory_space<semaphore_mem>>)
        %dma_wait3A_86 = arith.constant 1 : i32
        %dma_wait3A_87 = arith.constant 0 : i32
        %dma_wait3A_88 = tpu.memref_slice %arg10[%dma_wait3A_86, %dma_wait3A_87] : memref<8x128xi32, #tpu.memory_space<vmem>> -> memref<1x128xi32, #tpu.memory_space<vmem>>
        %dma_wait3A_89 = tpu.memref_squeeze %dma_wait3A_88 : memref<1x128xi32, #tpu.memory_space<vmem>> -> memref<128xi32, #tpu.memory_space<vmem>>
        %dma_wait3A_90 = arith.constant 0 : i32
        %dma_wait3A_91 = arith.constant 0 : i32
        %dma_wait3A_92 = tpu.memref_slice %arg2[%dma_wait3A_90, %dma_wait3A_91] : memref<10000x128xf32, #tpu.memory_space<hbm>> -> memref<10000x128xf32, #tpu.memory_space<hbm>>
        tpu.wait_indirect_dma semaphore(%arg15 : memref<!tpu.dma_semaphore, #tpu.memory_space<semaphore_mem>>) src(%dma_wait3A_92 : memref<10000x128xf32, #tpu.memory_space<hbm>>) dst(%arg13 : memref<128x128xf32, #tpu.memory_space<vmem>>)
        %dma_start3A_93 = arith.constant 1 : i32
        %dma_start3A_94 = arith.constant 0 : i32
        %dma_start3A_95 = tpu.memref_slice %arg11[%dma_start3A_93, %dma_start3A_94] : memref<8x128xi32, #tpu.memory_space<vmem>> -> memref<1x128xi32, #tpu.memory_space<vmem>>
        %dma_start3A_96 = tpu.memref_squeeze %dma_start3A_95 : memref<1x128xi32, #tpu.memory_space<vmem>> -> memref<128xi32, #tpu.memory_space<vmem>>
        %dma_start3A_97 = arith.constant 0 : i32
        %dma_start3A_98 = arith.constant 0 : i32
        %dma_start3A_99 = tpu.memref_slice %arg14[%dma_start3A_97, %dma_start3A_98] : memref<10240x128xf32, #tpu.memory_space<vmem_shared>> -> memref<10240x128xf32, #tpu.memory_space<vmem_shared>>
        tpu.enqueue_indirect_dma source(%arg13 : memref<128x128xf32, #tpu.memory_space<vmem>>) target(%dma_start3A_99 : memref<10240x128xf32, #tpu.memory_space<vmem_shared>>) offsets(%dma_start3A_96 : memref<128xi32, #tpu.memory_space<vmem>>) semaphore(%arg17 : memref<!tpu.dma_semaphore, #tpu.memory_space<semaphore_mem>>) {add = true}
        %dma_wait3A_100 = arith.constant 0 : i32
        %dma_wait3A_101 = arith.constant 0 : i32
        %dma_wait3A_102 = tpu.memref_slice %arg11[%dma_wait3A_100, %dma_wait3A_101] : memref<8x128xi32, #tpu.memory_space<vmem>> -> memref<1x128xi32, #tpu.memory_space<vmem>>
        %dma_wait3A_103 = tpu.memref_squeeze %dma_wait3A_102 : memref<1x128xi32, #tpu.memory_space<vmem>> -> memref<128xi32, #tpu.memory_space<vmem>>
        %dma_wait3A_104 = arith.constant 0 : i32
        %dma_wait3A_105 = arith.constant 0 : i32
        %dma_wait3A_106 = tpu.memref_slice %arg14[%dma_wait3A_104, %dma_wait3A_105] : memref<10240x128xf32, #tpu.memory_space<vmem_shared>> -> memref<10240x128xf32, #tpu.memory_space<vmem_shared>>
        tpu.wait_indirect_dma semaphore(%arg16 : memref<!tpu.dma_semaphore, #tpu.memory_space<semaphore_mem>>) src(%arg12 : memref<128x128xf32, #tpu.memory_space<vmem>>) dst(%dma_wait3A_106 : memref<10240x128xf32, #tpu.memory_space<vmem_shared>>)
        %dma_start3A_107 = arith.constant 2 : i32
        %dma_start3A_108 = arith.constant 0 : i32
        %dma_start3A_109 = tpu.memref_slice %arg10[%dma_start3A_107, %dma_start3A_108] : memref<8x128xi32, #tpu.memory_space<vmem>> -> memref<1x128xi32, #tpu.memory_space<vmem>>
        %dma_start3A_110 = tpu.memref_squeeze %dma_start3A_109 : memref<1x128xi32, #tpu.memory_space<vmem>> -> memref<128xi32, #tpu.memory_space<vmem>>
        %dma_start3A_111 = arith.constant 0 : i32
        %dma_start3A_112 = arith.constant 0 : i32
        %dma_start3A_113 = tpu.memref_slice %arg2[%dma_start3A_111, %dma_start3A_112] : memref<10000x128xf32, #tpu.memory_space<hbm>> -> memref<10000x128xf32, #tpu.memory_space<hbm>>
        tpu.enqueue_indirect_dma source(%dma_start3A_113 : memref<10000x128xf32, #tpu.memory_space<hbm>>) target(%arg12 : memref<128x128xf32, #tpu.memory_space<vmem>>) offsets(%dma_start3A_110 : memref<128xi32, #tpu.memory_space<vmem>>) semaphore(%arg15 : memref<!tpu.dma_semaphore, #tpu.memory_space<semaphore_mem>>)
        %dma_wait3A_114 = arith.constant 2 : i32
        %dma_wait3A_115 = arith.constant 0 : i32
        %dma_wait3A_116 = tpu.memref_slice %arg10[%dma_wait3A_114, %dma_wait3A_115] : memref<8x128xi32, #tpu.memory_space<vmem>> -> memref<1x128xi32, #tpu.memory_space<vmem>>
        %dma_wait3A_117 = tpu.memref_squeeze %dma_wait3A_116 : memref<1x128xi32, #tpu.memory_space<vmem>> -> memref<128xi32, #tpu.memory_space<vmem>>
        %dma_wait3A_118 = arith.constant 0 : i32
        %dma_wait3A_119 = arith.constant 0 : i32
        %dma_wait3A_120 = tpu.memref_slice %arg2[%dma_wait3A_118, %dma_wait3A_119] : memref<10000x128xf32, #tpu.memory_space<hbm>> -> memref<10000x128xf32, #tpu.memory_space<hbm>>
        tpu.wait_indirect_dma semaphore(%arg15 : memref<!tpu.dma_semaphore, #tpu.memory_space<semaphore_mem>>) src(%dma_wait3A_120 : memref<10000x128xf32, #tpu.memory_space<hbm>>) dst(%arg12 : memref<128x128xf32, #tpu.memory_space<vmem>>)
        %dma_start3A_121 = arith.constant 2 : i32
        %dma_start3A_122 = arith.constant 0 : i32
        %dma_start3A_123 = tpu.memref_slice %arg11[%dma_start3A_121, %dma_start3A_122] : memref<8x128xi32, #tpu.memory_space<vmem>> -> memref<1x128xi32, #tpu.memory_space<vmem>>
        %dma_start3A_124 = tpu.memref_squeeze %dma_start3A_123 : memref<1x128xi32, #tpu.memory_space<vmem>> -> memref<128xi32, #tpu.memory_space<vmem>>
        %dma_start3A_125 = arith.constant 0 : i32
        %dma_start3A_126 = arith.constant 0 : i32
        %dma_start3A_127 = tpu.memref_slice %arg14[%dma_start3A_125, %dma_start3A_126] : memref<10240x128xf32, #tpu.memory_space<vmem_shared>> -> memref<10240x128xf32, #tpu.memory_space<vmem_shared>>
        tpu.enqueue_indirect_dma source(%arg12 : memref<128x128xf32, #tpu.memory_space<vmem>>) target(%dma_start3A_127 : memref<10240x128xf32, #tpu.memory_space<vmem_shared>>) offsets(%dma_start3A_124 : memref<128xi32, #tpu.memory_space<vmem>>) semaphore(%arg16 : memref<!tpu.dma_semaphore, #tpu.memory_space<semaphore_mem>>) {add = true}
        %dma_wait3A_128 = arith.constant 1 : i32
        %dma_wait3A_129 = arith.constant 0 : i32
        %dma_wait3A_130 = tpu.memref_slice %arg11[%dma_wait3A_128, %dma_wait3A_129] : memref<8x128xi32, #tpu.memory_space<vmem>> -> memref<1x128xi32, #tpu.memory_space<vmem>>
        %dma_wait3A_131 = tpu.memref_squeeze %dma_wait3A_130 : memref<1x128xi32, #tpu.memory_space<vmem>> -> memref<128xi32, #tpu.memory_space<vmem>>
        %dma_wait3A_132 = arith.constant 0 : i32
        %dma_wait3A_133 = arith.constant 0 : i32
        %dma_wait3A_134 = tpu.memref_slice %arg14[%dma_wait3A_132, %dma_wait3A_133] : memref<10240x128xf32, #tpu.memory_space<vmem_shared>> -> memref<10240x128xf32, #tpu.memory_space<vmem_shared>>
        tpu.wait_indirect_dma semaphore(%arg17 : memref<!tpu.dma_semaphore, #tpu.memory_space<semaphore_mem>>) src(%arg13 : memref<128x128xf32, #tpu.memory_space<vmem>>) dst(%dma_wait3A_134 : memref<10240x128xf32, #tpu.memory_space<vmem_shared>>)
        %dma_start3A_135 = arith.constant 3 : i32
        %dma_start3A_136 = arith.constant 0 : i32
        %dma_start3A_137 = tpu.memref_slice %arg10[%dma_start3A_135, %dma_start3A_136] : memref<8x128xi32, #tpu.memory_space<vmem>> -> memref<1x128xi32, #tpu.memory_space<vmem>>
        %dma_start3A_138 = tpu.memref_squeeze %dma_start3A_137 : memref<1x128xi32, #tpu.memory_space<vmem>> -> memref<128xi32, #tpu.memory_space<vmem>>
        %dma_start3A_139 = arith.constant 0 : i32
        %dma_start3A_140 = arith.constant 0 : i32
        %dma_start3A_141 = tpu.memref_slice %arg2[%dma_start3A_139, %dma_start3A_140] : memref<10000x128xf32, #tpu.memory_space<hbm>> -> memref<10000x128xf32, #tpu.memory_space<hbm>>
        tpu.enqueue_indirect_dma source(%dma_start3A_141 : memref<10000x128xf32, #tpu.memory_space<hbm>>) target(%arg13 : memref<128x128xf32, #tpu.memory_space<vmem>>) offsets(%dma_start3A_138 : memref<128xi32, #tpu.memory_space<vmem>>) semaphore(%arg15 : memref<!tpu.dma_semaphore, #tpu.memory_space<semaphore_mem>>)
        %dma_wait3A_142 = arith.constant 3 : i32
        %dma_wait3A_143 = arith.constant 0 : i32
        %dma_wait3A_144 = tpu.memref_slice %arg10[%dma_wait3A_142, %dma_wait3A_143] : memref<8x128xi32, #tpu.memory_space<vmem>> -> memref<1x128xi32, #tpu.memory_space<vmem>>
        %dma_wait3A_145 = tpu.memref_squeeze %dma_wait3A_144 : memref<1x128xi32, #tpu.memory_space<vmem>> -> memref<128xi32, #tpu.memory_space<vmem>>
        %dma_wait3A_146 = arith.constant 0 : i32
        %dma_wait3A_147 = arith.constant 0 : i32
        %dma_wait3A_148 = tpu.memref_slice %arg2[%dma_wait3A_146, %dma_wait3A_147] : memref<10000x128xf32, #tpu.memory_space<hbm>> -> memref<10000x128xf32, #tpu.memory_space<hbm>>
        tpu.wait_indirect_dma semaphore(%arg15 : memref<!tpu.dma_semaphore, #tpu.memory_space<semaphore_mem>>) src(%dma_wait3A_148 : memref<10000x128xf32, #tpu.memory_space<hbm>>) dst(%arg13 : memref<128x128xf32, #tpu.memory_space<vmem>>)
        %dma_start3A_149 = arith.constant 3 : i32
        %dma_start3A_150 = arith.constant 0 : i32
        %dma_start3A_151 = tpu.memref_slice %arg11[%dma_start3A_149, %dma_start3A_150] : memref<8x128xi32, #tpu.memory_space<vmem>> -> memref<1x128xi32, #tpu.memory_space<vmem>>
        %dma_start3A_152 = tpu.memref_squeeze %dma_start3A_151 : memref<1x128xi32, #tpu.memory_space<vmem>> -> memref<128xi32, #tpu.memory_space<vmem>>
        %dma_start3A_153 = arith.constant 0 : i32
        %dma_start3A_154 = arith.constant 0 : i32
        %dma_start3A_155 = tpu.memref_slice %arg14[%dma_start3A_153, %dma_start3A_154] : memref<10240x128xf32, #tpu.memory_space<vmem_shared>> -> memref<10240x128xf32, #tpu.memory_space<vmem_shared>>
        tpu.enqueue_indirect_dma source(%arg13 : memref<128x128xf32, #tpu.memory_space<vmem>>) target(%dma_start3A_155 : memref<10240x128xf32, #tpu.memory_space<vmem_shared>>) offsets(%dma_start3A_152 : memref<128xi32, #tpu.memory_space<vmem>>) semaphore(%arg17 : memref<!tpu.dma_semaphore, #tpu.memory_space<semaphore_mem>>) {add = true}
        %dma_wait3A_156 = arith.constant 2 : i32
        %dma_wait3A_157 = arith.constant 0 : i32
        %dma_wait3A_158 = tpu.memref_slice %arg11[%dma_wait3A_156, %dma_wait3A_157] : memref<8x128xi32, #tpu.memory_space<vmem>> -> memref<1x128xi32, #tpu.memory_space<vmem>>
        %dma_wait3A_159 = tpu.memref_squeeze %dma_wait3A_158 : memref<1x128xi32, #tpu.memory_space<vmem>> -> memref<128xi32, #tpu.memory_space<vmem>>
        %dma_wait3A_160 = arith.constant 0 : i32
        %dma_wait3A_161 = arith.constant 0 : i32
        %dma_wait3A_162 = tpu.memref_slice %arg14[%dma_wait3A_160, %dma_wait3A_161] : memref<10240x128xf32, #tpu.memory_space<vmem_shared>> -> memref<10240x128xf32, #tpu.memory_space<vmem_shared>>
        tpu.wait_indirect_dma semaphore(%arg16 : memref<!tpu.dma_semaphore, #tpu.memory_space<semaphore_mem>>) src(%arg12 : memref<128x128xf32, #tpu.memory_space<vmem>>) dst(%dma_wait3A_162 : memref<10240x128xf32, #tpu.memory_space<vmem_shared>>)
        %dma_start3A_163 = arith.constant 4 : i32
        %dma_start3A_164 = arith.constant 0 : i32
        %dma_start3A_165 = tpu.memref_slice %arg10[%dma_start3A_163, %dma_start3A_164] : memref<8x128xi32, #tpu.memory_space<vmem>> -> memref<1x128xi32, #tpu.memory_space<vmem>>
        %dma_start3A_166 = tpu.memref_squeeze %dma_start3A_165 : memref<1x128xi32, #tpu.memory_space<vmem>> -> memref<128xi32, #tpu.memory_space<vmem>>
        %dma_start3A_167 = arith.constant 0 : i32
        %dma_start3A_168 = arith.constant 0 : i32
        %dma_start3A_169 = tpu.memref_slice %arg2[%dma_start3A_167, %dma_start3A_168] : memref<10000x128xf32, #tpu.memory_space<hbm>> -> memref<10000x128xf32, #tpu.memory_space<hbm>>
        tpu.enqueue_indirect_dma source(%dma_start3A_169 : memref<10000x128xf32, #tpu.memory_space<hbm>>) target(%arg12 : memref<128x128xf32, #tpu.memory_space<vmem>>) offsets(%dma_start3A_166 : memref<128xi32, #tpu.memory_space<vmem>>) semaphore(%arg15 : memref<!tpu.dma_semaphore, #tpu.memory_space<semaphore_mem>>)
        %dma_wait3A_170 = arith.constant 4 : i32
        %dma_wait3A_171 = arith.constant 0 : i32
        %dma_wait3A_172 = tpu.memref_slice %arg10[%dma_wait3A_170, %dma_wait3A_171] : memref<8x128xi32, #tpu.memory_space<vmem>> -> memref<1x128xi32, #tpu.memory_space<vmem>>
        %dma_wait3A_173 = tpu.memref_squeeze %dma_wait3A_172 : memref<1x128xi32, #tpu.memory_space<vmem>> -> memref<128xi32, #tpu.memory_space<vmem>>
        %dma_wait3A_174 = arith.constant 0 : i32
        %dma_wait3A_175 = arith.constant 0 : i32
        %dma_wait3A_176 = tpu.memref_slice %arg2[%dma_wait3A_174, %dma_wait3A_175] : memref<10000x128xf32, #tpu.memory_space<hbm>> -> memref<10000x128xf32, #tpu.memory_space<hbm>>
        tpu.wait_indirect_dma semaphore(%arg15 : memref<!tpu.dma_semaphore, #tpu.memory_space<semaphore_mem>>) src(%dma_wait3A_176 : memref<10000x128xf32, #tpu.memory_space<hbm>>) dst(%arg12 : memref<128x128xf32, #tpu.memory_space<vmem>>)
        %dma_start3A_177 = arith.constant 4 : i32
        %dma_start3A_178 = arith.constant 0 : i32
        %dma_start3A_179 = tpu.memref_slice %arg11[%dma_start3A_177, %dma_start3A_178] : memref<8x128xi32, #tpu.memory_space<vmem>> -> memref<1x128xi32, #tpu.memory_space<vmem>>
        %dma_start3A_180 = tpu.memref_squeeze %dma_start3A_179 : memref<1x128xi32, #tpu.memory_space<vmem>> -> memref<128xi32, #tpu.memory_space<vmem>>
        %dma_start3A_181 = arith.constant 0 : i32
        %dma_start3A_182 = arith.constant 0 : i32
        %dma_start3A_183 = tpu.memref_slice %arg14[%dma_start3A_181, %dma_start3A_182] : memref<10240x128xf32, #tpu.memory_space<vmem_shared>> -> memref<10240x128xf32, #tpu.memory_space<vmem_shared>>
        tpu.enqueue_indirect_dma source(%arg12 : memref<128x128xf32, #tpu.memory_space<vmem>>) target(%dma_start3A_183 : memref<10240x128xf32, #tpu.memory_space<vmem_shared>>) offsets(%dma_start3A_180 : memref<128xi32, #tpu.memory_space<vmem>>) semaphore(%arg16 : memref<!tpu.dma_semaphore, #tpu.memory_space<semaphore_mem>>) {add = true}
        %dma_wait3A_184 = arith.constant 3 : i32
        %dma_wait3A_185 = arith.constant 0 : i32
        %dma_wait3A_186 = tpu.memref_slice %arg11[%dma_wait3A_184, %dma_wait3A_185] : memref<8x128xi32, #tpu.memory_space<vmem>> -> memref<1x128xi32, #tpu.memory_space<vmem>>
        %dma_wait3A_187 = tpu.memref_squeeze %dma_wait3A_186 : memref<1x128xi32, #tpu.memory_space<vmem>> -> memref<128xi32, #tpu.memory_space<vmem>>
        %dma_wait3A_188 = arith.constant 0 : i32
        %dma_wait3A_189 = arith.constant 0 : i32
        %dma_wait3A_190 = tpu.memref_slice %arg14[%dma_wait3A_188, %dma_wait3A_189] : memref<10240x128xf32, #tpu.memory_space<vmem_shared>> -> memref<10240x128xf32, #tpu.memory_space<vmem_shared>>
        tpu.wait_indirect_dma semaphore(%arg17 : memref<!tpu.dma_semaphore, #tpu.memory_space<semaphore_mem>>) src(%arg13 : memref<128x128xf32, #tpu.memory_space<vmem>>) dst(%dma_wait3A_190 : memref<10240x128xf32, #tpu.memory_space<vmem_shared>>)
        %dma_start3A_191 = arith.constant 5 : i32
        %dma_start3A_192 = arith.constant 0 : i32
        %dma_start3A_193 = tpu.memref_slice %arg10[%dma_start3A_191, %dma_start3A_192] : memref<8x128xi32, #tpu.memory_space<vmem>> -> memref<1x128xi32, #tpu.memory_space<vmem>>
        %dma_start3A_194 = tpu.memref_squeeze %dma_start3A_193 : memref<1x128xi32, #tpu.memory_space<vmem>> -> memref<128xi32, #tpu.memory_space<vmem>>
        %dma_start3A_195 = arith.constant 0 : i32
        %dma_start3A_196 = arith.constant 0 : i32
        %dma_start3A_197 = tpu.memref_slice %arg2[%dma_start3A_195, %dma_start3A_196] : memref<10000x128xf32, #tpu.memory_space<hbm>> -> memref<10000x128xf32, #tpu.memory_space<hbm>>
        tpu.enqueue_indirect_dma source(%dma_start3A_197 : memref<10000x128xf32, #tpu.memory_space<hbm>>) target(%arg13 : memref<128x128xf32, #tpu.memory_space<vmem>>) offsets(%dma_start3A_194 : memref<128xi32, #tpu.memory_space<vmem>>) semaphore(%arg15 : memref<!tpu.dma_semaphore, #tpu.memory_space<semaphore_mem>>)
        %dma_wait3A_198 = arith.constant 5 : i32
        %dma_wait3A_199 = arith.constant 0 : i32
        %dma_wait3A_200 = tpu.memref_slice %arg10[%dma_wait3A_198, %dma_wait3A_199] : memref<8x128xi32, #tpu.memory_space<vmem>> -> memref<1x128xi32, #tpu.memory_space<vmem>>
        %dma_wait3A_201 = tpu.memref_squeeze %dma_wait3A_200 : memref<1x128xi32, #tpu.memory_space<vmem>> -> memref<128xi32, #tpu.memory_space<vmem>>
        %dma_wait3A_202 = arith.constant 0 : i32
        %dma_wait3A_203 = arith.constant 0 : i32
        %dma_wait3A_204 = tpu.memref_slice %arg2[%dma_wait3A_202, %dma_wait3A_203] : memref<10000x128xf32, #tpu.memory_space<hbm>> -> memref<10000x128xf32, #tpu.memory_space<hbm>>
        tpu.wait_indirect_dma semaphore(%arg15 : memref<!tpu.dma_semaphore, #tpu.memory_space<semaphore_mem>>) src(%dma_wait3A_204 : memref<10000x128xf32, #tpu.memory_space<hbm>>) dst(%arg13 : memref<128x128xf32, #tpu.memory_space<vmem>>)
        %dma_start3A_205 = arith.constant 5 : i32
        %dma_start3A_206 = arith.constant 0 : i32
        %dma_start3A_207 = tpu.memref_slice %arg11[%dma_start3A_205, %dma_start3A_206] : memref<8x128xi32, #tpu.memory_space<vmem>> -> memref<1x128xi32, #tpu.memory_space<vmem>>
        %dma_start3A_208 = tpu.memref_squeeze %dma_start3A_207 : memref<1x128xi32, #tpu.memory_space<vmem>> -> memref<128xi32, #tpu.memory_space<vmem>>
        %dma_start3A_209 = arith.constant 0 : i32
        %dma_start3A_210 = arith.constant 0 : i32
        %dma_start3A_211 = tpu.memref_slice %arg14[%dma_start3A_209, %dma_start3A_210] : memref<10240x128xf32, #tpu.memory_space<vmem_shared>> -> memref<10240x128xf32, #tpu.memory_space<vmem_shared>>
        tpu.enqueue_indirect_dma source(%arg13 : memref<128x128xf32, #tpu.memory_space<vmem>>) target(%dma_start3A_211 : memref<10240x128xf32, #tpu.memory_space<vmem_shared>>) offsets(%dma_start3A_208 : memref<128xi32, #tpu.memory_space<vmem>>) semaphore(%arg17 : memref<!tpu.dma_semaphore, #tpu.memory_space<semaphore_mem>>) {add = true}
        %dma_wait3A_212 = arith.constant 4 : i32
        %dma_wait3A_213 = arith.constant 0 : i32
        %dma_wait3A_214 = tpu.memref_slice %arg11[%dma_wait3A_212, %dma_wait3A_213] : memref<8x128xi32, #tpu.memory_space<vmem>> -> memref<1x128xi32, #tpu.memory_space<vmem>>
        %dma_wait3A_215 = tpu.memref_squeeze %dma_wait3A_214 : memref<1x128xi32, #tpu.memory_space<vmem>> -> memref<128xi32, #tpu.memory_space<vmem>>
        %dma_wait3A_216 = arith.constant 0 : i32
        %dma_wait3A_217 = arith.constant 0 : i32
        %dma_wait3A_218 = tpu.memref_slice %arg14[%dma_wait3A_216, %dma_wait3A_217] : memref<10240x128xf32, #tpu.memory_space<vmem_shared>> -> memref<10240x128xf32, #tpu.memory_space<vmem_shared>>
        tpu.wait_indirect_dma semaphore(%arg16 : memref<!tpu.dma_semaphore, #tpu.memory_space<semaphore_mem>>) src(%arg12 : memref<128x128xf32, #tpu.memory_space<vmem>>) dst(%dma_wait3A_218 : memref<10240x128xf32, #tpu.memory_space<vmem_shared>>)
        %dma_start3A_219 = arith.constant 6 : i32
        %dma_start3A_220 = arith.constant 0 : i32
        %dma_start3A_221 = tpu.memref_slice %arg10[%dma_start3A_219, %dma_start3A_220] : memref<8x128xi32, #tpu.memory_space<vmem>> -> memref<1x128xi32, #tpu.memory_space<vmem>>
        %dma_start3A_222 = tpu.memref_squeeze %dma_start3A_221 : memref<1x128xi32, #tpu.memory_space<vmem>> -> memref<128xi32, #tpu.memory_space<vmem>>
        %dma_start3A_223 = arith.constant 0 : i32
        %dma_start3A_224 = arith.constant 0 : i32
        %dma_start3A_225 = tpu.memref_slice %arg2[%dma_start3A_223, %dma_start3A_224] : memref<10000x128xf32, #tpu.memory_space<hbm>> -> memref<10000x128xf32, #tpu.memory_space<hbm>>
        tpu.enqueue_indirect_dma source(%dma_start3A_225 : memref<10000x128xf32, #tpu.memory_space<hbm>>) target(%arg12 : memref<128x128xf32, #tpu.memory_space<vmem>>) offsets(%dma_start3A_222 : memref<128xi32, #tpu.memory_space<vmem>>) semaphore(%arg15 : memref<!tpu.dma_semaphore, #tpu.memory_space<semaphore_mem>>)
        %dma_wait3A_226 = arith.constant 6 : i32
        %dma_wait3A_227 = arith.constant 0 : i32
        %dma_wait3A_228 = tpu.memref_slice %arg10[%dma_wait3A_226, %dma_wait3A_227] : memref<8x128xi32, #tpu.memory_space<vmem>> -> memref<1x128xi32, #tpu.memory_space<vmem>>
        %dma_wait3A_229 = tpu.memref_squeeze %dma_wait3A_228 : memref<1x128xi32, #tpu.memory_space<vmem>> -> memref<128xi32, #tpu.memory_space<vmem>>
        %dma_wait3A_230 = arith.constant 0 : i32
        %dma_wait3A_231 = arith.constant 0 : i32
        %dma_wait3A_232 = tpu.memref_slice %arg2[%dma_wait3A_230, %dma_wait3A_231] : memref<10000x128xf32, #tpu.memory_space<hbm>> -> memref<10000x128xf32, #tpu.memory_space<hbm>>
        tpu.wait_indirect_dma semaphore(%arg15 : memref<!tpu.dma_semaphore, #tpu.memory_space<semaphore_mem>>) src(%dma_wait3A_232 : memref<10000x128xf32, #tpu.memory_space<hbm>>) dst(%arg12 : memref<128x128xf32, #tpu.memory_space<vmem>>)
        %dma_start3A_233 = arith.constant 6 : i32
        %dma_start3A_234 = arith.constant 0 : i32
        %dma_start3A_235 = tpu.memref_slice %arg11[%dma_start3A_233, %dma_start3A_234] : memref<8x128xi32, #tpu.memory_space<vmem>> -> memref<1x128xi32, #tpu.memory_space<vmem>>
        %dma_start3A_236 = tpu.memref_squeeze %dma_start3A_235 : memref<1x128xi32, #tpu.memory_space<vmem>> -> memref<128xi32, #tpu.memory_space<vmem>>
        %dma_start3A_237 = arith.constant 0 : i32
        %dma_start3A_238 = arith.constant 0 : i32
        %dma_start3A_239 = tpu.memref_slice %arg14[%dma_start3A_237, %dma_start3A_238] : memref<10240x128xf32, #tpu.memory_space<vmem_shared>> -> memref<10240x128xf32, #tpu.memory_space<vmem_shared>>
        tpu.enqueue_indirect_dma source(%arg12 : memref<128x128xf32, #tpu.memory_space<vmem>>) target(%dma_start3A_239 : memref<10240x128xf32, #tpu.memory_space<vmem_shared>>) offsets(%dma_start3A_236 : memref<128xi32, #tpu.memory_space<vmem>>) semaphore(%arg16 : memref<!tpu.dma_semaphore, #tpu.memory_space<semaphore_mem>>) {add = true}
        %dma_wait3A_240 = arith.constant 5 : i32
        %dma_wait3A_241 = arith.constant 0 : i32
        %dma_wait3A_242 = tpu.memref_slice %arg11[%dma_wait3A_240, %dma_wait3A_241] : memref<8x128xi32, #tpu.memory_space<vmem>> -> memref<1x128xi32, #tpu.memory_space<vmem>>
        %dma_wait3A_243 = tpu.memref_squeeze %dma_wait3A_242 : memref<1x128xi32, #tpu.memory_space<vmem>> -> memref<128xi32, #tpu.memory_space<vmem>>
        %dma_wait3A_244 = arith.constant 0 : i32
        %dma_wait3A_245 = arith.constant 0 : i32
        %dma_wait3A_246 = tpu.memref_slice %arg14[%dma_wait3A_244, %dma_wait3A_245] : memref<10240x128xf32, #tpu.memory_space<vmem_shared>> -> memref<10240x128xf32, #tpu.memory_space<vmem_shared>>
        tpu.wait_indirect_dma semaphore(%arg17 : memref<!tpu.dma_semaphore, #tpu.memory_space<semaphore_mem>>) src(%arg13 : memref<128x128xf32, #tpu.memory_space<vmem>>) dst(%dma_wait3A_246 : memref<10240x128xf32, #tpu.memory_space<vmem_shared>>)
        %dma_start3A_247 = arith.constant 7 : i32
        %dma_start3A_248 = arith.constant 0 : i32
        %dma_start3A_249 = tpu.memref_slice %arg10[%dma_start3A_247, %dma_start3A_248] : memref<8x128xi32, #tpu.memory_space<vmem>> -> memref<1x128xi32, #tpu.memory_space<vmem>>
        %dma_start3A_250 = tpu.memref_squeeze %dma_start3A_249 : memref<1x128xi32, #tpu.memory_space<vmem>> -> memref<128xi32, #tpu.memory_space<vmem>>
        %dma_start3A_251 = arith.constant 0 : i32
        %dma_start3A_252 = arith.constant 0 : i32
        %dma_start3A_253 = tpu.memref_slice %arg2[%dma_start3A_251, %dma_start3A_252] : memref<10000x128xf32, #tpu.memory_space<hbm>> -> memref<10000x128xf32, #tpu.memory_space<hbm>>
        tpu.enqueue_indirect_dma source(%dma_start3A_253 : memref<10000x128xf32, #tpu.memory_space<hbm>>) target(%arg13 : memref<128x128xf32, #tpu.memory_space<vmem>>) offsets(%dma_start3A_250 : memref<128xi32, #tpu.memory_space<vmem>>) semaphore(%arg15 : memref<!tpu.dma_semaphore, #tpu.memory_space<semaphore_mem>>)
        %dma_wait3A_254 = arith.constant 7 : i32
        %dma_wait3A_255 = arith.constant 0 : i32
        %dma_wait3A_256 = tpu.memref_slice %arg10[%dma_wait3A_254, %dma_wait3A_255] : memref<8x128xi32, #tpu.memory_space<vmem>> -> memref<1x128xi32, #tpu.memory_space<vmem>>
        %dma_wait3A_257 = tpu.memref_squeeze %dma_wait3A_256 : memref<1x128xi32, #tpu.memory_space<vmem>> -> memref<128xi32, #tpu.memory_space<vmem>>
        %dma_wait3A_258 = arith.constant 0 : i32
        %dma_wait3A_259 = arith.constant 0 : i32
        %dma_wait3A_260 = tpu.memref_slice %arg2[%dma_wait3A_258, %dma_wait3A_259] : memref<10000x128xf32, #tpu.memory_space<hbm>> -> memref<10000x128xf32, #tpu.memory_space<hbm>>
        tpu.wait_indirect_dma semaphore(%arg15 : memref<!tpu.dma_semaphore, #tpu.memory_space<semaphore_mem>>) src(%dma_wait3A_260 : memref<10000x128xf32, #tpu.memory_space<hbm>>) dst(%arg13 : memref<128x128xf32, #tpu.memory_space<vmem>>)
        %dma_start3A_261 = arith.constant 7 : i32
        %dma_start3A_262 = arith.constant 0 : i32
        %dma_start3A_263 = tpu.memref_slice %arg11[%dma_start3A_261, %dma_start3A_262] : memref<8x128xi32, #tpu.memory_space<vmem>> -> memref<1x128xi32, #tpu.memory_space<vmem>>
        %dma_start3A_264 = tpu.memref_squeeze %dma_start3A_263 : memref<1x128xi32, #tpu.memory_space<vmem>> -> memref<128xi32, #tpu.memory_space<vmem>>
        %dma_start3A_265 = arith.constant 0 : i32
        %dma_start3A_266 = arith.constant 0 : i32
        %dma_start3A_267 = tpu.memref_slice %arg14[%dma_start3A_265, %dma_start3A_266] : memref<10240x128xf32, #tpu.memory_space<vmem_shared>> -> memref<10240x128xf32, #tpu.memory_space<vmem_shared>>
        tpu.enqueue_indirect_dma source(%arg13 : memref<128x128xf32, #tpu.memory_space<vmem>>) target(%dma_start3A_267 : memref<10240x128xf32, #tpu.memory_space<vmem_shared>>) offsets(%dma_start3A_264 : memref<128xi32, #tpu.memory_space<vmem>>) semaphore(%arg17 : memref<!tpu.dma_semaphore, #tpu.memory_space<semaphore_mem>>) {add = true}
        %dma_wait3A_268 = arith.constant 6 : i32
        %dma_wait3A_269 = arith.constant 0 : i32
        %dma_wait3A_270 = tpu.memref_slice %arg11[%dma_wait3A_268, %dma_wait3A_269] : memref<8x128xi32, #tpu.memory_space<vmem>> -> memref<1x128xi32, #tpu.memory_space<vmem>>
        %dma_wait3A_271 = tpu.memref_squeeze %dma_wait3A_270 : memref<1x128xi32, #tpu.memory_space<vmem>> -> memref<128xi32, #tpu.memory_space<vmem>>
        %dma_wait3A_272 = arith.constant 0 : i32
        %dma_wait3A_273 = arith.constant 0 : i32
        %dma_wait3A_274 = tpu.memref_slice %arg14[%dma_wait3A_272, %dma_wait3A_273] : memref<10240x128xf32, #tpu.memory_space<vmem_shared>> -> memref<10240x128xf32, #tpu.memory_space<vmem_shared>>
        tpu.wait_indirect_dma semaphore(%arg16 : memref<!tpu.dma_semaphore, #tpu.memory_space<semaphore_mem>>) src(%arg12 : memref<128x128xf32, #tpu.memory_space<vmem>>) dst(%dma_wait3A_274 : memref<10240x128xf32, #tpu.memory_space<vmem_shared>>)
        %add3A_275 = arith.constant 1 : i32
        %add3A_276 = arith.addi %scan3A_55, %add3A_275 : i32
        %mul3A_277 = arith.constant 8 : i32
        %mul3A_278 = arith.muli %add3A_276, %mul3A_277 : i32
        "tpu.region"() ({
          %run_scoped3A = tpu.sem_alloc : memref<!tpu.dma_semaphore, #tpu.memory_space<semaphore_mem>>
          %dma_start3A_286 = arith.constant 0 : i32
          %dma_start3A_287 = tpu.memref_slice %arg4[%arg1, %mul3A_278, %dma_start3A_286] : memref<16x168x128xi32, #tpu.memory_space<hbm>> -> memref<1x8x128xi32, #tpu.memory_space<hbm>>
          %dma_start3A_288 = tpu.memref_squeeze %dma_start3A_287 : memref<1x8x128xi32, #tpu.memory_space<hbm>> -> memref<8x128xi32, #tpu.memory_space<hbm>>
          %dma_start3A_289 = arith.constant 0 : i32
          %dma_start3A_290 = tpu.memref_slice %arg4[%arg1, %mul3A_278, %dma_start3A_289] : memref<16x168x128xi32, #tpu.memory_space<hbm>> -> memref<1x8x128xi32, #tpu.memory_space<hbm>>
          %dma_start3A_291 = tpu.memref_squeeze %dma_start3A_290 : memref<1x8x128xi32, #tpu.memory_space<hbm>> -> memref<8x128xi32, #tpu.memory_space<hbm>>
          tpu.enqueue_dma source(%dma_start3A_291 : memref<8x128xi32, #tpu.memory_space<hbm>>) target(%arg10 : memref<8x128xi32, #tpu.memory_space<vmem>>) target_semaphore(%run_scoped3A : memref<!tpu.dma_semaphore, #tpu.memory_space<semaphore_mem>>)
          %dma_wait3A_292 = arith.constant 0 : i32
          %dma_wait3A_293 = tpu.memref_slice %arg4[%arg1, %mul3A_278, %dma_wait3A_292] : memref<16x168x128xi32, #tpu.memory_space<hbm>> -> memref<1x8x128xi32, #tpu.memory_space<hbm>>
          %dma_wait3A_294 = tpu.memref_squeeze %dma_wait3A_293 : memref<1x8x128xi32, #tpu.memory_space<hbm>> -> memref<8x128xi32, #tpu.memory_space<hbm>>
          %dma_wait3A_295 = arith.constant 0 : i32
          %dma_wait3A_296 = tpu.memref_slice %arg4[%arg1, %mul3A_278, %dma_wait3A_295] : memref<16x168x128xi32, #tpu.memory_space<hbm>> -> memref<1x8x128xi32, #tpu.memory_space<hbm>>
          %dma_wait3A_297 = tpu.memref_squeeze %dma_wait3A_296 : memref<1x8x128xi32, #tpu.memory_space<hbm>> -> memref<8x128xi32, #tpu.memory_space<hbm>>
          tpu.wait_dma2 semaphore(%run_scoped3A : memref<!tpu.dma_semaphore, #tpu.memory_space<semaphore_mem>>) src(%dma_wait3A_297 : memref<8x128xi32, #tpu.memory_space<hbm>>) dst(%arg10 : memref<8x128xi32, #tpu.memory_space<vmem>>)
          tpu.yield
        }) : () -> ()
        %dma_start3A_279 = arith.constant 0 : i32
        %dma_start3A_280 = arith.constant 0 : i32
        %dma_start3A_281 = tpu.memref_slice %arg10[%dma_start3A_279, %dma_start3A_280] : memref<8x128xi32, #tpu.memory_space<vmem>> -> memref<1x128xi32, #tpu.memory_space<vmem>>
        %dma_start3A_282 = tpu.memref_squeeze %dma_start3A_281 : memref<1x128xi32, #tpu.memory_space<vmem>> -> memref<128xi32, #tpu.memory_space<vmem>>
        %dma_start3A_283 = arith.constant 0 : i32
        %dma_start3A_284 = arith.constant 0 : i32
        %dma_start3A_285 = tpu.memref_slice %arg2[%dma_start3A_283, %dma_start3A_284] : memref<10000x128xf32, #tpu.memory_space<hbm>> -> memref<10000x128xf32, #tpu.memory_space<hbm>>
        tpu.enqueue_indirect_dma source(%dma_start3A_285 : memref<10000x128xf32, #tpu.memory_space<hbm>>) target(%arg12 : memref<128x128xf32, #tpu.memory_space<vmem>>) offsets(%dma_start3A_282 : memref<128xi32, #tpu.memory_space<vmem>>) semaphore(%arg15 : memref<!tpu.dma_semaphore, #tpu.memory_space<semaphore_mem>>)
      }
      %scan3A_40 = arith.constant 20 : i32
      %dma_wait3A = arith.constant 0 : i32
      %dma_wait3A_41 = arith.constant 0 : i32
      %dma_wait3A_42 = tpu.memref_slice %arg10[%dma_wait3A, %dma_wait3A_41] : memref<8x128xi32, #tpu.memory_space<vmem>> -> memref<1x128xi32, #tpu.memory_space<vmem>>
      %dma_wait3A_43 = tpu.memref_squeeze %dma_wait3A_42 : memref<1x128xi32, #tpu.memory_space<vmem>> -> memref<128xi32, #tpu.memory_space<vmem>>
      %dma_wait3A_44 = arith.constant 0 : i32
      %dma_wait3A_45 = arith.constant 0 : i32
      %dma_wait3A_46 = tpu.memref_slice %arg2[%dma_wait3A_44, %dma_wait3A_45] : memref<10000x128xf32, #tpu.memory_space<hbm>> -> memref<10000x128xf32, #tpu.memory_space<hbm>>
      tpu.wait_indirect_dma semaphore(%arg15 : memref<!tpu.dma_semaphore, #tpu.memory_space<semaphore_mem>>) src(%dma_wait3A_46 : memref<10000x128xf32, #tpu.memory_space<hbm>>) dst(%arg12 : memref<128x128xf32, #tpu.memory_space<vmem>>)
      %dma_wait3A_47 = arith.constant 0 : i32
      %dma_wait3A_48 = arith.constant 0 : i32
      %dma_wait3A_49 = tpu.memref_slice %arg11[%dma_wait3A_47, %dma_wait3A_48] : memref<8x128xi32, #tpu.memory_space<vmem>> -> memref<1x128xi32, #tpu.memory_space<vmem>>
      %dma_wait3A_50 = tpu.memref_squeeze %dma_wait3A_49 : memref<1x128xi32, #tpu.memory_space<vmem>> -> memref<128xi32, #tpu.memory_space<vmem>>
      %dma_wait3A_51 = arith.constant 0 : i32
      %dma_wait3A_52 = arith.constant 0 : i32
      %dma_wait3A_53 = tpu.memref_slice %arg14[%dma_wait3A_51, %dma_wait3A_52] : memref<10240x128xf32, #tpu.memory_space<vmem_shared>> -> memref<10240x128xf32, #tpu.memory_space<vmem_shared>>
      tpu.wait_indirect_dma semaphore(%arg17 : memref<!tpu.dma_semaphore, #tpu.memory_space<semaphore_mem>>) src(%arg13 : memref<128x128xf32, #tpu.memory_space<vmem>>) dst(%dma_wait3A_53 : memref<10240x128xf32, #tpu.memory_space<vmem_shared>>)
      %barrier3A_54 = arith.constant 0 : index
      tpu.barrier barrier_id(%barrier3A_54)
      "tpu.region"() ({
        %run_scoped3A = tpu.sem_alloc : memref<!tpu.dma_semaphore, #tpu.memory_space<semaphore_mem>>
        %dma_start3A_55 = arith.constant 0 : i32
        %dma_start3A_56 = tpu.memref_slice %arg8[%mul3A_12, %dma_start3A_55] : memref<10240x128xf32, #tpu.memory_space<hbm>> -> memref<640x128xf32, #tpu.memory_space<hbm>>
        %dma_start3A_57 = arith.constant 0 : i32
        %dma_start3A_58 = tpu.memref_slice %arg14[%mul3A_12, %dma_start3A_57] : memref<10240x128xf32, #tpu.memory_space<vmem_shared>> -> memref<640x128xf32, #tpu.memory_space<vmem_shared>>
        tpu.enqueue_dma source(%dma_start3A_58 : memref<640x128xf32, #tpu.memory_space<vmem_shared>>) target(%dma_start3A_56 : memref<640x128xf32, #tpu.memory_space<hbm>>) target_semaphore(%run_scoped3A : memref<!tpu.dma_semaphore, #tpu.memory_space<semaphore_mem>>)
        %dma_wait3A_59 = arith.constant 0 : i32
        %dma_wait3A_60 = tpu.memref_slice %arg8[%mul3A_12, %dma_wait3A_59] : memref<10240x128xf32, #tpu.memory_space<hbm>> -> memref<640x128xf32, #tpu.memory_space<hbm>>
        %dma_wait3A_61 = arith.constant 0 : i32
        %dma_wait3A_62 = tpu.memref_slice %arg14[%mul3A_12, %dma_wait3A_61] : memref<10240x128xf32, #tpu.memory_space<vmem_shared>> -> memref<640x128xf32, #tpu.memory_space<vmem_shared>>
        tpu.wait_dma2 semaphore(%run_scoped3A : memref<!tpu.dma_semaphore, #tpu.memory_space<semaphore_mem>>) src(%dma_wait3A_62 : memref<640x128xf32, #tpu.memory_space<vmem_shared>>) dst(%dma_wait3A_60 : memref<640x128xf32, #tpu.memory_space<hbm>>)
        tpu.yield
      }) : () -> ()
    } else {
    }
    %eq3A_2 = arith.constant 1 : i32
    %eq3A_3 = arith.cmpi eq, %arg0, %eq3A_2 : i32
    %convert_element_type3A_4 = arith.extui %eq3A_3 : i1 to i32
    %cond3A_5 = arith.constant 0 : i32
    %cond3A_6 = arith.cmpi ne, %convert_element_type3A_4, %cond3A_5 : i32
    scf.if %cond3A_6 {
      %scan3A = arith.constant 0 : i32
      %scan3A_7 = arith.constant 0 : i32
      %scan3A_8 = arith.constant 128 : i32
      %scan3A_9 = arith.addi %scan3A_7, %scan3A_8 : i32
      %scan3A_10 = arith.constant 1 : i32
      scf.for %scan3A_55 = %scan3A_7 to %scan3A_9 step %scan3A_10  : i32 {
        %broadcast_in_dim3A = arith.constant 0.000000e+00 : f32
        %broadcast_in_dim3A_56 = vector.broadcast %broadcast_in_dim3A : f32 to vector<16xf32>
        %swap3A = arith.index_cast %scan3A_55 : i32 to index
        %swap3A_57 = arith.constant 0 : index
        %swap3A_58 = tpu.vector_load %arg12[%swap3A, %swap3A_57] {strides = array<i32>} : memref<128x128xf32, #tpu.memory_space<vmem>>, vector<1x16xf32>,
        %swap3A_59 = vector.shape_cast %swap3A_58 : vector<1x16xf32> to vector<16xf32>
        %swap3A_60 = vector.shape_cast %broadcast_in_dim3A_56 : vector<16xf32> to vector<1x16xf32>
        tpu.vector_store %arg12[%swap3A, %swap3A_57], %swap3A_60 {strides = array<i32>} : memref<128x128xf32, #tpu.memory_space<vmem>>, vector<1x16xf32>,
        %broadcast_in_dim3A_61 = arith.constant 0.000000e+00 : f32
        %broadcast_in_dim3A_62 = vector.broadcast %broadcast_in_dim3A_61 : f32 to vector<16xf32>
        %swap3A_63 = arith.index_cast %scan3A_55 : i32 to index
        %swap3A_64 = arith.constant 0 : index
        %swap3A_65 = tpu.vector_load %arg13[%swap3A_63, %swap3A_64] {strides = array<i32>} : memref<128x128xf32, #tpu.memory_space<vmem>>, vector<1x16xf32>,
        %swap3A_66 = vector.shape_cast %swap3A_65 : vector<1x16xf32> to vector<16xf32>
        %swap3A_67 = vector.shape_cast %broadcast_in_dim3A_62 : vector<16xf32> to vector<1x16xf32>
        tpu.vector_store %arg13[%swap3A_63, %swap3A_64], %swap3A_67 {strides = array<i32>} : memref<128x128xf32, #tpu.memory_space<vmem>>, vector<1x16xf32>,
        %broadcast_in_dim3A_68 = arith.constant 0.000000e+00 : f32
        %broadcast_in_dim3A_69 = vector.broadcast %broadcast_in_dim3A_68 : f32 to vector<16xf32>
        %swap3A_70 = arith.index_cast %scan3A_55 : i32 to index
        %swap3A_71 = arith.constant 16 : index
        %swap3A_72 = tpu.vector_load %arg12[%swap3A_70, %swap3A_71] {strides = array<i32>} : memref<128x128xf32, #tpu.memory_space<vmem>>, vector<1x16xf32>,
        %swap3A_73 = vector.shape_cast %swap3A_72 : vector<1x16xf32> to vector<16xf32>
        %swap3A_74 = vector.shape_cast %broadcast_in_dim3A_69 : vector<16xf32> to vector<1x16xf32>
        tpu.vector_store %arg12[%swap3A_70, %swap3A_71], %swap3A_74 {strides = array<i32>} : memref<128x128xf32, #tpu.memory_space<vmem>>, vector<1x16xf32>,
        %broadcast_in_dim3A_75 = arith.constant 0.000000e+00 : f32
        %broadcast_in_dim3A_76 = vector.broadcast %broadcast_in_dim3A_75 : f32 to vector<16xf32>
        %swap3A_77 = arith.index_cast %scan3A_55 : i32 to index
        %swap3A_78 = arith.constant 16 : index
        %swap3A_79 = tpu.vector_load %arg13[%swap3A_77, %swap3A_78] {strides = array<i32>} : memref<128x128xf32, #tpu.memory_space<vmem>>, vector<1x16xf32>,
        %swap3A_80 = vector.shape_cast %swap3A_79 : vector<1x16xf32> to vector<16xf32>
        %swap3A_81 = vector.shape_cast %broadcast_in_dim3A_76 : vector<16xf32> to vector<1x16xf32>
        tpu.vector_store %arg13[%swap3A_77, %swap3A_78], %swap3A_81 {strides = array<i32>} : memref<128x128xf32, #tpu.memory_space<vmem>>, vector<1x16xf32>,
        %broadcast_in_dim3A_82 = arith.constant 0.000000e+00 : f32
        %broadcast_in_dim3A_83 = vector.broadcast %broadcast_in_dim3A_82 : f32 to vector<16xf32>
        %swap3A_84 = arith.index_cast %scan3A_55 : i32 to index
        %swap3A_85 = arith.constant 32 : index
        %swap3A_86 = tpu.vector_load %arg12[%swap3A_84, %swap3A_85] {strides = array<i32>} : memref<128x128xf32, #tpu.memory_space<vmem>>, vector<1x16xf32>,
        %swap3A_87 = vector.shape_cast %swap3A_86 : vector<1x16xf32> to vector<16xf32>
        %swap3A_88 = vector.shape_cast %broadcast_in_dim3A_83 : vector<16xf32> to vector<1x16xf32>
        tpu.vector_store %arg12[%swap3A_84, %swap3A_85], %swap3A_88 {strides = array<i32>} : memref<128x128xf32, #tpu.memory_space<vmem>>, vector<1x16xf32>,
        %broadcast_in_dim3A_89 = arith.constant 0.000000e+00 : f32
        %broadcast_in_dim3A_90 = vector.broadcast %broadcast_in_dim3A_89 : f32 to vector<16xf32>
        %swap3A_91 = arith.index_cast %scan3A_55 : i32 to index
        %swap3A_92 = arith.constant 32 : index
        %swap3A_93 = tpu.vector_load %arg13[%swap3A_91, %swap3A_92] {strides = array<i32>} : memref<128x128xf32, #tpu.memory_space<vmem>>, vector<1x16xf32>,
        %swap3A_94 = vector.shape_cast %swap3A_93 : vector<1x16xf32> to vector<16xf32>
        %swap3A_95 = vector.shape_cast %broadcast_in_dim3A_90 : vector<16xf32> to vector<1x16xf32>
        tpu.vector_store %arg13[%swap3A_91, %swap3A_92], %swap3A_95 {strides = array<i32>} : memref<128x128xf32, #tpu.memory_space<vmem>>, vector<1x16xf32>,
        %broadcast_in_dim3A_96 = arith.constant 0.000000e+00 : f32
        %broadcast_in_dim3A_97 = vector.broadcast %broadcast_in_dim3A_96 : f32 to vector<16xf32>
        %swap3A_98 = arith.index_cast %scan3A_55 : i32 to index
        %swap3A_99 = arith.constant 48 : index
        %swap3A_100 = tpu.vector_load %arg12[%swap3A_98, %swap3A_99] {strides = array<i32>} : memref<128x128xf32, #tpu.memory_space<vmem>>, vector<1x16xf32>,
        %swap3A_101 = vector.shape_cast %swap3A_100 : vector<1x16xf32> to vector<16xf32>
        %swap3A_102 = vector.shape_cast %broadcast_in_dim3A_97 : vector<16xf32> to vector<1x16xf32>
        tpu.vector_store %arg12[%swap3A_98, %swap3A_99], %swap3A_102 {strides = array<i32>} : memref<128x128xf32, #tpu.memory_space<vmem>>, vector<1x16xf32>,
        %broadcast_in_dim3A_103 = arith.constant 0.000000e+00 : f32
        %broadcast_in_dim3A_104 = vector.broadcast %broadcast_in_dim3A_103 : f32 to vector<16xf32>
        %swap3A_105 = arith.index_cast %scan3A_55 : i32 to index
        %swap3A_106 = arith.constant 48 : index
        %swap3A_107 = tpu.vector_load %arg13[%swap3A_105, %swap3A_106] {strides = array<i32>} : memref<128x128xf32, #tpu.memory_space<vmem>>, vector<1x16xf32>,
        %swap3A_108 = vector.shape_cast %swap3A_107 : vector<1x16xf32> to vector<16xf32>
        %swap3A_109 = vector.shape_cast %broadcast_in_dim3A_104 : vector<16xf32> to vector<1x16xf32>
        tpu.vector_store %arg13[%swap3A_105, %swap3A_106], %swap3A_109 {strides = array<i32>} : memref<128x128xf32, #tpu.memory_space<vmem>>, vector<1x16xf32>,
        %broadcast_in_dim3A_110 = arith.constant 0.000000e+00 : f32
        %broadcast_in_dim3A_111 = vector.broadcast %broadcast_in_dim3A_110 : f32 to vector<16xf32>
        %swap3A_112 = arith.index_cast %scan3A_55 : i32 to index
        %swap3A_113 = arith.constant 64 : index
        %swap3A_114 = tpu.vector_load %arg12[%swap3A_112, %swap3A_113] {strides = array<i32>} : memref<128x128xf32, #tpu.memory_space<vmem>>, vector<1x16xf32>,
        %swap3A_115 = vector.shape_cast %swap3A_114 : vector<1x16xf32> to vector<16xf32>
        %swap3A_116 = vector.shape_cast %broadcast_in_dim3A_111 : vector<16xf32> to vector<1x16xf32>
        tpu.vector_store %arg12[%swap3A_112, %swap3A_113], %swap3A_116 {strides = array<i32>} : memref<128x128xf32, #tpu.memory_space<vmem>>, vector<1x16xf32>,
        %broadcast_in_dim3A_117 = arith.constant 0.000000e+00 : f32
        %broadcast_in_dim3A_118 = vector.broadcast %broadcast_in_dim3A_117 : f32 to vector<16xf32>
        %swap3A_119 = arith.index_cast %scan3A_55 : i32 to index
        %swap3A_120 = arith.constant 64 : index
        %swap3A_121 = tpu.vector_load %arg13[%swap3A_119, %swap3A_120] {strides = array<i32>} : memref<128x128xf32, #tpu.memory_space<vmem>>, vector<1x16xf32>,
        %swap3A_122 = vector.shape_cast %swap3A_121 : vector<1x16xf32> to vector<16xf32>
        %swap3A_123 = vector.shape_cast %broadcast_in_dim3A_118 : vector<16xf32> to vector<1x16xf32>
        tpu.vector_store %arg13[%swap3A_119, %swap3A_120], %swap3A_123 {strides = array<i32>} : memref<128x128xf32, #tpu.memory_space<vmem>>, vector<1x16xf32>,
        %broadcast_in_dim3A_124 = arith.constant 0.000000e+00 : f32
        %broadcast_in_dim3A_125 = vector.broadcast %broadcast_in_dim3A_124 : f32 to vector<16xf32>
        %swap3A_126 = arith.index_cast %scan3A_55 : i32 to index
        %swap3A_127 = arith.constant 80 : index
        %swap3A_128 = tpu.vector_load %arg12[%swap3A_126, %swap3A_127] {strides = array<i32>} : memref<128x128xf32, #tpu.memory_space<vmem>>, vector<1x16xf32>,
        %swap3A_129 = vector.shape_cast %swap3A_128 : vector<1x16xf32> to vector<16xf32>
        %swap3A_130 = vector.shape_cast %broadcast_in_dim3A_125 : vector<16xf32> to vector<1x16xf32>
        tpu.vector_store %arg12[%swap3A_126, %swap3A_127], %swap3A_130 {strides = array<i32>} : memref<128x128xf32, #tpu.memory_space<vmem>>, vector<1x16xf32>,
        %broadcast_in_dim3A_131 = arith.constant 0.000000e+00 : f32
        %broadcast_in_dim3A_132 = vector.broadcast %broadcast_in_dim3A_131 : f32 to vector<16xf32>
        %swap3A_133 = arith.index_cast %scan3A_55 : i32 to index
        %swap3A_134 = arith.constant 80 : index
        %swap3A_135 = tpu.vector_load %arg13[%swap3A_133, %swap3A_134] {strides = array<i32>} : memref<128x128xf32, #tpu.memory_space<vmem>>, vector<1x16xf32>,
        %swap3A_136 = vector.shape_cast %swap3A_135 : vector<1x16xf32> to vector<16xf32>
        %swap3A_137 = vector.shape_cast %broadcast_in_dim3A_132 : vector<16xf32> to vector<1x16xf32>
        tpu.vector_store %arg13[%swap3A_133, %swap3A_134], %swap3A_137 {strides = array<i32>} : memref<128x128xf32, #tpu.memory_space<vmem>>, vector<1x16xf32>,
        %broadcast_in_dim3A_138 = arith.constant 0.000000e+00 : f32
        %broadcast_in_dim3A_139 = vector.broadcast %broadcast_in_dim3A_138 : f32 to vector<16xf32>
        %swap3A_140 = arith.index_cast %scan3A_55 : i32 to index
        %swap3A_141 = arith.constant 96 : index
        %swap3A_142 = tpu.vector_load %arg12[%swap3A_140, %swap3A_141] {strides = array<i32>} : memref<128x128xf32, #tpu.memory_space<vmem>>, vector<1x16xf32>,
        %swap3A_143 = vector.shape_cast %swap3A_142 : vector<1x16xf32> to vector<16xf32>
        %swap3A_144 = vector.shape_cast %broadcast_in_dim3A_139 : vector<16xf32> to vector<1x16xf32>
        tpu.vector_store %arg12[%swap3A_140, %swap3A_141], %swap3A_144 {strides = array<i32>} : memref<128x128xf32, #tpu.memory_space<vmem>>, vector<1x16xf32>,
        %broadcast_in_dim3A_145 = arith.constant 0.000000e+00 : f32
        %broadcast_in_dim3A_146 = vector.broadcast %broadcast_in_dim3A_145 : f32 to vector<16xf32>
        %swap3A_147 = arith.index_cast %scan3A_55 : i32 to index
        %swap3A_148 = arith.constant 96 : index
        %swap3A_149 = tpu.vector_load %arg13[%swap3A_147, %swap3A_148] {strides = array<i32>} : memref<128x128xf32, #tpu.memory_space<vmem>>, vector<1x16xf32>,
        %swap3A_150 = vector.shape_cast %swap3A_149 : vector<1x16xf32> to vector<16xf32>
        %swap3A_151 = vector.shape_cast %broadcast_in_dim3A_146 : vector<16xf32> to vector<1x16xf32>
        tpu.vector_store %arg13[%swap3A_147, %swap3A_148], %swap3A_151 {strides = array<i32>} : memref<128x128xf32, #tpu.memory_space<vmem>>, vector<1x16xf32>,
        %broadcast_in_dim3A_152 = arith.constant 0.000000e+00 : f32
        %broadcast_in_dim3A_153 = vector.broadcast %broadcast_in_dim3A_152 : f32 to vector<16xf32>
        %swap3A_154 = arith.index_cast %scan3A_55 : i32 to index
        %swap3A_155 = arith.constant 112 : index
        %swap3A_156 = tpu.vector_load %arg12[%swap3A_154, %swap3A_155] {strides = array<i32>} : memref<128x128xf32, #tpu.memory_space<vmem>>, vector<1x16xf32>,
        %swap3A_157 = vector.shape_cast %swap3A_156 : vector<1x16xf32> to vector<16xf32>
        %swap3A_158 = vector.shape_cast %broadcast_in_dim3A_153 : vector<16xf32> to vector<1x16xf32>
        tpu.vector_store %arg12[%swap3A_154, %swap3A_155], %swap3A_158 {strides = array<i32>} : memref<128x128xf32, #tpu.memory_space<vmem>>, vector<1x16xf32>,
        %broadcast_in_dim3A_159 = arith.constant 0.000000e+00 : f32
        %broadcast_in_dim3A_160 = vector.broadcast %broadcast_in_dim3A_159 : f32 to vector<16xf32>
        %swap3A_161 = arith.index_cast %scan3A_55 : i32 to index
        %swap3A_162 = arith.constant 112 : index
        %swap3A_163 = tpu.vector_load %arg13[%swap3A_161, %swap3A_162] {strides = array<i32>} : memref<128x128xf32, #tpu.memory_space<vmem>>, vector<1x16xf32>,
        %swap3A_164 = vector.shape_cast %swap3A_163 : vector<1x16xf32> to vector<16xf32>
        %swap3A_165 = vector.shape_cast %broadcast_in_dim3A_160 : vector<16xf32> to vector<1x16xf32>
        tpu.vector_store %arg13[%swap3A_161, %swap3A_162], %swap3A_165 {strides = array<i32>} : memref<128x128xf32, #tpu.memory_space<vmem>>, vector<1x16xf32>,
      }
      %scan3A_11 = arith.constant 128 : i32
      %mul3A = arith.constant 640 : i32
      %mul3A_12 = arith.muli %arg1, %mul3A : i32
      %add3A = arith.constant 0 : i32
      %add3A_13 = arith.addi %mul3A_12, %add3A : i32
      "tpu.region"() ({
        %run_scoped3A = tpu.sem_alloc : memref<!tpu.dma_semaphore, #tpu.memory_space<semaphore_mem>>
        %dma_start3A_55 = arith.constant 0 : i32
        %dma_start3A_56 = tpu.memref_slice %arg14[%add3A_13, %dma_start3A_55] : memref<10240x128xf32, #tpu.memory_space<vmem_shared>> -> memref<128x128xf32, #tpu.memory_space<vmem_shared>>
        %dma_start3A_57 = arith.constant 0 : i32
        %dma_start3A_58 = tpu.memref_slice %arg14[%add3A_13, %dma_start3A_57] : memref<10240x128xf32, #tpu.memory_space<vmem_shared>> -> memref<128x128xf32, #tpu.memory_space<vmem_shared>>
        tpu.enqueue_dma source(%arg12 : memref<128x128xf32, #tpu.memory_space<vmem>>) target(%dma_start3A_58 : memref<128x128xf32, #tpu.memory_space<vmem_shared>>) target_semaphore(%run_scoped3A : memref<!tpu.dma_semaphore, #tpu.memory_space<semaphore_mem>>)
        %dma_wait3A_59 = arith.constant 0 : i32
        %dma_wait3A_60 = tpu.memref_slice %arg14[%add3A_13, %dma_wait3A_59] : memref<10240x128xf32, #tpu.memory_space<vmem_shared>> -> memref<128x128xf32, #tpu.memory_space<vmem_shared>>
        %dma_wait3A_61 = arith.constant 0 : i32
        %dma_wait3A_62 = tpu.memref_slice %arg14[%add3A_13, %dma_wait3A_61] : memref<10240x128xf32, #tpu.memory_space<vmem_shared>> -> memref<128x128xf32, #tpu.memory_space<vmem_shared>>
        tpu.wait_dma2 semaphore(%run_scoped3A : memref<!tpu.dma_semaphore, #tpu.memory_space<semaphore_mem>>) src(%arg12 : memref<128x128xf32, #tpu.memory_space<vmem>>) dst(%dma_wait3A_62 : memref<128x128xf32, #tpu.memory_space<vmem_shared>>)
        tpu.yield
      }) : () -> ()
      %add3A_14 = arith.constant 128 : i32
      %add3A_15 = arith.addi %mul3A_12, %add3A_14 : i32
      "tpu.region"() ({
        %run_scoped3A = tpu.sem_alloc : memref<!tpu.dma_semaphore, #tpu.memory_space<semaphore_mem>>
        %dma_start3A_55 = arith.constant 0 : i32
        %dma_start3A_56 = tpu.memref_slice %arg14[%add3A_15, %dma_start3A_55] : memref<10240x128xf32, #tpu.memory_space<vmem_shared>> -> memref<128x128xf32, #tpu.memory_space<vmem_shared>>
        %dma_start3A_57 = arith.constant 0 : i32
        %dma_start3A_58 = tpu.memref_slice %arg14[%add3A_15, %dma_start3A_57] : memref<10240x128xf32, #tpu.memory_space<vmem_shared>> -> memref<128x128xf32, #tpu.memory_space<vmem_shared>>
        tpu.enqueue_dma source(%arg12 : memref<128x128xf32, #tpu.memory_space<vmem>>) target(%dma_start3A_58 : memref<128x128xf32, #tpu.memory_space<vmem_shared>>) target_semaphore(%run_scoped3A : memref<!tpu.dma_semaphore, #tpu.memory_space<semaphore_mem>>)
        %dma_wait3A_59 = arith.constant 0 : i32
        %dma_wait3A_60 = tpu.memref_slice %arg14[%add3A_15, %dma_wait3A_59] : memref<10240x128xf32, #tpu.memory_space<vmem_shared>> -> memref<128x128xf32, #tpu.memory_space<vmem_shared>>
        %dma_wait3A_61 = arith.constant 0 : i32
        %dma_wait3A_62 = tpu.memref_slice %arg14[%add3A_15, %dma_wait3A_61] : memref<10240x128xf32, #tpu.memory_space<vmem_shared>> -> memref<128x128xf32, #tpu.memory_space<vmem_shared>>
        tpu.wait_dma2 semaphore(%run_scoped3A : memref<!tpu.dma_semaphore, #tpu.memory_space<semaphore_mem>>) src(%arg12 : memref<128x128xf32, #tpu.memory_space<vmem>>) dst(%dma_wait3A_62 : memref<128x128xf32, #tpu.memory_space<vmem_shared>>)
        tpu.yield
      }) : () -> ()
      %add3A_16 = arith.constant 256 : i32
      %add3A_17 = arith.addi %mul3A_12, %add3A_16 : i32
      "tpu.region"() ({
        %run_scoped3A = tpu.sem_alloc : memref<!tpu.dma_semaphore, #tpu.memory_space<semaphore_mem>>
        %dma_start3A_55 = arith.constant 0 : i32
        %dma_start3A_56 = tpu.memref_slice %arg14[%add3A_17, %dma_start3A_55] : memref<10240x128xf32, #tpu.memory_space<vmem_shared>> -> memref<128x128xf32, #tpu.memory_space<vmem_shared>>
        %dma_start3A_57 = arith.constant 0 : i32
        %dma_start3A_58 = tpu.memref_slice %arg14[%add3A_17, %dma_start3A_57] : memref<10240x128xf32, #tpu.memory_space<vmem_shared>> -> memref<128x128xf32, #tpu.memory_space<vmem_shared>>
        tpu.enqueue_dma source(%arg12 : memref<128x128xf32, #tpu.memory_space<vmem>>) target(%dma_start3A_58 : memref<128x128xf32, #tpu.memory_space<vmem_shared>>) target_semaphore(%run_scoped3A : memref<!tpu.dma_semaphore, #tpu.memory_space<semaphore_mem>>)
        %dma_wait3A_59 = arith.constant 0 : i32
        %dma_wait3A_60 = tpu.memref_slice %arg14[%add3A_17, %dma_wait3A_59] : memref<10240x128xf32, #tpu.memory_space<vmem_shared>> -> memref<128x128xf32, #tpu.memory_space<vmem_shared>>
        %dma_wait3A_61 = arith.constant 0 : i32
        %dma_wait3A_62 = tpu.memref_slice %arg14[%add3A_17, %dma_wait3A_61] : memref<10240x128xf32, #tpu.memory_space<vmem_shared>> -> memref<128x128xf32, #tpu.memory_space<vmem_shared>>
        tpu.wait_dma2 semaphore(%run_scoped3A : memref<!tpu.dma_semaphore, #tpu.memory_space<semaphore_mem>>) src(%arg12 : memref<128x128xf32, #tpu.memory_space<vmem>>) dst(%dma_wait3A_62 : memref<128x128xf32, #tpu.memory_space<vmem_shared>>)
        tpu.yield
      }) : () -> ()
      %add3A_18 = arith.constant 384 : i32
      %add3A_19 = arith.addi %mul3A_12, %add3A_18 : i32
      "tpu.region"() ({
        %run_scoped3A = tpu.sem_alloc : memref<!tpu.dma_semaphore, #tpu.memory_space<semaphore_mem>>
        %dma_start3A_55 = arith.constant 0 : i32
        %dma_start3A_56 = tpu.memref_slice %arg14[%add3A_19, %dma_start3A_55] : memref<10240x128xf32, #tpu.memory_space<vmem_shared>> -> memref<128x128xf32, #tpu.memory_space<vmem_shared>>
        %dma_start3A_57 = arith.constant 0 : i32
        %dma_start3A_58 = tpu.memref_slice %arg14[%add3A_19, %dma_start3A_57] : memref<10240x128xf32, #tpu.memory_space<vmem_shared>> -> memref<128x128xf32, #tpu.memory_space<vmem_shared>>
        tpu.enqueue_dma source(%arg12 : memref<128x128xf32, #tpu.memory_space<vmem>>) target(%dma_start3A_58 : memref<128x128xf32, #tpu.memory_space<vmem_shared>>) target_semaphore(%run_scoped3A : memref<!tpu.dma_semaphore, #tpu.memory_space<semaphore_mem>>)
        %dma_wait3A_59 = arith.constant 0 : i32
        %dma_wait3A_60 = tpu.memref_slice %arg14[%add3A_19, %dma_wait3A_59] : memref<10240x128xf32, #tpu.memory_space<vmem_shared>> -> memref<128x128xf32, #tpu.memory_space<vmem_shared>>
        %dma_wait3A_61 = arith.constant 0 : i32
        %dma_wait3A_62 = tpu.memref_slice %arg14[%add3A_19, %dma_wait3A_61] : memref<10240x128xf32, #tpu.memory_space<vmem_shared>> -> memref<128x128xf32, #tpu.memory_space<vmem_shared>>
        tpu.wait_dma2 semaphore(%run_scoped3A : memref<!tpu.dma_semaphore, #tpu.memory_space<semaphore_mem>>) src(%arg12 : memref<128x128xf32, #tpu.memory_space<vmem>>) dst(%dma_wait3A_62 : memref<128x128xf32, #tpu.memory_space<vmem_shared>>)
        tpu.yield
      }) : () -> ()
      %add3A_20 = arith.constant 512 : i32
      %add3A_21 = arith.addi %mul3A_12, %add3A_20 : i32
      "tpu.region"() ({
        %run_scoped3A = tpu.sem_alloc : memref<!tpu.dma_semaphore, #tpu.memory_space<semaphore_mem>>
        %dma_start3A_55 = arith.constant 0 : i32
        %dma_start3A_56 = tpu.memref_slice %arg14[%add3A_21, %dma_start3A_55] : memref<10240x128xf32, #tpu.memory_space<vmem_shared>> -> memref<128x128xf32, #tpu.memory_space<vmem_shared>>
        %dma_start3A_57 = arith.constant 0 : i32
        %dma_start3A_58 = tpu.memref_slice %arg14[%add3A_21, %dma_start3A_57] : memref<10240x128xf32, #tpu.memory_space<vmem_shared>> -> memref<128x128xf32, #tpu.memory_space<vmem_shared>>
        tpu.enqueue_dma source(%arg12 : memref<128x128xf32, #tpu.memory_space<vmem>>) target(%dma_start3A_58 : memref<128x128xf32, #tpu.memory_space<vmem_shared>>) target_semaphore(%run_scoped3A : memref<!tpu.dma_semaphore, #tpu.memory_space<semaphore_mem>>)
        %dma_wait3A_59 = arith.constant 0 : i32
        %dma_wait3A_60 = tpu.memref_slice %arg14[%add3A_21, %dma_wait3A_59] : memref<10240x128xf32, #tpu.memory_space<vmem_shared>> -> memref<128x128xf32, #tpu.memory_space<vmem_shared>>
        %dma_wait3A_61 = arith.constant 0 : i32
        %dma_wait3A_62 = tpu.memref_slice %arg14[%add3A_21, %dma_wait3A_61] : memref<10240x128xf32, #tpu.memory_space<vmem_shared>> -> memref<128x128xf32, #tpu.memory_space<vmem_shared>>
        tpu.wait_dma2 semaphore(%run_scoped3A : memref<!tpu.dma_semaphore, #tpu.memory_space<semaphore_mem>>) src(%arg12 : memref<128x128xf32, #tpu.memory_space<vmem>>) dst(%dma_wait3A_62 : memref<128x128xf32, #tpu.memory_space<vmem_shared>>)
        tpu.yield
      }) : () -> ()
      %barrier3A = arith.constant 0 : index
      tpu.barrier barrier_id(%barrier3A)
      "tpu.region"() ({
        %run_scoped3A = tpu.sem_alloc : memref<!tpu.dma_semaphore, #tpu.memory_space<semaphore_mem>>
        %dma_start3A_55 = arith.constant 0 : i32
        %dma_start3A_56 = arith.constant 0 : i32
        %dma_start3A_57 = tpu.memref_slice %arg7[%arg1, %dma_start3A_55, %dma_start3A_56] : memref<16x160x128xi32, #tpu.memory_space<hbm>> -> memref<1x8x128xi32, #tpu.memory_space<hbm>>
        %dma_start3A_58 = tpu.memref_squeeze %dma_start3A_57 : memref<1x8x128xi32, #tpu.memory_space<hbm>> -> memref<8x128xi32, #tpu.memory_space<hbm>>
        %dma_start3A_59 = arith.constant 0 : i32
        %dma_start3A_60 = arith.constant 0 : i32
        %dma_start3A_61 = tpu.memref_slice %arg7[%arg1, %dma_start3A_59, %dma_start3A_60] : memref<16x160x128xi32, #tpu.memory_space<hbm>> -> memref<1x8x128xi32, #tpu.memory_space<hbm>>
        %dma_start3A_62 = tpu.memref_squeeze %dma_start3A_61 : memref<1x8x128xi32, #tpu.memory_space<hbm>> -> memref<8x128xi32, #tpu.memory_space<hbm>>
        tpu.enqueue_dma source(%dma_start3A_62 : memref<8x128xi32, #tpu.memory_space<hbm>>) target(%arg11 : memref<8x128xi32, #tpu.memory_space<vmem>>) target_semaphore(%run_scoped3A : memref<!tpu.dma_semaphore, #tpu.memory_space<semaphore_mem>>)
        %dma_wait3A_63 = arith.constant 0 : i32
        %dma_wait3A_64 = arith.constant 0 : i32
        %dma_wait3A_65 = tpu.memref_slice %arg7[%arg1, %dma_wait3A_63, %dma_wait3A_64] : memref<16x160x128xi32, #tpu.memory_space<hbm>> -> memref<1x8x128xi32, #tpu.memory_space<hbm>>
        %dma_wait3A_66 = tpu.memref_squeeze %dma_wait3A_65 : memref<1x8x128xi32, #tpu.memory_space<hbm>> -> memref<8x128xi32, #tpu.memory_space<hbm>>
        %dma_wait3A_67 = arith.constant 0 : i32
        %dma_wait3A_68 = arith.constant 0 : i32
        %dma_wait3A_69 = tpu.memref_slice %arg7[%arg1, %dma_wait3A_67, %dma_wait3A_68] : memref<16x160x128xi32, #tpu.memory_space<hbm>> -> memref<1x8x128xi32, #tpu.memory_space<hbm>>
        %dma_wait3A_70 = tpu.memref_squeeze %dma_wait3A_69 : memref<1x8x128xi32, #tpu.memory_space<hbm>> -> memref<8x128xi32, #tpu.memory_space<hbm>>
        tpu.wait_dma2 semaphore(%run_scoped3A : memref<!tpu.dma_semaphore, #tpu.memory_space<semaphore_mem>>) src(%dma_wait3A_70 : memref<8x128xi32, #tpu.memory_space<hbm>>) dst(%arg11 : memref<8x128xi32, #tpu.memory_space<vmem>>)
        tpu.yield
      }) : () -> ()
      "tpu.region"() ({
        %run_scoped3A = tpu.sem_alloc : memref<!tpu.dma_semaphore, #tpu.memory_space<semaphore_mem>>
        %dma_start3A_55 = arith.constant 0 : i32
        %dma_start3A_56 = arith.constant 0 : i32
        %dma_start3A_57 = tpu.memref_slice %arg6[%arg1, %dma_start3A_55, %dma_start3A_56] : memref<16x168x128xi32, #tpu.memory_space<hbm>> -> memref<1x8x128xi32, #tpu.memory_space<hbm>>
        %dma_start3A_58 = tpu.memref_squeeze %dma_start3A_57 : memref<1x8x128xi32, #tpu.memory_space<hbm>> -> memref<8x128xi32, #tpu.memory_space<hbm>>
        %dma_start3A_59 = arith.constant 0 : i32
        %dma_start3A_60 = arith.constant 0 : i32
        %dma_start3A_61 = tpu.memref_slice %arg6[%arg1, %dma_start3A_59, %dma_start3A_60] : memref<16x168x128xi32, #tpu.memory_space<hbm>> -> memref<1x8x128xi32, #tpu.memory_space<hbm>>
        %dma_start3A_62 = tpu.memref_squeeze %dma_start3A_61 : memref<1x8x128xi32, #tpu.memory_space<hbm>> -> memref<8x128xi32, #tpu.memory_space<hbm>>
        tpu.enqueue_dma source(%dma_start3A_62 : memref<8x128xi32, #tpu.memory_space<hbm>>) target(%arg10 : memref<8x128xi32, #tpu.memory_space<vmem>>) target_semaphore(%run_scoped3A : memref<!tpu.dma_semaphore, #tpu.memory_space<semaphore_mem>>)
        %dma_wait3A_63 = arith.constant 0 : i32
        %dma_wait3A_64 = arith.constant 0 : i32
        %dma_wait3A_65 = tpu.memref_slice %arg6[%arg1, %dma_wait3A_63, %dma_wait3A_64] : memref<16x168x128xi32, #tpu.memory_space<hbm>> -> memref<1x8x128xi32, #tpu.memory_space<hbm>>
        %dma_wait3A_66 = tpu.memref_squeeze %dma_wait3A_65 : memref<1x8x128xi32, #tpu.memory_space<hbm>> -> memref<8x128xi32, #tpu.memory_space<hbm>>
        %dma_wait3A_67 = arith.constant 0 : i32
        %dma_wait3A_68 = arith.constant 0 : i32
        %dma_wait3A_69 = tpu.memref_slice %arg6[%arg1, %dma_wait3A_67, %dma_wait3A_68] : memref<16x168x128xi32, #tpu.memory_space<hbm>> -> memref<1x8x128xi32, #tpu.memory_space<hbm>>
        %dma_wait3A_70 = tpu.memref_squeeze %dma_wait3A_69 : memref<1x8x128xi32, #tpu.memory_space<hbm>> -> memref<8x128xi32, #tpu.memory_space<hbm>>
        tpu.wait_dma2 semaphore(%run_scoped3A : memref<!tpu.dma_semaphore, #tpu.memory_space<semaphore_mem>>) src(%dma_wait3A_70 : memref<8x128xi32, #tpu.memory_space<hbm>>) dst(%arg10 : memref<8x128xi32, #tpu.memory_space<vmem>>)
        tpu.yield
      }) : () -> ()
      %dma_start3A = arith.constant 0 : i32
      %dma_start3A_22 = arith.constant 0 : i32
      %dma_start3A_23 = tpu.memref_slice %arg11[%dma_start3A, %dma_start3A_22] : memref<8x128xi32, #tpu.memory_space<vmem>> -> memref<1x128xi32, #tpu.memory_space<vmem>>
      %dma_start3A_24 = tpu.memref_squeeze %dma_start3A_23 : memref<1x128xi32, #tpu.memory_space<vmem>> -> memref<128xi32, #tpu.memory_space<vmem>>
      %dma_start3A_25 = arith.constant 0 : i32
      %dma_start3A_26 = arith.constant 0 : i32
      %dma_start3A_27 = tpu.memref_slice %arg14[%dma_start3A_25, %dma_start3A_26] : memref<10240x128xf32, #tpu.memory_space<vmem_shared>> -> memref<10240x128xf32, #tpu.memory_space<vmem_shared>>
      tpu.enqueue_indirect_dma source(%arg13 : memref<128x128xf32, #tpu.memory_space<vmem>>) target(%dma_start3A_27 : memref<10240x128xf32, #tpu.memory_space<vmem_shared>>) offsets(%dma_start3A_24 : memref<128xi32, #tpu.memory_space<vmem>>) semaphore(%arg17 : memref<!tpu.dma_semaphore, #tpu.memory_space<semaphore_mem>>) {add = true}
      %dma_start3A_28 = arith.constant 0 : i32
      %dma_start3A_29 = arith.constant 0 : i32
      %dma_start3A_30 = tpu.memref_slice %arg10[%dma_start3A_28, %dma_start3A_29] : memref<8x128xi32, #tpu.memory_space<vmem>> -> memref<1x128xi32, #tpu.memory_space<vmem>>
      %dma_start3A_31 = tpu.memref_squeeze %dma_start3A_30 : memref<1x128xi32, #tpu.memory_space<vmem>> -> memref<128xi32, #tpu.memory_space<vmem>>
      %dma_start3A_32 = arith.constant 0 : i32
      %dma_start3A_33 = arith.constant 0 : i32
      %dma_start3A_34 = tpu.memref_slice %arg3[%dma_start3A_32, %dma_start3A_33] : memref<10000x128xf32, #tpu.memory_space<hbm>> -> memref<10000x128xf32, #tpu.memory_space<hbm>>
      tpu.enqueue_indirect_dma source(%dma_start3A_34 : memref<10000x128xf32, #tpu.memory_space<hbm>>) target(%arg12 : memref<128x128xf32, #tpu.memory_space<vmem>>) offsets(%dma_start3A_31 : memref<128xi32, #tpu.memory_space<vmem>>) semaphore(%arg15 : memref<!tpu.dma_semaphore, #tpu.memory_space<semaphore_mem>>)
      %scan3A_35 = arith.constant 0 : i32
      %scan3A_36 = arith.constant 0 : i32
      %scan3A_37 = arith.constant 20 : i32
      %scan3A_38 = arith.addi %scan3A_36, %scan3A_37 : i32
      %scan3A_39 = arith.constant 1 : i32
      scf.for %scan3A_55 = %scan3A_36 to %scan3A_38 step %scan3A_39  : i32 {
        %dma_wait3A_56 = arith.constant 0 : i32
        %dma_wait3A_57 = arith.constant 0 : i32
        %dma_wait3A_58 = tpu.memref_slice %arg11[%dma_wait3A_56, %dma_wait3A_57] : memref<8x128xi32, #tpu.memory_space<vmem>> -> memref<1x128xi32, #tpu.memory_space<vmem>>
        %dma_wait3A_59 = tpu.memref_squeeze %dma_wait3A_58 : memref<1x128xi32, #tpu.memory_space<vmem>> -> memref<128xi32, #tpu.memory_space<vmem>>
        %dma_wait3A_60 = arith.constant 0 : i32
        %dma_wait3A_61 = arith.constant 0 : i32
        %dma_wait3A_62 = tpu.memref_slice %arg14[%dma_wait3A_60, %dma_wait3A_61] : memref<10240x128xf32, #tpu.memory_space<vmem_shared>> -> memref<10240x128xf32, #tpu.memory_space<vmem_shared>>
        tpu.wait_indirect_dma semaphore(%arg17 : memref<!tpu.dma_semaphore, #tpu.memory_space<semaphore_mem>>) src(%arg13 : memref<128x128xf32, #tpu.memory_space<vmem>>) dst(%dma_wait3A_62 : memref<10240x128xf32, #tpu.memory_space<vmem_shared>>)
        %mul3A_63 = arith.constant 8 : i32
        %mul3A_64 = arith.muli %scan3A_55, %mul3A_63 : i32
        "tpu.region"() ({
          %run_scoped3A = tpu.sem_alloc : memref<!tpu.dma_semaphore, #tpu.memory_space<semaphore_mem>>
          %dma_start3A_286 = arith.constant 0 : i32
          %dma_start3A_287 = tpu.memref_slice %arg7[%arg1, %mul3A_64, %dma_start3A_286] : memref<16x160x128xi32, #tpu.memory_space<hbm>> -> memref<1x8x128xi32, #tpu.memory_space<hbm>>
          %dma_start3A_288 = tpu.memref_squeeze %dma_start3A_287 : memref<1x8x128xi32, #tpu.memory_space<hbm>> -> memref<8x128xi32, #tpu.memory_space<hbm>>
          %dma_start3A_289 = arith.constant 0 : i32
          %dma_start3A_290 = tpu.memref_slice %arg7[%arg1, %mul3A_64, %dma_start3A_289] : memref<16x160x128xi32, #tpu.memory_space<hbm>> -> memref<1x8x128xi32, #tpu.memory_space<hbm>>
          %dma_start3A_291 = tpu.memref_squeeze %dma_start3A_290 : memref<1x8x128xi32, #tpu.memory_space<hbm>> -> memref<8x128xi32, #tpu.memory_space<hbm>>
          tpu.enqueue_dma source(%dma_start3A_291 : memref<8x128xi32, #tpu.memory_space<hbm>>) target(%arg11 : memref<8x128xi32, #tpu.memory_space<vmem>>) target_semaphore(%run_scoped3A : memref<!tpu.dma_semaphore, #tpu.memory_space<semaphore_mem>>)
          %dma_wait3A_292 = arith.constant 0 : i32
          %dma_wait3A_293 = tpu.memref_slice %arg7[%arg1, %mul3A_64, %dma_wait3A_292] : memref<16x160x128xi32, #tpu.memory_space<hbm>> -> memref<1x8x128xi32, #tpu.memory_space<hbm>>
          %dma_wait3A_294 = tpu.memref_squeeze %dma_wait3A_293 : memref<1x8x128xi32, #tpu.memory_space<hbm>> -> memref<8x128xi32, #tpu.memory_space<hbm>>
          %dma_wait3A_295 = arith.constant 0 : i32
          %dma_wait3A_296 = tpu.memref_slice %arg7[%arg1, %mul3A_64, %dma_wait3A_295] : memref<16x160x128xi32, #tpu.memory_space<hbm>> -> memref<1x8x128xi32, #tpu.memory_space<hbm>>
          %dma_wait3A_297 = tpu.memref_squeeze %dma_wait3A_296 : memref<1x8x128xi32, #tpu.memory_space<hbm>> -> memref<8x128xi32, #tpu.memory_space<hbm>>
          tpu.wait_dma2 semaphore(%run_scoped3A : memref<!tpu.dma_semaphore, #tpu.memory_space<semaphore_mem>>) src(%dma_wait3A_297 : memref<8x128xi32, #tpu.memory_space<hbm>>) dst(%arg11 : memref<8x128xi32, #tpu.memory_space<vmem>>)
          tpu.yield
        }) : () -> ()
        %dma_wait3A_65 = arith.constant 0 : i32
        %dma_wait3A_66 = arith.constant 0 : i32
        %dma_wait3A_67 = tpu.memref_slice %arg10[%dma_wait3A_65, %dma_wait3A_66] : memref<8x128xi32, #tpu.memory_space<vmem>> -> memref<1x128xi32, #tpu.memory_space<vmem>>
        %dma_wait3A_68 = tpu.memref_squeeze %dma_wait3A_67 : memref<1x128xi32, #tpu.memory_space<vmem>> -> memref<128xi32, #tpu.memory_space<vmem>>
        %dma_wait3A_69 = arith.constant 0 : i32
        %dma_wait3A_70 = arith.constant 0 : i32
        %dma_wait3A_71 = tpu.memref_slice %arg3[%dma_wait3A_69, %dma_wait3A_70] : memref<10000x128xf32, #tpu.memory_space<hbm>> -> memref<10000x128xf32, #tpu.memory_space<hbm>>
        tpu.wait_indirect_dma semaphore(%arg15 : memref<!tpu.dma_semaphore, #tpu.memory_space<semaphore_mem>>) src(%dma_wait3A_71 : memref<10000x128xf32, #tpu.memory_space<hbm>>) dst(%arg12 : memref<128x128xf32, #tpu.memory_space<vmem>>)
        %dma_start3A_72 = arith.constant 0 : i32
        %dma_start3A_73 = arith.constant 0 : i32
        %dma_start3A_74 = tpu.memref_slice %arg11[%dma_start3A_72, %dma_start3A_73] : memref<8x128xi32, #tpu.memory_space<vmem>> -> memref<1x128xi32, #tpu.memory_space<vmem>>
        %dma_start3A_75 = tpu.memref_squeeze %dma_start3A_74 : memref<1x128xi32, #tpu.memory_space<vmem>> -> memref<128xi32, #tpu.memory_space<vmem>>
        %dma_start3A_76 = arith.constant 0 : i32
        %dma_start3A_77 = arith.constant 0 : i32
        %dma_start3A_78 = tpu.memref_slice %arg14[%dma_start3A_76, %dma_start3A_77] : memref<10240x128xf32, #tpu.memory_space<vmem_shared>> -> memref<10240x128xf32, #tpu.memory_space<vmem_shared>>
        tpu.enqueue_indirect_dma source(%arg12 : memref<128x128xf32, #tpu.memory_space<vmem>>) target(%dma_start3A_78 : memref<10240x128xf32, #tpu.memory_space<vmem_shared>>) offsets(%dma_start3A_75 : memref<128xi32, #tpu.memory_space<vmem>>) semaphore(%arg16 : memref<!tpu.dma_semaphore, #tpu.memory_space<semaphore_mem>>) {add = true}
        %dma_start3A_79 = arith.constant 1 : i32
        %dma_start3A_80 = arith.constant 0 : i32
        %dma_start3A_81 = tpu.memref_slice %arg10[%dma_start3A_79, %dma_start3A_80] : memref<8x128xi32, #tpu.memory_space<vmem>> -> memref<1x128xi32, #tpu.memory_space<vmem>>
        %dma_start3A_82 = tpu.memref_squeeze %dma_start3A_81 : memref<1x128xi32, #tpu.memory_space<vmem>> -> memref<128xi32, #tpu.memory_space<vmem>>
        %dma_start3A_83 = arith.constant 0 : i32
        %dma_start3A_84 = arith.constant 0 : i32
        %dma_start3A_85 = tpu.memref_slice %arg3[%dma_start3A_83, %dma_start3A_84] : memref<10000x128xf32, #tpu.memory_space<hbm>> -> memref<10000x128xf32, #tpu.memory_space<hbm>>
        tpu.enqueue_indirect_dma source(%dma_start3A_85 : memref<10000x128xf32, #tpu.memory_space<hbm>>) target(%arg13 : memref<128x128xf32, #tpu.memory_space<vmem>>) offsets(%dma_start3A_82 : memref<128xi32, #tpu.memory_space<vmem>>) semaphore(%arg15 : memref<!tpu.dma_semaphore, #tpu.memory_space<semaphore_mem>>)
        %dma_wait3A_86 = arith.constant 1 : i32
        %dma_wait3A_87 = arith.constant 0 : i32
        %dma_wait3A_88 = tpu.memref_slice %arg10[%dma_wait3A_86, %dma_wait3A_87] : memref<8x128xi32, #tpu.memory_space<vmem>> -> memref<1x128xi32, #tpu.memory_space<vmem>>
        %dma_wait3A_89 = tpu.memref_squeeze %dma_wait3A_88 : memref<1x128xi32, #tpu.memory_space<vmem>> -> memref<128xi32, #tpu.memory_space<vmem>>
        %dma_wait3A_90 = arith.constant 0 : i32
        %dma_wait3A_91 = arith.constant 0 : i32
        %dma_wait3A_92 = tpu.memref_slice %arg3[%dma_wait3A_90, %dma_wait3A_91] : memref<10000x128xf32, #tpu.memory_space<hbm>> -> memref<10000x128xf32, #tpu.memory_space<hbm>>
        tpu.wait_indirect_dma semaphore(%arg15 : memref<!tpu.dma_semaphore, #tpu.memory_space<semaphore_mem>>) src(%dma_wait3A_92 : memref<10000x128xf32, #tpu.memory_space<hbm>>) dst(%arg13 : memref<128x128xf32, #tpu.memory_space<vmem>>)
        %dma_start3A_93 = arith.constant 1 : i32
        %dma_start3A_94 = arith.constant 0 : i32
        %dma_start3A_95 = tpu.memref_slice %arg11[%dma_start3A_93, %dma_start3A_94] : memref<8x128xi32, #tpu.memory_space<vmem>> -> memref<1x128xi32, #tpu.memory_space<vmem>>
        %dma_start3A_96 = tpu.memref_squeeze %dma_start3A_95 : memref<1x128xi32, #tpu.memory_space<vmem>> -> memref<128xi32, #tpu.memory_space<vmem>>
        %dma_start3A_97 = arith.constant 0 : i32
        %dma_start3A_98 = arith.constant 0 : i32
        %dma_start3A_99 = tpu.memref_slice %arg14[%dma_start3A_97, %dma_start3A_98] : memref<10240x128xf32, #tpu.memory_space<vmem_shared>> -> memref<10240x128xf32, #tpu.memory_space<vmem_shared>>
        tpu.enqueue_indirect_dma source(%arg13 : memref<128x128xf32, #tpu.memory_space<vmem>>) target(%dma_start3A_99 : memref<10240x128xf32, #tpu.memory_space<vmem_shared>>) offsets(%dma_start3A_96 : memref<128xi32, #tpu.memory_space<vmem>>) semaphore(%arg17 : memref<!tpu.dma_semaphore, #tpu.memory_space<semaphore_mem>>) {add = true}
        %dma_wait3A_100 = arith.constant 0 : i32
        %dma_wait3A_101 = arith.constant 0 : i32
        %dma_wait3A_102 = tpu.memref_slice %arg11[%dma_wait3A_100, %dma_wait3A_101] : memref<8x128xi32, #tpu.memory_space<vmem>> -> memref<1x128xi32, #tpu.memory_space<vmem>>
        %dma_wait3A_103 = tpu.memref_squeeze %dma_wait3A_102 : memref<1x128xi32, #tpu.memory_space<vmem>> -> memref<128xi32, #tpu.memory_space<vmem>>
        %dma_wait3A_104 = arith.constant 0 : i32
        %dma_wait3A_105 = arith.constant 0 : i32
        %dma_wait3A_106 = tpu.memref_slice %arg14[%dma_wait3A_104, %dma_wait3A_105] : memref<10240x128xf32, #tpu.memory_space<vmem_shared>> -> memref<10240x128xf32, #tpu.memory_space<vmem_shared>>
        tpu.wait_indirect_dma semaphore(%arg16 : memref<!tpu.dma_semaphore, #tpu.memory_space<semaphore_mem>>) src(%arg12 : memref<128x128xf32, #tpu.memory_space<vmem>>) dst(%dma_wait3A_106 : memref<10240x128xf32, #tpu.memory_space<vmem_shared>>)
        %dma_start3A_107 = arith.constant 2 : i32
        %dma_start3A_108 = arith.constant 0 : i32
        %dma_start3A_109 = tpu.memref_slice %arg10[%dma_start3A_107, %dma_start3A_108] : memref<8x128xi32, #tpu.memory_space<vmem>> -> memref<1x128xi32, #tpu.memory_space<vmem>>
        %dma_start3A_110 = tpu.memref_squeeze %dma_start3A_109 : memref<1x128xi32, #tpu.memory_space<vmem>> -> memref<128xi32, #tpu.memory_space<vmem>>
        %dma_start3A_111 = arith.constant 0 : i32
        %dma_start3A_112 = arith.constant 0 : i32
        %dma_start3A_113 = tpu.memref_slice %arg3[%dma_start3A_111, %dma_start3A_112] : memref<10000x128xf32, #tpu.memory_space<hbm>> -> memref<10000x128xf32, #tpu.memory_space<hbm>>
        tpu.enqueue_indirect_dma source(%dma_start3A_113 : memref<10000x128xf32, #tpu.memory_space<hbm>>) target(%arg12 : memref<128x128xf32, #tpu.memory_space<vmem>>) offsets(%dma_start3A_110 : memref<128xi32, #tpu.memory_space<vmem>>) semaphore(%arg15 : memref<!tpu.dma_semaphore, #tpu.memory_space<semaphore_mem>>)
        %dma_wait3A_114 = arith.constant 2 : i32
        %dma_wait3A_115 = arith.constant 0 : i32
        %dma_wait3A_116 = tpu.memref_slice %arg10[%dma_wait3A_114, %dma_wait3A_115] : memref<8x128xi32, #tpu.memory_space<vmem>> -> memref<1x128xi32, #tpu.memory_space<vmem>>
        %dma_wait3A_117 = tpu.memref_squeeze %dma_wait3A_116 : memref<1x128xi32, #tpu.memory_space<vmem>> -> memref<128xi32, #tpu.memory_space<vmem>>
        %dma_wait3A_118 = arith.constant 0 : i32
        %dma_wait3A_119 = arith.constant 0 : i32
        %dma_wait3A_120 = tpu.memref_slice %arg3[%dma_wait3A_118, %dma_wait3A_119] : memref<10000x128xf32, #tpu.memory_space<hbm>> -> memref<10000x128xf32, #tpu.memory_space<hbm>>
        tpu.wait_indirect_dma semaphore(%arg15 : memref<!tpu.dma_semaphore, #tpu.memory_space<semaphore_mem>>) src(%dma_wait3A_120 : memref<10000x128xf32, #tpu.memory_space<hbm>>) dst(%arg12 : memref<128x128xf32, #tpu.memory_space<vmem>>)
        %dma_start3A_121 = arith.constant 2 : i32
        %dma_start3A_122 = arith.constant 0 : i32
        %dma_start3A_123 = tpu.memref_slice %arg11[%dma_start3A_121, %dma_start3A_122] : memref<8x128xi32, #tpu.memory_space<vmem>> -> memref<1x128xi32, #tpu.memory_space<vmem>>
        %dma_start3A_124 = tpu.memref_squeeze %dma_start3A_123 : memref<1x128xi32, #tpu.memory_space<vmem>> -> memref<128xi32, #tpu.memory_space<vmem>>
        %dma_start3A_125 = arith.constant 0 : i32
        %dma_start3A_126 = arith.constant 0 : i32
        %dma_start3A_127 = tpu.memref_slice %arg14[%dma_start3A_125, %dma_start3A_126] : memref<10240x128xf32, #tpu.memory_space<vmem_shared>> -> memref<10240x128xf32, #tpu.memory_space<vmem_shared>>
        tpu.enqueue_indirect_dma source(%arg12 : memref<128x128xf32, #tpu.memory_space<vmem>>) target(%dma_start3A_127 : memref<10240x128xf32, #tpu.memory_space<vmem_shared>>) offsets(%dma_start3A_124 : memref<128xi32, #tpu.memory_space<vmem>>) semaphore(%arg16 : memref<!tpu.dma_semaphore, #tpu.memory_space<semaphore_mem>>) {add = true}
        %dma_wait3A_128 = arith.constant 1 : i32
        %dma_wait3A_129 = arith.constant 0 : i32
        %dma_wait3A_130 = tpu.memref_slice %arg11[%dma_wait3A_128, %dma_wait3A_129] : memref<8x128xi32, #tpu.memory_space<vmem>> -> memref<1x128xi32, #tpu.memory_space<vmem>>
        %dma_wait3A_131 = tpu.memref_squeeze %dma_wait3A_130 : memref<1x128xi32, #tpu.memory_space<vmem>> -> memref<128xi32, #tpu.memory_space<vmem>>
        %dma_wait3A_132 = arith.constant 0 : i32
        %dma_wait3A_133 = arith.constant 0 : i32
        %dma_wait3A_134 = tpu.memref_slice %arg14[%dma_wait3A_132, %dma_wait3A_133] : memref<10240x128xf32, #tpu.memory_space<vmem_shared>> -> memref<10240x128xf32, #tpu.memory_space<vmem_shared>>
        tpu.wait_indirect_dma semaphore(%arg17 : memref<!tpu.dma_semaphore, #tpu.memory_space<semaphore_mem>>) src(%arg13 : memref<128x128xf32, #tpu.memory_space<vmem>>) dst(%dma_wait3A_134 : memref<10240x128xf32, #tpu.memory_space<vmem_shared>>)
        %dma_start3A_135 = arith.constant 3 : i32
        %dma_start3A_136 = arith.constant 0 : i32
        %dma_start3A_137 = tpu.memref_slice %arg10[%dma_start3A_135, %dma_start3A_136] : memref<8x128xi32, #tpu.memory_space<vmem>> -> memref<1x128xi32, #tpu.memory_space<vmem>>
        %dma_start3A_138 = tpu.memref_squeeze %dma_start3A_137 : memref<1x128xi32, #tpu.memory_space<vmem>> -> memref<128xi32, #tpu.memory_space<vmem>>
        %dma_start3A_139 = arith.constant 0 : i32
        %dma_start3A_140 = arith.constant 0 : i32
        %dma_start3A_141 = tpu.memref_slice %arg3[%dma_start3A_139, %dma_start3A_140] : memref<10000x128xf32, #tpu.memory_space<hbm>> -> memref<10000x128xf32, #tpu.memory_space<hbm>>
        tpu.enqueue_indirect_dma source(%dma_start3A_141 : memref<10000x128xf32, #tpu.memory_space<hbm>>) target(%arg13 : memref<128x128xf32, #tpu.memory_space<vmem>>) offsets(%dma_start3A_138 : memref<128xi32, #tpu.memory_space<vmem>>) semaphore(%arg15 : memref<!tpu.dma_semaphore, #tpu.memory_space<semaphore_mem>>)
        %dma_wait3A_142 = arith.constant 3 : i32
        %dma_wait3A_143 = arith.constant 0 : i32
        %dma_wait3A_144 = tpu.memref_slice %arg10[%dma_wait3A_142, %dma_wait3A_143] : memref<8x128xi32, #tpu.memory_space<vmem>> -> memref<1x128xi32, #tpu.memory_space<vmem>>
        %dma_wait3A_145 = tpu.memref_squeeze %dma_wait3A_144 : memref<1x128xi32, #tpu.memory_space<vmem>> -> memref<128xi32, #tpu.memory_space<vmem>>
        %dma_wait3A_146 = arith.constant 0 : i32
        %dma_wait3A_147 = arith.constant 0 : i32
        %dma_wait3A_148 = tpu.memref_slice %arg3[%dma_wait3A_146, %dma_wait3A_147] : memref<10000x128xf32, #tpu.memory_space<hbm>> -> memref<10000x128xf32, #tpu.memory_space<hbm>>
        tpu.wait_indirect_dma semaphore(%arg15 : memref<!tpu.dma_semaphore, #tpu.memory_space<semaphore_mem>>) src(%dma_wait3A_148 : memref<10000x128xf32, #tpu.memory_space<hbm>>) dst(%arg13 : memref<128x128xf32, #tpu.memory_space<vmem>>)
        %dma_start3A_149 = arith.constant 3 : i32
        %dma_start3A_150 = arith.constant 0 : i32
        %dma_start3A_151 = tpu.memref_slice %arg11[%dma_start3A_149, %dma_start3A_150] : memref<8x128xi32, #tpu.memory_space<vmem>> -> memref<1x128xi32, #tpu.memory_space<vmem>>
        %dma_start3A_152 = tpu.memref_squeeze %dma_start3A_151 : memref<1x128xi32, #tpu.memory_space<vmem>> -> memref<128xi32, #tpu.memory_space<vmem>>
        %dma_start3A_153 = arith.constant 0 : i32
        %dma_start3A_154 = arith.constant 0 : i32
        %dma_start3A_155 = tpu.memref_slice %arg14[%dma_start3A_153, %dma_start3A_154] : memref<10240x128xf32, #tpu.memory_space<vmem_shared>> -> memref<10240x128xf32, #tpu.memory_space<vmem_shared>>
        tpu.enqueue_indirect_dma source(%arg13 : memref<128x128xf32, #tpu.memory_space<vmem>>) target(%dma_start3A_155 : memref<10240x128xf32, #tpu.memory_space<vmem_shared>>) offsets(%dma_start3A_152 : memref<128xi32, #tpu.memory_space<vmem>>) semaphore(%arg17 : memref<!tpu.dma_semaphore, #tpu.memory_space<semaphore_mem>>) {add = true}
        %dma_wait3A_156 = arith.constant 2 : i32
        %dma_wait3A_157 = arith.constant 0 : i32
        %dma_wait3A_158 = tpu.memref_slice %arg11[%dma_wait3A_156, %dma_wait3A_157] : memref<8x128xi32, #tpu.memory_space<vmem>> -> memref<1x128xi32, #tpu.memory_space<vmem>>
        %dma_wait3A_159 = tpu.memref_squeeze %dma_wait3A_158 : memref<1x128xi32, #tpu.memory_space<vmem>> -> memref<128xi32, #tpu.memory_space<vmem>>
        %dma_wait3A_160 = arith.constant 0 : i32
        %dma_wait3A_161 = arith.constant 0 : i32
        %dma_wait3A_162 = tpu.memref_slice %arg14[%dma_wait3A_160, %dma_wait3A_161] : memref<10240x128xf32, #tpu.memory_space<vmem_shared>> -> memref<10240x128xf32, #tpu.memory_space<vmem_shared>>
        tpu.wait_indirect_dma semaphore(%arg16 : memref<!tpu.dma_semaphore, #tpu.memory_space<semaphore_mem>>) src(%arg12 : memref<128x128xf32, #tpu.memory_space<vmem>>) dst(%dma_wait3A_162 : memref<10240x128xf32, #tpu.memory_space<vmem_shared>>)
        %dma_start3A_163 = arith.constant 4 : i32
        %dma_start3A_164 = arith.constant 0 : i32
        %dma_start3A_165 = tpu.memref_slice %arg10[%dma_start3A_163, %dma_start3A_164] : memref<8x128xi32, #tpu.memory_space<vmem>> -> memref<1x128xi32, #tpu.memory_space<vmem>>
        %dma_start3A_166 = tpu.memref_squeeze %dma_start3A_165 : memref<1x128xi32, #tpu.memory_space<vmem>> -> memref<128xi32, #tpu.memory_space<vmem>>
        %dma_start3A_167 = arith.constant 0 : i32
        %dma_start3A_168 = arith.constant 0 : i32
        %dma_start3A_169 = tpu.memref_slice %arg3[%dma_start3A_167, %dma_start3A_168] : memref<10000x128xf32, #tpu.memory_space<hbm>> -> memref<10000x128xf32, #tpu.memory_space<hbm>>
        tpu.enqueue_indirect_dma source(%dma_start3A_169 : memref<10000x128xf32, #tpu.memory_space<hbm>>) target(%arg12 : memref<128x128xf32, #tpu.memory_space<vmem>>) offsets(%dma_start3A_166 : memref<128xi32, #tpu.memory_space<vmem>>) semaphore(%arg15 : memref<!tpu.dma_semaphore, #tpu.memory_space<semaphore_mem>>)
        %dma_wait3A_170 = arith.constant 4 : i32
        %dma_wait3A_171 = arith.constant 0 : i32
        %dma_wait3A_172 = tpu.memref_slice %arg10[%dma_wait3A_170, %dma_wait3A_171] : memref<8x128xi32, #tpu.memory_space<vmem>> -> memref<1x128xi32, #tpu.memory_space<vmem>>
        %dma_wait3A_173 = tpu.memref_squeeze %dma_wait3A_172 : memref<1x128xi32, #tpu.memory_space<vmem>> -> memref<128xi32, #tpu.memory_space<vmem>>
        %dma_wait3A_174 = arith.constant 0 : i32
        %dma_wait3A_175 = arith.constant 0 : i32
        %dma_wait3A_176 = tpu.memref_slice %arg3[%dma_wait3A_174, %dma_wait3A_175] : memref<10000x128xf32, #tpu.memory_space<hbm>> -> memref<10000x128xf32, #tpu.memory_space<hbm>>
        tpu.wait_indirect_dma semaphore(%arg15 : memref<!tpu.dma_semaphore, #tpu.memory_space<semaphore_mem>>) src(%dma_wait3A_176 : memref<10000x128xf32, #tpu.memory_space<hbm>>) dst(%arg12 : memref<128x128xf32, #tpu.memory_space<vmem>>)
        %dma_start3A_177 = arith.constant 4 : i32
        %dma_start3A_178 = arith.constant 0 : i32
        %dma_start3A_179 = tpu.memref_slice %arg11[%dma_start3A_177, %dma_start3A_178] : memref<8x128xi32, #tpu.memory_space<vmem>> -> memref<1x128xi32, #tpu.memory_space<vmem>>
        %dma_start3A_180 = tpu.memref_squeeze %dma_start3A_179 : memref<1x128xi32, #tpu.memory_space<vmem>> -> memref<128xi32, #tpu.memory_space<vmem>>
        %dma_start3A_181 = arith.constant 0 : i32
        %dma_start3A_182 = arith.constant 0 : i32
        %dma_start3A_183 = tpu.memref_slice %arg14[%dma_start3A_181, %dma_start3A_182] : memref<10240x128xf32, #tpu.memory_space<vmem_shared>> -> memref<10240x128xf32, #tpu.memory_space<vmem_shared>>
        tpu.enqueue_indirect_dma source(%arg12 : memref<128x128xf32, #tpu.memory_space<vmem>>) target(%dma_start3A_183 : memref<10240x128xf32, #tpu.memory_space<vmem_shared>>) offsets(%dma_start3A_180 : memref<128xi32, #tpu.memory_space<vmem>>) semaphore(%arg16 : memref<!tpu.dma_semaphore, #tpu.memory_space<semaphore_mem>>) {add = true}
        %dma_wait3A_184 = arith.constant 3 : i32
        %dma_wait3A_185 = arith.constant 0 : i32
        %dma_wait3A_186 = tpu.memref_slice %arg11[%dma_wait3A_184, %dma_wait3A_185] : memref<8x128xi32, #tpu.memory_space<vmem>> -> memref<1x128xi32, #tpu.memory_space<vmem>>
        %dma_wait3A_187 = tpu.memref_squeeze %dma_wait3A_186 : memref<1x128xi32, #tpu.memory_space<vmem>> -> memref<128xi32, #tpu.memory_space<vmem>>
        %dma_wait3A_188 = arith.constant 0 : i32
        %dma_wait3A_189 = arith.constant 0 : i32
        %dma_wait3A_190 = tpu.memref_slice %arg14[%dma_wait3A_188, %dma_wait3A_189] : memref<10240x128xf32, #tpu.memory_space<vmem_shared>> -> memref<10240x128xf32, #tpu.memory_space<vmem_shared>>
        tpu.wait_indirect_dma semaphore(%arg17 : memref<!tpu.dma_semaphore, #tpu.memory_space<semaphore_mem>>) src(%arg13 : memref<128x128xf32, #tpu.memory_space<vmem>>) dst(%dma_wait3A_190 : memref<10240x128xf32, #tpu.memory_space<vmem_shared>>)
        %dma_start3A_191 = arith.constant 5 : i32
        %dma_start3A_192 = arith.constant 0 : i32
        %dma_start3A_193 = tpu.memref_slice %arg10[%dma_start3A_191, %dma_start3A_192] : memref<8x128xi32, #tpu.memory_space<vmem>> -> memref<1x128xi32, #tpu.memory_space<vmem>>
        %dma_start3A_194 = tpu.memref_squeeze %dma_start3A_193 : memref<1x128xi32, #tpu.memory_space<vmem>> -> memref<128xi32, #tpu.memory_space<vmem>>
        %dma_start3A_195 = arith.constant 0 : i32
        %dma_start3A_196 = arith.constant 0 : i32
        %dma_start3A_197 = tpu.memref_slice %arg3[%dma_start3A_195, %dma_start3A_196] : memref<10000x128xf32, #tpu.memory_space<hbm>> -> memref<10000x128xf32, #tpu.memory_space<hbm>>
        tpu.enqueue_indirect_dma source(%dma_start3A_197 : memref<10000x128xf32, #tpu.memory_space<hbm>>) target(%arg13 : memref<128x128xf32, #tpu.memory_space<vmem>>) offsets(%dma_start3A_194 : memref<128xi32, #tpu.memory_space<vmem>>) semaphore(%arg15 : memref<!tpu.dma_semaphore, #tpu.memory_space<semaphore_mem>>)
        %dma_wait3A_198 = arith.constant 5 : i32
        %dma_wait3A_199 = arith.constant 0 : i32
        %dma_wait3A_200 = tpu.memref_slice %arg10[%dma_wait3A_198, %dma_wait3A_199] : memref<8x128xi32, #tpu.memory_space<vmem>> -> memref<1x128xi32, #tpu.memory_space<vmem>>
        %dma_wait3A_201 = tpu.memref_squeeze %dma_wait3A_200 : memref<1x128xi32, #tpu.memory_space<vmem>> -> memref<128xi32, #tpu.memory_space<vmem>>
        %dma_wait3A_202 = arith.constant 0 : i32
        %dma_wait3A_203 = arith.constant 0 : i32
        %dma_wait3A_204 = tpu.memref_slice %arg3[%dma_wait3A_202, %dma_wait3A_203] : memref<10000x128xf32, #tpu.memory_space<hbm>> -> memref<10000x128xf32, #tpu.memory_space<hbm>>
        tpu.wait_indirect_dma semaphore(%arg15 : memref<!tpu.dma_semaphore, #tpu.memory_space<semaphore_mem>>) src(%dma_wait3A_204 : memref<10000x128xf32, #tpu.memory_space<hbm>>) dst(%arg13 : memref<128x128xf32, #tpu.memory_space<vmem>>)
        %dma_start3A_205 = arith.constant 5 : i32
        %dma_start3A_206 = arith.constant 0 : i32
        %dma_start3A_207 = tpu.memref_slice %arg11[%dma_start3A_205, %dma_start3A_206] : memref<8x128xi32, #tpu.memory_space<vmem>> -> memref<1x128xi32, #tpu.memory_space<vmem>>
        %dma_start3A_208 = tpu.memref_squeeze %dma_start3A_207 : memref<1x128xi32, #tpu.memory_space<vmem>> -> memref<128xi32, #tpu.memory_space<vmem>>
        %dma_start3A_209 = arith.constant 0 : i32
        %dma_start3A_210 = arith.constant 0 : i32
        %dma_start3A_211 = tpu.memref_slice %arg14[%dma_start3A_209, %dma_start3A_210] : memref<10240x128xf32, #tpu.memory_space<vmem_shared>> -> memref<10240x128xf32, #tpu.memory_space<vmem_shared>>
        tpu.enqueue_indirect_dma source(%arg13 : memref<128x128xf32, #tpu.memory_space<vmem>>) target(%dma_start3A_211 : memref<10240x128xf32, #tpu.memory_space<vmem_shared>>) offsets(%dma_start3A_208 : memref<128xi32, #tpu.memory_space<vmem>>) semaphore(%arg17 : memref<!tpu.dma_semaphore, #tpu.memory_space<semaphore_mem>>) {add = true}
        %dma_wait3A_212 = arith.constant 4 : i32
        %dma_wait3A_213 = arith.constant 0 : i32
        %dma_wait3A_214 = tpu.memref_slice %arg11[%dma_wait3A_212, %dma_wait3A_213] : memref<8x128xi32, #tpu.memory_space<vmem>> -> memref<1x128xi32, #tpu.memory_space<vmem>>
        %dma_wait3A_215 = tpu.memref_squeeze %dma_wait3A_214 : memref<1x128xi32, #tpu.memory_space<vmem>> -> memref<128xi32, #tpu.memory_space<vmem>>
        %dma_wait3A_216 = arith.constant 0 : i32
        %dma_wait3A_217 = arith.constant 0 : i32
        %dma_wait3A_218 = tpu.memref_slice %arg14[%dma_wait3A_216, %dma_wait3A_217] : memref<10240x128xf32, #tpu.memory_space<vmem_shared>> -> memref<10240x128xf32, #tpu.memory_space<vmem_shared>>
        tpu.wait_indirect_dma semaphore(%arg16 : memref<!tpu.dma_semaphore, #tpu.memory_space<semaphore_mem>>) src(%arg12 : memref<128x128xf32, #tpu.memory_space<vmem>>) dst(%dma_wait3A_218 : memref<10240x128xf32, #tpu.memory_space<vmem_shared>>)
        %dma_start3A_219 = arith.constant 6 : i32
        %dma_start3A_220 = arith.constant 0 : i32
        %dma_start3A_221 = tpu.memref_slice %arg10[%dma_start3A_219, %dma_start3A_220] : memref<8x128xi32, #tpu.memory_space<vmem>> -> memref<1x128xi32, #tpu.memory_space<vmem>>
        %dma_start3A_222 = tpu.memref_squeeze %dma_start3A_221 : memref<1x128xi32, #tpu.memory_space<vmem>> -> memref<128xi32, #tpu.memory_space<vmem>>
        %dma_start3A_223 = arith.constant 0 : i32
        %dma_start3A_224 = arith.constant 0 : i32
        %dma_start3A_225 = tpu.memref_slice %arg3[%dma_start3A_223, %dma_start3A_224] : memref<10000x128xf32, #tpu.memory_space<hbm>> -> memref<10000x128xf32, #tpu.memory_space<hbm>>
        tpu.enqueue_indirect_dma source(%dma_start3A_225 : memref<10000x128xf32, #tpu.memory_space<hbm>>) target(%arg12 : memref<128x128xf32, #tpu.memory_space<vmem>>) offsets(%dma_start3A_222 : memref<128xi32, #tpu.memory_space<vmem>>) semaphore(%arg15 : memref<!tpu.dma_semaphore, #tpu.memory_space<semaphore_mem>>)
        %dma_wait3A_226 = arith.constant 6 : i32
        %dma_wait3A_227 = arith.constant 0 : i32
        %dma_wait3A_228 = tpu.memref_slice %arg10[%dma_wait3A_226, %dma_wait3A_227] : memref<8x128xi32, #tpu.memory_space<vmem>> -> memref<1x128xi32, #tpu.memory_space<vmem>>
        %dma_wait3A_229 = tpu.memref_squeeze %dma_wait3A_228 : memref<1x128xi32, #tpu.memory_space<vmem>> -> memref<128xi32, #tpu.memory_space<vmem>>
        %dma_wait3A_230 = arith.constant 0 : i32
        %dma_wait3A_231 = arith.constant 0 : i32
        %dma_wait3A_232 = tpu.memref_slice %arg3[%dma_wait3A_230, %dma_wait3A_231] : memref<10000x128xf32, #tpu.memory_space<hbm>> -> memref<10000x128xf32, #tpu.memory_space<hbm>>
        tpu.wait_indirect_dma semaphore(%arg15 : memref<!tpu.dma_semaphore, #tpu.memory_space<semaphore_mem>>) src(%dma_wait3A_232 : memref<10000x128xf32, #tpu.memory_space<hbm>>) dst(%arg12 : memref<128x128xf32, #tpu.memory_space<vmem>>)
        %dma_start3A_233 = arith.constant 6 : i32
        %dma_start3A_234 = arith.constant 0 : i32
        %dma_start3A_235 = tpu.memref_slice %arg11[%dma_start3A_233, %dma_start3A_234] : memref<8x128xi32, #tpu.memory_space<vmem>> -> memref<1x128xi32, #tpu.memory_space<vmem>>
        %dma_start3A_236 = tpu.memref_squeeze %dma_start3A_235 : memref<1x128xi32, #tpu.memory_space<vmem>> -> memref<128xi32, #tpu.memory_space<vmem>>
        %dma_start3A_237 = arith.constant 0 : i32
        %dma_start3A_238 = arith.constant 0 : i32
        %dma_start3A_239 = tpu.memref_slice %arg14[%dma_start3A_237, %dma_start3A_238] : memref<10240x128xf32, #tpu.memory_space<vmem_shared>> -> memref<10240x128xf32, #tpu.memory_space<vmem_shared>>
        tpu.enqueue_indirect_dma source(%arg12 : memref<128x128xf32, #tpu.memory_space<vmem>>) target(%dma_start3A_239 : memref<10240x128xf32, #tpu.memory_space<vmem_shared>>) offsets(%dma_start3A_236 : memref<128xi32, #tpu.memory_space<vmem>>) semaphore(%arg16 : memref<!tpu.dma_semaphore, #tpu.memory_space<semaphore_mem>>) {add = true}
        %dma_wait3A_240 = arith.constant 5 : i32
        %dma_wait3A_241 = arith.constant 0 : i32
        %dma_wait3A_242 = tpu.memref_slice %arg11[%dma_wait3A_240, %dma_wait3A_241] : memref<8x128xi32, #tpu.memory_space<vmem>> -> memref<1x128xi32, #tpu.memory_space<vmem>>
        %dma_wait3A_243 = tpu.memref_squeeze %dma_wait3A_242 : memref<1x128xi32, #tpu.memory_space<vmem>> -> memref<128xi32, #tpu.memory_space<vmem>>
        %dma_wait3A_244 = arith.constant 0 : i32
        %dma_wait3A_245 = arith.constant 0 : i32
        %dma_wait3A_246 = tpu.memref_slice %arg14[%dma_wait3A_244, %dma_wait3A_245] : memref<10240x128xf32, #tpu.memory_space<vmem_shared>> -> memref<10240x128xf32, #tpu.memory_space<vmem_shared>>
        tpu.wait_indirect_dma semaphore(%arg17 : memref<!tpu.dma_semaphore, #tpu.memory_space<semaphore_mem>>) src(%arg13 : memref<128x128xf32, #tpu.memory_space<vmem>>) dst(%dma_wait3A_246 : memref<10240x128xf32, #tpu.memory_space<vmem_shared>>)
        %dma_start3A_247 = arith.constant 7 : i32
        %dma_start3A_248 = arith.constant 0 : i32
        %dma_start3A_249 = tpu.memref_slice %arg10[%dma_start3A_247, %dma_start3A_248] : memref<8x128xi32, #tpu.memory_space<vmem>> -> memref<1x128xi32, #tpu.memory_space<vmem>>
        %dma_start3A_250 = tpu.memref_squeeze %dma_start3A_249 : memref<1x128xi32, #tpu.memory_space<vmem>> -> memref<128xi32, #tpu.memory_space<vmem>>
        %dma_start3A_251 = arith.constant 0 : i32
        %dma_start3A_252 = arith.constant 0 : i32
        %dma_start3A_253 = tpu.memref_slice %arg3[%dma_start3A_251, %dma_start3A_252] : memref<10000x128xf32, #tpu.memory_space<hbm>> -> memref<10000x128xf32, #tpu.memory_space<hbm>>
        tpu.enqueue_indirect_dma source(%dma_start3A_253 : memref<10000x128xf32, #tpu.memory_space<hbm>>) target(%arg13 : memref<128x128xf32, #tpu.memory_space<vmem>>) offsets(%dma_start3A_250 : memref<128xi32, #tpu.memory_space<vmem>>) semaphore(%arg15 : memref<!tpu.dma_semaphore, #tpu.memory_space<semaphore_mem>>)
        %dma_wait3A_254 = arith.constant 7 : i32
        %dma_wait3A_255 = arith.constant 0 : i32
        %dma_wait3A_256 = tpu.memref_slice %arg10[%dma_wait3A_254, %dma_wait3A_255] : memref<8x128xi32, #tpu.memory_space<vmem>> -> memref<1x128xi32, #tpu.memory_space<vmem>>
        %dma_wait3A_257 = tpu.memref_squeeze %dma_wait3A_256 : memref<1x128xi32, #tpu.memory_space<vmem>> -> memref<128xi32, #tpu.memory_space<vmem>>
        %dma_wait3A_258 = arith.constant 0 : i32
        %dma_wait3A_259 = arith.constant 0 : i32
        %dma_wait3A_260 = tpu.memref_slice %arg3[%dma_wait3A_258, %dma_wait3A_259] : memref<10000x128xf32, #tpu.memory_space<hbm>> -> memref<10000x128xf32, #tpu.memory_space<hbm>>
        tpu.wait_indirect_dma semaphore(%arg15 : memref<!tpu.dma_semaphore, #tpu.memory_space<semaphore_mem>>) src(%dma_wait3A_260 : memref<10000x128xf32, #tpu.memory_space<hbm>>) dst(%arg13 : memref<128x128xf32, #tpu.memory_space<vmem>>)
        %dma_start3A_261 = arith.constant 7 : i32
        %dma_start3A_262 = arith.constant 0 : i32
        %dma_start3A_263 = tpu.memref_slice %arg11[%dma_start3A_261, %dma_start3A_262] : memref<8x128xi32, #tpu.memory_space<vmem>> -> memref<1x128xi32, #tpu.memory_space<vmem>>
        %dma_start3A_264 = tpu.memref_squeeze %dma_start3A_263 : memref<1x128xi32, #tpu.memory_space<vmem>> -> memref<128xi32, #tpu.memory_space<vmem>>
        %dma_start3A_265 = arith.constant 0 : i32
        %dma_start3A_266 = arith.constant 0 : i32
        %dma_start3A_267 = tpu.memref_slice %arg14[%dma_start3A_265, %dma_start3A_266] : memref<10240x128xf32, #tpu.memory_space<vmem_shared>> -> memref<10240x128xf32, #tpu.memory_space<vmem_shared>>
        tpu.enqueue_indirect_dma source(%arg13 : memref<128x128xf32, #tpu.memory_space<vmem>>) target(%dma_start3A_267 : memref<10240x128xf32, #tpu.memory_space<vmem_shared>>) offsets(%dma_start3A_264 : memref<128xi32, #tpu.memory_space<vmem>>) semaphore(%arg17 : memref<!tpu.dma_semaphore, #tpu.memory_space<semaphore_mem>>) {add = true}
        %dma_wait3A_268 = arith.constant 6 : i32
        %dma_wait3A_269 = arith.constant 0 : i32
        %dma_wait3A_270 = tpu.memref_slice %arg11[%dma_wait3A_268, %dma_wait3A_269] : memref<8x128xi32, #tpu.memory_space<vmem>> -> memref<1x128xi32, #tpu.memory_space<vmem>>
        %dma_wait3A_271 = tpu.memref_squeeze %dma_wait3A_270 : memref<1x128xi32, #tpu.memory_space<vmem>> -> memref<128xi32, #tpu.memory_space<vmem>>
        %dma_wait3A_272 = arith.constant 0 : i32
        %dma_wait3A_273 = arith.constant 0 : i32
        %dma_wait3A_274 = tpu.memref_slice %arg14[%dma_wait3A_272, %dma_wait3A_273] : memref<10240x128xf32, #tpu.memory_space<vmem_shared>> -> memref<10240x128xf32, #tpu.memory_space<vmem_shared>>
        tpu.wait_indirect_dma semaphore(%arg16 : memref<!tpu.dma_semaphore, #tpu.memory_space<semaphore_mem>>) src(%arg12 : memref<128x128xf32, #tpu.memory_space<vmem>>) dst(%dma_wait3A_274 : memref<10240x128xf32, #tpu.memory_space<vmem_shared>>)
        %add3A_275 = arith.constant 1 : i32
        %add3A_276 = arith.addi %scan3A_55, %add3A_275 : i32
        %mul3A_277 = arith.constant 8 : i32
        %mul3A_278 = arith.muli %add3A_276, %mul3A_277 : i32
        "tpu.region"() ({
          %run_scoped3A = tpu.sem_alloc : memref<!tpu.dma_semaphore, #tpu.memory_space<semaphore_mem>>
          %dma_start3A_286 = arith.constant 0 : i32
          %dma_start3A_287 = tpu.memref_slice %arg6[%arg1, %mul3A_278, %dma_start3A_286] : memref<16x168x128xi32, #tpu.memory_space<hbm>> -> memref<1x8x128xi32, #tpu.memory_space<hbm>>
          %dma_start3A_288 = tpu.memref_squeeze %dma_start3A_287 : memref<1x8x128xi32, #tpu.memory_space<hbm>> -> memref<8x128xi32, #tpu.memory_space<hbm>>
          %dma_start3A_289 = arith.constant 0 : i32
          %dma_start3A_290 = tpu.memref_slice %arg6[%arg1, %mul3A_278, %dma_start3A_289] : memref<16x168x128xi32, #tpu.memory_space<hbm>> -> memref<1x8x128xi32, #tpu.memory_space<hbm>>
          %dma_start3A_291 = tpu.memref_squeeze %dma_start3A_290 : memref<1x8x128xi32, #tpu.memory_space<hbm>> -> memref<8x128xi32, #tpu.memory_space<hbm>>
          tpu.enqueue_dma source(%dma_start3A_291 : memref<8x128xi32, #tpu.memory_space<hbm>>) target(%arg10 : memref<8x128xi32, #tpu.memory_space<vmem>>) target_semaphore(%run_scoped3A : memref<!tpu.dma_semaphore, #tpu.memory_space<semaphore_mem>>)
          %dma_wait3A_292 = arith.constant 0 : i32
          %dma_wait3A_293 = tpu.memref_slice %arg6[%arg1, %mul3A_278, %dma_wait3A_292] : memref<16x168x128xi32, #tpu.memory_space<hbm>> -> memref<1x8x128xi32, #tpu.memory_space<hbm>>
          %dma_wait3A_294 = tpu.memref_squeeze %dma_wait3A_293 : memref<1x8x128xi32, #tpu.memory_space<hbm>> -> memref<8x128xi32, #tpu.memory_space<hbm>>
          %dma_wait3A_295 = arith.constant 0 : i32
          %dma_wait3A_296 = tpu.memref_slice %arg6[%arg1, %mul3A_278, %dma_wait3A_295] : memref<16x168x128xi32, #tpu.memory_space<hbm>> -> memref<1x8x128xi32, #tpu.memory_space<hbm>>
          %dma_wait3A_297 = tpu.memref_squeeze %dma_wait3A_296 : memref<1x8x128xi32, #tpu.memory_space<hbm>> -> memref<8x128xi32, #tpu.memory_space<hbm>>
          tpu.wait_dma2 semaphore(%run_scoped3A : memref<!tpu.dma_semaphore, #tpu.memory_space<semaphore_mem>>) src(%dma_wait3A_297 : memref<8x128xi32, #tpu.memory_space<hbm>>) dst(%arg10 : memref<8x128xi32, #tpu.memory_space<vmem>>)
          tpu.yield
        }) : () -> ()
        %dma_start3A_279 = arith.constant 0 : i32
        %dma_start3A_280 = arith.constant 0 : i32
        %dma_start3A_281 = tpu.memref_slice %arg10[%dma_start3A_279, %dma_start3A_280] : memref<8x128xi32, #tpu.memory_space<vmem>> -> memref<1x128xi32, #tpu.memory_space<vmem>>
        %dma_start3A_282 = tpu.memref_squeeze %dma_start3A_281 : memref<1x128xi32, #tpu.memory_space<vmem>> -> memref<128xi32, #tpu.memory_space<vmem>>
        %dma_start3A_283 = arith.constant 0 : i32
        %dma_start3A_284 = arith.constant 0 : i32
        %dma_start3A_285 = tpu.memref_slice %arg3[%dma_start3A_283, %dma_start3A_284] : memref<10000x128xf32, #tpu.memory_space<hbm>> -> memref<10000x128xf32, #tpu.memory_space<hbm>>
        tpu.enqueue_indirect_dma source(%dma_start3A_285 : memref<10000x128xf32, #tpu.memory_space<hbm>>) target(%arg12 : memref<128x128xf32, #tpu.memory_space<vmem>>) offsets(%dma_start3A_282 : memref<128xi32, #tpu.memory_space<vmem>>) semaphore(%arg15 : memref<!tpu.dma_semaphore, #tpu.memory_space<semaphore_mem>>)
      }
      %scan3A_40 = arith.constant 20 : i32
      %dma_wait3A = arith.constant 0 : i32
      %dma_wait3A_41 = arith.constant 0 : i32
      %dma_wait3A_42 = tpu.memref_slice %arg10[%dma_wait3A, %dma_wait3A_41] : memref<8x128xi32, #tpu.memory_space<vmem>> -> memref<1x128xi32, #tpu.memory_space<vmem>>
      %dma_wait3A_43 = tpu.memref_squeeze %dma_wait3A_42 : memref<1x128xi32, #tpu.memory_space<vmem>> -> memref<128xi32, #tpu.memory_space<vmem>>
      %dma_wait3A_44 = arith.constant 0 : i32
      %dma_wait3A_45 = arith.constant 0 : i32
      %dma_wait3A_46 = tpu.memref_slice %arg3[%dma_wait3A_44, %dma_wait3A_45] : memref<10000x128xf32, #tpu.memory_space<hbm>> -> memref<10000x128xf32, #tpu.memory_space<hbm>>
      tpu.wait_indirect_dma semaphore(%arg15 : memref<!tpu.dma_semaphore, #tpu.memory_space<semaphore_mem>>) src(%dma_wait3A_46 : memref<10000x128xf32, #tpu.memory_space<hbm>>) dst(%arg12 : memref<128x128xf32, #tpu.memory_space<vmem>>)
      %dma_wait3A_47 = arith.constant 0 : i32
      %dma_wait3A_48 = arith.constant 0 : i32
      %dma_wait3A_49 = tpu.memref_slice %arg11[%dma_wait3A_47, %dma_wait3A_48] : memref<8x128xi32, #tpu.memory_space<vmem>> -> memref<1x128xi32, #tpu.memory_space<vmem>>
      %dma_wait3A_50 = tpu.memref_squeeze %dma_wait3A_49 : memref<1x128xi32, #tpu.memory_space<vmem>> -> memref<128xi32, #tpu.memory_space<vmem>>
      %dma_wait3A_51 = arith.constant 0 : i32
      %dma_wait3A_52 = arith.constant 0 : i32
      %dma_wait3A_53 = tpu.memref_slice %arg14[%dma_wait3A_51, %dma_wait3A_52] : memref<10240x128xf32, #tpu.memory_space<vmem_shared>> -> memref<10240x128xf32, #tpu.memory_space<vmem_shared>>
      tpu.wait_indirect_dma semaphore(%arg17 : memref<!tpu.dma_semaphore, #tpu.memory_space<semaphore_mem>>) src(%arg13 : memref<128x128xf32, #tpu.memory_space<vmem>>) dst(%dma_wait3A_53 : memref<10240x128xf32, #tpu.memory_space<vmem_shared>>)
      %barrier3A_54 = arith.constant 0 : index
      tpu.barrier barrier_id(%barrier3A_54)
      "tpu.region"() ({
        %run_scoped3A = tpu.sem_alloc : memref<!tpu.dma_semaphore, #tpu.memory_space<semaphore_mem>>
        %dma_start3A_55 = arith.constant 0 : i32
        %dma_start3A_56 = tpu.memref_slice %arg9[%mul3A_12, %dma_start3A_55] : memref<10240x128xf32, #tpu.memory_space<hbm>> -> memref<640x128xf32, #tpu.memory_space<hbm>>
        %dma_start3A_57 = arith.constant 0 : i32
        %dma_start3A_58 = tpu.memref_slice %arg14[%mul3A_12, %dma_start3A_57] : memref<10240x128xf32, #tpu.memory_space<vmem_shared>> -> memref<640x128xf32, #tpu.memory_space<vmem_shared>>
        tpu.enqueue_dma source(%dma_start3A_58 : memref<640x128xf32, #tpu.memory_space<vmem_shared>>) target(%dma_start3A_56 : memref<640x128xf32, #tpu.memory_space<hbm>>) target_semaphore(%run_scoped3A : memref<!tpu.dma_semaphore, #tpu.memory_space<semaphore_mem>>)
        %dma_wait3A_59 = arith.constant 0 : i32
        %dma_wait3A_60 = tpu.memref_slice %arg9[%mul3A_12, %dma_wait3A_59] : memref<10240x128xf32, #tpu.memory_space<hbm>> -> memref<640x128xf32, #tpu.memory_space<hbm>>
        %dma_wait3A_61 = arith.constant 0 : i32
        %dma_wait3A_62 = tpu.memref_slice %arg14[%mul3A_12, %dma_wait3A_61] : memref<10240x128xf32, #tpu.memory_space<vmem_shared>> -> memref<640x128xf32, #tpu.memory_space<vmem_shared>>
        tpu.wait_dma2 semaphore(%run_scoped3A : memref<!tpu.dma_semaphore, #tpu.memory_space<semaphore_mem>>) src(%dma_wait3A_62 : memref<640x128xf32, #tpu.memory_space<vmem_shared>>) dst(%dma_wait3A_60 : memref<640x128xf32, #tpu.memory_space<hbm>>)
        tpu.yield
      }) : () -> ()
    } else {
    }
    return
  }
}

module attributes {stable_mosaic.version = 14 : i64} {
  func.func @_tc_pre_body(%arg0: i32, %arg1: memref<1024x128xf32, #tpu.memory_space<vmem>>, %arg2: memref<128x128xf32, #tpu.memory_space<vmem>>, %arg3: memref<1024x1xf32, #tpu.memory_space<vmem>>, %arg4: memref<1024x1xf32, #tpu.memory_space<vmem>>, %arg5: memref<1024x128xf32, #tpu.memory_space<vmem>>, %arg6: memref<1024x128xf32, #tpu.memory_space<vmem>>, %arg7: memref<1024x1xf32, #tpu.memory_space<vmem>>, %arg8: memref<1024x1xf32, #tpu.memory_space<vmem>>) attributes {dimension_semantics = [#tpu.dimension_semantics<arbitrary>], iteration_bounds = array<i64: 10>, scalar_prefetch = 0 : i64, scratch_operands = 0 : i64, tpu.core_type = #tpu.core_type<tc>, window_params = [{transform_indices = @transform_0, window_bounds = array<i64: 1024, 128>}, {pipeline_mode = #tpu.pipeline_mode<synchronous>, transform_indices = @transform_1, window_bounds = array<i64: 128, 128>}, {transform_indices = @transform_2, window_bounds = array<i64: 1024, 1>}, {transform_indices = @transform_3, window_bounds = array<i64: 1024, 1>}, {transform_indices = @transform_4, window_bounds = array<i64: 1024, 128>}, {transform_indices = @transform_5, window_bounds = array<i64: 1024, 128>}, {transform_indices = @transform_6, window_bounds = array<i64: 1024, 1>}, {transform_indices = @transform_7, window_bounds = array<i64: 1024, 1>}]} {
    %get3A = arith.constant 0 : index
    %get3A_0 = arith.constant 0 : index
    %get3A_1 = vector.load %arg1[%get3A, %get3A_0] : memref<1024x128xf32, #tpu.memory_space<vmem>>, vector<1024x128xf32>
    %get3A_2 = arith.constant 0 : index
    %get3A_3 = arith.constant 0 : index
    %get3A_4 = vector.load %arg2[%get3A_2, %get3A_3] : memref<128x128xf32, #tpu.memory_space<vmem>>, vector<128x128xf32>
    %dot_general3A = arith.constant dense<0.000000e+00> : vector<1024x128xf32>
    %dot_general3A_5 = tpu.matmul %get3A_1, %get3A_4, %dot_general3A {dimension_numbers = #tpu.dot_dimension_numbers<[1], [0], [0], [1], [0, 0, 1, 1], [], []>, transpose_lhs_hint = false} : vector<1024x128xf32>, vector<128x128xf32>, vector<1024x128xf32> -> vector<1024x128xf32>
    %get3A_6 = arith.constant 0 : index
    %get3A_7 = arith.constant 0 : index
    %get3A_8 = vector.load %arg3[%get3A_6, %get3A_7] : memref<1024x1xf32, #tpu.memory_space<vmem>>, vector<1024x1xf32>
    %add3A = arith.constant 1.000000e+00 : f32
    %add3A_9 = vector.broadcast %add3A : f32 to vector<1024x1xf32>
    %add3A_10 = arith.addf %get3A_8, %add3A_9 : vector<1024x1xf32>
    %rsqrt3A = math.rsqrt %add3A_10 : vector<1024x1xf32>
    %get3A_11 = arith.constant 0 : index
    %get3A_12 = arith.constant 0 : index
    %get3A_13 = vector.load %arg4[%get3A_11, %get3A_12] : memref<1024x1xf32, #tpu.memory_space<vmem>>, vector<1024x1xf32>
    %add3A_14 = arith.constant 1.000000e+00 : f32
    %add3A_15 = vector.broadcast %add3A_14 : f32 to vector<1024x1xf32>
    %add3A_16 = arith.addf %get3A_13, %add3A_15 : vector<1024x1xf32>
    %rsqrt3A_17 = math.rsqrt %add3A_16 : vector<1024x1xf32>
    %mul3A = vector.broadcast %rsqrt3A : vector<1024x1xf32> to vector<1024x128xf32>
    %mul3A_18 = arith.mulf %dot_general3A_5, %mul3A : vector<1024x128xf32>
    %swap3A = arith.constant 0 : index
    %swap3A_19 = arith.constant 0 : index
    %swap3A_20 = vector.load %arg5[%swap3A, %swap3A_19] : memref<1024x128xf32, #tpu.memory_space<vmem>>, vector<1024x128xf32>
    tpu.vector_store %arg5[%swap3A, %swap3A_19], %mul3A_18 {strides = array<i32>} : memref<1024x128xf32, #tpu.memory_space<vmem>>, vector<1024x128xf32>,
    %mul3A_21 = vector.broadcast %rsqrt3A_17 : vector<1024x1xf32> to vector<1024x128xf32>
    %mul3A_22 = arith.mulf %dot_general3A_5, %mul3A_21 : vector<1024x128xf32>
    %swap3A_23 = arith.constant 0 : index
    %swap3A_24 = arith.constant 0 : index
    %swap3A_25 = vector.load %arg6[%swap3A_23, %swap3A_24] : memref<1024x128xf32, #tpu.memory_space<vmem>>, vector<1024x128xf32>
    tpu.vector_store %arg6[%swap3A_23, %swap3A_24], %mul3A_22 {strides = array<i32>} : memref<1024x128xf32, #tpu.memory_space<vmem>>, vector<1024x128xf32>,
    %swap3A_26 = arith.constant 0 : index
    %swap3A_27 = arith.constant 0 : index
    %swap3A_28 = vector.load %arg7[%swap3A_26, %swap3A_27] : memref<1024x1xf32, #tpu.memory_space<vmem>>, vector<1024x1xf32>
    tpu.vector_store %arg7[%swap3A_26, %swap3A_27], %rsqrt3A {strides = array<i32>} : memref<1024x1xf32, #tpu.memory_space<vmem>>, vector<1024x1xf32>,
    %swap3A_29 = arith.constant 0 : index
    %swap3A_30 = arith.constant 0 : index
    %swap3A_31 = vector.load %arg8[%swap3A_29, %swap3A_30] : memref<1024x1xf32, #tpu.memory_space<vmem>>, vector<1024x1xf32>
    tpu.vector_store %arg8[%swap3A_29, %swap3A_30], %rsqrt3A_17 {strides = array<i32>} : memref<1024x1xf32, #tpu.memory_space<vmem>>, vector<1024x1xf32>,
    return
  }
  func.func @transform_0(%arg0: i32) -> (i32, i32) {
    %c0_i32 = arith.constant 0 : i32
    %c0_i32_0 = arith.constant 0 : i32
    return %arg0, %c0_i32 : i32, i32
  }
  func.func @transform_1(%arg0: i32) -> (i32, i32) {
    %c0_i32 = arith.constant 0 : i32
    %c0_i32_0 = arith.constant 0 : i32
    %c0_i32_1 = arith.constant 0 : i32
    return %c0_i32, %c0_i32_0 : i32, i32
  }
  func.func @transform_2(%arg0: i32) -> (i32, i32) {
    %c0_i32 = arith.constant 0 : i32
    %c0_i32_0 = arith.constant 0 : i32
    return %arg0, %c0_i32 : i32, i32
  }
  func.func @transform_3(%arg0: i32) -> (i32, i32) {
    %c0_i32 = arith.constant 0 : i32
    %c0_i32_0 = arith.constant 0 : i32
    return %arg0, %c0_i32 : i32, i32
  }
  func.func @transform_4(%arg0: i32) -> (i32, i32) {
    %c0_i32 = arith.constant 0 : i32
    %c0_i32_0 = arith.constant 0 : i32
    return %arg0, %c0_i32 : i32, i32
  }
  func.func @transform_5(%arg0: i32) -> (i32, i32) {
    %c0_i32 = arith.constant 0 : i32
    %c0_i32_0 = arith.constant 0 : i32
    return %arg0, %c0_i32 : i32, i32
  }
  func.func @transform_6(%arg0: i32) -> (i32, i32) {
    %c0_i32 = arith.constant 0 : i32
    %c0_i32_0 = arith.constant 0 : i32
    return %arg0, %c0_i32 : i32, i32
  }
  func.func @transform_7(%arg0: i32) -> (i32, i32) {
    %c0_i32 = arith.constant 0 : i32
    %c0_i32_0 = arith.constant 0 : i32
    return %arg0, %c0_i32 : i32, i32
  }
}

module attributes {stable_mosaic.version = 14 : i64} {
  func.func @_tc_mid_body(%arg0: i32, %arg1: memref<1024x128xf32, #tpu.memory_space<vmem>>, %arg2: memref<1024x128xf32, #tpu.memory_space<vmem>>, %arg3: memref<1024x128xf32, #tpu.memory_space<vmem>>, %arg4: memref<1024x128xf32, #tpu.memory_space<vmem>>, %arg5: memref<1024x1xf32, #tpu.memory_space<vmem>>, %arg6: memref<1024x1xf32, #tpu.memory_space<vmem>>, %arg7: memref<1x128xf32, #tpu.memory_space<vmem>>, %arg8: memref<128x128xf32, #tpu.memory_space<vmem>>, %arg9: memref<128x128xf32, #tpu.memory_space<vmem>>, %arg10: memref<1x128xf32, #tpu.memory_space<vmem>>, %arg11: memref<128x128xf32, #tpu.memory_space<vmem>>, %arg12: memref<1024x128xf32, #tpu.memory_space<vmem>>, %arg13: memref<1024x128xf32, #tpu.memory_space<vmem>>) attributes {dimension_semantics = [#tpu.dimension_semantics<arbitrary>], iteration_bounds = array<i64: 10>, scalar_prefetch = 0 : i64, scratch_operands = 0 : i64, tpu.core_type = #tpu.core_type<tc>, window_params = [{transform_indices = @transform_0, window_bounds = array<i64: 1024, 128>}, {transform_indices = @transform_1, window_bounds = array<i64: 1024, 128>}, {transform_indices = @transform_2, window_bounds = array<i64: 1024, 128>}, {transform_indices = @transform_3, window_bounds = array<i64: 1024, 128>}, {transform_indices = @transform_4, window_bounds = array<i64: 1024, 1>}, {transform_indices = @transform_5, window_bounds = array<i64: 1024, 1>}, {pipeline_mode = #tpu.pipeline_mode<synchronous>, transform_indices = @transform_6, window_bounds = array<i64: 1, 128>}, {pipeline_mode = #tpu.pipeline_mode<synchronous>, transform_indices = @transform_7, window_bounds = array<i64: 128, 128>}, {pipeline_mode = #tpu.pipeline_mode<synchronous>, transform_indices = @transform_8, window_bounds = array<i64: 128, 128>}, {pipeline_mode = #tpu.pipeline_mode<synchronous>, transform_indices = @transform_9, window_bounds = array<i64: 1, 128>}, {pipeline_mode = #tpu.pipeline_mode<synchronous>, transform_indices = @transform_10, window_bounds = array<i64: 128, 128>}, {transform_indices = @transform_11, window_bounds = array<i64: 1024, 128>}, {transform_indices = @transform_12, window_bounds = array<i64: 1024, 128>}]} {
    %get3A = arith.constant 0 : index
    %get3A_0 = arith.constant 0 : index
    %get3A_1 = vector.load %arg5[%get3A, %get3A_0] : memref<1024x1xf32, #tpu.memory_space<vmem>>, vector<1024x1xf32>
    %get3A_2 = arith.constant 0 : index
    %get3A_3 = arith.constant 0 : index
    %get3A_4 = vector.load %arg6[%get3A_2, %get3A_3] : memref<1024x1xf32, #tpu.memory_space<vmem>>, vector<1024x1xf32>
    %get3A_5 = arith.constant 0 : index
    %get3A_6 = arith.constant 0 : index
    %get3A_7 = vector.load %arg1[%get3A_5, %get3A_6] : memref<1024x128xf32, #tpu.memory_space<vmem>>, vector<1024x128xf32>
    %get3A_8 = arith.constant 0 : index
    %get3A_9 = arith.constant 0 : index
    %get3A_10 = vector.load %arg3[%get3A_8, %get3A_9] : memref<1024x128xf32, #tpu.memory_space<vmem>>, vector<1024x128xf32>
    %add3A = arith.addf %get3A_7, %get3A_10 : vector<1024x128xf32>
    %mul3A = vector.broadcast %get3A_1 : vector<1024x1xf32> to vector<1024x128xf32>
    %mul3A_11 = arith.mulf %mul3A, %add3A : vector<1024x128xf32>
    %get3A_12 = arith.constant 0 : index
    %get3A_13 = arith.constant 0 : index
    %get3A_14 = vector.load %arg7[%get3A_12, %get3A_13] : memref<1x128xf32, #tpu.memory_space<vmem>>, vector<1x128xf32>
    %add3A_15 = vector.broadcast %get3A_14 : vector<1x128xf32> to vector<1024x128xf32>
    %add3A_16 = arith.addf %mul3A_11, %add3A_15 : vector<1024x128xf32>
    %max3A = arith.constant 0.000000e+00 : f32
    %max3A_17 = vector.broadcast %max3A : f32 to vector<1024x128xf32>
    %max3A_18 = arith.maximumf %add3A_16, %max3A_17 : vector<1024x128xf32>
    %get3A_19 = arith.constant 0 : index
    %get3A_20 = arith.constant 0 : index
    %get3A_21 = vector.load %arg2[%get3A_19, %get3A_20] : memref<1024x128xf32, #tpu.memory_space<vmem>>, vector<1024x128xf32>
    %get3A_22 = arith.constant 0 : index
    %get3A_23 = arith.constant 0 : index
    %get3A_24 = vector.load %arg4[%get3A_22, %get3A_23] : memref<1024x128xf32, #tpu.memory_space<vmem>>, vector<1024x128xf32>
    %add3A_25 = arith.addf %get3A_21, %get3A_24 : vector<1024x128xf32>
    %mul3A_26 = vector.broadcast %get3A_4 : vector<1024x1xf32> to vector<1024x128xf32>
    %mul3A_27 = arith.mulf %mul3A_26, %add3A_25 : vector<1024x128xf32>
    %get3A_28 = arith.constant 0 : index
    %get3A_29 = arith.constant 0 : index
    %get3A_30 = vector.load %arg7[%get3A_28, %get3A_29] : memref<1x128xf32, #tpu.memory_space<vmem>>, vector<1x128xf32>
    %add3A_31 = vector.broadcast %get3A_30 : vector<1x128xf32> to vector<1024x128xf32>
    %add3A_32 = arith.addf %mul3A_27, %add3A_31 : vector<1024x128xf32>
    %max3A_33 = arith.constant 0.000000e+00 : f32
    %max3A_34 = vector.broadcast %max3A_33 : f32 to vector<1024x128xf32>
    %max3A_35 = arith.maximumf %add3A_32, %max3A_34 : vector<1024x128xf32>
    %get3A_36 = arith.constant 0 : index
    %get3A_37 = arith.constant 0 : index
    %get3A_38 = vector.load %arg8[%get3A_36, %get3A_37] : memref<128x128xf32, #tpu.memory_space<vmem>>, vector<128x128xf32>
    %dot_general3A = arith.constant dense<0.000000e+00> : vector<1024x128xf32>
    %dot_general3A_39 = tpu.matmul %max3A_18, %get3A_38, %dot_general3A {dimension_numbers = #tpu.dot_dimension_numbers<[1], [0], [0], [1], [0, 0, 1, 1], [], []>, transpose_lhs_hint = false} : vector<1024x128xf32>, vector<128x128xf32>, vector<1024x128xf32> -> vector<1024x128xf32>
    %get3A_40 = arith.constant 0 : index
    %get3A_41 = arith.constant 0 : index
    %get3A_42 = vector.load %arg9[%get3A_40, %get3A_41] : memref<128x128xf32, #tpu.memory_space<vmem>>, vector<128x128xf32>
    %dot_general3A_43 = arith.constant dense<0.000000e+00> : vector<1024x128xf32>
    %dot_general3A_44 = tpu.matmul %max3A_35, %get3A_42, %dot_general3A_43 {dimension_numbers = #tpu.dot_dimension_numbers<[1], [0], [0], [1], [0, 0, 1, 1], [], []>, transpose_lhs_hint = false} : vector<1024x128xf32>, vector<128x128xf32>, vector<1024x128xf32> -> vector<1024x128xf32>
    %add3A_45 = arith.addf %dot_general3A_39, %dot_general3A_44 : vector<1024x128xf32>
    %get3A_46 = arith.constant 0 : index
    %get3A_47 = arith.constant 0 : index
    %get3A_48 = vector.load %arg10[%get3A_46, %get3A_47] : memref<1x128xf32, #tpu.memory_space<vmem>>, vector<1x128xf32>
    %add3A_49 = vector.broadcast %get3A_48 : vector<1x128xf32> to vector<1024x128xf32>
    %add3A_50 = arith.addf %add3A_45, %add3A_49 : vector<1024x128xf32>
    %logistic3A = arith.negf %add3A_50 : vector<1024x128xf32>
    %logistic3A_51 = math.exp %logistic3A : vector<1024x128xf32>
    %logistic3A_52 = arith.constant 1.000000e+00 : f32
    %logistic3A_53 = vector.broadcast %logistic3A_52 : f32 to vector<1024x128xf32>
    %logistic3A_54 = arith.addf %logistic3A_53, %logistic3A_51 : vector<1024x128xf32>
    %logistic3A_55 = arith.divf %logistic3A_53, %logistic3A_54 : vector<1024x128xf32>
    %mul3A_56 = arith.mulf %logistic3A_55, %max3A_18 : vector<1024x128xf32>
    %sub3A = arith.constant 1.000000e+00 : f32
    %sub3A_57 = vector.broadcast %sub3A : f32 to vector<1024x128xf32>
    %sub3A_58 = arith.subf %sub3A_57, %logistic3A_55 : vector<1024x128xf32>
    %mul3A_59 = arith.mulf %sub3A_58, %max3A_35 : vector<1024x128xf32>
    %add3A_60 = arith.addf %mul3A_56, %mul3A_59 : vector<1024x128xf32>
    %get3A_61 = arith.constant 0 : index
    %get3A_62 = arith.constant 0 : index
    %get3A_63 = vector.load %arg11[%get3A_61, %get3A_62] : memref<128x128xf32, #tpu.memory_space<vmem>>, vector<128x128xf32>
    %dot_general3A_64 = arith.constant dense<0.000000e+00> : vector<1024x128xf32>
    %dot_general3A_65 = tpu.matmul %add3A_60, %get3A_63, %dot_general3A_64 {dimension_numbers = #tpu.dot_dimension_numbers<[1], [0], [0], [1], [0, 0, 1, 1], [], []>, transpose_lhs_hint = false} : vector<1024x128xf32>, vector<128x128xf32>, vector<1024x128xf32> -> vector<1024x128xf32>
    %mul3A_66 = vector.broadcast %get3A_1 : vector<1024x1xf32> to vector<1024x128xf32>
    %mul3A_67 = arith.mulf %dot_general3A_65, %mul3A_66 : vector<1024x128xf32>
    %swap3A = arith.constant 0 : index
    %swap3A_68 = arith.constant 0 : index
    %swap3A_69 = vector.load %arg12[%swap3A, %swap3A_68] : memref<1024x128xf32, #tpu.memory_space<vmem>>, vector<1024x128xf32>
    tpu.vector_store %arg12[%swap3A, %swap3A_68], %mul3A_67 {strides = array<i32>} : memref<1024x128xf32, #tpu.memory_space<vmem>>, vector<1024x128xf32>,
    %mul3A_70 = vector.broadcast %get3A_4 : vector<1024x1xf32> to vector<1024x128xf32>
    %mul3A_71 = arith.mulf %dot_general3A_65, %mul3A_70 : vector<1024x128xf32>
    %swap3A_72 = arith.constant 0 : index
    %swap3A_73 = arith.constant 0 : index
    %swap3A_74 = vector.load %arg13[%swap3A_72, %swap3A_73] : memref<1024x128xf32, #tpu.memory_space<vmem>>, vector<1024x128xf32>
    tpu.vector_store %arg13[%swap3A_72, %swap3A_73], %mul3A_71 {strides = array<i32>} : memref<1024x128xf32, #tpu.memory_space<vmem>>, vector<1024x128xf32>,
    return
  }
  func.func @transform_0(%arg0: i32) -> (i32, i32) {
    %c0_i32 = arith.constant 0 : i32
    %c0_i32_0 = arith.constant 0 : i32
    return %arg0, %c0_i32 : i32, i32
  }
  func.func @transform_1(%arg0: i32) -> (i32, i32) {
    %c0_i32 = arith.constant 0 : i32
    %c0_i32_0 = arith.constant 0 : i32
    return %arg0, %c0_i32 : i32, i32
  }
  func.func @transform_2(%arg0: i32) -> (i32, i32) {
    %c0_i32 = arith.constant 0 : i32
    %c0_i32_0 = arith.constant 0 : i32
    return %arg0, %c0_i32 : i32, i32
  }
  func.func @transform_3(%arg0: i32) -> (i32, i32) {
    %c0_i32 = arith.constant 0 : i32
    %c0_i32_0 = arith.constant 0 : i32
    return %arg0, %c0_i32 : i32, i32
  }
  func.func @transform_4(%arg0: i32) -> (i32, i32) {
    %c0_i32 = arith.constant 0 : i32
    %c0_i32_0 = arith.constant 0 : i32
    return %arg0, %c0_i32 : i32, i32
  }
  func.func @transform_5(%arg0: i32) -> (i32, i32) {
    %c0_i32 = arith.constant 0 : i32
    %c0_i32_0 = arith.constant 0 : i32
    return %arg0, %c0_i32 : i32, i32
  }
  func.func @transform_6(%arg0: i32) -> (i32, i32) {
    %c0_i32 = arith.constant 0 : i32
    %c0_i32_0 = arith.constant 0 : i32
    %c0_i32_1 = arith.constant 0 : i32
    return %c0_i32, %c0_i32_0 : i32, i32
  }
  func.func @transform_7(%arg0: i32) -> (i32, i32) {
    %c0_i32 = arith.constant 0 : i32
    %c0_i32_0 = arith.constant 0 : i32
    %c0_i32_1 = arith.constant 0 : i32
    return %c0_i32, %c0_i32_0 : i32, i32
  }
  func.func @transform_8(%arg0: i32) -> (i32, i32) {
    %c0_i32 = arith.constant 0 : i32
    %c0_i32_0 = arith.constant 0 : i32
    %c0_i32_1 = arith.constant 0 : i32
    return %c0_i32, %c0_i32_0 : i32, i32
  }
  func.func @transform_9(%arg0: i32) -> (i32, i32) {
    %c0_i32 = arith.constant 0 : i32
    %c0_i32_0 = arith.constant 0 : i32
    %c0_i32_1 = arith.constant 0 : i32
    return %c0_i32, %c0_i32_0 : i32, i32
  }
  func.func @transform_10(%arg0: i32) -> (i32, i32) {
    %c0_i32 = arith.constant 0 : i32
    %c0_i32_0 = arith.constant 0 : i32
    %c0_i32_1 = arith.constant 0 : i32
    return %c0_i32, %c0_i32_0 : i32, i32
  }
  func.func @transform_11(%arg0: i32) -> (i32, i32) {
    %c0_i32 = arith.constant 0 : i32
    %c0_i32_0 = arith.constant 0 : i32
    return %arg0, %c0_i32 : i32, i32
  }
  func.func @transform_12(%arg0: i32) -> (i32, i32) {
    %c0_i32 = arith.constant 0 : i32
    %c0_i32_0 = arith.constant 0 : i32
    return %arg0, %c0_i32 : i32, i32
  }
}

module attributes {stable_mosaic.version = 14 : i64} {
  func.func @_tc_post_body(%arg0: i32, %arg1: memref<1024x128xf32, #tpu.memory_space<vmem>>, %arg2: memref<1024x128xf32, #tpu.memory_space<vmem>>, %arg3: memref<1024x128xf32, #tpu.memory_space<vmem>>, %arg4: memref<1024x128xf32, #tpu.memory_space<vmem>>, %arg5: memref<1024x1xf32, #tpu.memory_space<vmem>>, %arg6: memref<1024x1xf32, #tpu.memory_space<vmem>>, %arg7: memref<1x128xf32, #tpu.memory_space<vmem>>, %arg8: memref<128x128xf32, #tpu.memory_space<vmem>>, %arg9: memref<128x128xf32, #tpu.memory_space<vmem>>, %arg10: memref<1x128xf32, #tpu.memory_space<vmem>>, %arg11: memref<1024x128xf32, #tpu.memory_space<vmem>>) attributes {dimension_semantics = [#tpu.dimension_semantics<arbitrary>], iteration_bounds = array<i64: 10>, scalar_prefetch = 0 : i64, scratch_operands = 0 : i64, tpu.core_type = #tpu.core_type<tc>, window_params = [{transform_indices = @transform_0, window_bounds = array<i64: 1024, 128>}, {transform_indices = @transform_1, window_bounds = array<i64: 1024, 128>}, {transform_indices = @transform_2, window_bounds = array<i64: 1024, 128>}, {transform_indices = @transform_3, window_bounds = array<i64: 1024, 128>}, {transform_indices = @transform_4, window_bounds = array<i64: 1024, 1>}, {transform_indices = @transform_5, window_bounds = array<i64: 1024, 1>}, {pipeline_mode = #tpu.pipeline_mode<synchronous>, transform_indices = @transform_6, window_bounds = array<i64: 1, 128>}, {pipeline_mode = #tpu.pipeline_mode<synchronous>, transform_indices = @transform_7, window_bounds = array<i64: 128, 128>}, {pipeline_mode = #tpu.pipeline_mode<synchronous>, transform_indices = @transform_8, window_bounds = array<i64: 128, 128>}, {pipeline_mode = #tpu.pipeline_mode<synchronous>, transform_indices = @transform_9, window_bounds = array<i64: 1, 128>}, {transform_indices = @transform_10, window_bounds = array<i64: 1024, 128>}]} {
    %get3A = arith.constant 0 : index
    %get3A_0 = arith.constant 0 : index
    %get3A_1 = vector.load %arg5[%get3A, %get3A_0] : memref<1024x1xf32, #tpu.memory_space<vmem>>, vector<1024x1xf32>
    %get3A_2 = arith.constant 0 : index
    %get3A_3 = arith.constant 0 : index
    %get3A_4 = vector.load %arg1[%get3A_2, %get3A_3] : memref<1024x128xf32, #tpu.memory_space<vmem>>, vector<1024x128xf32>
    %get3A_5 = arith.constant 0 : index
    %get3A_6 = arith.constant 0 : index
    %get3A_7 = vector.load %arg3[%get3A_5, %get3A_6] : memref<1024x128xf32, #tpu.memory_space<vmem>>, vector<1024x128xf32>
    %add3A = arith.addf %get3A_4, %get3A_7 : vector<1024x128xf32>
    %mul3A = vector.broadcast %get3A_1 : vector<1024x1xf32> to vector<1024x128xf32>
    %mul3A_8 = arith.mulf %mul3A, %add3A : vector<1024x128xf32>
    %get3A_9 = arith.constant 0 : index
    %get3A_10 = arith.constant 0 : index
    %get3A_11 = vector.load %arg7[%get3A_9, %get3A_10] : memref<1x128xf32, #tpu.memory_space<vmem>>, vector<1x128xf32>
    %add3A_12 = vector.broadcast %get3A_11 : vector<1x128xf32> to vector<1024x128xf32>
    %add3A_13 = arith.addf %mul3A_8, %add3A_12 : vector<1024x128xf32>
    %max3A = arith.constant 0.000000e+00 : f32
    %max3A_14 = vector.broadcast %max3A : f32 to vector<1024x128xf32>
    %max3A_15 = arith.maximumf %add3A_13, %max3A_14 : vector<1024x128xf32>
    %get3A_16 = arith.constant 0 : index
    %get3A_17 = arith.constant 0 : index
    %get3A_18 = vector.load %arg6[%get3A_16, %get3A_17] : memref<1024x1xf32, #tpu.memory_space<vmem>>, vector<1024x1xf32>
    %get3A_19 = arith.constant 0 : index
    %get3A_20 = arith.constant 0 : index
    %get3A_21 = vector.load %arg2[%get3A_19, %get3A_20] : memref<1024x128xf32, #tpu.memory_space<vmem>>, vector<1024x128xf32>
    %get3A_22 = arith.constant 0 : index
    %get3A_23 = arith.constant 0 : index
    %get3A_24 = vector.load %arg4[%get3A_22, %get3A_23] : memref<1024x128xf32, #tpu.memory_space<vmem>>, vector<1024x128xf32>
    %add3A_25 = arith.addf %get3A_21, %get3A_24 : vector<1024x128xf32>
    %mul3A_26 = vector.broadcast %get3A_18 : vector<1024x1xf32> to vector<1024x128xf32>
    %mul3A_27 = arith.mulf %mul3A_26, %add3A_25 : vector<1024x128xf32>
    %get3A_28 = arith.constant 0 : index
    %get3A_29 = arith.constant 0 : index
    %get3A_30 = vector.load %arg7[%get3A_28, %get3A_29] : memref<1x128xf32, #tpu.memory_space<vmem>>, vector<1x128xf32>
    %add3A_31 = vector.broadcast %get3A_30 : vector<1x128xf32> to vector<1024x128xf32>
    %add3A_32 = arith.addf %mul3A_27, %add3A_31 : vector<1024x128xf32>
    %max3A_33 = arith.constant 0.000000e+00 : f32
    %max3A_34 = vector.broadcast %max3A_33 : f32 to vector<1024x128xf32>
    %max3A_35 = arith.maximumf %add3A_32, %max3A_34 : vector<1024x128xf32>
    %get3A_36 = arith.constant 0 : index
    %get3A_37 = arith.constant 0 : index
    %get3A_38 = vector.load %arg8[%get3A_36, %get3A_37] : memref<128x128xf32, #tpu.memory_space<vmem>>, vector<128x128xf32>
    %dot_general3A = arith.constant dense<0.000000e+00> : vector<1024x128xf32>
    %dot_general3A_39 = tpu.matmul %max3A_15, %get3A_38, %dot_general3A {dimension_numbers = #tpu.dot_dimension_numbers<[1], [0], [0], [1], [0, 0, 1, 1], [], []>, transpose_lhs_hint = false} : vector<1024x128xf32>, vector<128x128xf32>, vector<1024x128xf32> -> vector<1024x128xf32>
    %get3A_40 = arith.constant 0 : index
    %get3A_41 = arith.constant 0 : index
    %get3A_42 = vector.load %arg9[%get3A_40, %get3A_41] : memref<128x128xf32, #tpu.memory_space<vmem>>, vector<128x128xf32>
    %dot_general3A_43 = arith.constant dense<0.000000e+00> : vector<1024x128xf32>
    %dot_general3A_44 = tpu.matmul %max3A_35, %get3A_42, %dot_general3A_43 {dimension_numbers = #tpu.dot_dimension_numbers<[1], [0], [0], [1], [0, 0, 1, 1], [], []>, transpose_lhs_hint = false} : vector<1024x128xf32>, vector<128x128xf32>, vector<1024x128xf32> -> vector<1024x128xf32>
    %add3A_45 = arith.addf %dot_general3A_39, %dot_general3A_44 : vector<1024x128xf32>
    %get3A_46 = arith.constant 0 : index
    %get3A_47 = arith.constant 0 : index
    %get3A_48 = vector.load %arg10[%get3A_46, %get3A_47] : memref<1x128xf32, #tpu.memory_space<vmem>>, vector<1x128xf32>
    %add3A_49 = vector.broadcast %get3A_48 : vector<1x128xf32> to vector<1024x128xf32>
    %add3A_50 = arith.addf %add3A_45, %add3A_49 : vector<1024x128xf32>
    %logistic3A = arith.negf %add3A_50 : vector<1024x128xf32>
    %logistic3A_51 = math.exp %logistic3A : vector<1024x128xf32>
    %logistic3A_52 = arith.constant 1.000000e+00 : f32
    %logistic3A_53 = vector.broadcast %logistic3A_52 : f32 to vector<1024x128xf32>
    %logistic3A_54 = arith.addf %logistic3A_53, %logistic3A_51 : vector<1024x128xf32>
    %logistic3A_55 = arith.divf %logistic3A_53, %logistic3A_54 : vector<1024x128xf32>
    %mul3A_56 = arith.mulf %logistic3A_55, %max3A_15 : vector<1024x128xf32>
    %sub3A = arith.constant 1.000000e+00 : f32
    %sub3A_57 = vector.broadcast %sub3A : f32 to vector<1024x128xf32>
    %sub3A_58 = arith.subf %sub3A_57, %logistic3A_55 : vector<1024x128xf32>
    %mul3A_59 = arith.mulf %sub3A_58, %max3A_35 : vector<1024x128xf32>
    %add3A_60 = arith.addf %mul3A_56, %mul3A_59 : vector<1024x128xf32>
    %swap3A = arith.constant 0 : index
    %swap3A_61 = arith.constant 0 : index
    %swap3A_62 = vector.load %arg11[%swap3A, %swap3A_61] : memref<1024x128xf32, #tpu.memory_space<vmem>>, vector<1024x128xf32>
    tpu.vector_store %arg11[%swap3A, %swap3A_61], %add3A_60 {strides = array<i32>} : memref<1024x128xf32, #tpu.memory_space<vmem>>, vector<1024x128xf32>,
    return
  }
  func.func @transform_0(%arg0: i32) -> (i32, i32) {
    %c0_i32 = arith.constant 0 : i32
    %c0_i32_0 = arith.constant 0 : i32
    return %arg0, %c0_i32 : i32, i32
  }
  func.func @transform_1(%arg0: i32) -> (i32, i32) {
    %c0_i32 = arith.constant 0 : i32
    %c0_i32_0 = arith.constant 0 : i32
    return %arg0, %c0_i32 : i32, i32
  }
  func.func @transform_2(%arg0: i32) -> (i32, i32) {
    %c0_i32 = arith.constant 0 : i32
    %c0_i32_0 = arith.constant 0 : i32
    return %arg0, %c0_i32 : i32, i32
  }
  func.func @transform_3(%arg0: i32) -> (i32, i32) {
    %c0_i32 = arith.constant 0 : i32
    %c0_i32_0 = arith.constant 0 : i32
    return %arg0, %c0_i32 : i32, i32
  }
  func.func @transform_4(%arg0: i32) -> (i32, i32) {
    %c0_i32 = arith.constant 0 : i32
    %c0_i32_0 = arith.constant 0 : i32
    return %arg0, %c0_i32 : i32, i32
  }
  func.func @transform_5(%arg0: i32) -> (i32, i32) {
    %c0_i32 = arith.constant 0 : i32
    %c0_i32_0 = arith.constant 0 : i32
    return %arg0, %c0_i32 : i32, i32
  }
  func.func @transform_6(%arg0: i32) -> (i32, i32) {
    %c0_i32 = arith.constant 0 : i32
    %c0_i32_0 = arith.constant 0 : i32
    %c0_i32_1 = arith.constant 0 : i32
    return %c0_i32, %c0_i32_0 : i32, i32
  }
  func.func @transform_7(%arg0: i32) -> (i32, i32) {
    %c0_i32 = arith.constant 0 : i32
    %c0_i32_0 = arith.constant 0 : i32
    %c0_i32_1 = arith.constant 0 : i32
    return %c0_i32, %c0_i32_0 : i32, i32
  }
  func.func @transform_8(%arg0: i32) -> (i32, i32) {
    %c0_i32 = arith.constant 0 : i32
    %c0_i32_0 = arith.constant 0 : i32
    %c0_i32_1 = arith.constant 0 : i32
    return %c0_i32, %c0_i32_0 : i32, i32
  }
  func.func @transform_9(%arg0: i32) -> (i32, i32) {
    %c0_i32 = arith.constant 0 : i32
    %c0_i32_0 = arith.constant 0 : i32
    %c0_i32_1 = arith.constant 0 : i32
    return %c0_i32, %c0_i32_0 : i32, i32
  }
  func.func @transform_10(%arg0: i32) -> (i32, i32) {
    %c0_i32 = arith.constant 0 : i32
    %c0_i32_0 = arith.constant 0 : i32
    return %arg0, %c0_i32 : i32, i32
  }
}

</mosaic_0001>

<sc_bundles>
// kernel: kernel.11.cloned.1.call-start
scs
__scs_entry_jumppad:
0x0: {  	(pc) =	sbr.rel $0x88, $3  }
0x1: {  	(tag) =	ssettag $0x0;
	lr =	simm.s32 $0x1  }
0x2: {  	[smem:$0x3F94] =	sst lr;
	_ =	strace $0xD0000000  }
0x3: {  	_ = 	snop  }
0x4: {  	_ = 	snop  }
0x5: {  	_ = 	snop  }
0x6: {  	_ = 	snop  }
0x7: {  	_ = 	snop  }
__scs_overlays_trampoline_lowered:
0x8: {  	[smem:$0x3FA3] =	sst s0  }
0x9: {  	[smem:$0x3FA4] =	sst s1  }
0xa: {  	[smem:$0x3FA5] =	sst s2  }
0xb: {  	[smem:$0x3FA6] =	sst s3  }
0xc: {  	[smem:$0x3FA7] =	sst s4  }
0xd: {  	[smem:$0x3FA8] =	sst s5  }
0xe: {  	[smem:$0x3FA9] =	sst s6  }
0xf: {  	[smem:$0x3FAA] =	sst s7  }
0x10: {  	[smem:$0x3FAB] =	sst s8  }
0x11: {  	[smem:$0x3FAC] =	sst s9;
	s0 =	simm.s32 @!p0 $0x0  }
0x12: {  	s1 =	sld [smem:$0x3F92];
	s0 =	simm.s32 @p0 $0x1  }
0x13: {  	[smem:$0x3FAD] =	sst s0;
	s0 =	simm.s32 @!p1 $0x0  }
0x14: {  	s2 =	sld [smem:$0x3F91];
	s0 =	simm.s32 @p1 $0x1  }
0x15: {  	[smem:$0x3FAE] =	sst s0;
	s0 =	simm.s32 @!p2 $0x0  }
0x16: {  	s3 =	sld [smem:$0x3FDB];
	s0 =	simm.s32 @p2 $0x1  }
0x17: {  	s4 =	simm.s32 $0x1BF5;
	[smem:$0x3FB0] =	sst s0  }
0x18: {  	s0 =	sld [smem:$0x3F93];
	_ =	swait.ge [sflag:s4], $0x0  }
0x19: {  	s7 =	sld [smem:$0x3F94]  }
0x1a: {  	s8 =	sadd.s32 $0xFFFFE003, lr  }
0x1b: {  	s9 =	sadd.s32 $0xFFFFFEF7, lr;
	s5 =	simm.s32 $0xFFFFFFFF;
	p2 =	slt.u32 s8, $0xFFFFF086  }
0x1c: {  	p1 =	slt.u32 s9, $0xF7A;
	s5 =	simm.s32 @!p2 $0x0  }
0x1d: {  	s5 =	simm.s32 @p1 $0x1;
	p0 =	seq.s32 s7, s2  }
0x1e: {  	s7 =	smul.u32 @!p0 $0xF7A, s2;
	p2 =	seq.s32 @!p0 s5, $0x0  }
0x1f: {  	s9 =	smul.u32 $0xF7A, s1;
	s8 =	simm.s32 @!p0 $0x1BF5;
	p2 =	por !p2, p0  }
0x20: {  	[sflag:s8] =	ssyncset.s32 @!p0 $0xFFFFF086;
	s6 =	sadd.s32 @!p0 s3, s7;
	s7 =	simm.s32 @!p0 $0x108  }
0x21: {  	s3 =	sadd.s32 s3, s9;
	s6 =	sadd.s32 @!p0 $0x88, s6;
	s7 =	simm.s32 @p2 $0x1082  }
0x22: {  	[simem:s7], [sflag:s8] =	dma.local @!p0 [hbm:s6], $0xF7A  }
0x23: {  	s9 =	sor.u32 $0xD0000000, s2;
	s6 =	simm.s32 $0x108;
	_ =	swait.ge @!p0 [sflag:s8], $0x0  }
0x24: {  	s3 =	sadd.s32 $0x88, s3;
	s6 =	simm.s32 @!p1 $0x1082;
	[sflag:s4] =	ssyncset.s32 $0xFFFFF086  }
0x25: {  	[simem:s6], [sflag:s4] =	dma.local [hbm:s3], $0xF7A  }
0x26: {  	[smem:$0x3F94] =	sst s1;
	(tag) =	ssettag s2;
	_ =	strace s9  }
0x27: {  	s1 =	sld [smem:$0x3FA4]  }
0x28: {  	s2 =	sld [smem:$0x3FA5]  }
0x29: {  	s4 =	sld [smem:$0x3FA7]  }
0x2a: {  	p0 =	seq.s32 s5, $0x0;
	s5 =	sld [smem:$0x3FA8]  }
0x2b: {  	s6 =	sld [smem:$0x3FA9]  }
0x2c: {  	s7 =	sld [smem:$0x3FAA]  }
0x2d: {  	s3 =	simm.s32 $0x108;
	s8 =	sld [smem:$0x3FAB]  }
0x2e: {  	s3 =	simm.s32 @!p0 $0x1082;
	s9 =	sld [smem:$0x3FAC]  }
0x2f: {  	lr =	sadd.s32 s0, s3;
	s0 =	sld [smem:$0x3FA3]  }
0x30: {  	s3 =	sld [smem:$0x3FA6]  }
0x31: {  	[smem:$0x3FAF] =	sst s10  }
0x32: {  	s10 =	sld [smem:$0x3FAD];
	_ =	sdelay $0x3  }
0x33: {  	p0 =	seq.s32 s10, $0x1;
	s10 =	sld [smem:$0x3FAF];
	_ =	sdelay $0x3  }
0x34: {  	[smem:$0x3FAF] =	sst s10  }
0x35: {  	s10 =	sld [smem:$0x3FAE];
	_ =	sdelay $0x3  }
0x36: {  	p1 =	seq.s32 s10, $0x1;
	s10 =	sld [smem:$0x3FAF];
	_ =	sdelay $0x3  }
0x37: {  	[smem:$0x3FAF] =	sst s10  }
0x38: {  	s10 =	sld [smem:$0x3FB0]  }
0x39: {  	_ = 	snop;
	(pc) =	sbr.ind lr, $3  }
0x3a: {  	_ = 	snop  }
0x3b: {  	_ = 	snop  }
0x3c: {  	p2 =	seq.s32 s10, $0x1;
	s10 =	sld [smem:$0x3FAF]  }
0x3d: {  	_ =	shalt  }
0x3e: {  	_ =	shalt  }
0x3f: {  	_ =	shalt  }
0x40: {  	_ =	shalt  }
0x41: {  	_ =	shalt  }
0x42: {  	_ =	shalt  }
0x43: {  	_ =	shalt  }
0x44: {  	_ =	shalt  }
0x45: {  	_ =	shalt  }
0x46: {  	_ =	shalt  }
0x47: {  	_ =	shalt  }
0x48: {  	_ =	shalt  }
0x49: {  	_ =	shalt  }
0x4a: {  	_ =	shalt  }
0x4b: {  	_ =	shalt  }
0x4c: {  	_ =	shalt  }
0x4d: {  	_ =	shalt  }
0x4e: {  	_ =	shalt  }
0x4f: {  	_ =	shalt  }
0x50: {  	_ =	shalt  }
0x51: {  	_ =	shalt  }
0x52: {  	_ =	shalt  }
0x53: {  	_ =	shalt  }
0x54: {  	_ =	shalt  }
0x55: {  	_ =	shalt  }
0x56: {  	_ =	shalt  }
0x57: {  	_ =	shalt  }
0x58: {  	_ =	shalt  }
0x59: {  	_ =	shalt  }
0x5a: {  	_ =	shalt  }
0x5b: {  	_ =	shalt  }
0x5c: {  	_ =	shalt  }
0x5d: {  	_ =	shalt  }
0x5e: {  	_ =	shalt  }
0x5f: {  	_ =	shalt  }
0x60: {  	_ =	shalt  }
0x61: {  	_ =	shalt  }
0x62: {  	_ =	shalt  }
0x63: {  	_ =	shalt  }
0x64: {  	_ =	shalt  }
0x65: {  	_ =	shalt  }
0x66: {  	_ =	shalt  }
0x67: {  	_ =	shalt  }
0x68: {  	_ =	shalt  }
0x69: {  	_ =	shalt  }
0x6a: {  	_ =	shalt  }
0x6b: {  	_ =	shalt  }
0x6c: {  	_ =	shalt  }
0x6d: {  	_ =	shalt  }
0x6e: {  	_ =	shalt  }
0x6f: {  	_ =	shalt  }
0x70: {  	_ =	shalt  }
0x71: {  	_ =	shalt  }
0x72: {  	_ =	shalt  }
0x73: {  	_ =	shalt  }
0x74: {  	_ =	shalt  }
0x75: {  	_ =	shalt  }
0x76: {  	_ =	shalt  }
0x77: {  	_ =	shalt  }
0x78: {  	_ =	shalt  }
0x79: {  	_ =	shalt  }
0x7a: {  	_ =	shalt  }
0x7b: {  	_ =	shalt  }
0x7c: {  	_ =	shalt  }
0x7d: {  	_ =	shalt  }
0x7e: {  	_ =	shalt  }
0x7f: {  	_ =	shalt  }
0x80: {  	_ =	shalt  }
0x81: {  	_ =	shalt  }
0x82: {  	_ =	shalt  }
0x83: {  	_ =	shalt  }
0x84: {  	_ =	shalt  }
0x85: {  	_ =	shalt  }
0x86: {  	_ =	shalt  }
0x87: {  	_ =	shalt  }
.Lfunc_end0:
.L_simem_size_0:
called_computation.1_lowered:
.L_overlay_start_0:
0x88: {  	s2 =	sld [smem:$0x3FD9]  }
0x89: {  	s3 =	sld [smem:$0x3FFE];
	_ =	sdelay $0x1  }
0x8a: {  	s1 =	srdreg.scid  }
0x8b: {  	s0 =	sand.u32 $0x1, s1  }
0x8c: {  	s17 =	sshll.u32 s0, $0xA;
	s2 =	sadd.s32 s3, s2  }
0x8d: {  	s2 =	sadd.s32 s2, s17  }
0x8e: {  	[smem:$0x3FBB] =	sst s2  }
0x8f: {  	_ = 	snop  }
0x90: {  	s2 =	sld [smem:$0x3FD0];
	(tm) =	ssettm $0x1  }
0x91: {  	s18 =	sld [smem:$0x3FFB];
	_ =	sdelay $0x3  }
0x92: {  	_ =	strace s18  }
0x93: {  	s3 =	sld [smem:$0x3FFC];
	_ =	sdelay $0x3  }
0x94: {  	_ =	strace s3  }
0x95: {  	s3 =	sld [smem:$0x3FFD];
	_ =	sdelay $0x3  }
0x96: {  	_ =	strace s3  }
0x97: {  	_ =	strace $0x8FFFFFFF  }
0x98: {  	s19 =	sld [smem:$0x3FDB];
	_ =	sdelay $0x1  }
0x99: {  	s4 =	simm.s32 $_scs_section_size  }
0x9a: {  	s5 =	simm.s32 $_size__tile_overlayer_lowered;
	s6 =	simm.s32 $_tile_overlayer_lowered  }
0x9b: {  	s22 =	simm.s32 $0x1BFF;
	s21 =	sshll.u32 s6, $0x1;
	s3 =	sadd.s32 s4, s19  }
0x9c: {  	s7 =	simm.s32 $0x0;
	s20 =	sshll.u32 s5, $0x1;
	s5 =	sadd.s32 s21, s3  }
0x9d: {  	[timem:s7], [sflag:s22] =	dma.local [hbm:s5], s20  }
0x9e: {  	_ =	swait.ge [sflag:s22], s20  }
0x9f: {  	s4 =	ssub.s32 $0x0, s20;
	[sflag:s22] =	ssyncset.done $0x0  }
0xa0: {  	[sflag:s22] =	ssyncadd.s32 s4;
	_ =	sdelay $0x1  }
0xa1: {  	s23 =	simm.s32 $0x1B8B  }
0xa2: {  	_ =	swait.ge [sflag:s23], $0x1  }
0xa3: {  	[sflag:s23] =	ssyncset.done $0x0  }
0xa4: {  	s25 =	simm.s32 $0x1B8E;
	s24 =	sld [smem:$0x3FFE];
	[sflag:s23] =	ssyncadd.s32 $0xFFFFFFFF  }
0xa5: {  	s26 =	simm.s32 $execute0_lowered;
	[smem:$0x3FD2] =	sst s25  }
0xa6: {  	s5 =	sshll.u32 s26, $0x1;
	_ =	strace $0x80000049;
	[dreg:$0x1] =	wrdreg $0xFFFFFFFF  }
0xa7: {  	s28 =	simm.s32 $_size_execute0_lowered;
	s3 =	sadd.s32 s3, s5;
	[dreg:$0x0] =	wrdreg $0x0  }
0xa8: {  	s5 =	sshll.u32 s28, $0x1;
	[dreg:$0x2] =	wrdreg s3  }
0xa9: {  	[dreg:$0x3] =	wrdreg s5  }
0xaa: {  	[dreg:$0x4] =	wrdreg $0xC0  }
0xab: {  	_ =	task [dreg:s7], $0x5FFFF  }
0xac: {  	[dreg:$0x1] =	wrdreg $0xFFFFFFFF  }
0xad: {  	[dreg:$0x0] =	wrdreg $0x60  }
0xae: {  	[dreg:$0x2] =	wrdreg s2  }
0xaf: {  	[dreg:$0x3] =	wrdreg s24  }
0xb0: {  	[dreg:$0x4] =	wrdreg $0x88000  }
0xb1: {  	[dreg:$0x5] =	wrdreg $0x9  }
0xb2: {  	_ =	task.clear_ibuf [dreg:s7], $0x6FFFF;
	_ =	strace $0x90000049  }
0xb3: {  	s29 =	simm.s32 $0x9;
	_ =	strace $0x8000004B  }
0xb4: {  	_ =	swait.ge [sflag:s29], $0x1  }
0xb5: {  	[sflag:s29] =	ssyncadd.s32 $0xFFFFFFFF  }
0xb6: {  	_ =	strace $0x9000004B  }
0xb7: {  	_ =	sfence  }
0xb8: {  	s30 =	sld [smem:$0x0];
	_ =	sdelay $0x2  }
0xb9: {  	s31 =	sshll.u32 s1, $0xD;
	s1 =	sshrl.u32 s1, $0x2  }
0xba: {  	s3 =	sand.u32 $0x4000, s31;
	s1 =	sadd.s32 s1, s30  }
0xbb: {  	s0 =	sor.u32 s3, s0;
	s1 =	sshll.u32 s1, $0x11  }
0xbc: {  	s0 =	sor.u32 s1, s0  }
0xbd: {  	s0 =	sadd.s32 $0x8F2B, s0  }
0xbe: {  	[sflag:s0] =	ssyncadd.remote.s32 $0x1  }
0xbf: {  	_ =	sfence.sel $0xFFFF  }
0xc0: {  	[dreg:$0x0] =	wrdreg $0xFFFFFFFF;
	(pc) =	sbr.abs _section_cstart, $3  }
0xc1: {  	[dreg:$0x1] =	wrdreg $0xFFFFFFFF  }
0xc2: {  	_ =	task.clear_ibuf [dreg:s7], $0x2FFFF;
	_ =	strace $0x9FFFFFFF  }
0xc3: {  	(tm) =	ssettm $0x7FFFFFFF  }
tec
execute0_lowered:
.L_overlay_start_1:
0x0: {  	(tag) =	ssettag $0x1  }
0x1: {  	s1 =	rddreg [dreg:$0x0]  }
0x2: {  	s0 =	rddreg [dreg:$0x1]  }
0x3: {  	s2 =	rddreg [dreg:$0x2]  }
0x4: {  	s3 =	simm.s32 $0x0;
	s6 =	srdreg.scid;
	s13 =	stileid.u32  }
0x5: {  	s28 =	simm.s32 $0x4800;
	s29 =	simm.s32 $0x3;
	s30 =	simm.s32 $0x1  }
0x6: {  	s31 =	simm.s32 $0x480;
	[smem:$0x7FF] =	sst s3;
	s8 =	smul.u32 $0x50000, s13  }
0x7: {  	s5 =	sadd.s32 $0x2F400, s0;
	s4 =	sadd.s32 $0x24C00, s0;
	s17 =	smul.u32 $0x5000, s13  }
0x8: {  	s7 =	sadd.s32 $0x5E00, s0;
	s6 =	sand.u32 $0x1, s6;
	s19 =	smul.u32 $0x5400, s13  }
0x9: {  	s9 =	sadd.s32 $0x1A400, s0;
	s10 =	sadd.s32 $0xFE00, s0;
	s20 =	smul.u32 $0x2800, s13  }
0xa: {  	s12 =	sadd.s32 $0xA7400, s0;
	s0 =	sadd.s32 $0xCF400, s0;
	s22 =	smul.u32 $0xA80, s13  }
0xb: {  	s24 =	smul.u32 $0xA00, s13;
	_ =	strace $0x8000004A;
	[dreg:$0x4] =	wrdreg s12  }
0xc: {  	s13 =	simm.s32 $0x780;
	s11 =	ssub.s32 $0x2, s6;
	[dreg:$0x5] =	wrdreg s0  }
0xd: {  	p0 =	seq.s32 s6, $0x1;
	s12 =	simm.s32 $0x380;
	s26 =	sshrl.u32 s11, $0x1  }
0xe: {  	s8 =	sshrl.u32 s8, $0x2;
	s6 =	sshrl.u32 s17, $0x3;
	[dreg:$0xb] =	wrdreg s20  }
0xf: {  	s25 =	sadd.s32 s22, s4;
	s17 =	simm.s32 $0x600;
	s20 =	simm.s32 $0x0  }
0x10: {  	s14 =	ssub.s32 s11, s26;
	s15 =	sadd.s32 s8, s2;
	s21 =	sadd.s32 s7, s6  }
0x11: {  	s6 =	sadd.s32 s10, s6;
	s26 =	sadd.s32 s22, s9;
	[dreg:$0x6] =	wrdreg s15  }
0x12: {  	s16 =	sadd.s32 $0x4000, s15;
	s8 =	sadd.s32 $0x8000, s15;
	[dreg:$0xc] =	wrdreg s21  }
0x13: {  	s18 =	sadd.s32 $0xC000, s15;
	s11 =	sadd.s32 $0x10000, s15;
	[dreg:$0xe] =	wrdreg s6  }
0x14: {  	s0 =	smax.u32 s14, $0x1;
	s21 =	sadd.s32 s24, s10;
	[dreg:$0x7] =	wrdreg s16  }
0x15: {  	s22 =	sadd.s32 $0x80, s26;
	s26 =	simm.s32 $0x80;
	[dreg:$0x8] =	wrdreg s8  }
0x16: {  	s6 =	simm.s32 $0x100;
	s14 =	simm.s32 $0x180;
	[dreg:$0x9] =	wrdreg s18  }
0x17: {  	s15 =	simm.s32 $0x580;
	s10 =	simm.s32 $0x300;
	[dreg:$0xa] =	wrdreg s11  }
0x18: {  	s8 =	sshrl.u32 s19, $0x3;
	[dreg:$0x10] =	wrdreg s0;
	s19 =	sadd.s32 s24, s7  }
0x19: {  	s0 =	sadd.s32 $0x80, s25;
	s24 =	simm.s32 $0x4;
	s25 =	simm.s32 $0x400  }
.Ltmp0:
0x1a: {  	s7 =	simm.s32 $0x500;
	[dreg:$0x12] =	wrdreg s21;
	(pc) =	sbr.rel .LBB2_1-.Ltmp0, $4  }
0x1b: {  	s16 =	simm.s32 $0x200;
	s11 =	simm.s32 $0x700;
	[dreg:$0x14] =	wrdreg s0  }
0x1c: {  	s23 =	sadd.s32 s4, s8;
	s8 =	sadd.s32 s9, s8;
	[dreg:$0x11] =	wrdreg s19  }
0x1d: {  	s0 =	simm.s32 $0x2;
	s4 =	simm.s32 $0x280;
	[dreg:$0xd] =	wrdreg s23  }
0x1e: {  	v0 =	vimm.f32 $0.0e+00;
	s9 =	simm.s32 $0x680;
	[dreg:$0xf] =	wrdreg s8;
	s23 =	simm.s32 $0x800  }
.LBB2_9:
0x1f: {  	[tilespmem:s23], [sflag:$0x1] =	stream.indirect.gather [hbm4b:s5+s26], $0x80, s3, s26, $0xb8;
	[tilespmem:$0x1C800] =	vst v63  }
0x20: {  	s8 =	rddreg [dreg:$0x5]  }
0x21: {  	s20 =	rddreg [dreg:$0x13]  }
.LBB2_10:
0x22: {  	_ =	swait.ge [sflag:s30], $0x4000  }
0x23: {  	[sflag:s30] =	ssyncset.done $0x0  }
0x24: {  	[sflag:s30] =	ssyncadd.s32 $0xFFFFC000  }
0x25: {  	_ =	swait.ge [sflag:s29], $0x4000  }
0x26: {  	[sflag:s29] =	ssyncset.done $0x0  }
0x27: {  	[sflag:s29] =	ssyncadd.s32 $0xFFFFC000  }
0x28: {  	s19 =	stileid.u32;
	s18 =	rddreg [dreg:$0xb];
	[bflag:$0x0] =	sbarrier.arrive $0xFFFF  }
0x29: {  	s8 =	sadd.s32 s8, s18;
	s18 =	sshll.u32 s19, $0x6;
	s19 =	rddreg [dreg:$0x6]  }
0x2a: {  	s18 =	sor.u32 $0x1C04, s18;
	s19 =	sshrl.u32 s19, $0x3  }
0x2b: {  	[hbm:s8], [sflag:s18] =	dma.local [spmem:s19], $0x2800  }
0x2c: {  	_ =	swait.ge [sflag:s24], $0x2800  }
0x2d: {  	s20 =	sadd.s32 $0x1, s20;
	s19 =	rddreg [dreg:$0x10]  }
0x2e: {  	p1 =	sne.s32 s20, s19  }
.Ltmp1:
0x2f: {  	_ = 	snop;
	(pc) =	sbr.rel @!p1 .LBB2_11-.Ltmp1, $3  }
0x30: {  	_ =	sdelay $0x1  }
0x31: {  	[sflag:s24] =	ssyncset.done $0x0  }
0x32: {  	[sflag:s24] =	ssyncadd.s32 $0xFFFFD800;
	s19 =	rddreg [dreg:$0x11]  }
.LBB2_1:
.Ltmp2:
0x33: {  	(pc) =	sbr.rel @!p0 .LBB2_2-.Ltmp2, $2  }
0x34: {  	_ =	sdelay $0x2  }
0x35: {  	[dreg:$0x13] =	wrdreg s20;
	s8 =	sshra.s32 s3, $0x2;
	s18 =	sadd.s32 $0x200, s3  }
.LBB2_6:
0x36: {  	p1 =	sne.s32 s18, $0xFE00;
	[tilespmem:s8+$0x4870] =	vst v0  }
0x37: {  	[tilespmem:s8+$0x800] =	vst v0  }
0x38: {  	[tilespmem:s8+$0x4800] =	vst v0  }
0x39: {  	[tilespmem:s8+$0x810] =	vst v0  }
0x3a: {  	[tilespmem:s8+$0x4810] =	vst v0  }
0x3b: {  	[tilespmem:s8+$0x820] =	vst v0  }
0x3c: {  	[tilespmem:s8+$0x4820] =	vst v0  }
0x3d: {  	[tilespmem:s8+$0x830] =	vst v0  }
0x3e: {  	[tilespmem:s8+$0x4830] =	vst v0  }
0x3f: {  	[tilespmem:s8+$0x840] =	vst v0  }
0x40: {  	[tilespmem:s8+$0x4840] =	vst v0  }
.Ltmp3:
0x41: {  	[tilespmem:s8+$0x850] =	vst v0;
	(pc) =	sbr.rel @p1 .LBB2_6-.Ltmp3, $4  }
0x42: {  	[tilespmem:s8+$0x4850] =	vst v0  }
0x43: {  	[tilespmem:s8+$0x860] =	vst v0  }
0x44: {  	[tilespmem:s8+$0x4860] =	vst v0  }
0x45: {  	[tilespmem:s8+$0x870] =	vst v0;
	s8 =	sshra.s32 s18, $0x2;
	s18 =	sadd.s32 $0x200, s18  }
0x46: {  	[tilespmem:s8+$0x4870] =	vst v0  }
0x47: {  	[tilespmem:s8+$0x800] =	vst v0  }
0x48: {  	[tilespmem:s8+$0x4800] =	vst v0  }
0x49: {  	[tilespmem:s8+$0x810] =	vst v0  }
0x4a: {  	[tilespmem:s8+$0x4810] =	vst v0  }
0x4b: {  	[tilespmem:s8+$0x820] =	vst v0  }
0x4c: {  	[tilespmem:s8+$0x4820] =	vst v0  }
0x4d: {  	[tilespmem:s8+$0x830] =	vst v0  }
0x4e: {  	[tilespmem:s8+$0x4830] =	vst v0  }
0x4f: {  	[tilespmem:s8+$0x840] =	vst v0  }
0x50: {  	[tilespmem:s8+$0x4840] =	vst v0  }
0x51: {  	[tilespmem:s8+$0x850] =	vst v0  }
0x52: {  	[tilespmem:s8+$0x4850] =	vst v0  }
0x53: {  	[tilespmem:s8+$0x860] =	vst v0  }
0x54: {  	[tilespmem:s8+$0x4860] =	vst v0  }
0x55: {  	[tilespmem:s8+$0x870] =	vst v0;
	s20 =	rddreg [dreg:$0x6]  }
0x56: {  	[spmem:s20] =	stream.linear.scatter [tilespmem:s23], [sflag:$0x4], $0x4000, $0x38;
	[tilespmem:$0x1C800] =	vst v63  }
0x57: {  	_ =	swait.ge [sflag:s24], $0x4000  }
0x58: {  	[sflag:s24] =	ssyncset.done $0x0  }
0x59: {  	s18 =	rddreg [dreg:$0x7];
	[sflag:s24] =	ssyncadd.s32 $0xFFFFC000  }
0x5a: {  	[spmem:s18] =	stream.linear.scatter [tilespmem:s23], [sflag:$0x4], $0x4000, $0x38;
	[tilespmem:$0x1C800] =	vst v63  }
0x5b: {  	_ =	swait.ge [sflag:s24], $0x4000  }
0x5c: {  	[sflag:s24] =	ssyncset.done $0x0  }
0x5d: {  	s19 =	rddreg [dreg:$0x8];
	[sflag:s24] =	ssyncadd.s32 $0xFFFFC000  }
0x5e: {  	[spmem:s19] =	stream.linear.scatter [tilespmem:s23], [sflag:$0x4], $0x4000, $0x38;
	[tilespmem:$0x1C800] =	vst v63  }
0x5f: {  	_ =	swait.ge [sflag:s24], $0x4000  }
0x60: {  	[sflag:s24] =	ssyncset.done $0x0  }
0x61: {  	s20 =	rddreg [dreg:$0x9];
	[sflag:s24] =	ssyncadd.s32 $0xFFFFC000  }
0x62: {  	[spmem:s20] =	stream.linear.scatter [tilespmem:s23], [sflag:$0x4], $0x4000, $0x38;
	[tilespmem:$0x1C800] =	vst v63  }
0x63: {  	_ =	swait.ge [sflag:s24], $0x4000  }
0x64: {  	[sflag:s24] =	ssyncset.done $0x0  }
0x65: {  	s18 =	rddreg [dreg:$0xa];
	[sflag:s24] =	ssyncadd.s32 $0xFFFFC000  }
0x66: {  	[spmem:s18] =	stream.linear.scatter [tilespmem:s23], [sflag:$0x4], $0x4000, $0x38;
	[tilespmem:$0x1C800] =	vst v63  }
0x67: {  	_ =	swait.ge [sflag:s24], $0x4000  }
0x68: {  	[sflag:s24] =	ssyncset.done $0x0  }
0x69: {  	[sflag:s24] =	ssyncadd.s32 $0xFFFFC000  }
0x6a: {  	[bflag:$0x0] =	sbarrier.arrive $0xFFFF  }
0x6b: {  	s19 =	simm.s32 $0x0;
	s18 =	rddreg [dreg:$0xe]  }
0x6c: {  	[tilespmem:s25], [sflag:$0x4] =	stream.linear.gather [hbm4b:s18+s19], $0x400, $0x38;
	[tilespmem:$0x1C800] =	vst v63  }
0x6d: {  	_ =	swait.ge [sflag:s24], $0x400  }
0x6e: {  	[sflag:s24] =	ssyncset.done $0x0  }
0x6f: {  	s20 =	rddreg [dreg:$0xf];
	[sflag:s24] =	ssyncadd.s32 $0xFFFFFC00  }
0x70: {  	[tilespmem:s19], [sflag:$0x4] =	stream.linear.gather [hbm4b:s20+s19], $0x400, $0x38;
	[tilespmem:$0x1C800] =	vst v63  }
0x71: {  	_ =	swait.ge [sflag:s24], $0x400  }
0x72: {  	[sflag:s24] =	ssyncset.done $0x0  }
0x73: {  	[sflag:s24] =	ssyncadd.s32 $0xFFFFFC00  }
0x74: {  	[spmem:s2] =	stream.indirect.scatter.add.f32 [tilespmem:s28], [sflag:$0x3], $0x80, s25, s26, $0xb8;
	[tilespmem:$0x1C800] =	vst v63  }
0x75: {  	_ = 	snop  }
0x76: {  	[tilespmem:s23], [sflag:$0x1] =	stream.indirect.gather [hbm4b:s5+s26], $0x80, s19, s26, $0xb8;
	[tilespmem:$0x1C800] =	vst v63  }
0x77: {  	_ =	swait.ge [sflag:s29], $0x4000  }
0x78: {  	[sflag:s29] =	ssyncset.done $0x0  }
0x79: {  	s19 =	sadd.s32 $0x0, s21;
	[sflag:s29] =	ssyncadd.s32 $0xFFFFC000  }
0x7a: {  	[tilespmem:s25], [sflag:$0x4] =	stream.linear.gather [hbm4b:s19+s3], $0x400, $0x38;
	[tilespmem:$0x1C800] =	vst v63  }
0x7b: {  	_ =	swait.ge [sflag:s24], $0x400  }
0x7c: {  	[sflag:s24] =	ssyncset.done $0x0  }
0x7d: {  	[sflag:s24] =	ssyncadd.s32 $0xFFFFFC00  }
0x7e: {  	_ =	swait.ge [sflag:s30], $0x4000  }
0x7f: {  	[sflag:s30] =	ssyncset.done $0x0  }
0x80: {  	[sflag:s30] =	ssyncadd.s32 $0xFFFFC000  }
0x81: {  	[spmem:s2] =	stream.indirect.scatter.add.f32 [tilespmem:s23], [sflag:$0x2], $0x80, s25, s26, $0xb8;
	[tilespmem:$0x1C800] =	vst v63  }
0x82: {  	_ = 	snop  }
0x83: {  	[tilespmem:s28], [sflag:$0x1] =	stream.indirect.gather [hbm4b:s5+s26], $0x80, s26, s26, $0xb8;
	[tilespmem:$0x1C800] =	vst v63  }
0x84: {  	_ =	swait.ge [sflag:s30], $0x4000  }
0x85: {  	[sflag:s30] =	ssyncset.done $0x0  }
0x86: {  	[sflag:s30] =	ssyncadd.s32 $0xFFFFC000  }
0x87: {  	[spmem:s2] =	stream.indirect.scatter.add.f32 [tilespmem:s28], [sflag:$0x3], $0x80, s31, s26, $0xb8;
	[tilespmem:$0x1C800] =	vst v63  }
0x88: {  	_ =	swait.ge [sflag:s0], $0x4000  }
0x89: {  	[sflag:s0] =	ssyncset.done $0x0  }
0x8a: {  	[sflag:s0] =	ssyncadd.s32 $0xFFFFC000  }
0x8b: {  	[tilespmem:s23], [sflag:$0x1] =	stream.indirect.gather [hbm4b:s5+s26], $0x80, s6, s26, $0xb8;
	[tilespmem:$0x1C800] =	vst v63  }
0x8c: {  	_ =	swait.ge [sflag:s30], $0x4000  }
0x8d: {  	[sflag:s30] =	ssyncset.done $0x0  }
0x8e: {  	[sflag:s30] =	ssyncadd.s32 $0xFFFFC000  }
0x8f: {  	[spmem:s2] =	stream.indirect.scatter.add.f32 [tilespmem:s23], [sflag:$0x2], $0x80, s7, s26, $0xb8;
	[tilespmem:$0x1C800] =	vst v63  }
0x90: {  	_ =	swait.ge [sflag:s29], $0x4000  }
0x91: {  	[sflag:s29] =	ssyncset.done $0x0  }
0x92: {  	[sflag:s29] =	ssyncadd.s32 $0xFFFFC000  }
0x93: {  	[tilespmem:s28], [sflag:$0x1] =	stream.indirect.gather [hbm4b:s5+s26], $0x80, s14, s26, $0xb8;
	[tilespmem:$0x1C800] =	vst v63  }
0x94: {  	_ =	swait.ge [sflag:s30], $0x4000  }
0x95: {  	[sflag:s30] =	ssyncset.done $0x0  }
0x96: {  	[sflag:s30] =	ssyncadd.s32 $0xFFFFC000  }
0x97: {  	[spmem:s2] =	stream.indirect.scatter.add.f32 [tilespmem:s28], [sflag:$0x3], $0x80, s15, s26, $0xb8;
	[tilespmem:$0x1C800] =	vst v63  }
0x98: {  	_ =	swait.ge [sflag:s0], $0x4000  }
0x99: {  	[sflag:s0] =	ssyncset.done $0x0  }
0x9a: {  	[sflag:s0] =	ssyncadd.s32 $0xFFFFC000  }
0x9b: {  	[tilespmem:s23], [sflag:$0x1] =	stream.indirect.gather [hbm4b:s5+s26], $0x80, s16, s26, $0xb8;
	[tilespmem:$0x1C800] =	vst v63  }
0x9c: {  	_ =	swait.ge [sflag:s30], $0x4000  }
0x9d: {  	[sflag:s30] =	ssyncset.done $0x0  }
0x9e: {  	[sflag:s30] =	ssyncadd.s32 $0xFFFFC000  }
0x9f: {  	[spmem:s2] =	stream.indirect.scatter.add.f32 [tilespmem:s23], [sflag:$0x2], $0x80, s17, s26, $0xb8;
	[tilespmem:$0x1C800] =	vst v63  }
0xa0: {  	_ =	swait.ge [sflag:s29], $0x4000  }
0xa1: {  	[sflag:s29] =	ssyncset.done $0x0  }
0xa2: {  	[sflag:s29] =	ssyncadd.s32 $0xFFFFC000  }
0xa3: {  	[tilespmem:s28], [sflag:$0x1] =	stream.indirect.gather [hbm4b:s5+s26], $0x80, s4, s26, $0xb8;
	[tilespmem:$0x1C800] =	vst v63  }
0xa4: {  	_ =	swait.ge [sflag:s30], $0x4000  }
0xa5: {  	[sflag:s30] =	ssyncset.done $0x0  }
0xa6: {  	[sflag:s30] =	ssyncadd.s32 $0xFFFFC000  }
0xa7: {  	[spmem:s2] =	stream.indirect.scatter.add.f32 [tilespmem:s28], [sflag:$0x3], $0x80, s9, s26, $0xb8;
	[tilespmem:$0x1C800] =	vst v63  }
0xa8: {  	_ =	swait.ge [sflag:s0], $0x4000  }
0xa9: {  	[sflag:s0] =	ssyncset.done $0x0  }
0xaa: {  	[sflag:s0] =	ssyncadd.s32 $0xFFFFC000  }
0xab: {  	[tilespmem:s23], [sflag:$0x1] =	stream.indirect.gather [hbm4b:s5+s26], $0x80, s10, s26, $0xb8;
	[tilespmem:$0x1C800] =	vst v63  }
0xac: {  	_ =	swait.ge [sflag:s30], $0x4000  }
0xad: {  	[sflag:s30] =	ssyncset.done $0x0  }
0xae: {  	[sflag:s30] =	ssyncadd.s32 $0xFFFFC000  }
0xaf: {  	[spmem:s2] =	stream.indirect.scatter.add.f32 [tilespmem:s23], [sflag:$0x2], $0x80, s11, s26, $0xb8;
	[tilespmem:$0x1C800] =	vst v63  }
0xb0: {  	_ =	swait.ge [sflag:s29], $0x4000  }
0xb1: {  	[sflag:s29] =	ssyncset.done $0x0  }
0xb2: {  	[sflag:s29] =	ssyncadd.s32 $0xFFFFC000  }
0xb3: {  	[tilespmem:s28], [sflag:$0x1] =	stream.indirect.gather [hbm4b:s5+s26], $0x80, s12, s26, $0xb8;
	[tilespmem:$0x1C800] =	vst v63  }
0xb4: {  	_ =	swait.ge [sflag:s30], $0x4000  }
0xb5: {  	[sflag:s30] =	ssyncset.done $0x0  }
0xb6: {  	[sflag:s30] =	ssyncadd.s32 $0xFFFFC000  }
0xb7: {  	[spmem:s2] =	stream.indirect.scatter.add.f32 [tilespmem:s28], [sflag:$0x3], $0x80, s13, s26, $0xb8;
	[tilespmem:$0x1C800] =	vst v63  }
0xb8: {  	_ =	swait.ge [sflag:s0], $0x4000  }
0xb9: {  	[sflag:s0] =	ssyncset.done $0x0  }
0xba: {  	s20 =	sadd.s32 $0x0, s22;
	[sflag:s0] =	ssyncadd.s32 $0xFFFFC000  }
0xbb: {  	[tilespmem:s3], [sflag:$0x4] =	stream.linear.gather [hbm4b:s20+s3], $0x400, $0x38;
	[tilespmem:$0x1C800] =	vst v63  }
0xbc: {  	_ =	swait.ge [sflag:s24], $0x400  }
0xbd: {  	[sflag:s24] =	ssyncset.done $0x0  }
0xbe: {  	s8 =	simm.s32 $0x80;
	[sflag:s24] =	ssyncadd.s32 $0xFFFFFC00  }
.LBB2_8:
0xbf: {  	[tilespmem:s23], [sflag:$0x1] =	stream.indirect.gather [hbm4b:s5+s26], $0x80, s3, s26, $0xb8;
	[tilespmem:$0x1C800] =	vst v63  }
0xc0: {  	s18 =	smov.u32 s8  }
0xc1: {  	p1 =	sne.s32 s8, $0x980;
	s8 =	sadd.s32 $0x80, s8;
	_ =	swait.ge [sflag:s29], $0x4000  }
0xc2: {  	[sflag:s29] =	ssyncset.done $0x0  }
0xc3: {  	s19 =	sadd.s32 s18, s21;
	[sflag:s29] =	ssyncadd.s32 $0xFFFFC000  }
0xc4: {  	[tilespmem:s25], [sflag:$0x4] =	stream.linear.gather [hbm4b:s19+s3], $0x400, $0x38;
	[tilespmem:$0x1C800] =	vst v63  }
0xc5: {  	_ =	swait.ge [sflag:s24], $0x400  }
0xc6: {  	[sflag:s24] =	ssyncset.done $0x0  }
0xc7: {  	[sflag:s24] =	ssyncadd.s32 $0xFFFFFC00  }
0xc8: {  	_ =	swait.ge [sflag:s30], $0x4000  }
0xc9: {  	[sflag:s30] =	ssyncset.done $0x0  }
0xca: {  	[sflag:s30] =	ssyncadd.s32 $0xFFFFC000  }
0xcb: {  	[spmem:s2] =	stream.indirect.scatter.add.f32 [tilespmem:s23], [sflag:$0x2], $0x80, s25, s26, $0xb8;
	[tilespmem:$0x1C800] =	vst v63  }
0xcc: {  	_ = 	snop  }
0xcd: {  	[tilespmem:s28], [sflag:$0x1] =	stream.indirect.gather [hbm4b:s5+s26], $0x80, s26, s26, $0xb8;
	[tilespmem:$0x1C800] =	vst v63  }
0xce: {  	_ =	swait.ge [sflag:s30], $0x4000  }
0xcf: {  	[sflag:s30] =	ssyncset.done $0x0  }
0xd0: {  	[sflag:s30] =	ssyncadd.s32 $0xFFFFC000  }
0xd1: {  	[spmem:s2] =	stream.indirect.scatter.add.f32 [tilespmem:s28], [sflag:$0x3], $0x80, s31, s26, $0xb8;
	[tilespmem:$0x1C800] =	vst v63  }
0xd2: {  	_ =	swait.ge [sflag:s0], $0x4000  }
0xd3: {  	[sflag:s0] =	ssyncset.done $0x0  }
0xd4: {  	[sflag:s0] =	ssyncadd.s32 $0xFFFFC000  }
0xd5: {  	[tilespmem:s23], [sflag:$0x1] =	stream.indirect.gather [hbm4b:s5+s26], $0x80, s6, s26, $0xb8;
	[tilespmem:$0x1C800] =	vst v63  }
0xd6: {  	_ =	swait.ge [sflag:s30], $0x4000  }
0xd7: {  	[sflag:s30] =	ssyncset.done $0x0  }
0xd8: {  	[sflag:s30] =	ssyncadd.s32 $0xFFFFC000  }
0xd9: {  	[spmem:s2] =	stream.indirect.scatter.add.f32 [tilespmem:s23], [sflag:$0x2], $0x80, s7, s26, $0xb8;
	[tilespmem:$0x1C800] =	vst v63  }
0xda: {  	_ =	swait.ge [sflag:s29], $0x4000  }
0xdb: {  	[sflag:s29] =	ssyncset.done $0x0  }
0xdc: {  	[sflag:s29] =	ssyncadd.s32 $0xFFFFC000  }
0xdd: {  	[tilespmem:s28], [sflag:$0x1] =	stream.indirect.gather [hbm4b:s5+s26], $0x80, s14, s26, $0xb8;
	[tilespmem:$0x1C800] =	vst v63  }
0xde: {  	_ =	swait.ge [sflag:s30], $0x4000  }
0xdf: {  	[sflag:s30] =	ssyncset.done $0x0  }
0xe0: {  	[sflag:s30] =	ssyncadd.s32 $0xFFFFC000  }
0xe1: {  	[spmem:s2] =	stream.indirect.scatter.add.f32 [tilespmem:s28], [sflag:$0x3], $0x80, s15, s26, $0xb8;
	[tilespmem:$0x1C800] =	vst v63  }
0xe2: {  	_ =	swait.ge [sflag:s0], $0x4000  }
0xe3: {  	[sflag:s0] =	ssyncset.done $0x0  }
0xe4: {  	[sflag:s0] =	ssyncadd.s32 $0xFFFFC000  }
0xe5: {  	[tilespmem:s23], [sflag:$0x1] =	stream.indirect.gather [hbm4b:s5+s26], $0x80, s16, s26, $0xb8;
	[tilespmem:$0x1C800] =	vst v63  }
0xe6: {  	_ =	swait.ge [sflag:s30], $0x4000  }
0xe7: {  	[sflag:s30] =	ssyncset.done $0x0  }
0xe8: {  	[sflag:s30] =	ssyncadd.s32 $0xFFFFC000  }
0xe9: {  	[spmem:s2] =	stream.indirect.scatter.add.f32 [tilespmem:s23], [sflag:$0x2], $0x80, s17, s26, $0xb8;
	[tilespmem:$0x1C800] =	vst v63  }
0xea: {  	_ =	swait.ge [sflag:s29], $0x4000  }
0xeb: {  	[sflag:s29] =	ssyncset.done $0x0  }
0xec: {  	[sflag:s29] =	ssyncadd.s32 $0xFFFFC000  }
0xed: {  	[tilespmem:s28], [sflag:$0x1] =	stream.indirect.gather [hbm4b:s5+s26], $0x80, s4, s26, $0xb8;
	[tilespmem:$0x1C800] =	vst v63  }
0xee: {  	_ =	swait.ge [sflag:s30], $0x4000  }
0xef: {  	[sflag:s30] =	ssyncset.done $0x0  }
0xf0: {  	[sflag:s30] =	ssyncadd.s32 $0xFFFFC000  }
0xf1: {  	[spmem:s2] =	stream.indirect.scatter.add.f32 [tilespmem:s28], [sflag:$0x3], $0x80, s9, s26, $0xb8;
	[tilespmem:$0x1C800] =	vst v63  }
0xf2: {  	_ =	swait.ge [sflag:s0], $0x4000  }
0xf3: {  	[sflag:s0] =	ssyncset.done $0x0  }
0xf4: {  	[sflag:s0] =	ssyncadd.s32 $0xFFFFC000  }
0xf5: {  	[tilespmem:s23], [sflag:$0x1] =	stream.indirect.gather [hbm4b:s5+s26], $0x80, s10, s26, $0xb8;
	[tilespmem:$0x1C800] =	vst v63  }
0xf6: {  	_ =	swait.ge [sflag:s30], $0x4000  }
0xf7: {  	[sflag:s30] =	ssyncset.done $0x0  }
0xf8: {  	[sflag:s30] =	ssyncadd.s32 $0xFFFFC000  }
0xf9: {  	[spmem:s2] =	stream.indirect.scatter.add.f32 [tilespmem:s23], [sflag:$0x2], $0x80, s11, s26, $0xb8;
	[tilespmem:$0x1C800] =	vst v63  }
0xfa: {  	_ =	swait.ge [sflag:s29], $0x4000  }
0xfb: {  	[sflag:s29] =	ssyncset.done $0x0  }
0xfc: {  	[sflag:s29] =	ssyncadd.s32 $0xFFFFC000  }
0xfd: {  	[tilespmem:s28], [sflag:$0x1] =	stream.indirect.gather [hbm4b:s5+s26], $0x80, s12, s26, $0xb8;
	[tilespmem:$0x1C800] =	vst v63  }
0xfe: {  	_ =	swait.ge [sflag:s30], $0x4000  }
0xff: {  	[sflag:s30] =	ssyncset.done $0x0  }
0x100: {  	[sflag:s30] =	ssyncadd.s32 $0xFFFFC000  }
0x101: {  	[spmem:s2] =	stream.indirect.scatter.add.f32 [tilespmem:s28], [sflag:$0x3], $0x80, s13, s26, $0xb8;
	[tilespmem:$0x1C800] =	vst v63  }
0x102: {  	_ =	swait.ge [sflag:s0], $0x4000  }
0x103: {  	[sflag:s0] =	ssyncset.done $0x0  }
.Ltmp4:
0x104: {  	s18 =	sadd.s32 s18, s22;
	[sflag:s0] =	ssyncadd.s32 $0xFFFFC000;
	(pc) =	sbr.rel @p1 .LBB2_8-.Ltmp4, $4  }
0x105: {  	[tilespmem:s3], [sflag:$0x4] =	stream.linear.gather [hbm4b:s18+s3], $0x400, $0x38;
	[tilespmem:$0x1C800] =	vst v63  }
0x106: {  	_ =	swait.ge [sflag:s24], $0x400  }
0x107: {  	[sflag:s24] =	ssyncset.done $0x0  }
0x108: {  	[sflag:s24] =	ssyncadd.s32 $0xFFFFFC00  }
.Ltmp5:
0x109: {  	_ = 	snop;
	(pc) =	sbr.rel .LBB2_9-.Ltmp5, $1  }
0x10a: {  	_ =	sdelay $0x3  }
.LBB2_2:
0x10b: {  	p1 =	sne.s32 s18, $0xFE00;
	[tilespmem:s8+$0x4870] =	vst v0  }
0x10c: {  	[tilespmem:s8+$0x800] =	vst v0  }
0x10d: {  	[tilespmem:s8+$0x4800] =	vst v0  }
0x10e: {  	[tilespmem:s8+$0x810] =	vst v0  }
0x10f: {  	[tilespmem:s8+$0x4810] =	vst v0  }
0x110: {  	[tilespmem:s8+$0x820] =	vst v0  }
0x111: {  	[tilespmem:s8+$0x4820] =	vst v0  }
0x112: {  	[tilespmem:s8+$0x830] =	vst v0  }
0x113: {  	[tilespmem:s8+$0x4830] =	vst v0  }
0x114: {  	[tilespmem:s8+$0x840] =	vst v0  }
0x115: {  	[tilespmem:s8+$0x4840] =	vst v0  }
.Ltmp6:
0x116: {  	[tilespmem:s8+$0x850] =	vst v0;
	(pc) =	sbr.rel @p1 .LBB2_2-.Ltmp6, $4  }
0x117: {  	[tilespmem:s8+$0x4850] =	vst v0  }
0x118: {  	[tilespmem:s8+$0x860] =	vst v0  }
0x119: {  	[tilespmem:s8+$0x4860] =	vst v0  }
0x11a: {  	[tilespmem:s8+$0x870] =	vst v0;
	s8 =	sshra.s32 s18, $0x2;
	s18 =	sadd.s32 $0x200, s18  }
0x11b: {  	[tilespmem:s8+$0x4870] =	vst v0  }
0x11c: {  	[tilespmem:s8+$0x800] =	vst v0  }
0x11d: {  	[tilespmem:s8+$0x4800] =	vst v0  }
0x11e: {  	[tilespmem:s8+$0x810] =	vst v0  }
0x11f: {  	[tilespmem:s8+$0x4810] =	vst v0  }
0x120: {  	[tilespmem:s8+$0x820] =	vst v0  }
0x121: {  	[tilespmem:s8+$0x4820] =	vst v0  }
0x122: {  	[tilespmem:s8+$0x830] =	vst v0  }
0x123: {  	[tilespmem:s8+$0x4830] =	vst v0  }
0x124: {  	[tilespmem:s8+$0x840] =	vst v0  }
0x125: {  	[tilespmem:s8+$0x4840] =	vst v0  }
0x126: {  	[tilespmem:s8+$0x850] =	vst v0  }
0x127: {  	[tilespmem:s8+$0x4850] =	vst v0  }
0x128: {  	[tilespmem:s8+$0x860] =	vst v0  }
0x129: {  	[tilespmem:s8+$0x4860] =	vst v0  }
0x12a: {  	[tilespmem:s8+$0x870] =	vst v0;
	s21 =	rddreg [dreg:$0x6]  }
0x12b: {  	[spmem:s21] =	stream.linear.scatter [tilespmem:s23], [sflag:$0x4], $0x4000, $0x38;
	[tilespmem:$0x1C800] =	vst v63  }
0x12c: {  	_ =	swait.ge [sflag:s24], $0x4000  }
0x12d: {  	[sflag:s24] =	ssyncset.done $0x0  }
0x12e: {  	s18 =	rddreg [dreg:$0x7];
	[sflag:s24] =	ssyncadd.s32 $0xFFFFC000  }
0x12f: {  	[spmem:s18] =	stream.linear.scatter [tilespmem:s23], [sflag:$0x4], $0x4000, $0x38;
	[tilespmem:$0x1C800] =	vst v63  }
0x130: {  	_ =	swait.ge [sflag:s24], $0x4000  }
0x131: {  	[sflag:s24] =	ssyncset.done $0x0  }
0x132: {  	s20 =	rddreg [dreg:$0x8];
	[sflag:s24] =	ssyncadd.s32 $0xFFFFC000  }
0x133: {  	[spmem:s20] =	stream.linear.scatter [tilespmem:s23], [sflag:$0x4], $0x4000, $0x38;
	[tilespmem:$0x1C800] =	vst v63  }
0x134: {  	_ =	swait.ge [sflag:s24], $0x4000  }
0x135: {  	[sflag:s24] =	ssyncset.done $0x0  }
0x136: {  	s21 =	rddreg [dreg:$0x9];
	[sflag:s24] =	ssyncadd.s32 $0xFFFFC000  }
0x137: {  	[spmem:s21] =	stream.linear.scatter [tilespmem:s23], [sflag:$0x4], $0x4000, $0x38;
	[tilespmem:$0x1C800] =	vst v63  }
0x138: {  	_ =	swait.ge [sflag:s24], $0x4000  }
0x139: {  	[sflag:s24] =	ssyncset.done $0x0  }
0x13a: {  	s18 =	rddreg [dreg:$0xa];
	[sflag:s24] =	ssyncadd.s32 $0xFFFFC000  }
0x13b: {  	[spmem:s18] =	stream.linear.scatter [tilespmem:s23], [sflag:$0x4], $0x4000, $0x38;
	[tilespmem:$0x1C800] =	vst v63  }
0x13c: {  	_ =	swait.ge [sflag:s24], $0x4000  }
0x13d: {  	[sflag:s24] =	ssyncset.done $0x0  }
0x13e: {  	[sflag:s24] =	ssyncadd.s32 $0xFFFFC000  }
0x13f: {  	[bflag:$0x0] =	sbarrier.arrive $0xFFFF  }
0x140: {  	s20 =	simm.s32 $0x0;
	s18 =	rddreg [dreg:$0xc]  }
0x141: {  	[tilespmem:s25], [sflag:$0x4] =	stream.linear.gather [hbm4b:s18+s20], $0x400, $0x38;
	[tilespmem:$0x1C800] =	vst v63  }
0x142: {  	_ =	swait.ge [sflag:s24], $0x400  }
0x143: {  	[sflag:s24] =	ssyncset.done $0x0  }
0x144: {  	s21 =	rddreg [dreg:$0xd];
	[sflag:s24] =	ssyncadd.s32 $0xFFFFFC00  }
0x145: {  	[tilespmem:s20], [sflag:$0x4] =	stream.linear.gather [hbm4b:s21+s20], $0x400, $0x38;
	[tilespmem:$0x1C800] =	vst v63  }
0x146: {  	_ =	swait.ge [sflag:s24], $0x400  }
0x147: {  	[sflag:s24] =	ssyncset.done $0x0  }
0x148: {  	[sflag:s24] =	ssyncadd.s32 $0xFFFFFC00  }
0x149: {  	[spmem:s2] =	stream.indirect.scatter.add.f32 [tilespmem:s28], [sflag:$0x3], $0x80, s25, s26, $0xb8;
	[tilespmem:$0x1C800] =	vst v63  }
0x14a: {  	_ = 	snop  }
0x14b: {  	[tilespmem:s23], [sflag:$0x1] =	stream.indirect.gather [hbm4b:s1+s26], $0x80, s20, s26, $0xb8;
	[tilespmem:$0x1C800] =	vst v63  }
0x14c: {  	_ =	swait.ge [sflag:s29], $0x4000  }
0x14d: {  	[sflag:s29] =	ssyncset.done $0x0  }
0x14e: {  	s18 =	sadd.s32 $0x0, s19;
	[sflag:s29] =	ssyncadd.s32 $0xFFFFC000  }
0x14f: {  	[tilespmem:s25], [sflag:$0x4] =	stream.linear.gather [hbm4b:s18+s3], $0x400, $0x38;
	[tilespmem:$0x1C800] =	vst v63  }
0x150: {  	_ =	swait.ge [sflag:s24], $0x400  }
0x151: {  	[sflag:s24] =	ssyncset.done $0x0  }
0x152: {  	[sflag:s24] =	ssyncadd.s32 $0xFFFFFC00  }
0x153: {  	_ =	swait.ge [sflag:s30], $0x4000  }
0x154: {  	[sflag:s30] =	ssyncset.done $0x0  }
0x155: {  	[sflag:s30] =	ssyncadd.s32 $0xFFFFC000  }
0x156: {  	[spmem:s2] =	stream.indirect.scatter.add.f32 [tilespmem:s23], [sflag:$0x2], $0x80, s25, s26, $0xb8;
	[tilespmem:$0x1C800] =	vst v63  }
0x157: {  	_ = 	snop  }
0x158: {  	[tilespmem:s28], [sflag:$0x1] =	stream.indirect.gather [hbm4b:s1+s26], $0x80, s26, s26, $0xb8;
	[tilespmem:$0x1C800] =	vst v63  }
0x159: {  	_ =	swait.ge [sflag:s30], $0x4000  }
0x15a: {  	[sflag:s30] =	ssyncset.done $0x0  }
0x15b: {  	[sflag:s30] =	ssyncadd.s32 $0xFFFFC000  }
0x15c: {  	[spmem:s2] =	stream.indirect.scatter.add.f32 [tilespmem:s28], [sflag:$0x3], $0x80, s31, s26, $0xb8;
	[tilespmem:$0x1C800] =	vst v63  }
0x15d: {  	_ =	swait.ge [sflag:s0], $0x4000  }
0x15e: {  	[sflag:s0] =	ssyncset.done $0x0  }
0x15f: {  	[sflag:s0] =	ssyncadd.s32 $0xFFFFC000  }
0x160: {  	[tilespmem:s23], [sflag:$0x1] =	stream.indirect.gather [hbm4b:s1+s26], $0x80, s6, s26, $0xb8;
	[tilespmem:$0x1C800] =	vst v63  }
0x161: {  	_ =	swait.ge [sflag:s30], $0x4000  }
0x162: {  	[sflag:s30] =	ssyncset.done $0x0  }
0x163: {  	[sflag:s30] =	ssyncadd.s32 $0xFFFFC000  }
0x164: {  	[spmem:s2] =	stream.indirect.scatter.add.f32 [tilespmem:s23], [sflag:$0x2], $0x80, s7, s26, $0xb8;
	[tilespmem:$0x1C800] =	vst v63  }
0x165: {  	_ =	swait.ge [sflag:s29], $0x4000  }
0x166: {  	[sflag:s29] =	ssyncset.done $0x0  }
0x167: {  	[sflag:s29] =	ssyncadd.s32 $0xFFFFC000  }
0x168: {  	[tilespmem:s28], [sflag:$0x1] =	stream.indirect.gather [hbm4b:s1+s26], $0x80, s14, s26, $0xb8;
	[tilespmem:$0x1C800] =	vst v63  }
0x169: {  	_ =	swait.ge [sflag:s30], $0x4000  }
0x16a: {  	[sflag:s30] =	ssyncset.done $0x0  }
0x16b: {  	[sflag:s30] =	ssyncadd.s32 $0xFFFFC000  }
0x16c: {  	[spmem:s2] =	stream.indirect.scatter.add.f32 [tilespmem:s28], [sflag:$0x3], $0x80, s15, s26, $0xb8;
	[tilespmem:$0x1C800] =	vst v63  }
0x16d: {  	_ =	swait.ge [sflag:s0], $0x4000  }
0x16e: {  	[sflag:s0] =	ssyncset.done $0x0  }
0x16f: {  	[sflag:s0] =	ssyncadd.s32 $0xFFFFC000  }
0x170: {  	[tilespmem:s23], [sflag:$0x1] =	stream.indirect.gather [hbm4b:s1+s26], $0x80, s16, s26, $0xb8;
	[tilespmem:$0x1C800] =	vst v63  }
0x171: {  	_ =	swait.ge [sflag:s30], $0x4000  }
0x172: {  	[sflag:s30] =	ssyncset.done $0x0  }
0x173: {  	[sflag:s30] =	ssyncadd.s32 $0xFFFFC000  }
0x174: {  	[spmem:s2] =	stream.indirect.scatter.add.f32 [tilespmem:s23], [sflag:$0x2], $0x80, s17, s26, $0xb8;
	[tilespmem:$0x1C800] =	vst v63  }
0x175: {  	_ =	swait.ge [sflag:s29], $0x4000  }
0x176: {  	[sflag:s29] =	ssyncset.done $0x0  }
0x177: {  	[sflag:s29] =	ssyncadd.s32 $0xFFFFC000  }
0x178: {  	[tilespmem:s28], [sflag:$0x1] =	stream.indirect.gather [hbm4b:s1+s26], $0x80, s4, s26, $0xb8;
	[tilespmem:$0x1C800] =	vst v63  }
0x179: {  	_ =	swait.ge [sflag:s30], $0x4000  }
0x17a: {  	[sflag:s30] =	ssyncset.done $0x0  }
0x17b: {  	[sflag:s30] =	ssyncadd.s32 $0xFFFFC000  }
0x17c: {  	[spmem:s2] =	stream.indirect.scatter.add.f32 [tilespmem:s28], [sflag:$0x3], $0x80, s9, s26, $0xb8;
	[tilespmem:$0x1C800] =	vst v63  }
0x17d: {  	_ =	swait.ge [sflag:s0], $0x4000  }
0x17e: {  	[sflag:s0] =	ssyncset.done $0x0  }
0x17f: {  	[sflag:s0] =	ssyncadd.s32 $0xFFFFC000  }
0x180: {  	[tilespmem:s23], [sflag:$0x1] =	stream.indirect.gather [hbm4b:s1+s26], $0x80, s10, s26, $0xb8;
	[tilespmem:$0x1C800] =	vst v63  }
0x181: {  	_ =	swait.ge [sflag:s30], $0x4000  }
0x182: {  	[sflag:s30] =	ssyncset.done $0x0  }
0x183: {  	[sflag:s30] =	ssyncadd.s32 $0xFFFFC000  }
0x184: {  	[spmem:s2] =	stream.indirect.scatter.add.f32 [tilespmem:s23], [sflag:$0x2], $0x80, s11, s26, $0xb8;
	[tilespmem:$0x1C800] =	vst v63  }
0x185: {  	_ =	swait.ge [sflag:s29], $0x4000  }
0x186: {  	[sflag:s29] =	ssyncset.done $0x0  }
0x187: {  	[sflag:s29] =	ssyncadd.s32 $0xFFFFC000  }
0x188: {  	[tilespmem:s28], [sflag:$0x1] =	stream.indirect.gather [hbm4b:s1+s26], $0x80, s12, s26, $0xb8;
	[tilespmem:$0x1C800] =	vst v63  }
0x189: {  	_ =	swait.ge [sflag:s30], $0x4000  }
0x18a: {  	[sflag:s30] =	ssyncset.done $0x0  }
0x18b: {  	[sflag:s30] =	ssyncadd.s32 $0xFFFFC000  }
0x18c: {  	[spmem:s2] =	stream.indirect.scatter.add.f32 [tilespmem:s28], [sflag:$0x3], $0x80, s13, s26, $0xb8;
	[tilespmem:$0x1C800] =	vst v63  }
0x18d: {  	_ =	swait.ge [sflag:s0], $0x4000  }
0x18e: {  	[sflag:s0] =	ssyncset.done $0x0;
	s21 =	rddreg [dreg:$0x14]  }
0x18f: {  	[sflag:s0] =	ssyncadd.s32 $0xFFFFC000;
	s20 =	sadd.s32 $0x0, s21  }
0x190: {  	[tilespmem:s3], [sflag:$0x4] =	stream.linear.gather [hbm4b:s20+s3], $0x400, $0x38;
	[tilespmem:$0x1C800] =	vst v63  }
0x191: {  	_ =	swait.ge [sflag:s24], $0x400  }
0x192: {  	[sflag:s24] =	ssyncset.done $0x0  }
0x193: {  	s8 =	simm.s32 $0x80;
	s20 =	smov.u32 s19;
	[sflag:s24] =	ssyncadd.s32 $0xFFFFFC00  }
.LBB2_4:
0x194: {  	[tilespmem:s23], [sflag:$0x1] =	stream.indirect.gather [hbm4b:s1+s26], $0x80, s3, s26, $0xb8;
	[tilespmem:$0x1C800] =	vst v63  }
0x195: {  	s18 =	smov.u32 s8  }
0x196: {  	p1 =	seq.s32 s8, $0x980;
	s8 =	sadd.s32 $0x80, s8;
	_ =	swait.ge [sflag:s29], $0x4000  }
0x197: {  	[sflag:s29] =	ssyncset.done $0x0  }
0x198: {  	s19 =	sadd.s32 s18, s20;
	[sflag:s29] =	ssyncadd.s32 $0xFFFFC000  }
0x199: {  	[tilespmem:s25], [sflag:$0x4] =	stream.linear.gather [hbm4b:s19+s3], $0x400, $0x38;
	[tilespmem:$0x1C800] =	vst v63  }
0x19a: {  	_ =	swait.ge [sflag:s24], $0x400  }
0x19b: {  	[sflag:s24] =	ssyncset.done $0x0  }
0x19c: {  	[sflag:s24] =	ssyncadd.s32 $0xFFFFFC00  }
0x19d: {  	_ =	swait.ge [sflag:s30], $0x4000  }
0x19e: {  	[sflag:s30] =	ssyncset.done $0x0  }
0x19f: {  	[sflag:s30] =	ssyncadd.s32 $0xFFFFC000  }
0x1a0: {  	[spmem:s2] =	stream.indirect.scatter.add.f32 [tilespmem:s23], [sflag:$0x2], $0x80, s25, s26, $0xb8;
	[tilespmem:$0x1C800] =	vst v63  }
0x1a1: {  	_ = 	snop  }
0x1a2: {  	[tilespmem:s28], [sflag:$0x1] =	stream.indirect.gather [hbm4b:s1+s26], $0x80, s26, s26, $0xb8;
	[tilespmem:$0x1C800] =	vst v63  }
0x1a3: {  	_ =	swait.ge [sflag:s30], $0x4000  }
0x1a4: {  	[sflag:s30] =	ssyncset.done $0x0  }
0x1a5: {  	[sflag:s30] =	ssyncadd.s32 $0xFFFFC000  }
0x1a6: {  	[spmem:s2] =	stream.indirect.scatter.add.f32 [tilespmem:s28], [sflag:$0x3], $0x80, s31, s26, $0xb8;
	[tilespmem:$0x1C800] =	vst v63  }
0x1a7: {  	_ =	swait.ge [sflag:s0], $0x4000  }
0x1a8: {  	[sflag:s0] =	ssyncset.done $0x0  }
0x1a9: {  	[sflag:s0] =	ssyncadd.s32 $0xFFFFC000  }
0x1aa: {  	[tilespmem:s23], [sflag:$0x1] =	stream.indirect.gather [hbm4b:s1+s26], $0x80, s6, s26, $0xb8;
	[tilespmem:$0x1C800] =	vst v63  }
0x1ab: {  	_ =	swait.ge [sflag:s30], $0x4000  }
0x1ac: {  	[sflag:s30] =	ssyncset.done $0x0  }
0x1ad: {  	[sflag:s30] =	ssyncadd.s32 $0xFFFFC000  }
0x1ae: {  	[spmem:s2] =	stream.indirect.scatter.add.f32 [tilespmem:s23], [sflag:$0x2], $0x80, s7, s26, $0xb8;
	[tilespmem:$0x1C800] =	vst v63  }
0x1af: {  	_ =	swait.ge [sflag:s29], $0x4000  }
0x1b0: {  	[sflag:s29] =	ssyncset.done $0x0  }
0x1b1: {  	[sflag:s29] =	ssyncadd.s32 $0xFFFFC000  }
0x1b2: {  	[tilespmem:s28], [sflag:$0x1] =	stream.indirect.gather [hbm4b:s1+s26], $0x80, s14, s26, $0xb8;
	[tilespmem:$0x1C800] =	vst v63  }
0x1b3: {  	_ =	swait.ge [sflag:s30], $0x4000  }
0x1b4: {  	[sflag:s30] =	ssyncset.done $0x0  }
0x1b5: {  	[sflag:s30] =	ssyncadd.s32 $0xFFFFC000  }
0x1b6: {  	[spmem:s2] =	stream.indirect.scatter.add.f32 [tilespmem:s28], [sflag:$0x3], $0x80, s15, s26, $0xb8;
	[tilespmem:$0x1C800] =	vst v63  }
0x1b7: {  	_ =	swait.ge [sflag:s0], $0x4000  }
0x1b8: {  	[sflag:s0] =	ssyncset.done $0x0  }
0x1b9: {  	[sflag:s0] =	ssyncadd.s32 $0xFFFFC000  }
0x1ba: {  	[tilespmem:s23], [sflag:$0x1] =	stream.indirect.gather [hbm4b:s1+s26], $0x80, s16, s26, $0xb8;
	[tilespmem:$0x1C800] =	vst v63  }
0x1bb: {  	_ =	swait.ge [sflag:s30], $0x4000  }
0x1bc: {  	[sflag:s30] =	ssyncset.done $0x0  }
0x1bd: {  	[sflag:s30] =	ssyncadd.s32 $0xFFFFC000  }
0x1be: {  	[spmem:s2] =	stream.indirect.scatter.add.f32 [tilespmem:s23], [sflag:$0x2], $0x80, s17, s26, $0xb8;
	[tilespmem:$0x1C800] =	vst v63  }
0x1bf: {  	_ =	swait.ge [sflag:s29], $0x4000  }
0x1c0: {  	[sflag:s29] =	ssyncset.done $0x0  }
0x1c1: {  	[sflag:s29] =	ssyncadd.s32 $0xFFFFC000  }
0x1c2: {  	[tilespmem:s28], [sflag:$0x1] =	stream.indirect.gather [hbm4b:s1+s26], $0x80, s4, s26, $0xb8;
	[tilespmem:$0x1C800] =	vst v63  }
0x1c3: {  	_ =	swait.ge [sflag:s30], $0x4000  }
0x1c4: {  	[sflag:s30] =	ssyncset.done $0x0  }
0x1c5: {  	[sflag:s30] =	ssyncadd.s32 $0xFFFFC000  }
0x1c6: {  	[spmem:s2] =	stream.indirect.scatter.add.f32 [tilespmem:s28], [sflag:$0x3], $0x80, s9, s26, $0xb8;
	[tilespmem:$0x1C800] =	vst v63  }
0x1c7: {  	_ =	swait.ge [sflag:s0], $0x4000  }
0x1c8: {  	[sflag:s0] =	ssyncset.done $0x0  }
0x1c9: {  	[sflag:s0] =	ssyncadd.s32 $0xFFFFC000  }
0x1ca: {  	[tilespmem:s23], [sflag:$0x1] =	stream.indirect.gather [hbm4b:s1+s26], $0x80, s10, s26, $0xb8;
	[tilespmem:$0x1C800] =	vst v63  }
0x1cb: {  	_ =	swait.ge [sflag:s30], $0x4000  }
0x1cc: {  	[sflag:s30] =	ssyncset.done $0x0  }
0x1cd: {  	[sflag:s30] =	ssyncadd.s32 $0xFFFFC000  }
0x1ce: {  	[spmem:s2] =	stream.indirect.scatter.add.f32 [tilespmem:s23], [sflag:$0x2], $0x80, s11, s26, $0xb8;
	[tilespmem:$0x1C800] =	vst v63  }
0x1cf: {  	_ =	swait.ge [sflag:s29], $0x4000  }
0x1d0: {  	[sflag:s29] =	ssyncset.done $0x0  }
0x1d1: {  	[sflag:s29] =	ssyncadd.s32 $0xFFFFC000  }
0x1d2: {  	[tilespmem:s28], [sflag:$0x1] =	stream.indirect.gather [hbm4b:s1+s26], $0x80, s12, s26, $0xb8;
	[tilespmem:$0x1C800] =	vst v63  }
0x1d3: {  	_ =	swait.ge [sflag:s30], $0x4000  }
0x1d4: {  	[sflag:s30] =	ssyncset.done $0x0  }
0x1d5: {  	[sflag:s30] =	ssyncadd.s32 $0xFFFFC000  }
0x1d6: {  	[spmem:s2] =	stream.indirect.scatter.add.f32 [tilespmem:s28], [sflag:$0x3], $0x80, s13, s26, $0xb8;
	[tilespmem:$0x1C800] =	vst v63  }
0x1d7: {  	_ =	swait.ge [sflag:s0], $0x4000  }
0x1d8: {  	[sflag:s0] =	ssyncset.done $0x0  }
.Ltmp7:
0x1d9: {  	s18 =	sadd.s32 s18, s21;
	[sflag:s0] =	ssyncadd.s32 $0xFFFFC000;
	(pc) =	sbr.rel @!p1 .LBB2_4-.Ltmp7, $4  }
0x1da: {  	[tilespmem:s3], [sflag:$0x4] =	stream.linear.gather [hbm4b:s18+s3], $0x400, $0x38;
	[tilespmem:$0x1C800] =	vst v63  }
0x1db: {  	_ =	swait.ge [sflag:s24], $0x400  }
0x1dc: {  	[sflag:s24] =	ssyncset.done $0x0  }
0x1dd: {  	[sflag:s24] =	ssyncadd.s32 $0xFFFFFC00  }
.Ltmp8:
0x1de: {  	(pc) =	sbr.rel .LBB2_10-.Ltmp8, $4  }
0x1df: {  	[tilespmem:s23], [sflag:$0x1] =	stream.indirect.gather [hbm4b:s1+s26], $0x80, s3, s26, $0xb8;
	[tilespmem:$0x1C800] =	vst v63  }
0x1e0: {  	s8 =	rddreg [dreg:$0x4]  }
0x1e1: {  	s21 =	rddreg [dreg:$0x12]  }
0x1e2: {  	s20 =	rddreg [dreg:$0x13]  }
.LBB2_11:
0x1e3: {  	_ =	sfence.sel $0x180000  }
0x1e4: {  	[bflag:$0x0] =	sbarrier.arrive $0xFFFF  }
0x1e5: {  	_ =	strace $0x9000004A  }
0x1e6: {  	s0 =	stileid.u32;
	[bflag:$0x2] =	sbarrier.arrive $0xFFFF  }
0x1e7: {  	p0 =	sne.s32 s0, $0x0;
	s0 =	rddreg [dreg:$0x3]  }
0x1e8: {  	s0 =	sadd.s32 @!p0 $0x100000, s0  }
0x1e9: {  	[sflag:s0] =	ssyncadd.tile.s32 @!p0 $0x1;
	_ =	shalt  }
.Lfunc_end2:
_tile_overlayer_lowered:
.L_overlay_start_2:
0x1ea: {  	(tag) =	ssettag $0x2  }
0x1eb: {  	s0 =	rddreg [dreg:$0x0];
	s2 =	stileid.u32  }
0x1ec: {  	s1 =	rddreg [dreg:$0x1];
	p0 =	sne.s32 s2, $0x0  }
0x1ed: {  	s3 =	rddreg [dreg:$0x2];
	[bflag:$0x3] =	sbarrier.arrive $0xFFFF;
	s2 =	simm.s32 @!p0 $0x1C04  }
0x1ee: {  	[timem:s3], [sflag:s2] =	dma.local @!p0 [hbm:s0], s1  }
0x1ef: {  	s0 =	simm.s32 @!p0 $0x4  }
0x1f0: {  	_ =	swait.ge @!p0 [sflag:s0], s1  }
0x1f1: {  	s1 =	ssub.s32 @!p0 $0x0, s1;
	[sflag:s0] =	ssyncset.done @!p0 $0x0  }
0x1f2: {  	[sflag:s0] =	ssyncadd.s32 @!p0 s1  }
0x1f3: {  	[bflag:$0x3] =	sbarrier.arrive $0xFFFF  }
0x1f4: {  	_ =	shalt  }

// kernel: kernel.14.cloned.1.call-start
scs
__scs_entry_jumppad:
0x0: {  	(pc) =	sbr.rel $0x88, $3  }
0x1: {  	(tag) =	ssettag $0x0;
	lr =	simm.s32 $0x1  }
0x2: {  	[smem:$0x3F94] =	sst lr;
	_ =	strace $0xD0000000  }
0x3: {  	_ = 	snop  }
0x4: {  	_ = 	snop  }
0x5: {  	_ = 	snop  }
0x6: {  	_ = 	snop  }
0x7: {  	_ = 	snop  }
__scs_overlays_trampoline_lowered:
0x8: {  	[smem:$0x3FA3] =	sst s0  }
0x9: {  	[smem:$0x3FA4] =	sst s1  }
0xa: {  	[smem:$0x3FA5] =	sst s2  }
0xb: {  	[smem:$0x3FA6] =	sst s3  }
0xc: {  	[smem:$0x3FA7] =	sst s4  }
0xd: {  	[smem:$0x3FA8] =	sst s5  }
0xe: {  	[smem:$0x3FA9] =	sst s6  }
0xf: {  	[smem:$0x3FAA] =	sst s7  }
0x10: {  	[smem:$0x3FAB] =	sst s8  }
0x11: {  	[smem:$0x3FAC] =	sst s9;
	s0 =	simm.s32 @!p0 $0x0  }
0x12: {  	s1 =	sld [smem:$0x3F92];
	s0 =	simm.s32 @p0 $0x1  }
0x13: {  	[smem:$0x3FAD] =	sst s0;
	s0 =	simm.s32 @!p1 $0x0  }
0x14: {  	s2 =	sld [smem:$0x3F91];
	s0 =	simm.s32 @p1 $0x1  }
0x15: {  	[smem:$0x3FAE] =	sst s0;
	s0 =	simm.s32 @!p2 $0x0  }
0x16: {  	s3 =	sld [smem:$0x3FDB];
	s0 =	simm.s32 @p2 $0x1  }
0x17: {  	s4 =	simm.s32 $0x1BF5;
	[smem:$0x3FB0] =	sst s0  }
0x18: {  	s0 =	sld [smem:$0x3F93];
	_ =	swait.ge [sflag:s4], $0x0  }
0x19: {  	s7 =	sld [smem:$0x3F94]  }
0x1a: {  	s8 =	sadd.s32 $0xFFFFE003, lr  }
0x1b: {  	s9 =	sadd.s32 $0xFFFFFEF7, lr;
	s5 =	simm.s32 $0xFFFFFFFF;
	p2 =	slt.u32 s8, $0xFFFFF086  }
0x1c: {  	p1 =	slt.u32 s9, $0xF7A;
	s5 =	simm.s32 @!p2 $0x0  }
0x1d: {  	s5 =	simm.s32 @p1 $0x1;
	p0 =	seq.s32 s7, s2  }
0x1e: {  	s7 =	smul.u32 @!p0 $0xF7A, s2;
	p2 =	seq.s32 @!p0 s5, $0x0  }
0x1f: {  	s9 =	smul.u32 $0xF7A, s1;
	s8 =	simm.s32 @!p0 $0x1BF5;
	p2 =	por !p2, p0  }
0x20: {  	[sflag:s8] =	ssyncset.s32 @!p0 $0xFFFFF086;
	s6 =	sadd.s32 @!p0 s3, s7;
	s7 =	simm.s32 @!p0 $0x108  }
0x21: {  	s3 =	sadd.s32 s3, s9;
	s6 =	sadd.s32 @!p0 $0x88, s6;
	s7 =	simm.s32 @p2 $0x1082  }
0x22: {  	[simem:s7], [sflag:s8] =	dma.local @!p0 [hbm:s6], $0xF7A  }
0x23: {  	s9 =	sor.u32 $0xD0000000, s2;
	s6 =	simm.s32 $0x108;
	_ =	swait.ge @!p0 [sflag:s8], $0x0  }
0x24: {  	s3 =	sadd.s32 $0x88, s3;
	s6 =	simm.s32 @!p1 $0x1082;
	[sflag:s4] =	ssyncset.s32 $0xFFFFF086  }
0x25: {  	[simem:s6], [sflag:s4] =	dma.local [hbm:s3], $0xF7A  }
0x26: {  	[smem:$0x3F94] =	sst s1;
	(tag) =	ssettag s2;
	_ =	strace s9  }
0x27: {  	s1 =	sld [smem:$0x3FA4]  }
0x28: {  	s2 =	sld [smem:$0x3FA5]  }
0x29: {  	s4 =	sld [smem:$0x3FA7]  }
0x2a: {  	p0 =	seq.s32 s5, $0x0;
	s5 =	sld [smem:$0x3FA8]  }
0x2b: {  	s6 =	sld [smem:$0x3FA9]  }
0x2c: {  	s7 =	sld [smem:$0x3FAA]  }
0x2d: {  	s3 =	simm.s32 $0x108;
	s8 =	sld [smem:$0x3FAB]  }
0x2e: {  	s3 =	simm.s32 @!p0 $0x1082;
	s9 =	sld [smem:$0x3FAC]  }
0x2f: {  	lr =	sadd.s32 s0, s3;
	s0 =	sld [smem:$0x3FA3]  }
0x30: {  	s3 =	sld [smem:$0x3FA6]  }
0x31: {  	[smem:$0x3FAF] =	sst s10  }
0x32: {  	s10 =	sld [smem:$0x3FAD];
	_ =	sdelay $0x3  }
0x33: {  	p0 =	seq.s32 s10, $0x1;
	s10 =	sld [smem:$0x3FAF];
	_ =	sdelay $0x3  }
0x34: {  	[smem:$0x3FAF] =	sst s10  }
0x35: {  	s10 =	sld [smem:$0x3FAE];
	_ =	sdelay $0x3  }
0x36: {  	p1 =	seq.s32 s10, $0x1;
	s10 =	sld [smem:$0x3FAF];
	_ =	sdelay $0x3  }
0x37: {  	[smem:$0x3FAF] =	sst s10  }
0x38: {  	s10 =	sld [smem:$0x3FB0]  }
0x39: {  	_ = 	snop;
	(pc) =	sbr.ind lr, $3  }
0x3a: {  	_ = 	snop  }
0x3b: {  	_ = 	snop  }
0x3c: {  	p2 =	seq.s32 s10, $0x1;
	s10 =	sld [smem:$0x3FAF]  }
0x3d: {  	_ =	shalt  }
0x3e: {  	_ =	shalt  }
0x3f: {  	_ =	shalt  }
0x40: {  	_ =	shalt  }
0x41: {  	_ =	shalt  }
0x42: {  	_ =	shalt  }
0x43: {  	_ =	shalt  }
0x44: {  	_ =	shalt  }
0x45: {  	_ =	shalt  }
0x46: {  	_ =	shalt  }
0x47: {  	_ =	shalt  }
0x48: {  	_ =	shalt  }
0x49: {  	_ =	shalt  }
0x4a: {  	_ =	shalt  }
0x4b: {  	_ =	shalt  }
0x4c: {  	_ =	shalt  }
0x4d: {  	_ =	shalt  }
0x4e: {  	_ =	shalt  }
0x4f: {  	_ =	shalt  }
0x50: {  	_ =	shalt  }
0x51: {  	_ =	shalt  }
0x52: {  	_ =	shalt  }
0x53: {  	_ =	shalt  }
0x54: {  	_ =	shalt  }
0x55: {  	_ =	shalt  }
0x56: {  	_ =	shalt  }
0x57: {  	_ =	shalt  }
0x58: {  	_ =	shalt  }
0x59: {  	_ =	shalt  }
0x5a: {  	_ =	shalt  }
0x5b: {  	_ =	shalt  }
0x5c: {  	_ =	shalt  }
0x5d: {  	_ =	shalt  }
0x5e: {  	_ =	shalt  }
0x5f: {  	_ =	shalt  }
0x60: {  	_ =	shalt  }
0x61: {  	_ =	shalt  }
0x62: {  	_ =	shalt  }
0x63: {  	_ =	shalt  }
0x64: {  	_ =	shalt  }
0x65: {  	_ =	shalt  }
0x66: {  	_ =	shalt  }
0x67: {  	_ =	shalt  }
0x68: {  	_ =	shalt  }
0x69: {  	_ =	shalt  }
0x6a: {  	_ =	shalt  }
0x6b: {  	_ =	shalt  }
0x6c: {  	_ =	shalt  }
0x6d: {  	_ =	shalt  }
0x6e: {  	_ =	shalt  }
0x6f: {  	_ =	shalt  }
0x70: {  	_ =	shalt  }
0x71: {  	_ =	shalt  }
0x72: {  	_ =	shalt  }
0x73: {  	_ =	shalt  }
0x74: {  	_ =	shalt  }
0x75: {  	_ =	shalt  }
0x76: {  	_ =	shalt  }
0x77: {  	_ =	shalt  }
0x78: {  	_ =	shalt  }
0x79: {  	_ =	shalt  }
0x7a: {  	_ =	shalt  }
0x7b: {  	_ =	shalt  }
0x7c: {  	_ =	shalt  }
0x7d: {  	_ =	shalt  }
0x7e: {  	_ =	shalt  }
0x7f: {  	_ =	shalt  }
0x80: {  	_ =	shalt  }
0x81: {  	_ =	shalt  }
0x82: {  	_ =	shalt  }
0x83: {  	_ =	shalt  }
0x84: {  	_ =	shalt  }
0x85: {  	_ =	shalt  }
0x86: {  	_ =	shalt  }
0x87: {  	_ =	shalt  }
.Lfunc_end0:
.L_simem_size_0:
called_computation.2_lowered:
.L_overlay_start_0:
0x88: {  	s2 =	sld [smem:$0x3FD9]  }
0x89: {  	s3 =	sld [smem:$0x3FFE];
	_ =	sdelay $0x1  }
0x8a: {  	s1 =	srdreg.scid  }
0x8b: {  	s0 =	sand.u32 $0x1, s1  }
0x8c: {  	s17 =	sshll.u32 s0, $0xA;
	s2 =	sadd.s32 s3, s2  }
0x8d: {  	s2 =	sadd.s32 s2, s17  }
0x8e: {  	[smem:$0x3FBB] =	sst s2  }
0x8f: {  	_ = 	snop  }
0x90: {  	s2 =	sld [smem:$0x3FD0];
	(tm) =	ssettm $0x1  }
0x91: {  	s18 =	sld [smem:$0x3FFB];
	_ =	sdelay $0x3  }
0x92: {  	_ =	strace s18  }
0x93: {  	s3 =	sld [smem:$0x3FFC];
	_ =	sdelay $0x3  }
0x94: {  	_ =	strace s3  }
0x95: {  	s3 =	sld [smem:$0x3FFD];
	_ =	sdelay $0x3  }
0x96: {  	_ =	strace s3  }
0x97: {  	_ =	strace $0x8FFFFFFF  }
0x98: {  	s19 =	sld [smem:$0x3FDB];
	_ =	sdelay $0x1  }
0x99: {  	s4 =	simm.s32 $_scs_section_size  }
0x9a: {  	s5 =	simm.s32 $_size__tile_overlayer_lowered;
	s6 =	simm.s32 $_tile_overlayer_lowered  }
0x9b: {  	s22 =	simm.s32 $0x1BFF;
	s21 =	sshll.u32 s6, $0x1;
	s3 =	sadd.s32 s4, s19  }
0x9c: {  	s7 =	simm.s32 $0x0;
	s20 =	sshll.u32 s5, $0x1;
	s5 =	sadd.s32 s21, s3  }
0x9d: {  	[timem:s7], [sflag:s22] =	dma.local [hbm:s5], s20  }
0x9e: {  	_ =	swait.ge [sflag:s22], s20  }
0x9f: {  	s4 =	ssub.s32 $0x0, s20;
	[sflag:s22] =	ssyncset.done $0x0  }
0xa0: {  	[sflag:s22] =	ssyncadd.s32 s4;
	_ =	sdelay $0x1  }
0xa1: {  	s23 =	simm.s32 $0x1B8B  }
0xa2: {  	_ =	swait.ge [sflag:s23], $0x1  }
0xa3: {  	[sflag:s23] =	ssyncset.done $0x0  }
0xa4: {  	s25 =	simm.s32 $0x1B8E;
	s24 =	sld [smem:$0x3FFE];
	[sflag:s23] =	ssyncadd.s32 $0xFFFFFFFF  }
0xa5: {  	s26 =	simm.s32 $execute0_lowered;
	[smem:$0x3FD2] =	sst s25  }
0xa6: {  	s5 =	sshll.u32 s26, $0x1;
	_ =	strace $0x8000004C;
	[dreg:$0x1] =	wrdreg $0xFFFFFFFF  }
0xa7: {  	s28 =	simm.s32 $_size_execute0_lowered;
	s3 =	sadd.s32 s3, s5;
	[dreg:$0x0] =	wrdreg $0x0  }
0xa8: {  	s5 =	sshll.u32 s28, $0x1;
	[dreg:$0x2] =	wrdreg s3  }
0xa9: {  	[dreg:$0x3] =	wrdreg s5  }
0xaa: {  	[dreg:$0x4] =	wrdreg $0xC0  }
0xab: {  	_ =	task [dreg:s7], $0x5FFFF  }
0xac: {  	[dreg:$0x1] =	wrdreg $0xFFFFFFFF  }
0xad: {  	[dreg:$0x0] =	wrdreg $0x60  }
0xae: {  	[dreg:$0x2] =	wrdreg s2  }
0xaf: {  	[dreg:$0x3] =	wrdreg s24  }
0xb0: {  	[dreg:$0x4] =	wrdreg $0x88000  }
0xb1: {  	[dreg:$0x5] =	wrdreg $0x9  }
0xb2: {  	_ =	task.clear_ibuf [dreg:s7], $0x6FFFF;
	_ =	strace $0x9000004C  }
0xb3: {  	s29 =	simm.s32 $0x9;
	_ =	strace $0x8000004E  }
0xb4: {  	_ =	swait.ge [sflag:s29], $0x1  }
0xb5: {  	[sflag:s29] =	ssyncadd.s32 $0xFFFFFFFF  }
0xb6: {  	_ =	strace $0x9000004E  }
0xb7: {  	_ =	sfence  }
0xb8: {  	s30 =	sld [smem:$0x0];
	_ =	sdelay $0x2  }
0xb9: {  	s31 =	sshll.u32 s1, $0xD;
	s1 =	sshrl.u32 s1, $0x2  }
0xba: {  	s3 =	sand.u32 $0x4000, s31;
	s1 =	sadd.s32 s1, s30  }
0xbb: {  	s0 =	sor.u32 s3, s0;
	s1 =	sshll.u32 s1, $0x11  }
0xbc: {  	s0 =	sor.u32 s1, s0  }
0xbd: {  	s0 =	sadd.s32 $0x8F2B, s0  }
0xbe: {  	[sflag:s0] =	ssyncadd.remote.s32 $0x1  }
0xbf: {  	_ =	sfence.sel $0xFFFF  }
0xc0: {  	[dreg:$0x0] =	wrdreg $0xFFFFFFFF;
	(pc) =	sbr.abs _section_cstart, $3  }
0xc1: {  	[dreg:$0x1] =	wrdreg $0xFFFFFFFF  }
0xc2: {  	_ =	task.clear_ibuf [dreg:s7], $0x2FFFF;
	_ =	strace $0x9FFFFFFF  }
0xc3: {  	(tm) =	ssettm $0x7FFFFFFF  }
tec
execute0_lowered:
.L_overlay_start_1:
0x0: {  	(tag) =	ssettag $0x1  }
0x1: {  	s1 =	rddreg [dreg:$0x0]  }
0x2: {  	s0 =	rddreg [dreg:$0x1]  }
0x3: {  	s2 =	rddreg [dreg:$0x2]  }
0x4: {  	s3 =	simm.s32 $0x0;
	s6 =	srdreg.scid;
	s13 =	stileid.u32  }
0x5: {  	s28 =	simm.s32 $0x4800;
	s29 =	simm.s32 $0x3;
	s30 =	simm.s32 $0x1  }
0x6: {  	s31 =	simm.s32 $0x480;
	[smem:$0x7FF] =	sst s3;
	s8 =	smul.u32 $0x50000, s13  }
0x7: {  	s5 =	sadd.s32 $0x2F400, s0;
	s4 =	sadd.s32 $0x24C00, s0;
	s17 =	smul.u32 $0x5000, s13  }
0x8: {  	s7 =	sadd.s32 $0x5E00, s0;
	s6 =	sand.u32 $0x1, s6;
	s19 =	smul.u32 $0x5400, s13  }
0x9: {  	s9 =	sadd.s32 $0x1A400, s0;
	s10 =	sadd.s32 $0xFE00, s0;
	s20 =	smul.u32 $0x2800, s13  }
0xa: {  	s12 =	sadd.s32 $0xA7400, s0;
	s0 =	sadd.s32 $0xCF400, s0;
	s22 =	smul.u32 $0xA80, s13  }
0xb: {  	s24 =	smul.u32 $0xA00, s13;
	_ =	strace $0x8000004D;
	[dreg:$0x4] =	wrdreg s12  }
0xc: {  	s13 =	simm.s32 $0x780;
	s11 =	ssub.s32 $0x2, s6;
	[dreg:$0x5] =	wrdreg s0  }
0xd: {  	p0 =	seq.s32 s6, $0x1;
	s12 =	simm.s32 $0x380;
	s26 =	sshrl.u32 s11, $0x1  }
0xe: {  	s8 =	sshrl.u32 s8, $0x2;
	s6 =	sshrl.u32 s17, $0x3;
	[dreg:$0xb] =	wrdreg s20  }
0xf: {  	s25 =	sadd.s32 s22, s4;
	s17 =	simm.s32 $0x600;
	s20 =	simm.s32 $0x0  }
0x10: {  	s14 =	ssub.s32 s11, s26;
	s15 =	sadd.s32 s8, s2;
	s21 =	sadd.s32 s7, s6  }
0x11: {  	s6 =	sadd.s32 s10, s6;
	s26 =	sadd.s32 s22, s9;
	[dreg:$0x6] =	wrdreg s15  }
0x12: {  	s16 =	sadd.s32 $0x4000, s15;
	s8 =	sadd.s32 $0x8000, s15;
	[dreg:$0xc] =	wrdreg s21  }
0x13: {  	s18 =	sadd.s32 $0xC000, s15;
	s11 =	sadd.s32 $0x10000, s15;
	[dreg:$0xe] =	wrdreg s6  }
0x14: {  	s0 =	smax.u32 s14, $0x1;
	s21 =	sadd.s32 s24, s10;
	[dreg:$0x7] =	wrdreg s16  }
0x15: {  	s22 =	sadd.s32 $0x80, s26;
	s26 =	simm.s32 $0x80;
	[dreg:$0x8] =	wrdreg s8  }
0x16: {  	s6 =	simm.s32 $0x100;
	s14 =	simm.s32 $0x180;
	[dreg:$0x9] =	wrdreg s18  }
0x17: {  	s15 =	simm.s32 $0x580;
	s10 =	simm.s32 $0x300;
	[dreg:$0xa] =	wrdreg s11  }
0x18: {  	s8 =	sshrl.u32 s19, $0x3;
	[dreg:$0x10] =	wrdreg s0;
	s19 =	sadd.s32 s24, s7  }
0x19: {  	s0 =	sadd.s32 $0x80, s25;
	s24 =	simm.s32 $0x4;
	s25 =	simm.s32 $0x400  }
.Ltmp0:
0x1a: {  	s7 =	simm.s32 $0x500;
	[dreg:$0x12] =	wrdreg s21;
	(pc) =	sbr.rel .LBB2_1-.Ltmp0, $4  }
0x1b: {  	s16 =	simm.s32 $0x200;
	s11 =	simm.s32 $0x700;
	[dreg:$0x14] =	wrdreg s0  }
0x1c: {  	s23 =	sadd.s32 s4, s8;
	s8 =	sadd.s32 s9, s8;
	[dreg:$0x11] =	wrdreg s19  }
0x1d: {  	s0 =	simm.s32 $0x2;
	s4 =	simm.s32 $0x280;
	[dreg:$0xd] =	wrdreg s23  }
0x1e: {  	v0 =	vimm.f32 $0.0e+00;
	s9 =	simm.s32 $0x680;
	[dreg:$0xf] =	wrdreg s8;
	s23 =	simm.s32 $0x800  }
.LBB2_9:
0x1f: {  	[tilespmem:s23], [sflag:$0x1] =	stream.indirect.gather [hbm4b:s5+s26], $0x80, s3, s26, $0xb8;
	[tilespmem:$0x1C800] =	vst v63  }
0x20: {  	s8 =	rddreg [dreg:$0x5]  }
0x21: {  	s20 =	rddreg [dreg:$0x13]  }
.LBB2_10:
0x22: {  	_ =	swait.ge [sflag:s30], $0x4000  }
0x23: {  	[sflag:s30] =	ssyncset.done $0x0  }
0x24: {  	[sflag:s30] =	ssyncadd.s32 $0xFFFFC000  }
0x25: {  	_ =	swait.ge [sflag:s29], $0x4000  }
0x26: {  	[sflag:s29] =	ssyncset.done $0x0  }
0x27: {  	[sflag:s29] =	ssyncadd.s32 $0xFFFFC000  }
0x28: {  	s19 =	stileid.u32;
	s18 =	rddreg [dreg:$0xb];
	[bflag:$0x0] =	sbarrier.arrive $0xFFFF  }
0x29: {  	s8 =	sadd.s32 s8, s18;
	s18 =	sshll.u32 s19, $0x6;
	s19 =	rddreg [dreg:$0x6]  }
0x2a: {  	s18 =	sor.u32 $0x1C04, s18;
	s19 =	sshrl.u32 s19, $0x3  }
0x2b: {  	[hbm:s8], [sflag:s18] =	dma.local [spmem:s19], $0x2800  }
0x2c: {  	_ =	swait.ge [sflag:s24], $0x2800  }
0x2d: {  	s20 =	sadd.s32 $0x1, s20;
	s19 =	rddreg [dreg:$0x10]  }
0x2e: {  	p1 =	sne.s32 s20, s19  }
.Ltmp1:
0x2f: {  	_ = 	snop;
	(pc) =	sbr.rel @!p1 .LBB2_11-.Ltmp1, $3  }
0x30: {  	_ =	sdelay $0x1  }
0x31: {  	[sflag:s24] =	ssyncset.done $0x0  }
0x32: {  	[sflag:s24] =	ssyncadd.s32 $0xFFFFD800;
	s19 =	rddreg [dreg:$0x11]  }
.LBB2_1:
.Ltmp2:
0x33: {  	(pc) =	sbr.rel @!p0 .LBB2_2-.Ltmp2, $2  }
0x34: {  	_ =	sdelay $0x2  }
0x35: {  	[dreg:$0x13] =	wrdreg s20;
	s8 =	sshra.s32 s3, $0x2;
	s18 =	sadd.s32 $0x200, s3  }
.LBB2_6:
0x36: {  	p1 =	sne.s32 s18, $0xFE00;
	[tilespmem:s8+$0x4870] =	vst v0  }
0x37: {  	[tilespmem:s8+$0x800] =	vst v0  }
0x38: {  	[tilespmem:s8+$0x4800] =	vst v0  }
0x39: {  	[tilespmem:s8+$0x810] =	vst v0  }
0x3a: {  	[tilespmem:s8+$0x4810] =	vst v0  }
0x3b: {  	[tilespmem:s8+$0x820] =	vst v0  }
0x3c: {  	[tilespmem:s8+$0x4820] =	vst v0  }
0x3d: {  	[tilespmem:s8+$0x830] =	vst v0  }
0x3e: {  	[tilespmem:s8+$0x4830] =	vst v0  }
0x3f: {  	[tilespmem:s8+$0x840] =	vst v0  }
0x40: {  	[tilespmem:s8+$0x4840] =	vst v0  }
.Ltmp3:
0x41: {  	[tilespmem:s8+$0x850] =	vst v0;
	(pc) =	sbr.rel @p1 .LBB2_6-.Ltmp3, $4  }
0x42: {  	[tilespmem:s8+$0x4850] =	vst v0  }
0x43: {  	[tilespmem:s8+$0x860] =	vst v0  }
0x44: {  	[tilespmem:s8+$0x4860] =	vst v0  }
0x45: {  	[tilespmem:s8+$0x870] =	vst v0;
	s8 =	sshra.s32 s18, $0x2;
	s18 =	sadd.s32 $0x200, s18  }
0x46: {  	[tilespmem:s8+$0x4870] =	vst v0  }
0x47: {  	[tilespmem:s8+$0x800] =	vst v0  }
0x48: {  	[tilespmem:s8+$0x4800] =	vst v0  }
0x49: {  	[tilespmem:s8+$0x810] =	vst v0  }
0x4a: {  	[tilespmem:s8+$0x4810] =	vst v0  }
0x4b: {  	[tilespmem:s8+$0x820] =	vst v0  }
0x4c: {  	[tilespmem:s8+$0x4820] =	vst v0  }
0x4d: {  	[tilespmem:s8+$0x830] =	vst v0  }
0x4e: {  	[tilespmem:s8+$0x4830] =	vst v0  }
0x4f: {  	[tilespmem:s8+$0x840] =	vst v0  }
0x50: {  	[tilespmem:s8+$0x4840] =	vst v0  }
0x51: {  	[tilespmem:s8+$0x850] =	vst v0  }
0x52: {  	[tilespmem:s8+$0x4850] =	vst v0  }
0x53: {  	[tilespmem:s8+$0x860] =	vst v0  }
0x54: {  	[tilespmem:s8+$0x4860] =	vst v0  }
0x55: {  	[tilespmem:s8+$0x870] =	vst v0;
	s20 =	rddreg [dreg:$0x6]  }
0x56: {  	[spmem:s20] =	stream.linear.scatter [tilespmem:s23], [sflag:$0x4], $0x4000, $0x38;
	[tilespmem:$0x1C800] =	vst v63  }
0x57: {  	_ =	swait.ge [sflag:s24], $0x4000  }
0x58: {  	[sflag:s24] =	ssyncset.done $0x0  }
0x59: {  	s18 =	rddreg [dreg:$0x7];
	[sflag:s24] =	ssyncadd.s32 $0xFFFFC000  }
0x5a: {  	[spmem:s18] =	stream.linear.scatter [tilespmem:s23], [sflag:$0x4], $0x4000, $0x38;
	[tilespmem:$0x1C800] =	vst v63  }
0x5b: {  	_ =	swait.ge [sflag:s24], $0x4000  }
0x5c: {  	[sflag:s24] =	ssyncset.done $0x0  }
0x5d: {  	s19 =	rddreg [dreg:$0x8];
	[sflag:s24] =	ssyncadd.s32 $0xFFFFC000  }
0x5e: {  	[spmem:s19] =	stream.linear.scatter [tilespmem:s23], [sflag:$0x4], $0x4000, $0x38;
	[tilespmem:$0x1C800] =	vst v63  }
0x5f: {  	_ =	swait.ge [sflag:s24], $0x4000  }
0x60: {  	[sflag:s24] =	ssyncset.done $0x0  }
0x61: {  	s20 =	rddreg [dreg:$0x9];
	[sflag:s24] =	ssyncadd.s32 $0xFFFFC000  }
0x62: {  	[spmem:s20] =	stream.linear.scatter [tilespmem:s23], [sflag:$0x4], $0x4000, $0x38;
	[tilespmem:$0x1C800] =	vst v63  }
0x63: {  	_ =	swait.ge [sflag:s24], $0x4000  }
0x64: {  	[sflag:s24] =	ssyncset.done $0x0  }
0x65: {  	s18 =	rddreg [dreg:$0xa];
	[sflag:s24] =	ssyncadd.s32 $0xFFFFC000  }
0x66: {  	[spmem:s18] =	stream.linear.scatter [tilespmem:s23], [sflag:$0x4], $0x4000, $0x38;
	[tilespmem:$0x1C800] =	vst v63  }
0x67: {  	_ =	swait.ge [sflag:s24], $0x4000  }
0x68: {  	[sflag:s24] =	ssyncset.done $0x0  }
0x69: {  	[sflag:s24] =	ssyncadd.s32 $0xFFFFC000  }
0x6a: {  	[bflag:$0x0] =	sbarrier.arrive $0xFFFF  }
0x6b: {  	s19 =	simm.s32 $0x0;
	s18 =	rddreg [dreg:$0xe]  }
0x6c: {  	[tilespmem:s25], [sflag:$0x4] =	stream.linear.gather [hbm4b:s18+s19], $0x400, $0x38;
	[tilespmem:$0x1C800] =	vst v63  }
0x6d: {  	_ =	swait.ge [sflag:s24], $0x400  }
0x6e: {  	[sflag:s24] =	ssyncset.done $0x0  }
0x6f: {  	s20 =	rddreg [dreg:$0xf];
	[sflag:s24] =	ssyncadd.s32 $0xFFFFFC00  }
0x70: {  	[tilespmem:s19], [sflag:$0x4] =	stream.linear.gather [hbm4b:s20+s19], $0x400, $0x38;
	[tilespmem:$0x1C800] =	vst v63  }
0x71: {  	_ =	swait.ge [sflag:s24], $0x400  }
0x72: {  	[sflag:s24] =	ssyncset.done $0x0  }
0x73: {  	[sflag:s24] =	ssyncadd.s32 $0xFFFFFC00  }
0x74: {  	[spmem:s2] =	stream.indirect.scatter.add.f32 [tilespmem:s28], [sflag:$0x3], $0x80, s25, s26, $0xb8;
	[tilespmem:$0x1C800] =	vst v63  }
0x75: {  	_ = 	snop  }
0x76: {  	[tilespmem:s23], [sflag:$0x1] =	stream.indirect.gather [hbm4b:s5+s26], $0x80, s19, s26, $0xb8;
	[tilespmem:$0x1C800] =	vst v63  }
0x77: {  	_ =	swait.ge [sflag:s29], $0x4000  }
0x78: {  	[sflag:s29] =	ssyncset.done $0x0  }
0x79: {  	s19 =	sadd.s32 $0x0, s21;
	[sflag:s29] =	ssyncadd.s32 $0xFFFFC000  }
0x7a: {  	[tilespmem:s25], [sflag:$0x4] =	stream.linear.gather [hbm4b:s19+s3], $0x400, $0x38;
	[tilespmem:$0x1C800] =	vst v63  }
0x7b: {  	_ =	swait.ge [sflag:s24], $0x400  }
0x7c: {  	[sflag:s24] =	ssyncset.done $0x0  }
0x7d: {  	[sflag:s24] =	ssyncadd.s32 $0xFFFFFC00  }
0x7e: {  	_ =	swait.ge [sflag:s30], $0x4000  }
0x7f: {  	[sflag:s30] =	ssyncset.done $0x0  }
0x80: {  	[sflag:s30] =	ssyncadd.s32 $0xFFFFC000  }
0x81: {  	[spmem:s2] =	stream.indirect.scatter.add.f32 [tilespmem:s23], [sflag:$0x2], $0x80, s25, s26, $0xb8;
	[tilespmem:$0x1C800] =	vst v63  }
0x82: {  	_ = 	snop  }
0x83: {  	[tilespmem:s28], [sflag:$0x1] =	stream.indirect.gather [hbm4b:s5+s26], $0x80, s26, s26, $0xb8;
	[tilespmem:$0x1C800] =	vst v63  }
0x84: {  	_ =	swait.ge [sflag:s30], $0x4000  }
0x85: {  	[sflag:s30] =	ssyncset.done $0x0  }
0x86: {  	[sflag:s30] =	ssyncadd.s32 $0xFFFFC000  }
0x87: {  	[spmem:s2] =	stream.indirect.scatter.add.f32 [tilespmem:s28], [sflag:$0x3], $0x80, s31, s26, $0xb8;
	[tilespmem:$0x1C800] =	vst v63  }
0x88: {  	_ =	swait.ge [sflag:s0], $0x4000  }
0x89: {  	[sflag:s0] =	ssyncset.done $0x0  }
0x8a: {  	[sflag:s0] =	ssyncadd.s32 $0xFFFFC000  }
0x8b: {  	[tilespmem:s23], [sflag:$0x1] =	stream.indirect.gather [hbm4b:s5+s26], $0x80, s6, s26, $0xb8;
	[tilespmem:$0x1C800] =	vst v63  }
0x8c: {  	_ =	swait.ge [sflag:s30], $0x4000  }
0x8d: {  	[sflag:s30] =	ssyncset.done $0x0  }
0x8e: {  	[sflag:s30] =	ssyncadd.s32 $0xFFFFC000  }
0x8f: {  	[spmem:s2] =	stream.indirect.scatter.add.f32 [tilespmem:s23], [sflag:$0x2], $0x80, s7, s26, $0xb8;
	[tilespmem:$0x1C800] =	vst v63  }
0x90: {  	_ =	swait.ge [sflag:s29], $0x4000  }
0x91: {  	[sflag:s29] =	ssyncset.done $0x0  }
0x92: {  	[sflag:s29] =	ssyncadd.s32 $0xFFFFC000  }
0x93: {  	[tilespmem:s28], [sflag:$0x1] =	stream.indirect.gather [hbm4b:s5+s26], $0x80, s14, s26, $0xb8;
	[tilespmem:$0x1C800] =	vst v63  }
0x94: {  	_ =	swait.ge [sflag:s30], $0x4000  }
0x95: {  	[sflag:s30] =	ssyncset.done $0x0  }
0x96: {  	[sflag:s30] =	ssyncadd.s32 $0xFFFFC000  }
0x97: {  	[spmem:s2] =	stream.indirect.scatter.add.f32 [tilespmem:s28], [sflag:$0x3], $0x80, s15, s26, $0xb8;
	[tilespmem:$0x1C800] =	vst v63  }
0x98: {  	_ =	swait.ge [sflag:s0], $0x4000  }
0x99: {  	[sflag:s0] =	ssyncset.done $0x0  }
0x9a: {  	[sflag:s0] =	ssyncadd.s32 $0xFFFFC000  }
0x9b: {  	[tilespmem:s23], [sflag:$0x1] =	stream.indirect.gather [hbm4b:s5+s26], $0x80, s16, s26, $0xb8;
	[tilespmem:$0x1C800] =	vst v63  }
0x9c: {  	_ =	swait.ge [sflag:s30], $0x4000  }
0x9d: {  	[sflag:s30] =	ssyncset.done $0x0  }
0x9e: {  	[sflag:s30] =	ssyncadd.s32 $0xFFFFC000  }
0x9f: {  	[spmem:s2] =	stream.indirect.scatter.add.f32 [tilespmem:s23], [sflag:$0x2], $0x80, s17, s26, $0xb8;
	[tilespmem:$0x1C800] =	vst v63  }
0xa0: {  	_ =	swait.ge [sflag:s29], $0x4000  }
0xa1: {  	[sflag:s29] =	ssyncset.done $0x0  }
0xa2: {  	[sflag:s29] =	ssyncadd.s32 $0xFFFFC000  }
0xa3: {  	[tilespmem:s28], [sflag:$0x1] =	stream.indirect.gather [hbm4b:s5+s26], $0x80, s4, s26, $0xb8;
	[tilespmem:$0x1C800] =	vst v63  }
0xa4: {  	_ =	swait.ge [sflag:s30], $0x4000  }
0xa5: {  	[sflag:s30] =	ssyncset.done $0x0  }
0xa6: {  	[sflag:s30] =	ssyncadd.s32 $0xFFFFC000  }
0xa7: {  	[spmem:s2] =	stream.indirect.scatter.add.f32 [tilespmem:s28], [sflag:$0x3], $0x80, s9, s26, $0xb8;
	[tilespmem:$0x1C800] =	vst v63  }
0xa8: {  	_ =	swait.ge [sflag:s0], $0x4000  }
0xa9: {  	[sflag:s0] =	ssyncset.done $0x0  }
0xaa: {  	[sflag:s0] =	ssyncadd.s32 $0xFFFFC000  }
0xab: {  	[tilespmem:s23], [sflag:$0x1] =	stream.indirect.gather [hbm4b:s5+s26], $0x80, s10, s26, $0xb8;
	[tilespmem:$0x1C800] =	vst v63  }
0xac: {  	_ =	swait.ge [sflag:s30], $0x4000  }
0xad: {  	[sflag:s30] =	ssyncset.done $0x0  }
0xae: {  	[sflag:s30] =	ssyncadd.s32 $0xFFFFC000  }
0xaf: {  	[spmem:s2] =	stream.indirect.scatter.add.f32 [tilespmem:s23], [sflag:$0x2], $0x80, s11, s26, $0xb8;
	[tilespmem:$0x1C800] =	vst v63  }
0xb0: {  	_ =	swait.ge [sflag:s29], $0x4000  }
0xb1: {  	[sflag:s29] =	ssyncset.done $0x0  }
0xb2: {  	[sflag:s29] =	ssyncadd.s32 $0xFFFFC000  }
0xb3: {  	[tilespmem:s28], [sflag:$0x1] =	stream.indirect.gather [hbm4b:s5+s26], $0x80, s12, s26, $0xb8;
	[tilespmem:$0x1C800] =	vst v63  }
0xb4: {  	_ =	swait.ge [sflag:s30], $0x4000  }
0xb5: {  	[sflag:s30] =	ssyncset.done $0x0  }
0xb6: {  	[sflag:s30] =	ssyncadd.s32 $0xFFFFC000  }
0xb7: {  	[spmem:s2] =	stream.indirect.scatter.add.f32 [tilespmem:s28], [sflag:$0x3], $0x80, s13, s26, $0xb8;
	[tilespmem:$0x1C800] =	vst v63  }
0xb8: {  	_ =	swait.ge [sflag:s0], $0x4000  }
0xb9: {  	[sflag:s0] =	ssyncset.done $0x0  }
0xba: {  	s20 =	sadd.s32 $0x0, s22;
	[sflag:s0] =	ssyncadd.s32 $0xFFFFC000  }
0xbb: {  	[tilespmem:s3], [sflag:$0x4] =	stream.linear.gather [hbm4b:s20+s3], $0x400, $0x38;
	[tilespmem:$0x1C800] =	vst v63  }
0xbc: {  	_ =	swait.ge [sflag:s24], $0x400  }
0xbd: {  	[sflag:s24] =	ssyncset.done $0x0  }
0xbe: {  	s8 =	simm.s32 $0x80;
	[sflag:s24] =	ssyncadd.s32 $0xFFFFFC00  }
.LBB2_8:
0xbf: {  	[tilespmem:s23], [sflag:$0x1] =	stream.indirect.gather [hbm4b:s5+s26], $0x80, s3, s26, $0xb8;
	[tilespmem:$0x1C800] =	vst v63  }
0xc0: {  	s18 =	smov.u32 s8  }
0xc1: {  	p1 =	sne.s32 s8, $0x980;
	s8 =	sadd.s32 $0x80, s8;
	_ =	swait.ge [sflag:s29], $0x4000  }
0xc2: {  	[sflag:s29] =	ssyncset.done $0x0  }
0xc3: {  	s19 =	sadd.s32 s18, s21;
	[sflag:s29] =	ssyncadd.s32 $0xFFFFC000  }
0xc4: {  	[tilespmem:s25], [sflag:$0x4] =	stream.linear.gather [hbm4b:s19+s3], $0x400, $0x38;
	[tilespmem:$0x1C800] =	vst v63  }
0xc5: {  	_ =	swait.ge [sflag:s24], $0x400  }
0xc6: {  	[sflag:s24] =	ssyncset.done $0x0  }
0xc7: {  	[sflag:s24] =	ssyncadd.s32 $0xFFFFFC00  }
0xc8: {  	_ =	swait.ge [sflag:s30], $0x4000  }
0xc9: {  	[sflag:s30] =	ssyncset.done $0x0  }
0xca: {  	[sflag:s30] =	ssyncadd.s32 $0xFFFFC000  }
0xcb: {  	[spmem:s2] =	stream.indirect.scatter.add.f32 [tilespmem:s23], [sflag:$0x2], $0x80, s25, s26, $0xb8;
	[tilespmem:$0x1C800] =	vst v63  }
0xcc: {  	_ = 	snop  }
0xcd: {  	[tilespmem:s28], [sflag:$0x1] =	stream.indirect.gather [hbm4b:s5+s26], $0x80, s26, s26, $0xb8;
	[tilespmem:$0x1C800] =	vst v63  }
0xce: {  	_ =	swait.ge [sflag:s30], $0x4000  }
0xcf: {  	[sflag:s30] =	ssyncset.done $0x0  }
0xd0: {  	[sflag:s30] =	ssyncadd.s32 $0xFFFFC000  }
0xd1: {  	[spmem:s2] =	stream.indirect.scatter.add.f32 [tilespmem:s28], [sflag:$0x3], $0x80, s31, s26, $0xb8;
	[tilespmem:$0x1C800] =	vst v63  }
0xd2: {  	_ =	swait.ge [sflag:s0], $0x4000  }
0xd3: {  	[sflag:s0] =	ssyncset.done $0x0  }
0xd4: {  	[sflag:s0] =	ssyncadd.s32 $0xFFFFC000  }
0xd5: {  	[tilespmem:s23], [sflag:$0x1] =	stream.indirect.gather [hbm4b:s5+s26], $0x80, s6, s26, $0xb8;
	[tilespmem:$0x1C800] =	vst v63  }
0xd6: {  	_ =	swait.ge [sflag:s30], $0x4000  }
0xd7: {  	[sflag:s30] =	ssyncset.done $0x0  }
0xd8: {  	[sflag:s30] =	ssyncadd.s32 $0xFFFFC000  }
0xd9: {  	[spmem:s2] =	stream.indirect.scatter.add.f32 [tilespmem:s23], [sflag:$0x2], $0x80, s7, s26, $0xb8;
	[tilespmem:$0x1C800] =	vst v63  }
0xda: {  	_ =	swait.ge [sflag:s29], $0x4000  }
0xdb: {  	[sflag:s29] =	ssyncset.done $0x0  }
0xdc: {  	[sflag:s29] =	ssyncadd.s32 $0xFFFFC000  }
0xdd: {  	[tilespmem:s28], [sflag:$0x1] =	stream.indirect.gather [hbm4b:s5+s26], $0x80, s14, s26, $0xb8;
	[tilespmem:$0x1C800] =	vst v63  }
0xde: {  	_ =	swait.ge [sflag:s30], $0x4000  }
0xdf: {  	[sflag:s30] =	ssyncset.done $0x0  }
0xe0: {  	[sflag:s30] =	ssyncadd.s32 $0xFFFFC000  }
0xe1: {  	[spmem:s2] =	stream.indirect.scatter.add.f32 [tilespmem:s28], [sflag:$0x3], $0x80, s15, s26, $0xb8;
	[tilespmem:$0x1C800] =	vst v63  }
0xe2: {  	_ =	swait.ge [sflag:s0], $0x4000  }
0xe3: {  	[sflag:s0] =	ssyncset.done $0x0  }
0xe4: {  	[sflag:s0] =	ssyncadd.s32 $0xFFFFC000  }
0xe5: {  	[tilespmem:s23], [sflag:$0x1] =	stream.indirect.gather [hbm4b:s5+s26], $0x80, s16, s26, $0xb8;
	[tilespmem:$0x1C800] =	vst v63  }
0xe6: {  	_ =	swait.ge [sflag:s30], $0x4000  }
0xe7: {  	[sflag:s30] =	ssyncset.done $0x0  }
0xe8: {  	[sflag:s30] =	ssyncadd.s32 $0xFFFFC000  }
0xe9: {  	[spmem:s2] =	stream.indirect.scatter.add.f32 [tilespmem:s23], [sflag:$0x2], $0x80, s17, s26, $0xb8;
	[tilespmem:$0x1C800] =	vst v63  }
0xea: {  	_ =	swait.ge [sflag:s29], $0x4000  }
0xeb: {  	[sflag:s29] =	ssyncset.done $0x0  }
0xec: {  	[sflag:s29] =	ssyncadd.s32 $0xFFFFC000  }
0xed: {  	[tilespmem:s28], [sflag:$0x1] =	stream.indirect.gather [hbm4b:s5+s26], $0x80, s4, s26, $0xb8;
	[tilespmem:$0x1C800] =	vst v63  }
0xee: {  	_ =	swait.ge [sflag:s30], $0x4000  }
0xef: {  	[sflag:s30] =	ssyncset.done $0x0  }
0xf0: {  	[sflag:s30] =	ssyncadd.s32 $0xFFFFC000  }
0xf1: {  	[spmem:s2] =	stream.indirect.scatter.add.f32 [tilespmem:s28], [sflag:$0x3], $0x80, s9, s26, $0xb8;
	[tilespmem:$0x1C800] =	vst v63  }
0xf2: {  	_ =	swait.ge [sflag:s0], $0x4000  }
0xf3: {  	[sflag:s0] =	ssyncset.done $0x0  }
0xf4: {  	[sflag:s0] =	ssyncadd.s32 $0xFFFFC000  }
0xf5: {  	[tilespmem:s23], [sflag:$0x1] =	stream.indirect.gather [hbm4b:s5+s26], $0x80, s10, s26, $0xb8;
	[tilespmem:$0x1C800] =	vst v63  }
0xf6: {  	_ =	swait.ge [sflag:s30], $0x4000  }
0xf7: {  	[sflag:s30] =	ssyncset.done $0x0  }
0xf8: {  	[sflag:s30] =	ssyncadd.s32 $0xFFFFC000  }
0xf9: {  	[spmem:s2] =	stream.indirect.scatter.add.f32 [tilespmem:s23], [sflag:$0x2], $0x80, s11, s26, $0xb8;
	[tilespmem:$0x1C800] =	vst v63  }
0xfa: {  	_ =	swait.ge [sflag:s29], $0x4000  }
0xfb: {  	[sflag:s29] =	ssyncset.done $0x0  }
0xfc: {  	[sflag:s29] =	ssyncadd.s32 $0xFFFFC000  }
0xfd: {  	[tilespmem:s28], [sflag:$0x1] =	stream.indirect.gather [hbm4b:s5+s26], $0x80, s12, s26, $0xb8;
	[tilespmem:$0x1C800] =	vst v63  }
0xfe: {  	_ =	swait.ge [sflag:s30], $0x4000  }
0xff: {  	[sflag:s30] =	ssyncset.done $0x0  }
0x100: {  	[sflag:s30] =	ssyncadd.s32 $0xFFFFC000  }
0x101: {  	[spmem:s2] =	stream.indirect.scatter.add.f32 [tilespmem:s28], [sflag:$0x3], $0x80, s13, s26, $0xb8;
	[tilespmem:$0x1C800] =	vst v63  }
0x102: {  	_ =	swait.ge [sflag:s0], $0x4000  }
0x103: {  	[sflag:s0] =	ssyncset.done $0x0  }
.Ltmp4:
0x104: {  	s18 =	sadd.s32 s18, s22;
	[sflag:s0] =	ssyncadd.s32 $0xFFFFC000;
	(pc) =	sbr.rel @p1 .LBB2_8-.Ltmp4, $4  }
0x105: {  	[tilespmem:s3], [sflag:$0x4] =	stream.linear.gather [hbm4b:s18+s3], $0x400, $0x38;
	[tilespmem:$0x1C800] =	vst v63  }
0x106: {  	_ =	swait.ge [sflag:s24], $0x400  }
0x107: {  	[sflag:s24] =	ssyncset.done $0x0  }
0x108: {  	[sflag:s24] =	ssyncadd.s32 $0xFFFFFC00  }
.Ltmp5:
0x109: {  	_ = 	snop;
	(pc) =	sbr.rel .LBB2_9-.Ltmp5, $1  }
0x10a: {  	_ =	sdelay $0x3  }
.LBB2_2:
0x10b: {  	p1 =	sne.s32 s18, $0xFE00;
	[tilespmem:s8+$0x4870] =	vst v0  }
0x10c: {  	[tilespmem:s8+$0x800] =	vst v0  }
0x10d: {  	[tilespmem:s8+$0x4800] =	vst v0  }
0x10e: {  	[tilespmem:s8+$0x810] =	vst v0  }
0x10f: {  	[tilespmem:s8+$0x4810] =	vst v0  }
0x110: {  	[tilespmem:s8+$0x820] =	vst v0  }
0x111: {  	[tilespmem:s8+$0x4820] =	vst v0  }
0x112: {  	[tilespmem:s8+$0x830] =	vst v0  }
0x113: {  	[tilespmem:s8+$0x4830] =	vst v0  }
0x114: {  	[tilespmem:s8+$0x840] =	vst v0  }
0x115: {  	[tilespmem:s8+$0x4840] =	vst v0  }
.Ltmp6:
0x116: {  	[tilespmem:s8+$0x850] =	vst v0;
	(pc) =	sbr.rel @p1 .LBB2_2-.Ltmp6, $4  }
0x117: {  	[tilespmem:s8+$0x4850] =	vst v0  }
0x118: {  	[tilespmem:s8+$0x860] =	vst v0  }
0x119: {  	[tilespmem:s8+$0x4860] =	vst v0  }
0x11a: {  	[tilespmem:s8+$0x870] =	vst v0;
	s8 =	sshra.s32 s18, $0x2;
	s18 =	sadd.s32 $0x200, s18  }
0x11b: {  	[tilespmem:s8+$0x4870] =	vst v0  }
0x11c: {  	[tilespmem:s8+$0x800] =	vst v0  }
0x11d: {  	[tilespmem:s8+$0x4800] =	vst v0  }
0x11e: {  	[tilespmem:s8+$0x810] =	vst v0  }
0x11f: {  	[tilespmem:s8+$0x4810] =	vst v0  }
0x120: {  	[tilespmem:s8+$0x820] =	vst v0  }
0x121: {  	[tilespmem:s8+$0x4820] =	vst v0  }
0x122: {  	[tilespmem:s8+$0x830] =	vst v0  }
0x123: {  	[tilespmem:s8+$0x4830] =	vst v0  }
0x124: {  	[tilespmem:s8+$0x840] =	vst v0  }
0x125: {  	[tilespmem:s8+$0x4840] =	vst v0  }
0x126: {  	[tilespmem:s8+$0x850] =	vst v0  }
0x127: {  	[tilespmem:s8+$0x4850] =	vst v0  }
0x128: {  	[tilespmem:s8+$0x860] =	vst v0  }
0x129: {  	[tilespmem:s8+$0x4860] =	vst v0  }
0x12a: {  	[tilespmem:s8+$0x870] =	vst v0;
	s21 =	rddreg [dreg:$0x6]  }
0x12b: {  	[spmem:s21] =	stream.linear.scatter [tilespmem:s23], [sflag:$0x4], $0x4000, $0x38;
	[tilespmem:$0x1C800] =	vst v63  }
0x12c: {  	_ =	swait.ge [sflag:s24], $0x4000  }
0x12d: {  	[sflag:s24] =	ssyncset.done $0x0  }
0x12e: {  	s18 =	rddreg [dreg:$0x7];
	[sflag:s24] =	ssyncadd.s32 $0xFFFFC000  }
0x12f: {  	[spmem:s18] =	stream.linear.scatter [tilespmem:s23], [sflag:$0x4], $0x4000, $0x38;
	[tilespmem:$0x1C800] =	vst v63  }
0x130: {  	_ =	swait.ge [sflag:s24], $0x4000  }
0x131: {  	[sflag:s24] =	ssyncset.done $0x0  }
0x132: {  	s20 =	rddreg [dreg:$0x8];
	[sflag:s24] =	ssyncadd.s32 $0xFFFFC000  }
0x133: {  	[spmem:s20] =	stream.linear.scatter [tilespmem:s23], [sflag:$0x4], $0x4000, $0x38;
	[tilespmem:$0x1C800] =	vst v63  }
0x134: {  	_ =	swait.ge [sflag:s24], $0x4000  }
0x135: {  	[sflag:s24] =	ssyncset.done $0x0  }
0x136: {  	s21 =	rddreg [dreg:$0x9];
	[sflag:s24] =	ssyncadd.s32 $0xFFFFC000  }
0x137: {  	[spmem:s21] =	stream.linear.scatter [tilespmem:s23], [sflag:$0x4], $0x4000, $0x38;
	[tilespmem:$0x1C800] =	vst v63  }
0x138: {  	_ =	swait.ge [sflag:s24], $0x4000  }
0x139: {  	[sflag:s24] =	ssyncset.done $0x0  }
0x13a: {  	s18 =	rddreg [dreg:$0xa];
	[sflag:s24] =	ssyncadd.s32 $0xFFFFC000  }
0x13b: {  	[spmem:s18] =	stream.linear.scatter [tilespmem:s23], [sflag:$0x4], $0x4000, $0x38;
	[tilespmem:$0x1C800] =	vst v63  }
0x13c: {  	_ =	swait.ge [sflag:s24], $0x4000  }
0x13d: {  	[sflag:s24] =	ssyncset.done $0x0  }
0x13e: {  	[sflag:s24] =	ssyncadd.s32 $0xFFFFC000  }
0x13f: {  	[bflag:$0x0] =	sbarrier.arrive $0xFFFF  }
0x140: {  	s20 =	simm.s32 $0x0;
	s18 =	rddreg [dreg:$0xc]  }
0x141: {  	[tilespmem:s25], [sflag:$0x4] =	stream.linear.gather [hbm4b:s18+s20], $0x400, $0x38;
	[tilespmem:$0x1C800] =	vst v63  }
0x142: {  	_ =	swait.ge [sflag:s24], $0x400  }
0x143: {  	[sflag:s24] =	ssyncset.done $0x0  }
0x144: {  	s21 =	rddreg [dreg:$0xd];
	[sflag:s24] =	ssyncadd.s32 $0xFFFFFC00  }
0x145: {  	[tilespmem:s20], [sflag:$0x4] =	stream.linear.gather [hbm4b:s21+s20], $0x400, $0x38;
	[tilespmem:$0x1C800] =	vst v63  }
0x146: {  	_ =	swait.ge [sflag:s24], $0x400  }
0x147: {  	[sflag:s24] =	ssyncset.done $0x0  }
0x148: {  	[sflag:s24] =	ssyncadd.s32 $0xFFFFFC00  }
0x149: {  	[spmem:s2] =	stream.indirect.scatter.add.f32 [tilespmem:s28], [sflag:$0x3], $0x80, s25, s26, $0xb8;
	[tilespmem:$0x1C800] =	vst v63  }
0x14a: {  	_ = 	snop  }
0x14b: {  	[tilespmem:s23], [sflag:$0x1] =	stream.indirect.gather [hbm4b:s1+s26], $0x80, s20, s26, $0xb8;
	[tilespmem:$0x1C800] =	vst v63  }
0x14c: {  	_ =	swait.ge [sflag:s29], $0x4000  }
0x14d: {  	[sflag:s29] =	ssyncset.done $0x0  }
0x14e: {  	s18 =	sadd.s32 $0x0, s19;
	[sflag:s29] =	ssyncadd.s32 $0xFFFFC000  }
0x14f: {  	[tilespmem:s25], [sflag:$0x4] =	stream.linear.gather [hbm4b:s18+s3], $0x400, $0x38;
	[tilespmem:$0x1C800] =	vst v63  }
0x150: {  	_ =	swait.ge [sflag:s24], $0x400  }
0x151: {  	[sflag:s24] =	ssyncset.done $0x0  }
0x152: {  	[sflag:s24] =	ssyncadd.s32 $0xFFFFFC00  }
0x153: {  	_ =	swait.ge [sflag:s30], $0x4000  }
0x154: {  	[sflag:s30] =	ssyncset.done $0x0  }
0x155: {  	[sflag:s30] =	ssyncadd.s32 $0xFFFFC000  }
0x156: {  	[spmem:s2] =	stream.indirect.scatter.add.f32 [tilespmem:s23], [sflag:$0x2], $0x80, s25, s26, $0xb8;
	[tilespmem:$0x1C800] =	vst v63  }
0x157: {  	_ = 	snop  }
0x158: {  	[tilespmem:s28], [sflag:$0x1] =	stream.indirect.gather [hbm4b:s1+s26], $0x80, s26, s26, $0xb8;
	[tilespmem:$0x1C800] =	vst v63  }
0x159: {  	_ =	swait.ge [sflag:s30], $0x4000  }
0x15a: {  	[sflag:s30] =	ssyncset.done $0x0  }
0x15b: {  	[sflag:s30] =	ssyncadd.s32 $0xFFFFC000  }
0x15c: {  	[spmem:s2] =	stream.indirect.scatter.add.f32 [tilespmem:s28], [sflag:$0x3], $0x80, s31, s26, $0xb8;
	[tilespmem:$0x1C800] =	vst v63  }
0x15d: {  	_ =	swait.ge [sflag:s0], $0x4000  }
0x15e: {  	[sflag:s0] =	ssyncset.done $0x0  }
0x15f: {  	[sflag:s0] =	ssyncadd.s32 $0xFFFFC000  }
0x160: {  	[tilespmem:s23], [sflag:$0x1] =	stream.indirect.gather [hbm4b:s1+s26], $0x80, s6, s26, $0xb8;
	[tilespmem:$0x1C800] =	vst v63  }
0x161: {  	_ =	swait.ge [sflag:s30], $0x4000  }
0x162: {  	[sflag:s30] =	ssyncset.done $0x0  }
0x163: {  	[sflag:s30] =	ssyncadd.s32 $0xFFFFC000  }
0x164: {  	[spmem:s2] =	stream.indirect.scatter.add.f32 [tilespmem:s23], [sflag:$0x2], $0x80, s7, s26, $0xb8;
	[tilespmem:$0x1C800] =	vst v63  }
0x165: {  	_ =	swait.ge [sflag:s29], $0x4000  }
0x166: {  	[sflag:s29] =	ssyncset.done $0x0  }
0x167: {  	[sflag:s29] =	ssyncadd.s32 $0xFFFFC000  }
0x168: {  	[tilespmem:s28], [sflag:$0x1] =	stream.indirect.gather [hbm4b:s1+s26], $0x80, s14, s26, $0xb8;
	[tilespmem:$0x1C800] =	vst v63  }
0x169: {  	_ =	swait.ge [sflag:s30], $0x4000  }
0x16a: {  	[sflag:s30] =	ssyncset.done $0x0  }
0x16b: {  	[sflag:s30] =	ssyncadd.s32 $0xFFFFC000  }
0x16c: {  	[spmem:s2] =	stream.indirect.scatter.add.f32 [tilespmem:s28], [sflag:$0x3], $0x80, s15, s26, $0xb8;
	[tilespmem:$0x1C800] =	vst v63  }
0x16d: {  	_ =	swait.ge [sflag:s0], $0x4000  }
0x16e: {  	[sflag:s0] =	ssyncset.done $0x0  }
0x16f: {  	[sflag:s0] =	ssyncadd.s32 $0xFFFFC000  }
0x170: {  	[tilespmem:s23], [sflag:$0x1] =	stream.indirect.gather [hbm4b:s1+s26], $0x80, s16, s26, $0xb8;
	[tilespmem:$0x1C800] =	vst v63  }
0x171: {  	_ =	swait.ge [sflag:s30], $0x4000  }
0x172: {  	[sflag:s30] =	ssyncset.done $0x0  }
0x173: {  	[sflag:s30] =	ssyncadd.s32 $0xFFFFC000  }
0x174: {  	[spmem:s2] =	stream.indirect.scatter.add.f32 [tilespmem:s23], [sflag:$0x2], $0x80, s17, s26, $0xb8;
	[tilespmem:$0x1C800] =	vst v63  }
0x175: {  	_ =	swait.ge [sflag:s29], $0x4000  }
0x176: {  	[sflag:s29] =	ssyncset.done $0x0  }
0x177: {  	[sflag:s29] =	ssyncadd.s32 $0xFFFFC000  }
0x178: {  	[tilespmem:s28], [sflag:$0x1] =	stream.indirect.gather [hbm4b:s1+s26], $0x80, s4, s26, $0xb8;
	[tilespmem:$0x1C800] =	vst v63  }
0x179: {  	_ =	swait.ge [sflag:s30], $0x4000  }
0x17a: {  	[sflag:s30] =	ssyncset.done $0x0  }
0x17b: {  	[sflag:s30] =	ssyncadd.s32 $0xFFFFC000  }
0x17c: {  	[spmem:s2] =	stream.indirect.scatter.add.f32 [tilespmem:s28], [sflag:$0x3], $0x80, s9, s26, $0xb8;
	[tilespmem:$0x1C800] =	vst v63  }
0x17d: {  	_ =	swait.ge [sflag:s0], $0x4000  }
0x17e: {  	[sflag:s0] =	ssyncset.done $0x0  }
0x17f: {  	[sflag:s0] =	ssyncadd.s32 $0xFFFFC000  }
0x180: {  	[tilespmem:s23], [sflag:$0x1] =	stream.indirect.gather [hbm4b:s1+s26], $0x80, s10, s26, $0xb8;
	[tilespmem:$0x1C800] =	vst v63  }
0x181: {  	_ =	swait.ge [sflag:s30], $0x4000  }
0x182: {  	[sflag:s30] =	ssyncset.done $0x0  }
0x183: {  	[sflag:s30] =	ssyncadd.s32 $0xFFFFC000  }
0x184: {  	[spmem:s2] =	stream.indirect.scatter.add.f32 [tilespmem:s23], [sflag:$0x2], $0x80, s11, s26, $0xb8;
	[tilespmem:$0x1C800] =	vst v63  }
0x185: {  	_ =	swait.ge [sflag:s29], $0x4000  }
0x186: {  	[sflag:s29] =	ssyncset.done $0x0  }
0x187: {  	[sflag:s29] =	ssyncadd.s32 $0xFFFFC000  }
0x188: {  	[tilespmem:s28], [sflag:$0x1] =	stream.indirect.gather [hbm4b:s1+s26], $0x80, s12, s26, $0xb8;
	[tilespmem:$0x1C800] =	vst v63  }
0x189: {  	_ =	swait.ge [sflag:s30], $0x4000  }
0x18a: {  	[sflag:s30] =	ssyncset.done $0x0  }
0x18b: {  	[sflag:s30] =	ssyncadd.s32 $0xFFFFC000  }
0x18c: {  	[spmem:s2] =	stream.indirect.scatter.add.f32 [tilespmem:s28], [sflag:$0x3], $0x80, s13, s26, $0xb8;
	[tilespmem:$0x1C800] =	vst v63  }
0x18d: {  	_ =	swait.ge [sflag:s0], $0x4000  }
0x18e: {  	[sflag:s0] =	ssyncset.done $0x0;
	s21 =	rddreg [dreg:$0x14]  }
0x18f: {  	[sflag:s0] =	ssyncadd.s32 $0xFFFFC000;
	s20 =	sadd.s32 $0x0, s21  }
0x190: {  	[tilespmem:s3], [sflag:$0x4] =	stream.linear.gather [hbm4b:s20+s3], $0x400, $0x38;
	[tilespmem:$0x1C800] =	vst v63  }
0x191: {  	_ =	swait.ge [sflag:s24], $0x400  }
0x192: {  	[sflag:s24] =	ssyncset.done $0x0  }
0x193: {  	s8 =	simm.s32 $0x80;
	s20 =	smov.u32 s19;
	[sflag:s24] =	ssyncadd.s32 $0xFFFFFC00  }
.LBB2_4:
0x194: {  	[tilespmem:s23], [sflag:$0x1] =	stream.indirect.gather [hbm4b:s1+s26], $0x80, s3, s26, $0xb8;
	[tilespmem:$0x1C800] =	vst v63  }
0x195: {  	s18 =	smov.u32 s8  }
0x196: {  	p1 =	seq.s32 s8, $0x980;
	s8 =	sadd.s32 $0x80, s8;
	_ =	swait.ge [sflag:s29], $0x4000  }
0x197: {  	[sflag:s29] =	ssyncset.done $0x0  }
0x198: {  	s19 =	sadd.s32 s18, s20;
	[sflag:s29] =	ssyncadd.s32 $0xFFFFC000  }
0x199: {  	[tilespmem:s25], [sflag:$0x4] =	stream.linear.gather [hbm4b:s19+s3], $0x400, $0x38;
	[tilespmem:$0x1C800] =	vst v63  }
0x19a: {  	_ =	swait.ge [sflag:s24], $0x400  }
0x19b: {  	[sflag:s24] =	ssyncset.done $0x0  }
0x19c: {  	[sflag:s24] =	ssyncadd.s32 $0xFFFFFC00  }
0x19d: {  	_ =	swait.ge [sflag:s30], $0x4000  }
0x19e: {  	[sflag:s30] =	ssyncset.done $0x0  }
0x19f: {  	[sflag:s30] =	ssyncadd.s32 $0xFFFFC000  }
0x1a0: {  	[spmem:s2] =	stream.indirect.scatter.add.f32 [tilespmem:s23], [sflag:$0x2], $0x80, s25, s26, $0xb8;
	[tilespmem:$0x1C800] =	vst v63  }
0x1a1: {  	_ = 	snop  }
0x1a2: {  	[tilespmem:s28], [sflag:$0x1] =	stream.indirect.gather [hbm4b:s1+s26], $0x80, s26, s26, $0xb8;
	[tilespmem:$0x1C800] =	vst v63  }
0x1a3: {  	_ =	swait.ge [sflag:s30], $0x4000  }
0x1a4: {  	[sflag:s30] =	ssyncset.done $0x0  }
0x1a5: {  	[sflag:s30] =	ssyncadd.s32 $0xFFFFC000  }
0x1a6: {  	[spmem:s2] =	stream.indirect.scatter.add.f32 [tilespmem:s28], [sflag:$0x3], $0x80, s31, s26, $0xb8;
	[tilespmem:$0x1C800] =	vst v63  }
0x1a7: {  	_ =	swait.ge [sflag:s0], $0x4000  }
0x1a8: {  	[sflag:s0] =	ssyncset.done $0x0  }
0x1a9: {  	[sflag:s0] =	ssyncadd.s32 $0xFFFFC000  }
0x1aa: {  	[tilespmem:s23], [sflag:$0x1] =	stream.indirect.gather [hbm4b:s1+s26], $0x80, s6, s26, $0xb8;
	[tilespmem:$0x1C800] =	vst v63  }
0x1ab: {  	_ =	swait.ge [sflag:s30], $0x4000  }
0x1ac: {  	[sflag:s30] =	ssyncset.done $0x0  }
0x1ad: {  	[sflag:s30] =	ssyncadd.s32 $0xFFFFC000  }
0x1ae: {  	[spmem:s2] =	stream.indirect.scatter.add.f32 [tilespmem:s23], [sflag:$0x2], $0x80, s7, s26, $0xb8;
	[tilespmem:$0x1C800] =	vst v63  }
0x1af: {  	_ =	swait.ge [sflag:s29], $0x4000  }
0x1b0: {  	[sflag:s29] =	ssyncset.done $0x0  }
0x1b1: {  	[sflag:s29] =	ssyncadd.s32 $0xFFFFC000  }
0x1b2: {  	[tilespmem:s28], [sflag:$0x1] =	stream.indirect.gather [hbm4b:s1+s26], $0x80, s14, s26, $0xb8;
	[tilespmem:$0x1C800] =	vst v63  }
0x1b3: {  	_ =	swait.ge [sflag:s30], $0x4000  }
0x1b4: {  	[sflag:s30] =	ssyncset.done $0x0  }
0x1b5: {  	[sflag:s30] =	ssyncadd.s32 $0xFFFFC000  }
0x1b6: {  	[spmem:s2] =	stream.indirect.scatter.add.f32 [tilespmem:s28], [sflag:$0x3], $0x80, s15, s26, $0xb8;
	[tilespmem:$0x1C800] =	vst v63  }
0x1b7: {  	_ =	swait.ge [sflag:s0], $0x4000  }
0x1b8: {  	[sflag:s0] =	ssyncset.done $0x0  }
0x1b9: {  	[sflag:s0] =	ssyncadd.s32 $0xFFFFC000  }
0x1ba: {  	[tilespmem:s23], [sflag:$0x1] =	stream.indirect.gather [hbm4b:s1+s26], $0x80, s16, s26, $0xb8;
	[tilespmem:$0x1C800] =	vst v63  }
0x1bb: {  	_ =	swait.ge [sflag:s30], $0x4000  }
0x1bc: {  	[sflag:s30] =	ssyncset.done $0x0  }
0x1bd: {  	[sflag:s30] =	ssyncadd.s32 $0xFFFFC000  }
0x1be: {  	[spmem:s2] =	stream.indirect.scatter.add.f32 [tilespmem:s23], [sflag:$0x2], $0x80, s17, s26, $0xb8;
	[tilespmem:$0x1C800] =	vst v63  }
0x1bf: {  	_ =	swait.ge [sflag:s29], $0x4000  }
0x1c0: {  	[sflag:s29] =	ssyncset.done $0x0  }
0x1c1: {  	[sflag:s29] =	ssyncadd.s32 $0xFFFFC000  }
0x1c2: {  	[tilespmem:s28], [sflag:$0x1] =	stream.indirect.gather [hbm4b:s1+s26], $0x80, s4, s26, $0xb8;
	[tilespmem:$0x1C800] =	vst v63  }
0x1c3: {  	_ =	swait.ge [sflag:s30], $0x4000  }
0x1c4: {  	[sflag:s30] =	ssyncset.done $0x0  }
0x1c5: {  	[sflag:s30] =	ssyncadd.s32 $0xFFFFC000  }
0x1c6: {  	[spmem:s2] =	stream.indirect.scatter.add.f32 [tilespmem:s28], [sflag:$0x3], $0x80, s9, s26, $0xb8;
	[tilespmem:$0x1C800] =	vst v63  }
0x1c7: {  	_ =	swait.ge [sflag:s0], $0x4000  }
0x1c8: {  	[sflag:s0] =	ssyncset.done $0x0  }
0x1c9: {  	[sflag:s0] =	ssyncadd.s32 $0xFFFFC000  }
0x1ca: {  	[tilespmem:s23], [sflag:$0x1] =	stream.indirect.gather [hbm4b:s1+s26], $0x80, s10, s26, $0xb8;
	[tilespmem:$0x1C800] =	vst v63  }
0x1cb: {  	_ =	swait.ge [sflag:s30], $0x4000  }
0x1cc: {  	[sflag:s30] =	ssyncset.done $0x0  }
0x1cd: {  	[sflag:s30] =	ssyncadd.s32 $0xFFFFC000  }
0x1ce: {  	[spmem:s2] =	stream.indirect.scatter.add.f32 [tilespmem:s23], [sflag:$0x2], $0x80, s11, s26, $0xb8;
	[tilespmem:$0x1C800] =	vst v63  }
0x1cf: {  	_ =	swait.ge [sflag:s29], $0x4000  }
0x1d0: {  	[sflag:s29] =	ssyncset.done $0x0  }
0x1d1: {  	[sflag:s29] =	ssyncadd.s32 $0xFFFFC000  }
0x1d2: {  	[tilespmem:s28], [sflag:$0x1] =	stream.indirect.gather [hbm4b:s1+s26], $0x80, s12, s26, $0xb8;
	[tilespmem:$0x1C800] =	vst v63  }
0x1d3: {  	_ =	swait.ge [sflag:s30], $0x4000  }
0x1d4: {  	[sflag:s30] =	ssyncset.done $0x0  }
0x1d5: {  	[sflag:s30] =	ssyncadd.s32 $0xFFFFC000  }
0x1d6: {  	[spmem:s2] =	stream.indirect.scatter.add.f32 [tilespmem:s28], [sflag:$0x3], $0x80, s13, s26, $0xb8;
	[tilespmem:$0x1C800] =	vst v63  }
0x1d7: {  	_ =	swait.ge [sflag:s0], $0x4000  }
0x1d8: {  	[sflag:s0] =	ssyncset.done $0x0  }
.Ltmp7:
0x1d9: {  	s18 =	sadd.s32 s18, s21;
	[sflag:s0] =	ssyncadd.s32 $0xFFFFC000;
	(pc) =	sbr.rel @!p1 .LBB2_4-.Ltmp7, $4  }
0x1da: {  	[tilespmem:s3], [sflag:$0x4] =	stream.linear.gather [hbm4b:s18+s3], $0x400, $0x38;
	[tilespmem:$0x1C800] =	vst v63  }
0x1db: {  	_ =	swait.ge [sflag:s24], $0x400  }
0x1dc: {  	[sflag:s24] =	ssyncset.done $0x0  }
0x1dd: {  	[sflag:s24] =	ssyncadd.s32 $0xFFFFFC00  }
.Ltmp8:
0x1de: {  	(pc) =	sbr.rel .LBB2_10-.Ltmp8, $4  }
0x1df: {  	[tilespmem:s23], [sflag:$0x1] =	stream.indirect.gather [hbm4b:s1+s26], $0x80, s3, s26, $0xb8;
	[tilespmem:$0x1C800] =	vst v63  }
0x1e0: {  	s8 =	rddreg [dreg:$0x4]  }
0x1e1: {  	s21 =	rddreg [dreg:$0x12]  }
0x1e2: {  	s20 =	rddreg [dreg:$0x13]  }
.LBB2_11:
0x1e3: {  	_ =	sfence.sel $0x180000  }
0x1e4: {  	[bflag:$0x0] =	sbarrier.arrive $0xFFFF  }
0x1e5: {  	_ =	strace $0x9000004D  }
0x1e6: {  	s0 =	stileid.u32;
	[bflag:$0x2] =	sbarrier.arrive $0xFFFF  }
0x1e7: {  	p0 =	sne.s32 s0, $0x0;
	s0 =	rddreg [dreg:$0x3]  }
0x1e8: {  	s0 =	sadd.s32 @!p0 $0x100000, s0  }
0x1e9: {  	[sflag:s0] =	ssyncadd.tile.s32 @!p0 $0x1;
	_ =	shalt  }
.Lfunc_end2:
_tile_overlayer_lowered:
.L_overlay_start_2:
0x1ea: {  	(tag) =	ssettag $0x2  }
0x1eb: {  	s0 =	rddreg [dreg:$0x0];
	s2 =	stileid.u32  }
0x1ec: {  	s1 =	rddreg [dreg:$0x1];
	p0 =	sne.s32 s2, $0x0  }
0x1ed: {  	s3 =	rddreg [dreg:$0x2];
	[bflag:$0x3] =	sbarrier.arrive $0xFFFF;
	s2 =	simm.s32 @!p0 $0x1C04  }
0x1ee: {  	[timem:s3], [sflag:s2] =	dma.local @!p0 [hbm:s0], s1  }
0x1ef: {  	s0 =	simm.s32 @!p0 $0x4  }
0x1f0: {  	_ =	swait.ge @!p0 [sflag:s0], s1  }
0x1f1: {  	s1 =	ssub.s32 @!p0 $0x0, s1;
	[sflag:s0] =	ssyncset.done @!p0 $0x0  }
0x1f2: {  	[sflag:s0] =	ssyncadd.s32 @!p0 s1  }
0x1f3: {  	[bflag:$0x3] =	sbarrier.arrive $0xFFFF  }
0x1f4: {  	_ =	shalt  }

// kernel: kernel.8.cloned.1.call-start
scs
__scs_entry_jumppad:
0x0: {  	(pc) =	sbr.rel $0x88, $3  }
0x1: {  	(tag) =	ssettag $0x0;
	lr =	simm.s32 $0x1  }
0x2: {  	[smem:$0x3F94] =	sst lr;
	_ =	strace $0xD0000000  }
0x3: {  	_ = 	snop  }
0x4: {  	_ = 	snop  }
0x5: {  	_ = 	snop  }
0x6: {  	_ = 	snop  }
0x7: {  	_ = 	snop  }
__scs_overlays_trampoline_lowered:
0x8: {  	[smem:$0x3FA3] =	sst s0  }
0x9: {  	[smem:$0x3FA4] =	sst s1  }
0xa: {  	[smem:$0x3FA5] =	sst s2  }
0xb: {  	[smem:$0x3FA6] =	sst s3  }
0xc: {  	[smem:$0x3FA7] =	sst s4  }
0xd: {  	[smem:$0x3FA8] =	sst s5  }
0xe: {  	[smem:$0x3FA9] =	sst s6  }
0xf: {  	[smem:$0x3FAA] =	sst s7  }
0x10: {  	[smem:$0x3FAB] =	sst s8  }
0x11: {  	[smem:$0x3FAC] =	sst s9;
	s0 =	simm.s32 @!p0 $0x0  }
0x12: {  	s1 =	sld [smem:$0x3F92];
	s0 =	simm.s32 @p0 $0x1  }
0x13: {  	[smem:$0x3FAD] =	sst s0;
	s0 =	simm.s32 @!p1 $0x0  }
0x14: {  	s2 =	sld [smem:$0x3F91];
	s0 =	simm.s32 @p1 $0x1  }
0x15: {  	[smem:$0x3FAE] =	sst s0;
	s0 =	simm.s32 @!p2 $0x0  }
0x16: {  	s3 =	sld [smem:$0x3FDB];
	s0 =	simm.s32 @p2 $0x1  }
0x17: {  	s4 =	simm.s32 $0x1BF5;
	[smem:$0x3FB0] =	sst s0  }
0x18: {  	s0 =	sld [smem:$0x3F93];
	_ =	swait.ge [sflag:s4], $0x0  }
0x19: {  	s7 =	sld [smem:$0x3F94]  }
0x1a: {  	s8 =	sadd.s32 $0xFFFFE003, lr  }
0x1b: {  	s9 =	sadd.s32 $0xFFFFFEF7, lr;
	s5 =	simm.s32 $0xFFFFFFFF;
	p2 =	slt.u32 s8, $0xFFFFF086  }
0x1c: {  	p1 =	slt.u32 s9, $0xF7A;
	s5 =	simm.s32 @!p2 $0x0  }
0x1d: {  	s5 =	simm.s32 @p1 $0x1;
	p0 =	seq.s32 s7, s2  }
0x1e: {  	s7 =	smul.u32 @!p0 $0xF7A, s2;
	p2 =	seq.s32 @!p0 s5, $0x0  }
0x1f: {  	s9 =	smul.u32 $0xF7A, s1;
	s8 =	simm.s32 @!p0 $0x1BF5;
	p2 =	por !p2, p0  }
0x20: {  	[sflag:s8] =	ssyncset.s32 @!p0 $0xFFFFF086;
	s6 =	sadd.s32 @!p0 s3, s7;
	s7 =	simm.s32 @!p0 $0x108  }
0x21: {  	s3 =	sadd.s32 s3, s9;
	s6 =	sadd.s32 @!p0 $0x88, s6;
	s7 =	simm.s32 @p2 $0x1082  }
0x22: {  	[simem:s7], [sflag:s8] =	dma.local @!p0 [hbm:s6], $0xF7A  }
0x23: {  	s9 =	sor.u32 $0xD0000000, s2;
	s6 =	simm.s32 $0x108;
	_ =	swait.ge @!p0 [sflag:s8], $0x0  }
0x24: {  	s3 =	sadd.s32 $0x88, s3;
	s6 =	simm.s32 @!p1 $0x1082;
	[sflag:s4] =	ssyncset.s32 $0xFFFFF086  }
0x25: {  	[simem:s6], [sflag:s4] =	dma.local [hbm:s3], $0xF7A  }
0x26: {  	[smem:$0x3F94] =	sst s1;
	(tag) =	ssettag s2;
	_ =	strace s9  }
0x27: {  	s1 =	sld [smem:$0x3FA4]  }
0x28: {  	s2 =	sld [smem:$0x3FA5]  }
0x29: {  	s4 =	sld [smem:$0x3FA7]  }
0x2a: {  	p0 =	seq.s32 s5, $0x0;
	s5 =	sld [smem:$0x3FA8]  }
0x2b: {  	s6 =	sld [smem:$0x3FA9]  }
0x2c: {  	s7 =	sld [smem:$0x3FAA]  }
0x2d: {  	s3 =	simm.s32 $0x108;
	s8 =	sld [smem:$0x3FAB]  }
0x2e: {  	s3 =	simm.s32 @!p0 $0x1082;
	s9 =	sld [smem:$0x3FAC]  }
0x2f: {  	lr =	sadd.s32 s0, s3;
	s0 =	sld [smem:$0x3FA3]  }
0x30: {  	s3 =	sld [smem:$0x3FA6]  }
0x31: {  	[smem:$0x3FAF] =	sst s10  }
0x32: {  	s10 =	sld [smem:$0x3FAD];
	_ =	sdelay $0x3  }
0x33: {  	p0 =	seq.s32 s10, $0x1;
	s10 =	sld [smem:$0x3FAF];
	_ =	sdelay $0x3  }
0x34: {  	[smem:$0x3FAF] =	sst s10  }
0x35: {  	s10 =	sld [smem:$0x3FAE];
	_ =	sdelay $0x3  }
0x36: {  	p1 =	seq.s32 s10, $0x1;
	s10 =	sld [smem:$0x3FAF];
	_ =	sdelay $0x3  }
0x37: {  	[smem:$0x3FAF] =	sst s10  }
0x38: {  	s10 =	sld [smem:$0x3FB0]  }
0x39: {  	_ = 	snop;
	(pc) =	sbr.ind lr, $3  }
0x3a: {  	_ = 	snop  }
0x3b: {  	_ = 	snop  }
0x3c: {  	p2 =	seq.s32 s10, $0x1;
	s10 =	sld [smem:$0x3FAF]  }
0x3d: {  	_ =	shalt  }
0x3e: {  	_ =	shalt  }
0x3f: {  	_ =	shalt  }
0x40: {  	_ =	shalt  }
0x41: {  	_ =	shalt  }
0x42: {  	_ =	shalt  }
0x43: {  	_ =	shalt  }
0x44: {  	_ =	shalt  }
0x45: {  	_ =	shalt  }
0x46: {  	_ =	shalt  }
0x47: {  	_ =	shalt  }
0x48: {  	_ =	shalt  }
0x49: {  	_ =	shalt  }
0x4a: {  	_ =	shalt  }
0x4b: {  	_ =	shalt  }
0x4c: {  	_ =	shalt  }
0x4d: {  	_ =	shalt  }
0x4e: {  	_ =	shalt  }
0x4f: {  	_ =	shalt  }
0x50: {  	_ =	shalt  }
0x51: {  	_ =	shalt  }
0x52: {  	_ =	shalt  }
0x53: {  	_ =	shalt  }
0x54: {  	_ =	shalt  }
0x55: {  	_ =	shalt  }
0x56: {  	_ =	shalt  }
0x57: {  	_ =	shalt  }
0x58: {  	_ =	shalt  }
0x59: {  	_ =	shalt  }
0x5a: {  	_ =	shalt  }
0x5b: {  	_ =	shalt  }
0x5c: {  	_ =	shalt  }
0x5d: {  	_ =	shalt  }
0x5e: {  	_ =	shalt  }
0x5f: {  	_ =	shalt  }
0x60: {  	_ =	shalt  }
0x61: {  	_ =	shalt  }
0x62: {  	_ =	shalt  }
0x63: {  	_ =	shalt  }
0x64: {  	_ =	shalt  }
0x65: {  	_ =	shalt  }
0x66: {  	_ =	shalt  }
0x67: {  	_ =	shalt  }
0x68: {  	_ =	shalt  }
0x69: {  	_ =	shalt  }
0x6a: {  	_ =	shalt  }
0x6b: {  	_ =	shalt  }
0x6c: {  	_ =	shalt  }
0x6d: {  	_ =	shalt  }
0x6e: {  	_ =	shalt  }
0x6f: {  	_ =	shalt  }
0x70: {  	_ =	shalt  }
0x71: {  	_ =	shalt  }
0x72: {  	_ =	shalt  }
0x73: {  	_ =	shalt  }
0x74: {  	_ =	shalt  }
0x75: {  	_ =	shalt  }
0x76: {  	_ =	shalt  }
0x77: {  	_ =	shalt  }
0x78: {  	_ =	shalt  }
0x79: {  	_ =	shalt  }
0x7a: {  	_ =	shalt  }
0x7b: {  	_ =	shalt  }
0x7c: {  	_ =	shalt  }
0x7d: {  	_ =	shalt  }
0x7e: {  	_ =	shalt  }
0x7f: {  	_ =	shalt  }
0x80: {  	_ =	shalt  }
0x81: {  	_ =	shalt  }
0x82: {  	_ =	shalt  }
0x83: {  	_ =	shalt  }
0x84: {  	_ =	shalt  }
0x85: {  	_ =	shalt  }
0x86: {  	_ =	shalt  }
0x87: {  	_ =	shalt  }
.Lfunc_end0:
.L_simem_size_0:
called_computation_lowered:
.L_overlay_start_0:
0x88: {  	s2 =	sld [smem:$0x3FD9]  }
0x89: {  	s3 =	sld [smem:$0x3FFE];
	_ =	sdelay $0x1  }
0x8a: {  	s1 =	srdreg.scid  }
0x8b: {  	s0 =	sand.u32 $0x1, s1  }
0x8c: {  	s17 =	sshll.u32 s0, $0xA;
	s2 =	sadd.s32 s3, s2  }
0x8d: {  	s2 =	sadd.s32 s2, s17  }
0x8e: {  	[smem:$0x3FBB] =	sst s2  }
0x8f: {  	_ = 	snop  }
0x90: {  	s2 =	sld [smem:$0x3FD0];
	(tm) =	ssettm $0x1  }
0x91: {  	s18 =	sld [smem:$0x3FFB];
	_ =	sdelay $0x3  }
0x92: {  	_ =	strace s18  }
0x93: {  	s3 =	sld [smem:$0x3FFC];
	_ =	sdelay $0x3  }
0x94: {  	_ =	strace s3  }
0x95: {  	s3 =	sld [smem:$0x3FFD];
	_ =	sdelay $0x3  }
0x96: {  	_ =	strace s3  }
0x97: {  	_ =	strace $0x8FFFFFFF  }
0x98: {  	s19 =	sld [smem:$0x3FDB];
	_ =	sdelay $0x1  }
0x99: {  	s4 =	simm.s32 $_scs_section_size  }
0x9a: {  	s5 =	simm.s32 $_size__tile_overlayer_lowered;
	s6 =	simm.s32 $_tile_overlayer_lowered  }
0x9b: {  	s22 =	simm.s32 $0x1BFF;
	s21 =	sshll.u32 s6, $0x1;
	s3 =	sadd.s32 s4, s19  }
0x9c: {  	s7 =	simm.s32 $0x0;
	s20 =	sshll.u32 s5, $0x1;
	s5 =	sadd.s32 s21, s3  }
0x9d: {  	[timem:s7], [sflag:s22] =	dma.local [hbm:s5], s20  }
0x9e: {  	_ =	swait.ge [sflag:s22], s20  }
0x9f: {  	s4 =	ssub.s32 $0x0, s20;
	[sflag:s22] =	ssyncset.done $0x0  }
0xa0: {  	[sflag:s22] =	ssyncadd.s32 s4;
	_ =	sdelay $0x1  }
0xa1: {  	s23 =	simm.s32 $0x1B8B  }
0xa2: {  	_ =	swait.ge [sflag:s23], $0x1  }
0xa3: {  	[sflag:s23] =	ssyncset.done $0x0  }
0xa4: {  	s25 =	simm.s32 $0x1B8E;
	s24 =	sld [smem:$0x3FFE];
	[sflag:s23] =	ssyncadd.s32 $0xFFFFFFFF  }
0xa5: {  	s26 =	simm.s32 $execute0_lowered;
	[smem:$0x3FD2] =	sst s25  }
0xa6: {  	s5 =	sshll.u32 s26, $0x1;
	_ =	strace $0x80000046;
	[dreg:$0x1] =	wrdreg $0xFFFFFFFF  }
0xa7: {  	s28 =	simm.s32 $_size_execute0_lowered;
	s3 =	sadd.s32 s3, s5;
	[dreg:$0x0] =	wrdreg $0x0  }
0xa8: {  	s5 =	sshll.u32 s28, $0x1;
	[dreg:$0x2] =	wrdreg s3  }
0xa9: {  	[dreg:$0x3] =	wrdreg s5  }
0xaa: {  	[dreg:$0x4] =	wrdreg $0xC0  }
0xab: {  	_ =	task [dreg:s7], $0x5FFFF  }
0xac: {  	[dreg:$0x1] =	wrdreg $0xFFFFFFFF  }
0xad: {  	[dreg:$0x0] =	wrdreg $0x60  }
0xae: {  	[dreg:$0x2] =	wrdreg s24  }
0xaf: {  	[dreg:$0x3] =	wrdreg s2  }
0xb0: {  	[dreg:$0x4] =	wrdreg $0x4800  }
0xb1: {  	[dreg:$0x5] =	wrdreg $0x9  }
0xb2: {  	_ =	task.clear_ibuf [dreg:s7], $0x6FFFF;
	_ =	strace $0x90000046  }
0xb3: {  	s29 =	simm.s32 $0x9;
	_ =	strace $0x80000048  }
0xb4: {  	_ =	swait.ge [sflag:s29], $0x1  }
0xb5: {  	[sflag:s29] =	ssyncadd.s32 $0xFFFFFFFF  }
0xb6: {  	_ =	strace $0x90000048  }
0xb7: {  	_ =	sfence  }
0xb8: {  	s30 =	sld [smem:$0x0];
	_ =	sdelay $0x2  }
0xb9: {  	s31 =	sshll.u32 s1, $0xD;
	s1 =	sshrl.u32 s1, $0x2  }
0xba: {  	s3 =	sand.u32 $0x4000, s31;
	s1 =	sadd.s32 s1, s30  }
0xbb: {  	s0 =	sor.u32 s3, s0;
	s1 =	sshll.u32 s1, $0x11  }
0xbc: {  	s0 =	sor.u32 s1, s0  }
0xbd: {  	s0 =	sadd.s32 $0x8F2B, s0  }
0xbe: {  	[sflag:s0] =	ssyncadd.remote.s32 $0x1  }
0xbf: {  	_ =	sfence.sel $0xFFFF  }
0xc0: {  	[dreg:$0x0] =	wrdreg $0xFFFFFFFF;
	(pc) =	sbr.abs _section_cstart, $3  }
0xc1: {  	[dreg:$0x1] =	wrdreg $0xFFFFFFFF  }
0xc2: {  	_ =	task.clear_ibuf [dreg:s7], $0x2FFFF;
	_ =	strace $0x9FFFFFFF  }
0xc3: {  	(tm) =	ssettm $0x7FFFFFFF  }
tec
execute0_lowered:
.L_overlay_start_1:
0x0: {  	(tag) =	ssettag $0x1  }
0x1: {  	s5 =	rddreg [dreg:$0x0]  }
0x2: {  	s2 =	rddreg [dreg:$0x1]  }
0x3: {  	s3 =	rddreg [dreg:$0x2]  }
0x4: {  	s0 =	rddreg [dreg:$0x3];
	s4 =	simm.s32 $0x0  }
0x5: {  	s1 =	stileid.u32;
	s6 =	srdreg.scid;
	s15 =	simm.s32 $0x400  }
0x6: {  	s16 =	simm.s32 $0x1;
	s17 =	simm.s32 $0x80;
	s18 =	simm.s32 $0x100  }
0x7: {  	s19 =	simm.s32 $0x180;
	s20 =	simm.s32 $0x200;
	s21 =	simm.s32 $0x280  }
0x8: {  	s22 =	simm.s32 $0x300;
	s23 =	simm.s32 $0x380;
	s26 =	simm.s32 $0x0  }
0x9: {  	[smem:$0x7FF] =	sst s4;
	s7 =	smul.u32 $0xA00, s1;
	s6 =	sand.u32 $0x1, s6  }
0xa: {  	s11 =	smul.u32 $0x280, s1;
	s24 =	sshll.u32 s1, $0x6;
	_ =	strace $0x80000047  }
0xb: {  	s8 =	ssub.s32 $0x2, s6;
	p0 =	seq.s32 s6, $0x1;
	s24 =	sor.u32 $0x1C01, s24  }
.Ltmp0:
0xc: {  	s14 =	sadd.s32 s7, s5;
	s5 =	sadd.s32 $0x19E00, s5;
	(pc) =	sbr.rel .LBB2_1-.Ltmp0, $4  }
0xd: {  	s31 =	sshrl.u32 s8, $0x1;
	s6 =	sadd.s32 s11, s3;
	s11 =	sshrl.u32 s11, $0x3  }
0xe: {  	s12 =	ssub.s32 s8, s31;
	s7 =	sadd.s32 $0x80, s6;
	s8 =	sadd.s32 $0x100, s6  }
0xf: {  	s9 =	sadd.s32 $0x180, s6;
	s10 =	sadd.s32 $0x200, s6;
	s13 =	sadd.s32 $0x5E00, s14  }
0x10: {  	v0 =	vimm.f32 $0.0e+00;
	v1 =	vimm.f32 $1.000000000e+00;
	s14 =	sadd.s32 $0xFE00, s14;
	s25 =	sshrl.u32 s6, $0x3;
	s12 =	smax.u32 s12, $0x1  }
.LBB2_7:
0x11: {  	s28 =	sadd.s32 s28, s14;
	[sflag:s16] =	ssyncadd.s32 $0xFFFFFF80  }
0x12: {  	[tilespmem:s4], [sflag:$0x1] =	stream.linear.gather [hbm4b:s28+s4], $0x400, $0x38;
	[tilespmem:$0x700] =	vst v63  }
0x13: {  	_ =	swait.ge [sflag:s16], $0x400  }
0x14: {  	[sflag:s16] =	ssyncset.done $0x0  }
0x15: {  	[sflag:s16] =	ssyncadd.s32 $0xFFFFFC00  }
0x16: {  	[spmem:s3] =	stream.indirect.scatter.add.f32 [tilespmem:s15], [sflag:$0x1], $0x1, s4, s17, $0xb8;
	[tilespmem:$0x700] =	vst v63  }
0x17: {  	_ =	swait.ge [sflag:s16], $0x80  }
0x18: {  	[sflag:s16] =	ssyncset.done $0x0  }
0x19: {  	[sflag:s16] =	ssyncadd.s32 $0xFFFFFF80  }
0x1a: {  	[spmem:s3] =	stream.indirect.scatter.add.f32 [tilespmem:s15], [sflag:$0x1], $0x1, s17, s17, $0xb8;
	[tilespmem:$0x700] =	vst v63  }
0x1b: {  	_ =	swait.ge [sflag:s16], $0x80  }
0x1c: {  	[sflag:s16] =	ssyncset.done $0x0  }
0x1d: {  	[sflag:s16] =	ssyncadd.s32 $0xFFFFFF80  }
0x1e: {  	[spmem:s3] =	stream.indirect.scatter.add.f32 [tilespmem:s15], [sflag:$0x1], $0x1, s18, s17, $0xb8;
	[tilespmem:$0x700] =	vst v63  }
0x1f: {  	_ =	swait.ge [sflag:s16], $0x80  }
0x20: {  	[sflag:s16] =	ssyncset.done $0x0  }
0x21: {  	[sflag:s16] =	ssyncadd.s32 $0xFFFFFF80  }
0x22: {  	[spmem:s3] =	stream.indirect.scatter.add.f32 [tilespmem:s15], [sflag:$0x1], $0x1, s19, s17, $0xb8;
	[tilespmem:$0x700] =	vst v63  }
0x23: {  	_ =	swait.ge [sflag:s16], $0x80  }
0x24: {  	[sflag:s16] =	ssyncset.done $0x0  }
0x25: {  	[sflag:s16] =	ssyncadd.s32 $0xFFFFFF80  }
0x26: {  	[spmem:s3] =	stream.indirect.scatter.add.f32 [tilespmem:s15], [sflag:$0x1], $0x1, s20, s17, $0xb8;
	[tilespmem:$0x700] =	vst v63  }
0x27: {  	_ =	swait.ge [sflag:s16], $0x80  }
0x28: {  	[sflag:s16] =	ssyncset.done $0x0  }
0x29: {  	[sflag:s16] =	ssyncadd.s32 $0xFFFFFF80  }
0x2a: {  	[spmem:s3] =	stream.indirect.scatter.add.f32 [tilespmem:s15], [sflag:$0x1], $0x1, s21, s17, $0xb8;
	[tilespmem:$0x700] =	vst v63  }
0x2b: {  	_ =	swait.ge [sflag:s16], $0x80  }
0x2c: {  	[sflag:s16] =	ssyncset.done $0x0  }
0x2d: {  	[sflag:s16] =	ssyncadd.s32 $0xFFFFFF80  }
0x2e: {  	[spmem:s3] =	stream.indirect.scatter.add.f32 [tilespmem:s15], [sflag:$0x1], $0x1, s22, s17, $0xb8;
	[tilespmem:$0x700] =	vst v63  }
0x2f: {  	_ =	swait.ge [sflag:s16], $0x80  }
0x30: {  	[sflag:s16] =	ssyncset.done $0x0  }
0x31: {  	[sflag:s16] =	ssyncadd.s32 $0xFFFFFF80  }
0x32: {  	[spmem:s3] =	stream.indirect.scatter.add.f32 [tilespmem:s15], [sflag:$0x1], $0x1, s23, s17, $0xb8;
	[tilespmem:$0x700] =	vst v63  }
0x33: {  	_ =	swait.ge [sflag:s16], $0x80  }
0x34: {  	[sflag:s16] =	ssyncset.done $0x0  }
0x35: {  	s28 =	smov.u32 s5;
	[sflag:s16] =	ssyncadd.s32 $0xFFFFFF80  }
.LBB2_8:
0x36: {  	s26 =	sadd.s32 $0x1, s26  }
0x37: {  	p1 =	sne.s32 s26, s12  }
.Ltmp1:
0x38: {  	s28 =	sadd.s32 s28, s11;
	[bflag:$0x0] =	sbarrier.arrive $0xFFFF;
	(pc) =	sbr.rel @!p1 .LBB2_9-.Ltmp1, $4  }
0x39: {  	[hbm:s28], [sflag:s24] =	dma.local [spmem:s25], $0x50  }
0x3a: {  	_ =	swait.ge [sflag:s16], $0x50  }
0x3b: {  	[sflag:s16] =	ssyncset.done $0x0  }
0x3c: {  	[sflag:s16] =	ssyncadd.s32 $0xFFFFFFB0  }
.LBB2_1:
0x3d: {  	[tilespmem:$0x400] =	vst v0  }
0x3e: {  	[tilespmem:$0x410] =	vst v0  }
0x3f: {  	[tilespmem:$0x420] =	vst v0  }
0x40: {  	[tilespmem:$0x430] =	vst v0  }
0x41: {  	[tilespmem:$0x440] =	vst v0  }
0x42: {  	[tilespmem:$0x450] =	vst v0  }
0x43: {  	[tilespmem:$0x460] =	vst v0  }
0x44: {  	[tilespmem:$0x470] =	vst v0  }
0x45: {  	[spmem:s6] =	stream.linear.scatter [tilespmem:s15], [sflag:$0x1], $0x80, $0x38;
	[tilespmem:$0x700] =	vst v63  }
0x46: {  	_ =	swait.ge [sflag:s16], $0x80  }
0x47: {  	[sflag:s16] =	ssyncset.done $0x0  }
0x48: {  	[sflag:s16] =	ssyncadd.s32 $0xFFFFFF80  }
0x49: {  	[spmem:s7] =	stream.linear.scatter [tilespmem:s15], [sflag:$0x1], $0x80, $0x38;
	[tilespmem:$0x700] =	vst v63  }
0x4a: {  	_ =	swait.ge [sflag:s16], $0x80  }
0x4b: {  	[sflag:s16] =	ssyncset.done $0x0  }
0x4c: {  	[sflag:s16] =	ssyncadd.s32 $0xFFFFFF80  }
0x4d: {  	[spmem:s8] =	stream.linear.scatter [tilespmem:s15], [sflag:$0x1], $0x80, $0x38;
	[tilespmem:$0x700] =	vst v63  }
0x4e: {  	_ =	swait.ge [sflag:s16], $0x80  }
0x4f: {  	[sflag:s16] =	ssyncset.done $0x0  }
0x50: {  	[sflag:s16] =	ssyncadd.s32 $0xFFFFFF80  }
0x51: {  	[spmem:s9] =	stream.linear.scatter [tilespmem:s15], [sflag:$0x1], $0x80, $0x38;
	[tilespmem:$0x700] =	vst v63  }
0x52: {  	_ =	swait.ge [sflag:s16], $0x80  }
0x53: {  	[sflag:s16] =	ssyncset.done $0x0  }
0x54: {  	[sflag:s16] =	ssyncadd.s32 $0xFFFFFF80  }
0x55: {  	[spmem:s10] =	stream.linear.scatter [tilespmem:s15], [sflag:$0x1], $0x80, $0x38;
	[tilespmem:$0x700] =	vst v63  }
0x56: {  	_ =	swait.ge [sflag:s16], $0x80  }
0x57: {  	[sflag:s16] =	ssyncset.done $0x0  }
0x58: {  	[sflag:s16] =	ssyncadd.s32 $0xFFFFFF80  }
0x59: {  	[tilespmem:$0x400] =	vst v1  }
0x5a: {  	[tilespmem:$0x410] =	vst v1  }
0x5b: {  	[tilespmem:$0x420] =	vst v1  }
0x5c: {  	[tilespmem:$0x430] =	vst v1  }
0x5d: {  	[tilespmem:$0x440] =	vst v1  }
.Ltmp2:
0x5e: {  	[tilespmem:$0x450] =	vst v1;
	(pc) =	sbr.rel @!p0 .LBB2_2-.Ltmp2, $3  }
0x5f: {  	[tilespmem:$0x460] =	vst v1  }
0x60: {  	[tilespmem:$0x470] =	vst v1  }
0x61: {  	[bflag:$0x0] =	sbarrier.arrive $0xFFFF;
	_ =	sdelay $0x1  }
0x62: {  	s28 =	sadd.s32 $0x0, s14  }
0x63: {  	[tilespmem:s4], [sflag:$0x1] =	stream.linear.gather [hbm4b:s28+s4], $0x400, $0x38;
	[tilespmem:$0x700] =	vst v63  }
0x64: {  	_ =	swait.ge [sflag:s16], $0x400  }
0x65: {  	[sflag:s16] =	ssyncset.done $0x0  }
0x66: {  	[sflag:s16] =	ssyncadd.s32 $0xFFFFFC00  }
0x67: {  	[spmem:s3] =	stream.indirect.scatter.add.f32 [tilespmem:s15], [sflag:$0x1], $0x1, s4, s17, $0xb8;
	[tilespmem:$0x700] =	vst v63  }
0x68: {  	_ =	swait.ge [sflag:s16], $0x80  }
0x69: {  	[sflag:s16] =	ssyncset.done $0x0  }
0x6a: {  	[sflag:s16] =	ssyncadd.s32 $0xFFFFFF80  }
0x6b: {  	[spmem:s3] =	stream.indirect.scatter.add.f32 [tilespmem:s15], [sflag:$0x1], $0x1, s17, s17, $0xb8;
	[tilespmem:$0x700] =	vst v63  }
0x6c: {  	_ =	swait.ge [sflag:s16], $0x80  }
0x6d: {  	[sflag:s16] =	ssyncset.done $0x0  }
0x6e: {  	[sflag:s16] =	ssyncadd.s32 $0xFFFFFF80  }
0x6f: {  	[spmem:s3] =	stream.indirect.scatter.add.f32 [tilespmem:s15], [sflag:$0x1], $0x1, s18, s17, $0xb8;
	[tilespmem:$0x700] =	vst v63  }
0x70: {  	_ =	swait.ge [sflag:s16], $0x80  }
0x71: {  	[sflag:s16] =	ssyncset.done $0x0  }
0x72: {  	[sflag:s16] =	ssyncadd.s32 $0xFFFFFF80  }
0x73: {  	[spmem:s3] =	stream.indirect.scatter.add.f32 [tilespmem:s15], [sflag:$0x1], $0x1, s19, s17, $0xb8;
	[tilespmem:$0x700] =	vst v63  }
0x74: {  	_ =	swait.ge [sflag:s16], $0x80  }
0x75: {  	[sflag:s16] =	ssyncset.done $0x0  }
0x76: {  	[sflag:s16] =	ssyncadd.s32 $0xFFFFFF80  }
0x77: {  	[spmem:s3] =	stream.indirect.scatter.add.f32 [tilespmem:s15], [sflag:$0x1], $0x1, s20, s17, $0xb8;
	[tilespmem:$0x700] =	vst v63  }
0x78: {  	_ =	swait.ge [sflag:s16], $0x80  }
0x79: {  	[sflag:s16] =	ssyncset.done $0x0  }
0x7a: {  	[sflag:s16] =	ssyncadd.s32 $0xFFFFFF80  }
0x7b: {  	[spmem:s3] =	stream.indirect.scatter.add.f32 [tilespmem:s15], [sflag:$0x1], $0x1, s21, s17, $0xb8;
	[tilespmem:$0x700] =	vst v63  }
0x7c: {  	_ =	swait.ge [sflag:s16], $0x80  }
0x7d: {  	[sflag:s16] =	ssyncset.done $0x0  }
0x7e: {  	[sflag:s16] =	ssyncadd.s32 $0xFFFFFF80  }
0x7f: {  	[spmem:s3] =	stream.indirect.scatter.add.f32 [tilespmem:s15], [sflag:$0x1], $0x1, s22, s17, $0xb8;
	[tilespmem:$0x700] =	vst v63  }
0x80: {  	_ =	swait.ge [sflag:s16], $0x80  }
0x81: {  	[sflag:s16] =	ssyncset.done $0x0  }
0x82: {  	[sflag:s16] =	ssyncadd.s32 $0xFFFFFF80  }
0x83: {  	[spmem:s3] =	stream.indirect.scatter.add.f32 [tilespmem:s15], [sflag:$0x1], $0x1, s23, s17, $0xb8;
	[tilespmem:$0x700] =	vst v63  }
0x84: {  	_ =	swait.ge [sflag:s16], $0x80  }
0x85: {  	s30 =	simm.s32 $0x100;
	s28 =	simm.s32 $0x80;
	[sflag:s16] =	ssyncset.done $0x0  }
.LBB2_6:
0x86: {  	s31 =	sadd.s32 s28, s14  }
0x87: {  	[sflag:s16] =	ssyncadd.s32 $0xFFFFFF80;
	s28 =	smov.u32 s30;
	s29 =	sadd.s32 $0x80, s30  }
0x88: {  	[tilespmem:s4], [sflag:$0x1] =	stream.linear.gather [hbm4b:s31+s4], $0x400, $0x38;
	[tilespmem:$0x700] =	vst v63  }
0x89: {  	p1 =	sne.s32 s30, $0x980;
	_ =	swait.ge [sflag:s16], $0x400  }
0x8a: {  	[sflag:s16] =	ssyncset.done $0x0  }
0x8b: {  	[sflag:s16] =	ssyncadd.s32 $0xFFFFFC00  }
0x8c: {  	[spmem:s3] =	stream.indirect.scatter.add.f32 [tilespmem:s15], [sflag:$0x1], $0x1, s4, s17, $0xb8;
	[tilespmem:$0x700] =	vst v63  }
0x8d: {  	_ =	swait.ge [sflag:s16], $0x80  }
0x8e: {  	[sflag:s16] =	ssyncset.done $0x0  }
0x8f: {  	[sflag:s16] =	ssyncadd.s32 $0xFFFFFF80  }
0x90: {  	[spmem:s3] =	stream.indirect.scatter.add.f32 [tilespmem:s15], [sflag:$0x1], $0x1, s17, s17, $0xb8;
	[tilespmem:$0x700] =	vst v63  }
0x91: {  	_ =	swait.ge [sflag:s16], $0x80  }
0x92: {  	[sflag:s16] =	ssyncset.done $0x0  }
0x93: {  	[sflag:s16] =	ssyncadd.s32 $0xFFFFFF80  }
0x94: {  	[spmem:s3] =	stream.indirect.scatter.add.f32 [tilespmem:s15], [sflag:$0x1], $0x1, s18, s17, $0xb8;
	[tilespmem:$0x700] =	vst v63  }
0x95: {  	_ =	swait.ge [sflag:s16], $0x80  }
0x96: {  	[sflag:s16] =	ssyncset.done $0x0  }
0x97: {  	[sflag:s16] =	ssyncadd.s32 $0xFFFFFF80  }
0x98: {  	[spmem:s3] =	stream.indirect.scatter.add.f32 [tilespmem:s15], [sflag:$0x1], $0x1, s19, s17, $0xb8;
	[tilespmem:$0x700] =	vst v63  }
0x99: {  	_ =	swait.ge [sflag:s16], $0x80  }
0x9a: {  	[sflag:s16] =	ssyncset.done $0x0  }
0x9b: {  	[sflag:s16] =	ssyncadd.s32 $0xFFFFFF80  }
0x9c: {  	[spmem:s3] =	stream.indirect.scatter.add.f32 [tilespmem:s15], [sflag:$0x1], $0x1, s20, s17, $0xb8;
	[tilespmem:$0x700] =	vst v63  }
0x9d: {  	_ =	swait.ge [sflag:s16], $0x80  }
0x9e: {  	[sflag:s16] =	ssyncset.done $0x0  }
0x9f: {  	[sflag:s16] =	ssyncadd.s32 $0xFFFFFF80  }
0xa0: {  	[spmem:s3] =	stream.indirect.scatter.add.f32 [tilespmem:s15], [sflag:$0x1], $0x1, s21, s17, $0xb8;
	[tilespmem:$0x700] =	vst v63  }
0xa1: {  	_ =	swait.ge [sflag:s16], $0x80  }
0xa2: {  	[sflag:s16] =	ssyncset.done $0x0  }
0xa3: {  	[sflag:s16] =	ssyncadd.s32 $0xFFFFFF80  }
0xa4: {  	[spmem:s3] =	stream.indirect.scatter.add.f32 [tilespmem:s15], [sflag:$0x1], $0x1, s22, s17, $0xb8;
	[tilespmem:$0x700] =	vst v63  }
0xa5: {  	_ =	swait.ge [sflag:s16], $0x80  }
.Ltmp3:
0xa6: {  	[sflag:s16] =	ssyncset.done $0x0;
	(pc) =	sbr.rel @p1 .LBB2_6-.Ltmp3, $4  }
0xa7: {  	[sflag:s16] =	ssyncadd.s32 $0xFFFFFF80  }
0xa8: {  	[spmem:s3] =	stream.indirect.scatter.add.f32 [tilespmem:s15], [sflag:$0x1], $0x1, s23, s17, $0xb8;
	[tilespmem:$0x700] =	vst v63  }
0xa9: {  	_ =	swait.ge [sflag:s16], $0x80  }
0xaa: {  	s30 =	smov.u32 s29;
	[sflag:s16] =	ssyncset.done $0x0  }
.Ltmp4:
0xab: {  	_ = 	snop;
	(pc) =	sbr.rel .LBB2_7-.Ltmp4, $1  }
0xac: {  	_ =	sdelay $0x3  }
.LBB2_2:
0xad: {  	s28 =	sadd.s32 $0x0, s13  }
0xae: {  	[tilespmem:s4], [sflag:$0x1] =	stream.linear.gather [hbm4b:s28+s4], $0x400, $0x38;
	[tilespmem:$0x700] =	vst v63  }
0xaf: {  	_ =	swait.ge [sflag:s16], $0x400  }
0xb0: {  	[sflag:s16] =	ssyncset.done $0x0  }
0xb1: {  	[sflag:s16] =	ssyncadd.s32 $0xFFFFFC00  }
0xb2: {  	[spmem:s3] =	stream.indirect.scatter.add.f32 [tilespmem:s15], [sflag:$0x1], $0x1, s4, s17, $0xb8;
	[tilespmem:$0x700] =	vst v63  }
0xb3: {  	_ =	swait.ge [sflag:s16], $0x80  }
0xb4: {  	[sflag:s16] =	ssyncset.done $0x0  }
0xb5: {  	[sflag:s16] =	ssyncadd.s32 $0xFFFFFF80  }
0xb6: {  	[spmem:s3] =	stream.indirect.scatter.add.f32 [tilespmem:s15], [sflag:$0x1], $0x1, s17, s17, $0xb8;
	[tilespmem:$0x700] =	vst v63  }
0xb7: {  	_ =	swait.ge [sflag:s16], $0x80  }
0xb8: {  	[sflag:s16] =	ssyncset.done $0x0  }
0xb9: {  	[sflag:s16] =	ssyncadd.s32 $0xFFFFFF80  }
0xba: {  	[spmem:s3] =	stream.indirect.scatter.add.f32 [tilespmem:s15], [sflag:$0x1], $0x1, s18, s17, $0xb8;
	[tilespmem:$0x700] =	vst v63  }
0xbb: {  	_ =	swait.ge [sflag:s16], $0x80  }
0xbc: {  	[sflag:s16] =	ssyncset.done $0x0  }
0xbd: {  	[sflag:s16] =	ssyncadd.s32 $0xFFFFFF80  }
0xbe: {  	[spmem:s3] =	stream.indirect.scatter.add.f32 [tilespmem:s15], [sflag:$0x1], $0x1, s19, s17, $0xb8;
	[tilespmem:$0x700] =	vst v63  }
0xbf: {  	_ =	swait.ge [sflag:s16], $0x80  }
0xc0: {  	[sflag:s16] =	ssyncset.done $0x0  }
0xc1: {  	[sflag:s16] =	ssyncadd.s32 $0xFFFFFF80  }
0xc2: {  	[spmem:s3] =	stream.indirect.scatter.add.f32 [tilespmem:s15], [sflag:$0x1], $0x1, s20, s17, $0xb8;
	[tilespmem:$0x700] =	vst v63  }
0xc3: {  	_ =	swait.ge [sflag:s16], $0x80  }
0xc4: {  	[sflag:s16] =	ssyncset.done $0x0  }
0xc5: {  	[sflag:s16] =	ssyncadd.s32 $0xFFFFFF80  }
0xc6: {  	[spmem:s3] =	stream.indirect.scatter.add.f32 [tilespmem:s15], [sflag:$0x1], $0x1, s21, s17, $0xb8;
	[tilespmem:$0x700] =	vst v63  }
0xc7: {  	_ =	swait.ge [sflag:s16], $0x80  }
0xc8: {  	[sflag:s16] =	ssyncset.done $0x0  }
0xc9: {  	[sflag:s16] =	ssyncadd.s32 $0xFFFFFF80  }
0xca: {  	[spmem:s3] =	stream.indirect.scatter.add.f32 [tilespmem:s15], [sflag:$0x1], $0x1, s22, s17, $0xb8;
	[tilespmem:$0x700] =	vst v63  }
0xcb: {  	_ =	swait.ge [sflag:s16], $0x80  }
0xcc: {  	[sflag:s16] =	ssyncset.done $0x0  }
0xcd: {  	[sflag:s16] =	ssyncadd.s32 $0xFFFFFF80  }
0xce: {  	[spmem:s3] =	stream.indirect.scatter.add.f32 [tilespmem:s15], [sflag:$0x1], $0x1, s23, s17, $0xb8;
	[tilespmem:$0x700] =	vst v63  }
0xcf: {  	_ =	swait.ge [sflag:s16], $0x80  }
0xd0: {  	s30 =	simm.s32 $0x100;
	s28 =	simm.s32 $0x80;
	[sflag:s16] =	ssyncset.done $0x0  }
.LBB2_3:
0xd1: {  	s31 =	sadd.s32 s28, s13  }
0xd2: {  	[sflag:s16] =	ssyncadd.s32 $0xFFFFFF80;
	s28 =	smov.u32 s30;
	s29 =	sadd.s32 $0x80, s30  }
0xd3: {  	[tilespmem:s4], [sflag:$0x1] =	stream.linear.gather [hbm4b:s31+s4], $0x400, $0x38;
	[tilespmem:$0x700] =	vst v63  }
0xd4: {  	p1 =	seq.s32 s30, $0x980;
	_ =	swait.ge [sflag:s16], $0x400  }
0xd5: {  	[sflag:s16] =	ssyncset.done $0x0  }
0xd6: {  	[sflag:s16] =	ssyncadd.s32 $0xFFFFFC00  }
0xd7: {  	[spmem:s3] =	stream.indirect.scatter.add.f32 [tilespmem:s15], [sflag:$0x1], $0x1, s4, s17, $0xb8;
	[tilespmem:$0x700] =	vst v63  }
0xd8: {  	_ =	swait.ge [sflag:s16], $0x80  }
0xd9: {  	[sflag:s16] =	ssyncset.done $0x0  }
0xda: {  	[sflag:s16] =	ssyncadd.s32 $0xFFFFFF80  }
0xdb: {  	[spmem:s3] =	stream.indirect.scatter.add.f32 [tilespmem:s15], [sflag:$0x1], $0x1, s17, s17, $0xb8;
	[tilespmem:$0x700] =	vst v63  }
0xdc: {  	_ =	swait.ge [sflag:s16], $0x80  }
0xdd: {  	[sflag:s16] =	ssyncset.done $0x0  }
0xde: {  	[sflag:s16] =	ssyncadd.s32 $0xFFFFFF80  }
0xdf: {  	[spmem:s3] =	stream.indirect.scatter.add.f32 [tilespmem:s15], [sflag:$0x1], $0x1, s18, s17, $0xb8;
	[tilespmem:$0x700] =	vst v63  }
0xe0: {  	_ =	swait.ge [sflag:s16], $0x80  }
0xe1: {  	[sflag:s16] =	ssyncset.done $0x0  }
0xe2: {  	[sflag:s16] =	ssyncadd.s32 $0xFFFFFF80  }
0xe3: {  	[spmem:s3] =	stream.indirect.scatter.add.f32 [tilespmem:s15], [sflag:$0x1], $0x1, s19, s17, $0xb8;
	[tilespmem:$0x700] =	vst v63  }
0xe4: {  	_ =	swait.ge [sflag:s16], $0x80  }
0xe5: {  	[sflag:s16] =	ssyncset.done $0x0  }
0xe6: {  	[sflag:s16] =	ssyncadd.s32 $0xFFFFFF80  }
0xe7: {  	[spmem:s3] =	stream.indirect.scatter.add.f32 [tilespmem:s15], [sflag:$0x1], $0x1, s20, s17, $0xb8;
	[tilespmem:$0x700] =	vst v63  }
0xe8: {  	_ =	swait.ge [sflag:s16], $0x80  }
0xe9: {  	[sflag:s16] =	ssyncset.done $0x0  }
0xea: {  	[sflag:s16] =	ssyncadd.s32 $0xFFFFFF80  }
0xeb: {  	[spmem:s3] =	stream.indirect.scatter.add.f32 [tilespmem:s15], [sflag:$0x1], $0x1, s21, s17, $0xb8;
	[tilespmem:$0x700] =	vst v63  }
0xec: {  	_ =	swait.ge [sflag:s16], $0x80  }
0xed: {  	[sflag:s16] =	ssyncset.done $0x0  }
0xee: {  	[sflag:s16] =	ssyncadd.s32 $0xFFFFFF80  }
0xef: {  	[spmem:s3] =	stream.indirect.scatter.add.f32 [tilespmem:s15], [sflag:$0x1], $0x1, s22, s17, $0xb8;
	[tilespmem:$0x700] =	vst v63  }
0xf0: {  	_ =	swait.ge [sflag:s16], $0x80  }
.Ltmp5:
0xf1: {  	[sflag:s16] =	ssyncset.done $0x0;
	(pc) =	sbr.rel @!p1 .LBB2_3-.Ltmp5, $4  }
0xf2: {  	[sflag:s16] =	ssyncadd.s32 $0xFFFFFF80  }
0xf3: {  	[spmem:s3] =	stream.indirect.scatter.add.f32 [tilespmem:s15], [sflag:$0x1], $0x1, s23, s17, $0xb8;
	[tilespmem:$0x700] =	vst v63  }
0xf4: {  	_ =	swait.ge [sflag:s16], $0x80  }
0xf5: {  	s30 =	smov.u32 s29;
	[sflag:s16] =	ssyncset.done $0x0  }
0xf6: {  	s28 =	sadd.s32 s28, s13;
	[sflag:s16] =	ssyncadd.s32 $0xFFFFFF80  }
0xf7: {  	[tilespmem:s4], [sflag:$0x1] =	stream.linear.gather [hbm4b:s28+s4], $0x400, $0x38;
	[tilespmem:$0x700] =	vst v63  }
0xf8: {  	_ =	swait.ge [sflag:s16], $0x400  }
0xf9: {  	[sflag:s16] =	ssyncset.done $0x0  }
0xfa: {  	[sflag:s16] =	ssyncadd.s32 $0xFFFFFC00  }
0xfb: {  	[spmem:s3] =	stream.indirect.scatter.add.f32 [tilespmem:s15], [sflag:$0x1], $0x1, s4, s17, $0xb8;
	[tilespmem:$0x700] =	vst v63  }
0xfc: {  	_ =	swait.ge [sflag:s16], $0x80  }
0xfd: {  	[sflag:s16] =	ssyncset.done $0x0  }
0xfe: {  	[sflag:s16] =	ssyncadd.s32 $0xFFFFFF80  }
0xff: {  	[spmem:s3] =	stream.indirect.scatter.add.f32 [tilespmem:s15], [sflag:$0x1], $0x1, s17, s17, $0xb8;
	[tilespmem:$0x700] =	vst v63  }
0x100: {  	_ =	swait.ge [sflag:s16], $0x80  }
0x101: {  	[sflag:s16] =	ssyncset.done $0x0  }
0x102: {  	[sflag:s16] =	ssyncadd.s32 $0xFFFFFF80  }
0x103: {  	[spmem:s3] =	stream.indirect.scatter.add.f32 [tilespmem:s15], [sflag:$0x1], $0x1, s18, s17, $0xb8;
	[tilespmem:$0x700] =	vst v63  }
0x104: {  	_ =	swait.ge [sflag:s16], $0x80  }
0x105: {  	[sflag:s16] =	ssyncset.done $0x0  }
0x106: {  	[sflag:s16] =	ssyncadd.s32 $0xFFFFFF80  }
0x107: {  	[spmem:s3] =	stream.indirect.scatter.add.f32 [tilespmem:s15], [sflag:$0x1], $0x1, s19, s17, $0xb8;
	[tilespmem:$0x700] =	vst v63  }
0x108: {  	_ =	swait.ge [sflag:s16], $0x80  }
0x109: {  	[sflag:s16] =	ssyncset.done $0x0  }
0x10a: {  	[sflag:s16] =	ssyncadd.s32 $0xFFFFFF80  }
0x10b: {  	[spmem:s3] =	stream.indirect.scatter.add.f32 [tilespmem:s15], [sflag:$0x1], $0x1, s20, s17, $0xb8;
	[tilespmem:$0x700] =	vst v63  }
0x10c: {  	_ =	swait.ge [sflag:s16], $0x80  }
0x10d: {  	[sflag:s16] =	ssyncset.done $0x0  }
0x10e: {  	[sflag:s16] =	ssyncadd.s32 $0xFFFFFF80  }
0x10f: {  	[spmem:s3] =	stream.indirect.scatter.add.f32 [tilespmem:s15], [sflag:$0x1], $0x1, s21, s17, $0xb8;
	[tilespmem:$0x700] =	vst v63  }
0x110: {  	_ =	swait.ge [sflag:s16], $0x80  }
0x111: {  	[sflag:s16] =	ssyncset.done $0x0  }
0x112: {  	[sflag:s16] =	ssyncadd.s32 $0xFFFFFF80  }
0x113: {  	[spmem:s3] =	stream.indirect.scatter.add.f32 [tilespmem:s15], [sflag:$0x1], $0x1, s22, s17, $0xb8;
	[tilespmem:$0x700] =	vst v63  }
0x114: {  	_ =	swait.ge [sflag:s16], $0x80  }
0x115: {  	[sflag:s16] =	ssyncset.done $0x0  }
.Ltmp6:
0x116: {  	[sflag:s16] =	ssyncadd.s32 $0xFFFFFF80;
	(pc) =	sbr.rel .LBB2_8-.Ltmp6, $4  }
0x117: {  	[spmem:s3] =	stream.indirect.scatter.add.f32 [tilespmem:s15], [sflag:$0x1], $0x1, s23, s17, $0xb8;
	[tilespmem:$0x700] =	vst v63  }
0x118: {  	_ =	swait.ge [sflag:s16], $0x80  }
0x119: {  	[sflag:s16] =	ssyncset.done $0x0  }
0x11a: {  	s28 =	smov.u32 s2;
	[sflag:s16] =	ssyncadd.s32 $0xFFFFFF80  }
.LBB2_9:
0x11b: {  	_ =	sfence.sel $0x180000  }
0x11c: {  	[bflag:$0x0] =	sbarrier.arrive $0xFFFF  }
0x11d: {  	p0 =	sne.s32 s1, $0x0;
	_ =	strace $0x90000047  }
0x11e: {  	s0 =	sadd.s32 @!p0 $0x100000, s0;
	[bflag:$0x2] =	sbarrier.arrive $0xFFFF  }
0x11f: {  	[sflag:s0] =	ssyncadd.tile.s32 @!p0 $0x1;
	_ =	shalt  }
.Lfunc_end2:
_tile_overlayer_lowered:
.L_overlay_start_2:
0x120: {  	(tag) =	ssettag $0x2  }
0x121: {  	s0 =	rddreg [dreg:$0x0];
	s2 =	stileid.u32  }
0x122: {  	s1 =	rddreg [dreg:$0x1];
	p0 =	sne.s32 s2, $0x0  }
0x123: {  	s3 =	rddreg [dreg:$0x2];
	[bflag:$0x3] =	sbarrier.arrive $0xFFFF;
	s2 =	simm.s32 @!p0 $0x1C01  }
0x124: {  	[timem:s3], [sflag:s2] =	dma.local @!p0 [hbm:s0], s1  }
0x125: {  	s0 =	simm.s32 @!p0 $0x1  }
0x126: {  	_ =	swait.ge @!p0 [sflag:s0], s1  }
0x127: {  	s1 =	ssub.s32 @!p0 $0x0, s1;
	[sflag:s0] =	ssyncset.done @!p0 $0x0  }
0x128: {  	[sflag:s0] =	ssyncadd.s32 @!p0 s1  }
0x129: {  	[bflag:$0x3] =	sbarrier.arrive $0xFFFF  }
0x12a: {  	_ =	shalt  }

</sc_bundles>
